<compile_context>
chip_gen: v7x
topology: tpu7x:2x2x1
jax: 0.10.2.dev20260603
libtpu: 0.0.44.dev20260713+nightly
codegen_flags: <defaults>
</compile_context>

<pallas_src>
import functools

import jax
import jax.numpy as jnp
from jax import lax
from jax.experimental import pallas as pl
from jax.experimental.pallas import tpu as pltpu
from jax.experimental.pallas import tpu_sc as plsc

N = 10000
E = 320000
CH = 128
H = 8
D = 16
AW = 32
BW = 16
PW = 144
NBLK = 10
RB = N // NBLK

NSUB = 16
EPT = E // NSUB
CHUNK = 80
NCHUNK = EPT // CHUNK
ACCN = 10240
RPT = ACCN // NSUB
ZR = 32


def _leaky(t):
    return jnp.where(t >= 0, t, 0.2 * t)


def _sel(rows, cols, fn):
    r = lax.broadcasted_iota(jnp.int32, (rows, cols), 0)
    c = lax.broadcasted_iota(jnp.int32, (rows, cols), 1)
    return fn(r, c).astype(jnp.float32)


def _wdot(x, w):
    hi = x.astype(jnp.bfloat16).astype(jnp.float32)
    lo = x - hi
    dn = (((1,), (0,)), ((), ()))
    return (lax.dot_general(hi, w, dn, preferred_element_type=jnp.float32)
            + lax.dot_general(lo, w, dn, preferred_element_type=jnp.float32))


def _prep_body(x_ref, w_ref, att0_ref, att1_ref,
               a_ref, b_ref, gmax_ref, gs_src, gs_dst):
    i = pl.program_id(0)
    hb = lax.dot_general(x_ref[...], w_ref[...], (((1,), (1,)), ((), ())),
                         preferred_element_type=jnp.float32)
    ph = _sel(D, AW, lambda r, c: r == c)
    ps = _sel(H, AW, lambda r, c: (c >= D) & (jnp.mod(c - D, H) == r))
    pb = _sel(H, BW, lambda r, c: jnp.mod(c, H) == r)
    a_h = _wdot(hb, ph)
    for m, att_ref in enumerate((att0_ref, att1_ref)):
        att = att_ref[...]
        a_dst = att[:, :D]
        a_src = att[:, D:]
        ss = lax.dot_general(hb, a_src, (((1,), (1,)), ((), ())),
                             preferred_element_type=jnp.float32)
        sd = lax.dot_general(hb, a_dst, (((1,), (1,)), ((), ())),
                             preferred_element_type=jnp.float32)
        a_ref[m] = a_h + _wdot(ss, ps)
        sd16 = _wdot(sd, pb)
        ss16 = _wdot(ss, pb)
        b_ref[m] = sd16
        ms = jnp.max(ss16, axis=0, keepdims=True)
        md = jnp.max(sd16, axis=0, keepdims=True)
        sl = pl.ds(m, 1)

        @pl.when(i == 0)
        def _():
            gs_src[sl] = ms
            gs_dst[sl] = md

        @pl.when(i > 0)
        def _():
            gs_src[sl] = jnp.maximum(gs_src[sl], ms)
            gs_dst[sl] = jnp.maximum(gs_dst[sl], md)

    @pl.when(i == NBLK - 1)
    def _():
        gmax_ref[...] = _leaky(gs_src[...] + gs_dst[...])


def _prep(x, w, att0, att1):
    return pl.pallas_call(
        _prep_body,
        grid=(NBLK,),
        in_specs=[
            pl.BlockSpec((RB, CH), lambda i: (i, 0)),
            pl.BlockSpec((D, CH), lambda i: (0, 0)),
            pl.BlockSpec((H, 2 * D), lambda i: (0, 0)),
            pl.BlockSpec((H, 2 * D), lambda i: (0, 0)),
        ],
        out_specs=[
            pl.BlockSpec((2, RB, AW), lambda i: (0, i, 0)),
            pl.BlockSpec((2, RB, BW), lambda i: (0, i, 0)),
            pl.BlockSpec((2, 16), lambda i: (0, 0)),
        ],
        out_shape=[
            jax.ShapeDtypeStruct((2, ACCN, AW), jnp.float32),
            jax.ShapeDtypeStruct((2, ACCN, BW), jnp.float32),
            jax.ShapeDtypeStruct((2, 16), jnp.float32),
        ],
        scratch_shapes=[
            pltpu.VMEM((2, 16), jnp.float32),
            pltpu.VMEM((2, 16), jnp.float32),
        ],
    )(x, w, att0, att1)


def _edge_body(a_hbm, b_hbm, idx_hbm, gmax_hbm, out_hbm,
               idx_all, idx_sc, a_rows, b_rows, payload,
               gmax_v, zbuf, acc, sem_i, sem_a, sem_b, sem_p):
    c = lax.axis_index("c")
    s = lax.axis_index("s")

    pltpu.sync_copy(gmax_hbm.at[c], gmax_v)
    gv = gmax_v[...]

    def _zrow(r, _):
        for k in range(PW // 16):
            zbuf[r, pl.ds(k * 16, 16)] = jnp.zeros((16,), jnp.float32)
        return 0
    lax.fori_loop(0, ZR, _zrow, 0)
    for j in range(RPT // ZR):
        pltpu.sync_copy(zbuf, acc.at[pl.ds(s * RPT + j * ZR, ZR)])
    plsc.subcore_barrier()

    ebase = s * EPT
    co = c * ACCN
    last = NCHUNK - 1

    def _issue_idx(j, b):
        off = ebase + jnp.minimum(j, last) * CHUNK
        pltpu.async_copy(idx_hbm.at[c, :, pl.ds(off, CHUNK)], idx_all.at[b],
                         sem_i.at[b])

    def _wait_idx(b):
        pltpu.make_async_copy(idx_hbm.at[0, :, pl.ds(0, CHUNK)],
                              idx_all.at[b], sem_i.at[b]).wait()

    def _gather(b):
        pltpu.async_copy(a_hbm.at[idx_all.at[b, 0]], a_rows.at[b],
                         sem_a.at[b])
        pltpu.async_copy(b_hbm.at[idx_all.at[b, 1]], b_rows.at[b],
                         sem_b.at[b])

    def _wait_gather(b):
        pltpu.make_async_copy(a_hbm.at[idx_all.at[b, 0]], a_rows.at[b],
                              sem_a.at[b]).wait()
        pltpu.make_async_copy(b_hbm.at[idx_all.at[b, 1]], b_rows.at[b],
                              sem_b.at[b]).wait()

    def _compute(b):
        @plsc.parallel_loop(0, CHUNK, 1, unroll=4)
        def _edge(e):
            va = a_rows[b, e, pl.ds(0, 16)]
            vs = a_rows[b, e, pl.ds(16, 16)]
            vb = b_rows[b, e, pl.ds(0, 16)]
            ex = jnp.exp(_leaky(vs + vb) - gv)
            payload[b, e, pl.ds(CH, 16)] = ex
            for hh in range(H):
                w = ex.at[jnp.full((16,), hh, jnp.int32)].get(
                    mode="promise_in_bounds")
                payload[b, e, pl.ds(hh * 16, 16)] = w * va

    def _wait_scatter(b):
        pltpu.make_async_copy(payload.at[b], acc.at[idx_sc.at[b]],
                              sem_p.at[b]).wait()

    _issue_idx(0, 0)
    _wait_idx(0)
    _gather(0)
    _issue_idx(1, 1)

    def _two_chunks(j2, _):
        j = 2 * j2
        for b in (0, 1):
            nb = 1 - b
            _wait_gather(b)
            _wait_idx(nb)
            _gather(nb)

            @pl.when(j2 > 0)
            def _():
                _wait_scatter(b)
            for k in range(CHUNK // 16):
                sl = pl.ds(k * 16, 16)
                idx_sc[b, sl] = idx_all[b, 2, sl]
            _issue_idx(j + b + 2, b)
            _compute(b)
            pltpu.async_copy(payload.at[b], acc.at[idx_sc.at[b]],
                             sem_p.at[b], add=True)
        return 0

    lax.fori_loop(0, NCHUNK // 2, _two_chunks, 0)
    _wait_gather(0)
    _wait_idx(1)
    _wait_scatter(0)
    _wait_scatter(1)
    plsc.subcore_barrier()

    for j in range(RPT // ZR):
        r = s * RPT + j * ZR
        pltpu.sync_copy(acc.at[pl.ds(r, ZR)], out_hbm.at[pl.ds(co + r, ZR)])


def _edge_phase(a_tab, b_tab, idx_tab, gmax):
    f = pl.kernel(
        _edge_body,
        out_type=jax.ShapeDtypeStruct((2 * ACCN, PW), jnp.float32),
        mesh=plsc.VectorSubcoreMesh(core_axis_name="c", subcore_axis_name="s"),
        scratch_types=[
            pltpu.VMEM((2, 3, CHUNK), jnp.int32),
            pltpu.VMEM((2, CHUNK), jnp.int32),
            pltpu.VMEM((2, CHUNK, AW), jnp.float32),
            pltpu.VMEM((2, CHUNK, BW), jnp.float32),
            pltpu.VMEM((2, CHUNK, PW), jnp.float32),
            pltpu.VMEM((16,), jnp.float32),
            pltpu.VMEM((ZR, PW), jnp.float32),
            pltpu.VMEM_SHARED((ACCN, PW), jnp.float32),
            pltpu.SemaphoreType.DMA((2,)),
            pltpu.SemaphoreType.DMA((2,)),
            pltpu.SemaphoreType.DMA((2,)),
            pltpu.SemaphoreType.DMA((2,)),
        ],
        compiler_params=pltpu.CompilerParams(use_tc_tiling_on_sc=False),
    )
    return f(a_tab, b_tab, idx_tab, gmax)


RB2 = 1024
NBLK2 = ACCN // RB2


def _finish_body(p_ref, a_ref, b_ref, gmax_ref, fcw_ref, fcb_ref, q_ref,
                 o_ref, z_scr, sc_scr):
    ph = pl.program_id(0)
    i = pl.program_id(1)

    @pl.when(ph == 0)
    def _():
        rows = i * RB2 + lax.broadcasted_iota(jnp.int32, (RB2, 1), 0)
        rmask = rows < N
        wexp = _sel(H, CH, lambda r, c: (c // D) == r)
        wtile = _sel(D, CH, lambda r, c: jnp.mod(c, D) == r)
        parts = []
        for m in range(2):
            pm = p_ref[m]
            accf = pm[:, :CH]
            den = pm[:, CH:CH + H]
            hb = a_ref[m][:, :D]
            ss = a_ref[m][:, D:D + H]
            sd = b_ref[m][:, :H]
            g = gmax_ref[...][m, :H]
            exs = jnp.exp(_leaky(ss + sd) - g[None, :])
            rden = 1.0 / (den + exs + 1e-16)
            exw = _wdot(exs, wexp)
            rdw = _wdot(rden, wexp)
            hw = _wdot(hb, wtile)
            out = (accf + exw * hw) * rdw
            elu = jnp.where(out > 0, out,
                            jnp.exp(jnp.minimum(out, 0.0)) - 1.0)
            z_scr[m, pl.ds(i * RB2, RB2), :] = elu
            t = jnp.tanh(lax.dot_general(elu, fcw_ref[...],
                                         (((1,), (1,)), ((), ())),
                                         preferred_element_type=jnp.float32)
                         + fcb_ref[...])
            tq = jnp.where(rmask, t * q_ref[...], 0.0)
            parts.append(jnp.sum(tq) * (1.0 / N))
        lane = lax.broadcasted_iota(jnp.int32, (1, CH), 1)
        srow = jnp.where(lane == 0, parts[0],
                         jnp.where(lane == 1, parts[1], 0.0))

        @pl.when(i == 0)
        def _():
            sc_scr[...] = srow

        @pl.when(i > 0)
        def _():
            sc_scr[...] = sc_scr[...] + srow

    @pl.when(ph == 1)
    def _():
        srow = sc_scr[...]
        lane = lax.broadcasted_iota(jnp.int32, (1, CH), 1)
        s0 = jnp.sum(jnp.where(lane == 0, srow, 0.0))
        s1 = jnp.sum(jnp.where(lane == 1, srow, 0.0))
        mx = jnp.maximum(s0, s1)
        e0 = jnp.exp(s0 - mx)
        e1 = jnp.exp(s1 - mx)
        v0 = e0 / (e0 + e1)
        o_ref[...] = (v0 * z_scr[0, pl.ds(i * RB2, RB2), :]
                      + (1.0 - v0) * z_scr[1, pl.ds(i * RB2, RB2), :])


def _finish(p3, a_tab3, b_tab3, gmax, fc_w, fc_b, q):
    return pl.pallas_call(
        _finish_body,
        grid=(2, NBLK2),
        in_specs=[
            pl.BlockSpec((2, RB2, PW), lambda p, i: (0, i, 0)),
            pl.BlockSpec((2, RB2, AW), lambda p, i: (0, i, 0)),
            pl.BlockSpec((2, RB2, BW), lambda p, i: (0, i, 0)),
            pl.BlockSpec((2, 16), lambda p, i: (0, 0)),
            pl.BlockSpec((CH, CH), lambda p, i: (0, 0)),
            pl.BlockSpec((1, CH), lambda p, i: (0, 0)),
            pl.BlockSpec((1, CH), lambda p, i: (0, 0)),
        ],
        out_specs=pl.BlockSpec((RB2, CH), lambda p, i: (i, 0)),
        out_shape=jax.ShapeDtypeStruct((N, CH), jnp.float32),
        scratch_shapes=[
            pltpu.VMEM((2, ACCN, CH), jnp.float32),
            pltpu.VMEM((1, CH), jnp.float32),
        ],
    )(p3, a_tab3, b_tab3, gmax, fc_w, fc_b, q)


def kernel(x_paper, edge_index_cites, edge_index_refs, W_proj, att0, att1,
           fc_w, fc_b, q):
    a_tab3, b_tab3, gmax = _prep(x_paper, W_proj, att0, att1)
    a_tab = a_tab3.reshape(2 * ACCN, AW)
    b_tab = b_tab3.reshape(2 * ACCN, BW)
    ei = jnp.stack([edge_index_cites, edge_index_refs])
    off = jnp.array([0, ACCN], jnp.int32).reshape(2, 1)
    idx_tab = jnp.stack([ei[:, 0] + off, ei[:, 1] + off, ei[:, 1]],
                        axis=1)
    p = _edge_phase(a_tab, b_tab, idx_tab, gmax)
    return _finish(p.reshape(2, ACCN, PW), a_tab3, b_tab3, gmax, fc_w,
                   fc_b.reshape(1, CH), q.reshape(1, CH))

# --- scband reference (transcript-rebuilt; emitter-appended) ---
"""Pipeline reference for scband-hetero-han-11751030522362 (READ-ONLY COPY).

The authoritative reference and input builder live on the scoring server;
editing this copy changes nothing except your own understanding.
"""

import jax, jax.numpy as jnp
import numpy as np

N = 10000
E = 320000
CHANNELS = 128
HEADS = 8
D = CHANNELS // HEADS  # 16, proj_dim = channels // heads
SEM_HIDDEN = 128


def _xavier(key, shape):
    fan_in, fan_out = shape[-1], shape[0]
    a = jnp.sqrt(6.0 / (fan_in + fan_out))
    return jax.random.uniform(key, shape, minval=-a, maxval=a, dtype=jnp.float32)


def setup_inputs(seed: int = 0):
    key = jax.random.key(seed)
    ks = jax.random.split(key, 9)
    x_paper = jax.random.normal(ks[0], (N, CHANNELS), dtype=jnp.float32)
    edge_index_cites = jax.random.randint(ks[1], (2, E), 0, N, dtype=jnp.int32)
    edge_index_refs = jax.random.randint(ks[2], (2, E), 0, N, dtype=jnp.int32)
    W_proj = _xavier(ks[3], (D, CHANNELS))          # TypeSpecificLinear 'paper', bias=False
    att0 = _xavier(ks[4], (HEADS, 2 * D))           # MetaPathGATLayer 0 attention
    att1 = _xavier(ks[5], (HEADS, 2 * D))           # MetaPathGATLayer 1 attention
    fc_w = _xavier(ks[6], (SEM_HIDDEN, CHANNELS))   # SemanticAttention fc weight
    fc_b = jnp.zeros((SEM_HIDDEN,), dtype=jnp.float32)
    q = _xavier(ks[7], (1, SEM_HIDDEN))[0]          # SemanticAttention q
    return {"x_paper": x_paper, "edge_index_cites": edge_index_cites, "edge_index_refs": edge_index_refs,
            "W_proj": W_proj, "att0": att0, "att1": att1, "fc_w": fc_w, "fc_b": fc_b, "q": q}


def _add_self_loops(ei, n):
    loops = jnp.arange(n, dtype=ei.dtype)
    loops = jnp.stack([loops, loops], axis=0)
    return jnp.concatenate([ei, loops], axis=1)


def _leaky_relu(x, slope=0.2):
    return jnp.where(x >= 0, x, slope * x)


def _gat(h, ei, att):
    # MetaPathGATLayer.forward (eval mode: dropout is identity)
    n = h.shape[0]
    src, dst = ei[0], ei[1]
    e_cnt = src.shape[0]
    h_i = jnp.broadcast_to(h[dst][:, None, :], (e_cnt, HEADS, D))
    h_j = jnp.broadcast_to(h[src][:, None, :], (e_cnt, HEADS, D))
    cat = jnp.concatenate([h_i, h_j], axis=-1)                     # [E, H, 2d]
    e = _leaky_relu(jnp.einsum('ehd,hd->eh', cat, att))            # [E, H]
    e_max = jax.ops.segment_max(e, dst, num_segments=n)            # softmax over dst segments
    ex = jnp.exp(e - e_max[dst])
    denom = jax.ops.segment_sum(ex, dst, num_segments=n)
    alpha = ex / (denom[dst] + 1e-16)
    m = h_j * alpha[..., None]
    out = jax.ops.segment_sum(m, dst, num_segments=n)              # index_add_
    out = jnp.where(out > 0, out, jnp.expm1(jnp.minimum(out, 0.0)))  # ELU
    return out.reshape(n, HEADS * D)


def _semantic(Z_list, fc_w, fc_b, q):
    scores = jnp.stack([jnp.mean(jnp.tanh(Z @ fc_w.T + fc_b) @ q) for Z in Z_list])
    V = jax.nn.softmax(scores, axis=0)
    Z = jnp.stack(Z_list, axis=0)
    Zf = jnp.sum(V[:, None, None] * Z, axis=0)
    return Zf, V


def reference(x_paper, edge_index_cites, edge_index_refs, W_proj, att0, att1, fc_w, fc_b, q):
    # HeteroHAN.forward for target node type 'paper' with two length-1 meta-paths.
    # compose_metapath_on_batch for a length-1 meta-path == edge_index + self-loops.
    h = x_paper @ W_proj.T                                         # type-specific projection [N, D]
    ei0 = _add_self_loops(edge_index_cites, N)
    ei1 = _add_self_loops(edge_index_refs, N)
    Z0 = _gat(h, ei0, att0)                                        # [N, H*D] = [N, channels]
    Z1 = _gat(h, ei1, att1)
    Z, V = _semantic([Z0, Z1], fc_w, fc_b, q)                      # semantic attention fusion
    return Z

if __name__ == "__main__":
    import jax
    _d = setup_inputs()
    print(jax.jit(kernel)(*tuple(_d.values())))

</pallas_src>

<mosaic_0001>
#map = affine_map<(d0, d1) -> (0, 0)>
#map1 = affine_map<(d0, d1) -> (0, 0, 0)>
module attributes {stable_mosaic.version = 14 : i64} {
  func.func @_edge_body(%arg0: i32, %arg1: i32, %arg2: memref<20480x32xf32, #tpu.memory_space<hbm>>, %arg3: memref<20480x16xf32, #tpu.memory_space<hbm>>, %arg4: memref<2x3x320000xi32, #tpu.memory_space<hbm>>, %arg5: memref<2x16xf32, #tpu.memory_space<hbm>>, %arg6: memref<20480x144xf32, #tpu.memory_space<hbm>>, %arg7: memref<2x3x80xi32, #tpu.memory_space<vmem>>, %arg8: memref<2x80xi32, #tpu.memory_space<vmem>>, %arg9: memref<2x80x32xf32, #tpu.memory_space<vmem>>, %arg10: memref<2x80x16xf32, #tpu.memory_space<vmem>>, %arg11: memref<2x80x144xf32, #tpu.memory_space<vmem>>, %arg12: memref<16xf32, #tpu.memory_space<vmem>>, %arg13: memref<32x144xf32, #tpu.memory_space<vmem>>, %arg14: memref<10240x144xf32, #tpu.memory_space<vmem_shared>>, %arg15: memref<2x!tpu.dma_semaphore, #tpu.memory_space<semaphore_mem>>, %arg16: memref<2x!tpu.dma_semaphore, #tpu.memory_space<semaphore_mem>>, %arg17: memref<2x!tpu.dma_semaphore, #tpu.memory_space<semaphore_mem>>, %arg18: memref<2x!tpu.dma_semaphore, #tpu.memory_space<semaphore_mem>>) attributes {dimension_semantics = [#tpu.dimension_semantics<core_parallel>, #tpu.dimension_semantics<subcore_parallel>], iteration_bounds = array<i64: 2, 16>, scalar_prefetch = 0 : i64, scratch_operands = 12 : i64, tpu.core_type = #tpu.core_type<sc_vector_subcore>, window_params = [{transform_indices = #map}, {transform_indices = #map}, {transform_indices = #map1}, {transform_indices = #map}, {transform_indices = #map}]} {
    "tpu.region"() ({
      %run_scoped3A = tpu.sem_alloc : memref<!tpu.dma_semaphore, #tpu.memory_space<semaphore_mem>>
      %dma_start3A_379 = arith.constant 0 : i32
      %dma_start3A_380 = tpu.memref_slice %arg5[%arg0, %dma_start3A_379] : memref<2x16xf32, #tpu.memory_space<hbm>> -> memref<1x16xf32, #tpu.memory_space<hbm>>
      %dma_start3A_381 = tpu.memref_squeeze %dma_start3A_380 : memref<1x16xf32, #tpu.memory_space<hbm>> -> memref<16xf32, #tpu.memory_space<hbm>>
      %dma_start3A_382 = arith.constant 0 : i32
      %dma_start3A_383 = tpu.memref_slice %arg5[%arg0, %dma_start3A_382] : memref<2x16xf32, #tpu.memory_space<hbm>> -> memref<1x16xf32, #tpu.memory_space<hbm>>
      %dma_start3A_384 = tpu.memref_squeeze %dma_start3A_383 : memref<1x16xf32, #tpu.memory_space<hbm>> -> memref<16xf32, #tpu.memory_space<hbm>>
      tpu.enqueue_dma source(%dma_start3A_384 : memref<16xf32, #tpu.memory_space<hbm>>) target(%arg12 : memref<16xf32, #tpu.memory_space<vmem>>) target_semaphore(%run_scoped3A : memref<!tpu.dma_semaphore, #tpu.memory_space<semaphore_mem>>)
      %dma_wait3A_385 = arith.constant 0 : i32
      %dma_wait3A_386 = tpu.memref_slice %arg5[%arg0, %dma_wait3A_385] : memref<2x16xf32, #tpu.memory_space<hbm>> -> memref<1x16xf32, #tpu.memory_space<hbm>>
      %dma_wait3A_387 = tpu.memref_squeeze %dma_wait3A_386 : memref<1x16xf32, #tpu.memory_space<hbm>> -> memref<16xf32, #tpu.memory_space<hbm>>
      %dma_wait3A_388 = arith.constant 0 : i32
      %dma_wait3A_389 = tpu.memref_slice %arg5[%arg0, %dma_wait3A_388] : memref<2x16xf32, #tpu.memory_space<hbm>> -> memref<1x16xf32, #tpu.memory_space<hbm>>
      %dma_wait3A_390 = tpu.memref_squeeze %dma_wait3A_389 : memref<1x16xf32, #tpu.memory_space<hbm>> -> memref<16xf32, #tpu.memory_space<hbm>>
      tpu.wait_dma2 semaphore(%run_scoped3A : memref<!tpu.dma_semaphore, #tpu.memory_space<semaphore_mem>>) src(%dma_wait3A_390 : memref<16xf32, #tpu.memory_space<hbm>>) dst(%arg12 : memref<16xf32, #tpu.memory_space<vmem>>)
      tpu.yield
    }) : () -> ()
    %get3A = arith.constant 0 : index
    %get3A_0 = tpu.vector_load %arg12[%get3A] {strides = array<i32>} : memref<16xf32, #tpu.memory_space<vmem>>, vector<16xf32>,
    %get3A_1 = vector.shape_cast %get3A_0 : vector<16xf32> to vector<16xf32>
    %scan3A = arith.constant 0 : i32
    %scan3A_2 = arith.constant 0 : i32
    %scan3A_3 = arith.constant 32 : i32
    %scan3A_4 = arith.addi %scan3A_2, %scan3A_3 : i32
    %scan3A_5 = arith.constant 1 : i32
    %scan3A_6 = scf.for %scan3A_379 = %scan3A_2 to %scan3A_4 step %scan3A_5 iter_args(%scan3A_380 = %scan3A) -> (i32)  : i32 {
      %broadcast_in_dim3A = arith.constant 0.000000e+00 : f32
      %broadcast_in_dim3A_381 = vector.broadcast %broadcast_in_dim3A : f32 to vector<16xf32>
      %swap3A = arith.index_cast %scan3A_379 : i32 to index
      %swap3A_382 = arith.constant 0 : index
      %swap3A_383 = tpu.vector_load %arg13[%swap3A, %swap3A_382] {strides = array<i32>} : memref<32x144xf32, #tpu.memory_space<vmem>>, vector<1x16xf32>,
      %swap3A_384 = vector.shape_cast %swap3A_383 : vector<1x16xf32> to vector<16xf32>
      %swap3A_385 = vector.shape_cast %broadcast_in_dim3A_381 : vector<16xf32> to vector<1x16xf32>
      tpu.vector_store %arg13[%swap3A, %swap3A_382], %swap3A_385 {strides = array<i32>} : memref<32x144xf32, #tpu.memory_space<vmem>>, vector<1x16xf32>,
      %broadcast_in_dim3A_386 = arith.constant 0.000000e+00 : f32
      %broadcast_in_dim3A_387 = vector.broadcast %broadcast_in_dim3A_386 : f32 to vector<16xf32>
      %swap3A_388 = arith.index_cast %scan3A_379 : i32 to index
      %swap3A_389 = arith.constant 16 : index
      %swap3A_390 = tpu.vector_load %arg13[%swap3A_388, %swap3A_389] {strides = array<i32>} : memref<32x144xf32, #tpu.memory_space<vmem>>, vector<1x16xf32>,
      %swap3A_391 = vector.shape_cast %swap3A_390 : vector<1x16xf32> to vector<16xf32>
      %swap3A_392 = vector.shape_cast %broadcast_in_dim3A_387 : vector<16xf32> to vector<1x16xf32>
      tpu.vector_store %arg13[%swap3A_388, %swap3A_389], %swap3A_392 {strides = array<i32>} : memref<32x144xf32, #tpu.memory_space<vmem>>, vector<1x16xf32>,
      %broadcast_in_dim3A_393 = arith.constant 0.000000e+00 : f32
      %broadcast_in_dim3A_394 = vector.broadcast %broadcast_in_dim3A_393 : f32 to vector<16xf32>
      %swap3A_395 = arith.index_cast %scan3A_379 : i32 to index
      %swap3A_396 = arith.constant 32 : index
      %swap3A_397 = tpu.vector_load %arg13[%swap3A_395, %swap3A_396] {strides = array<i32>} : memref<32x144xf32, #tpu.memory_space<vmem>>, vector<1x16xf32>,
      %swap3A_398 = vector.shape_cast %swap3A_397 : vector<1x16xf32> to vector<16xf32>
      %swap3A_399 = vector.shape_cast %broadcast_in_dim3A_394 : vector<16xf32> to vector<1x16xf32>
      tpu.vector_store %arg13[%swap3A_395, %swap3A_396], %swap3A_399 {strides = array<i32>} : memref<32x144xf32, #tpu.memory_space<vmem>>, vector<1x16xf32>,
      %broadcast_in_dim3A_400 = arith.constant 0.000000e+00 : f32
      %broadcast_in_dim3A_401 = vector.broadcast %broadcast_in_dim3A_400 : f32 to vector<16xf32>
      %swap3A_402 = arith.index_cast %scan3A_379 : i32 to index
      %swap3A_403 = arith.constant 48 : index
      %swap3A_404 = tpu.vector_load %arg13[%swap3A_402, %swap3A_403] {strides = array<i32>} : memref<32x144xf32, #tpu.memory_space<vmem>>, vector<1x16xf32>,
      %swap3A_405 = vector.shape_cast %swap3A_404 : vector<1x16xf32> to vector<16xf32>
      %swap3A_406 = vector.shape_cast %broadcast_in_dim3A_401 : vector<16xf32> to vector<1x16xf32>
      tpu.vector_store %arg13[%swap3A_402, %swap3A_403], %swap3A_406 {strides = array<i32>} : memref<32x144xf32, #tpu.memory_space<vmem>>, vector<1x16xf32>,
      %broadcast_in_dim3A_407 = arith.constant 0.000000e+00 : f32
      %broadcast_in_dim3A_408 = vector.broadcast %broadcast_in_dim3A_407 : f32 to vector<16xf32>
      %swap3A_409 = arith.index_cast %scan3A_379 : i32 to index
      %swap3A_410 = arith.constant 64 : index
      %swap3A_411 = tpu.vector_load %arg13[%swap3A_409, %swap3A_410] {strides = array<i32>} : memref<32x144xf32, #tpu.memory_space<vmem>>, vector<1x16xf32>,
      %swap3A_412 = vector.shape_cast %swap3A_411 : vector<1x16xf32> to vector<16xf32>
      %swap3A_413 = vector.shape_cast %broadcast_in_dim3A_408 : vector<16xf32> to vector<1x16xf32>
      tpu.vector_store %arg13[%swap3A_409, %swap3A_410], %swap3A_413 {strides = array<i32>} : memref<32x144xf32, #tpu.memory_space<vmem>>, vector<1x16xf32>,
      %broadcast_in_dim3A_414 = arith.constant 0.000000e+00 : f32
      %broadcast_in_dim3A_415 = vector.broadcast %broadcast_in_dim3A_414 : f32 to vector<16xf32>
      %swap3A_416 = arith.index_cast %scan3A_379 : i32 to index
      %swap3A_417 = arith.constant 80 : index
      %swap3A_418 = tpu.vector_load %arg13[%swap3A_416, %swap3A_417] {strides = array<i32>} : memref<32x144xf32, #tpu.memory_space<vmem>>, vector<1x16xf32>,
      %swap3A_419 = vector.shape_cast %swap3A_418 : vector<1x16xf32> to vector<16xf32>
      %swap3A_420 = vector.shape_cast %broadcast_in_dim3A_415 : vector<16xf32> to vector<1x16xf32>
      tpu.vector_store %arg13[%swap3A_416, %swap3A_417], %swap3A_420 {strides = array<i32>} : memref<32x144xf32, #tpu.memory_space<vmem>>, vector<1x16xf32>,
      %broadcast_in_dim3A_421 = arith.constant 0.000000e+00 : f32
      %broadcast_in_dim3A_422 = vector.broadcast %broadcast_in_dim3A_421 : f32 to vector<16xf32>
      %swap3A_423 = arith.index_cast %scan3A_379 : i32 to index
      %swap3A_424 = arith.constant 96 : index
      %swap3A_425 = tpu.vector_load %arg13[%swap3A_423, %swap3A_424] {strides = array<i32>} : memref<32x144xf32, #tpu.memory_space<vmem>>, vector<1x16xf32>,
      %swap3A_426 = vector.shape_cast %swap3A_425 : vector<1x16xf32> to vector<16xf32>
      %swap3A_427 = vector.shape_cast %broadcast_in_dim3A_422 : vector<16xf32> to vector<1x16xf32>
      tpu.vector_store %arg13[%swap3A_423, %swap3A_424], %swap3A_427 {strides = array<i32>} : memref<32x144xf32, #tpu.memory_space<vmem>>, vector<1x16xf32>,
      %broadcast_in_dim3A_428 = arith.constant 0.000000e+00 : f32
      %broadcast_in_dim3A_429 = vector.broadcast %broadcast_in_dim3A_428 : f32 to vector<16xf32>
      %swap3A_430 = arith.index_cast %scan3A_379 : i32 to index
      %swap3A_431 = arith.constant 112 : index
      %swap3A_432 = tpu.vector_load %arg13[%swap3A_430, %swap3A_431] {strides = array<i32>} : memref<32x144xf32, #tpu.memory_space<vmem>>, vector<1x16xf32>,
      %swap3A_433 = vector.shape_cast %swap3A_432 : vector<1x16xf32> to vector<16xf32>
      %swap3A_434 = vector.shape_cast %broadcast_in_dim3A_429 : vector<16xf32> to vector<1x16xf32>
      tpu.vector_store %arg13[%swap3A_430, %swap3A_431], %swap3A_434 {strides = array<i32>} : memref<32x144xf32, #tpu.memory_space<vmem>>, vector<1x16xf32>,
      %broadcast_in_dim3A_435 = arith.constant 0.000000e+00 : f32
      %broadcast_in_dim3A_436 = vector.broadcast %broadcast_in_dim3A_435 : f32 to vector<16xf32>
      %swap3A_437 = arith.index_cast %scan3A_379 : i32 to index
      %swap3A_438 = arith.constant 128 : index
      %swap3A_439 = tpu.vector_load %arg13[%swap3A_437, %swap3A_438] {strides = array<i32>} : memref<32x144xf32, #tpu.memory_space<vmem>>, vector<1x16xf32>,
      %swap3A_440 = vector.shape_cast %swap3A_439 : vector<1x16xf32> to vector<16xf32>
      %swap3A_441 = vector.shape_cast %broadcast_in_dim3A_436 : vector<16xf32> to vector<1x16xf32>
      tpu.vector_store %arg13[%swap3A_437, %swap3A_438], %swap3A_441 {strides = array<i32>} : memref<32x144xf32, #tpu.memory_space<vmem>>, vector<1x16xf32>,
      %scan3A_442 = arith.constant 0 : i32
      scf.yield %scan3A_442 : i32
    }
    %scan3A_7 = arith.constant 32 : i32
    %mul3A = arith.constant 640 : i32
    %mul3A_8 = arith.muli %arg1, %mul3A : i32
    %add3A = arith.constant 0 : i32
    %add3A_9 = arith.addi %mul3A_8, %add3A : i32
    "tpu.region"() ({
      %run_scoped3A = tpu.sem_alloc : memref<!tpu.dma_semaphore, #tpu.memory_space<semaphore_mem>>
      %dma_start3A_379 = arith.constant 0 : i32
      %dma_start3A_380 = tpu.memref_slice %arg14[%add3A_9, %dma_start3A_379] : memref<10240x144xf32, #tpu.memory_space<vmem_shared>> -> memref<32x144xf32, #tpu.memory_space<vmem_shared>>
      %dma_start3A_381 = arith.constant 0 : i32
      %dma_start3A_382 = tpu.memref_slice %arg14[%add3A_9, %dma_start3A_381] : memref<10240x144xf32, #tpu.memory_space<vmem_shared>> -> memref<32x144xf32, #tpu.memory_space<vmem_shared>>
      tpu.enqueue_dma source(%arg13 : memref<32x144xf32, #tpu.memory_space<vmem>>) target(%dma_start3A_382 : memref<32x144xf32, #tpu.memory_space<vmem_shared>>) target_semaphore(%run_scoped3A : memref<!tpu.dma_semaphore, #tpu.memory_space<semaphore_mem>>)
      %dma_wait3A_383 = arith.constant 0 : i32
      %dma_wait3A_384 = tpu.memref_slice %arg14[%add3A_9, %dma_wait3A_383] : memref<10240x144xf32, #tpu.memory_space<vmem_shared>> -> memref<32x144xf32, #tpu.memory_space<vmem_shared>>
      %dma_wait3A_385 = arith.constant 0 : i32
      %dma_wait3A_386 = tpu.memref_slice %arg14[%add3A_9, %dma_wait3A_385] : memref<10240x144xf32, #tpu.memory_space<vmem_shared>> -> memref<32x144xf32, #tpu.memory_space<vmem_shared>>
      tpu.wait_dma2 semaphore(%run_scoped3A : memref<!tpu.dma_semaphore, #tpu.memory_space<semaphore_mem>>) src(%arg13 : memref<32x144xf32, #tpu.memory_space<vmem>>) dst(%dma_wait3A_386 : memref<32x144xf32, #tpu.memory_space<vmem_shared>>)
      tpu.yield
    }) : () -> ()
    %mul3A_10 = arith.constant 640 : i32
    %mul3A_11 = arith.muli %arg1, %mul3A_10 : i32
    %add3A_12 = arith.constant 32 : i32
    %add3A_13 = arith.addi %mul3A_11, %add3A_12 : i32
    "tpu.region"() ({
      %run_scoped3A = tpu.sem_alloc : memref<!tpu.dma_semaphore, #tpu.memory_space<semaphore_mem>>
      %dma_start3A_379 = arith.constant 0 : i32
      %dma_start3A_380 = tpu.memref_slice %arg14[%add3A_13, %dma_start3A_379] : memref<10240x144xf32, #tpu.memory_space<vmem_shared>> -> memref<32x144xf32, #tpu.memory_space<vmem_shared>>
      %dma_start3A_381 = arith.constant 0 : i32
      %dma_start3A_382 = tpu.memref_slice %arg14[%add3A_13, %dma_start3A_381] : memref<10240x144xf32, #tpu.memory_space<vmem_shared>> -> memref<32x144xf32, #tpu.memory_space<vmem_shared>>
      tpu.enqueue_dma source(%arg13 : memref<32x144xf32, #tpu.memory_space<vmem>>) target(%dma_start3A_382 : memref<32x144xf32, #tpu.memory_space<vmem_shared>>) target_semaphore(%run_scoped3A : memref<!tpu.dma_semaphore, #tpu.memory_space<semaphore_mem>>)
      %dma_wait3A_383 = arith.constant 0 : i32
      %dma_wait3A_384 = tpu.memref_slice %arg14[%add3A_13, %dma_wait3A_383] : memref<10240x144xf32, #tpu.memory_space<vmem_shared>> -> memref<32x144xf32, #tpu.memory_space<vmem_shared>>
      %dma_wait3A_385 = arith.constant 0 : i32
      %dma_wait3A_386 = tpu.memref_slice %arg14[%add3A_13, %dma_wait3A_385] : memref<10240x144xf32, #tpu.memory_space<vmem_shared>> -> memref<32x144xf32, #tpu.memory_space<vmem_shared>>
      tpu.wait_dma2 semaphore(%run_scoped3A : memref<!tpu.dma_semaphore, #tpu.memory_space<semaphore_mem>>) src(%arg13 : memref<32x144xf32, #tpu.memory_space<vmem>>) dst(%dma_wait3A_386 : memref<32x144xf32, #tpu.memory_space<vmem_shared>>)
      tpu.yield
    }) : () -> ()
    %mul3A_14 = arith.constant 640 : i32
    %mul3A_15 = arith.muli %arg1, %mul3A_14 : i32
    %add3A_16 = arith.constant 64 : i32
    %add3A_17 = arith.addi %mul3A_15, %add3A_16 : i32
    "tpu.region"() ({
      %run_scoped3A = tpu.sem_alloc : memref<!tpu.dma_semaphore, #tpu.memory_space<semaphore_mem>>
      %dma_start3A_379 = arith.constant 0 : i32
      %dma_start3A_380 = tpu.memref_slice %arg14[%add3A_17, %dma_start3A_379] : memref<10240x144xf32, #tpu.memory_space<vmem_shared>> -> memref<32x144xf32, #tpu.memory_space<vmem_shared>>
      %dma_start3A_381 = arith.constant 0 : i32
      %dma_start3A_382 = tpu.memref_slice %arg14[%add3A_17, %dma_start3A_381] : memref<10240x144xf32, #tpu.memory_space<vmem_shared>> -> memref<32x144xf32, #tpu.memory_space<vmem_shared>>
      tpu.enqueue_dma source(%arg13 : memref<32x144xf32, #tpu.memory_space<vmem>>) target(%dma_start3A_382 : memref<32x144xf32, #tpu.memory_space<vmem_shared>>) target_semaphore(%run_scoped3A : memref<!tpu.dma_semaphore, #tpu.memory_space<semaphore_mem>>)
      %dma_wait3A_383 = arith.constant 0 : i32
      %dma_wait3A_384 = tpu.memref_slice %arg14[%add3A_17, %dma_wait3A_383] : memref<10240x144xf32, #tpu.memory_space<vmem_shared>> -> memref<32x144xf32, #tpu.memory_space<vmem_shared>>
      %dma_wait3A_385 = arith.constant 0 : i32
      %dma_wait3A_386 = tpu.memref_slice %arg14[%add3A_17, %dma_wait3A_385] : memref<10240x144xf32, #tpu.memory_space<vmem_shared>> -> memref<32x144xf32, #tpu.memory_space<vmem_shared>>
      tpu.wait_dma2 semaphore(%run_scoped3A : memref<!tpu.dma_semaphore, #tpu.memory_space<semaphore_mem>>) src(%arg13 : memref<32x144xf32, #tpu.memory_space<vmem>>) dst(%dma_wait3A_386 : memref<32x144xf32, #tpu.memory_space<vmem_shared>>)
      tpu.yield
    }) : () -> ()
    %mul3A_18 = arith.constant 640 : i32
    %mul3A_19 = arith.muli %arg1, %mul3A_18 : i32
    %add3A_20 = arith.constant 96 : i32
    %add3A_21 = arith.addi %mul3A_19, %add3A_20 : i32
    "tpu.region"() ({
      %run_scoped3A = tpu.sem_alloc : memref<!tpu.dma_semaphore, #tpu.memory_space<semaphore_mem>>
      %dma_start3A_379 = arith.constant 0 : i32
      %dma_start3A_380 = tpu.memref_slice %arg14[%add3A_21, %dma_start3A_379] : memref<10240x144xf32, #tpu.memory_space<vmem_shared>> -> memref<32x144xf32, #tpu.memory_space<vmem_shared>>
      %dma_start3A_381 = arith.constant 0 : i32
      %dma_start3A_382 = tpu.memref_slice %arg14[%add3A_21, %dma_start3A_381] : memref<10240x144xf32, #tpu.memory_space<vmem_shared>> -> memref<32x144xf32, #tpu.memory_space<vmem_shared>>
      tpu.enqueue_dma source(%arg13 : memref<32x144xf32, #tpu.memory_space<vmem>>) target(%dma_start3A_382 : memref<32x144xf32, #tpu.memory_space<vmem_shared>>) target_semaphore(%run_scoped3A : memref<!tpu.dma_semaphore, #tpu.memory_space<semaphore_mem>>)
      %dma_wait3A_383 = arith.constant 0 : i32
      %dma_wait3A_384 = tpu.memref_slice %arg14[%add3A_21, %dma_wait3A_383] : memref<10240x144xf32, #tpu.memory_space<vmem_shared>> -> memref<32x144xf32, #tpu.memory_space<vmem_shared>>
      %dma_wait3A_385 = arith.constant 0 : i32
      %dma_wait3A_386 = tpu.memref_slice %arg14[%add3A_21, %dma_wait3A_385] : memref<10240x144xf32, #tpu.memory_space<vmem_shared>> -> memref<32x144xf32, #tpu.memory_space<vmem_shared>>
      tpu.wait_dma2 semaphore(%run_scoped3A : memref<!tpu.dma_semaphore, #tpu.memory_space<semaphore_mem>>) src(%arg13 : memref<32x144xf32, #tpu.memory_space<vmem>>) dst(%dma_wait3A_386 : memref<32x144xf32, #tpu.memory_space<vmem_shared>>)
      tpu.yield
    }) : () -> ()
    %mul3A_22 = arith.constant 640 : i32
    %mul3A_23 = arith.muli %arg1, %mul3A_22 : i32
    %add3A_24 = arith.constant 128 : i32
    %add3A_25 = arith.addi %mul3A_23, %add3A_24 : i32
    "tpu.region"() ({
      %run_scoped3A = tpu.sem_alloc : memref<!tpu.dma_semaphore, #tpu.memory_space<semaphore_mem>>
      %dma_start3A_379 = arith.constant 0 : i32
      %dma_start3A_380 = tpu.memref_slice %arg14[%add3A_25, %dma_start3A_379] : memref<10240x144xf32, #tpu.memory_space<vmem_shared>> -> memref<32x144xf32, #tpu.memory_space<vmem_shared>>
      %dma_start3A_381 = arith.constant 0 : i32
      %dma_start3A_382 = tpu.memref_slice %arg14[%add3A_25, %dma_start3A_381] : memref<10240x144xf32, #tpu.memory_space<vmem_shared>> -> memref<32x144xf32, #tpu.memory_space<vmem_shared>>
      tpu.enqueue_dma source(%arg13 : memref<32x144xf32, #tpu.memory_space<vmem>>) target(%dma_start3A_382 : memref<32x144xf32, #tpu.memory_space<vmem_shared>>) target_semaphore(%run_scoped3A : memref<!tpu.dma_semaphore, #tpu.memory_space<semaphore_mem>>)
      %dma_wait3A_383 = arith.constant 0 : i32
      %dma_wait3A_384 = tpu.memref_slice %arg14[%add3A_25, %dma_wait3A_383] : memref<10240x144xf32, #tpu.memory_space<vmem_shared>> -> memref<32x144xf32, #tpu.memory_space<vmem_shared>>
      %dma_wait3A_385 = arith.constant 0 : i32
      %dma_wait3A_386 = tpu.memref_slice %arg14[%add3A_25, %dma_wait3A_385] : memref<10240x144xf32, #tpu.memory_space<vmem_shared>> -> memref<32x144xf32, #tpu.memory_space<vmem_shared>>
      tpu.wait_dma2 semaphore(%run_scoped3A : memref<!tpu.dma_semaphore, #tpu.memory_space<semaphore_mem>>) src(%arg13 : memref<32x144xf32, #tpu.memory_space<vmem>>) dst(%dma_wait3A_386 : memref<32x144xf32, #tpu.memory_space<vmem_shared>>)
      tpu.yield
    }) : () -> ()
    %mul3A_26 = arith.constant 640 : i32
    %mul3A_27 = arith.muli %arg1, %mul3A_26 : i32
    %add3A_28 = arith.constant 160 : i32
    %add3A_29 = arith.addi %mul3A_27, %add3A_28 : i32
    "tpu.region"() ({
      %run_scoped3A = tpu.sem_alloc : memref<!tpu.dma_semaphore, #tpu.memory_space<semaphore_mem>>
      %dma_start3A_379 = arith.constant 0 : i32
      %dma_start3A_380 = tpu.memref_slice %arg14[%add3A_29, %dma_start3A_379] : memref<10240x144xf32, #tpu.memory_space<vmem_shared>> -> memref<32x144xf32, #tpu.memory_space<vmem_shared>>
      %dma_start3A_381 = arith.constant 0 : i32
      %dma_start3A_382 = tpu.memref_slice %arg14[%add3A_29, %dma_start3A_381] : memref<10240x144xf32, #tpu.memory_space<vmem_shared>> -> memref<32x144xf32, #tpu.memory_space<vmem_shared>>
      tpu.enqueue_dma source(%arg13 : memref<32x144xf32, #tpu.memory_space<vmem>>) target(%dma_start3A_382 : memref<32x144xf32, #tpu.memory_space<vmem_shared>>) target_semaphore(%run_scoped3A : memref<!tpu.dma_semaphore, #tpu.memory_space<semaphore_mem>>)
      %dma_wait3A_383 = arith.constant 0 : i32
      %dma_wait3A_384 = tpu.memref_slice %arg14[%add3A_29, %dma_wait3A_383] : memref<10240x144xf32, #tpu.memory_space<vmem_shared>> -> memref<32x144xf32, #tpu.memory_space<vmem_shared>>
      %dma_wait3A_385 = arith.constant 0 : i32
      %dma_wait3A_386 = tpu.memref_slice %arg14[%add3A_29, %dma_wait3A_385] : memref<10240x144xf32, #tpu.memory_space<vmem_shared>> -> memref<32x144xf32, #tpu.memory_space<vmem_shared>>
      tpu.wait_dma2 semaphore(%run_scoped3A : memref<!tpu.dma_semaphore, #tpu.memory_space<semaphore_mem>>) src(%arg13 : memref<32x144xf32, #tpu.memory_space<vmem>>) dst(%dma_wait3A_386 : memref<32x144xf32, #tpu.memory_space<vmem_shared>>)
      tpu.yield
    }) : () -> ()
    %mul3A_30 = arith.constant 640 : i32
    %mul3A_31 = arith.muli %arg1, %mul3A_30 : i32
    %add3A_32 = arith.constant 192 : i32
    %add3A_33 = arith.addi %mul3A_31, %add3A_32 : i32
    "tpu.region"() ({
      %run_scoped3A = tpu.sem_alloc : memref<!tpu.dma_semaphore, #tpu.memory_space<semaphore_mem>>
      %dma_start3A_379 = arith.constant 0 : i32
      %dma_start3A_380 = tpu.memref_slice %arg14[%add3A_33, %dma_start3A_379] : memref<10240x144xf32, #tpu.memory_space<vmem_shared>> -> memref<32x144xf32, #tpu.memory_space<vmem_shared>>
      %dma_start3A_381 = arith.constant 0 : i32
      %dma_start3A_382 = tpu.memref_slice %arg14[%add3A_33, %dma_start3A_381] : memref<10240x144xf32, #tpu.memory_space<vmem_shared>> -> memref<32x144xf32, #tpu.memory_space<vmem_shared>>
      tpu.enqueue_dma source(%arg13 : memref<32x144xf32, #tpu.memory_space<vmem>>) target(%dma_start3A_382 : memref<32x144xf32, #tpu.memory_space<vmem_shared>>) target_semaphore(%run_scoped3A : memref<!tpu.dma_semaphore, #tpu.memory_space<semaphore_mem>>)
      %dma_wait3A_383 = arith.constant 0 : i32
      %dma_wait3A_384 = tpu.memref_slice %arg14[%add3A_33, %dma_wait3A_383] : memref<10240x144xf32, #tpu.memory_space<vmem_shared>> -> memref<32x144xf32, #tpu.memory_space<vmem_shared>>
      %dma_wait3A_385 = arith.constant 0 : i32
      %dma_wait3A_386 = tpu.memref_slice %arg14[%add3A_33, %dma_wait3A_385] : memref<10240x144xf32, #tpu.memory_space<vmem_shared>> -> memref<32x144xf32, #tpu.memory_space<vmem_shared>>
      tpu.wait_dma2 semaphore(%run_scoped3A : memref<!tpu.dma_semaphore, #tpu.memory_space<semaphore_mem>>) src(%arg13 : memref<32x144xf32, #tpu.memory_space<vmem>>) dst(%dma_wait3A_386 : memref<32x144xf32, #tpu.memory_space<vmem_shared>>)
      tpu.yield
    }) : () -> ()
    %mul3A_34 = arith.constant 640 : i32
    %mul3A_35 = arith.muli %arg1, %mul3A_34 : i32
    %add3A_36 = arith.constant 224 : i32
    %add3A_37 = arith.addi %mul3A_35, %add3A_36 : i32
    "tpu.region"() ({
      %run_scoped3A = tpu.sem_alloc : memref<!tpu.dma_semaphore, #tpu.memory_space<semaphore_mem>>
      %dma_start3A_379 = arith.constant 0 : i32
      %dma_start3A_380 = tpu.memref_slice %arg14[%add3A_37, %dma_start3A_379] : memref<10240x144xf32, #tpu.memory_space<vmem_shared>> -> memref<32x144xf32, #tpu.memory_space<vmem_shared>>
      %dma_start3A_381 = arith.constant 0 : i32
      %dma_start3A_382 = tpu.memref_slice %arg14[%add3A_37, %dma_start3A_381] : memref<10240x144xf32, #tpu.memory_space<vmem_shared>> -> memref<32x144xf32, #tpu.memory_space<vmem_shared>>
      tpu.enqueue_dma source(%arg13 : memref<32x144xf32, #tpu.memory_space<vmem>>) target(%dma_start3A_382 : memref<32x144xf32, #tpu.memory_space<vmem_shared>>) target_semaphore(%run_scoped3A : memref<!tpu.dma_semaphore, #tpu.memory_space<semaphore_mem>>)
      %dma_wait3A_383 = arith.constant 0 : i32
      %dma_wait3A_384 = tpu.memref_slice %arg14[%add3A_37, %dma_wait3A_383] : memref<10240x144xf32, #tpu.memory_space<vmem_shared>> -> memref<32x144xf32, #tpu.memory_space<vmem_shared>>
      %dma_wait3A_385 = arith.constant 0 : i32
      %dma_wait3A_386 = tpu.memref_slice %arg14[%add3A_37, %dma_wait3A_385] : memref<10240x144xf32, #tpu.memory_space<vmem_shared>> -> memref<32x144xf32, #tpu.memory_space<vmem_shared>>
      tpu.wait_dma2 semaphore(%run_scoped3A : memref<!tpu.dma_semaphore, #tpu.memory_space<semaphore_mem>>) src(%arg13 : memref<32x144xf32, #tpu.memory_space<vmem>>) dst(%dma_wait3A_386 : memref<32x144xf32, #tpu.memory_space<vmem_shared>>)
      tpu.yield
    }) : () -> ()
    %mul3A_38 = arith.constant 640 : i32
    %mul3A_39 = arith.muli %arg1, %mul3A_38 : i32
    %add3A_40 = arith.constant 256 : i32
    %add3A_41 = arith.addi %mul3A_39, %add3A_40 : i32
    "tpu.region"() ({
      %run_scoped3A = tpu.sem_alloc : memref<!tpu.dma_semaphore, #tpu.memory_space<semaphore_mem>>
      %dma_start3A_379 = arith.constant 0 : i32
      %dma_start3A_380 = tpu.memref_slice %arg14[%add3A_41, %dma_start3A_379] : memref<10240x144xf32, #tpu.memory_space<vmem_shared>> -> memref<32x144xf32, #tpu.memory_space<vmem_shared>>
      %dma_start3A_381 = arith.constant 0 : i32
      %dma_start3A_382 = tpu.memref_slice %arg14[%add3A_41, %dma_start3A_381] : memref<10240x144xf32, #tpu.memory_space<vmem_shared>> -> memref<32x144xf32, #tpu.memory_space<vmem_shared>>
      tpu.enqueue_dma source(%arg13 : memref<32x144xf32, #tpu.memory_space<vmem>>) target(%dma_start3A_382 : memref<32x144xf32, #tpu.memory_space<vmem_shared>>) target_semaphore(%run_scoped3A : memref<!tpu.dma_semaphore, #tpu.memory_space<semaphore_mem>>)
      %dma_wait3A_383 = arith.constant 0 : i32
      %dma_wait3A_384 = tpu.memref_slice %arg14[%add3A_41, %dma_wait3A_383] : memref<10240x144xf32, #tpu.memory_space<vmem_shared>> -> memref<32x144xf32, #tpu.memory_space<vmem_shared>>
      %dma_wait3A_385 = arith.constant 0 : i32
      %dma_wait3A_386 = tpu.memref_slice %arg14[%add3A_41, %dma_wait3A_385] : memref<10240x144xf32, #tpu.memory_space<vmem_shared>> -> memref<32x144xf32, #tpu.memory_space<vmem_shared>>
      tpu.wait_dma2 semaphore(%run_scoped3A : memref<!tpu.dma_semaphore, #tpu.memory_space<semaphore_mem>>) src(%arg13 : memref<32x144xf32, #tpu.memory_space<vmem>>) dst(%dma_wait3A_386 : memref<32x144xf32, #tpu.memory_space<vmem_shared>>)
      tpu.yield
    }) : () -> ()
    %mul3A_42 = arith.constant 640 : i32
    %mul3A_43 = arith.muli %arg1, %mul3A_42 : i32
    %add3A_44 = arith.constant 288 : i32
    %add3A_45 = arith.addi %mul3A_43, %add3A_44 : i32
    "tpu.region"() ({
      %run_scoped3A = tpu.sem_alloc : memref<!tpu.dma_semaphore, #tpu.memory_space<semaphore_mem>>
      %dma_start3A_379 = arith.constant 0 : i32
      %dma_start3A_380 = tpu.memref_slice %arg14[%add3A_45, %dma_start3A_379] : memref<10240x144xf32, #tpu.memory_space<vmem_shared>> -> memref<32x144xf32, #tpu.memory_space<vmem_shared>>
      %dma_start3A_381 = arith.constant 0 : i32
      %dma_start3A_382 = tpu.memref_slice %arg14[%add3A_45, %dma_start3A_381] : memref<10240x144xf32, #tpu.memory_space<vmem_shared>> -> memref<32x144xf32, #tpu.memory_space<vmem_shared>>
      tpu.enqueue_dma source(%arg13 : memref<32x144xf32, #tpu.memory_space<vmem>>) target(%dma_start3A_382 : memref<32x144xf32, #tpu.memory_space<vmem_shared>>) target_semaphore(%run_scoped3A : memref<!tpu.dma_semaphore, #tpu.memory_space<semaphore_mem>>)
      %dma_wait3A_383 = arith.constant 0 : i32
      %dma_wait3A_384 = tpu.memref_slice %arg14[%add3A_45, %dma_wait3A_383] : memref<10240x144xf32, #tpu.memory_space<vmem_shared>> -> memref<32x144xf32, #tpu.memory_space<vmem_shared>>
      %dma_wait3A_385 = arith.constant 0 : i32
      %dma_wait3A_386 = tpu.memref_slice %arg14[%add3A_45, %dma_wait3A_385] : memref<10240x144xf32, #tpu.memory_space<vmem_shared>> -> memref<32x144xf32, #tpu.memory_space<vmem_shared>>
      tpu.wait_dma2 semaphore(%run_scoped3A : memref<!tpu.dma_semaphore, #tpu.memory_space<semaphore_mem>>) src(%arg13 : memref<32x144xf32, #tpu.memory_space<vmem>>) dst(%dma_wait3A_386 : memref<32x144xf32, #tpu.memory_space<vmem_shared>>)
      tpu.yield
    }) : () -> ()
    %mul3A_46 = arith.constant 640 : i32
    %mul3A_47 = arith.muli %arg1, %mul3A_46 : i32
    %add3A_48 = arith.constant 320 : i32
    %add3A_49 = arith.addi %mul3A_47, %add3A_48 : i32
    "tpu.region"() ({
      %run_scoped3A = tpu.sem_alloc : memref<!tpu.dma_semaphore, #tpu.memory_space<semaphore_mem>>
      %dma_start3A_379 = arith.constant 0 : i32
      %dma_start3A_380 = tpu.memref_slice %arg14[%add3A_49, %dma_start3A_379] : memref<10240x144xf32, #tpu.memory_space<vmem_shared>> -> memref<32x144xf32, #tpu.memory_space<vmem_shared>>
      %dma_start3A_381 = arith.constant 0 : i32
      %dma_start3A_382 = tpu.memref_slice %arg14[%add3A_49, %dma_start3A_381] : memref<10240x144xf32, #tpu.memory_space<vmem_shared>> -> memref<32x144xf32, #tpu.memory_space<vmem_shared>>
      tpu.enqueue_dma source(%arg13 : memref<32x144xf32, #tpu.memory_space<vmem>>) target(%dma_start3A_382 : memref<32x144xf32, #tpu.memory_space<vmem_shared>>) target_semaphore(%run_scoped3A : memref<!tpu.dma_semaphore, #tpu.memory_space<semaphore_mem>>)
      %dma_wait3A_383 = arith.constant 0 : i32
      %dma_wait3A_384 = tpu.memref_slice %arg14[%add3A_49, %dma_wait3A_383] : memref<10240x144xf32, #tpu.memory_space<vmem_shared>> -> memref<32x144xf32, #tpu.memory_space<vmem_shared>>
      %dma_wait3A_385 = arith.constant 0 : i32
      %dma_wait3A_386 = tpu.memref_slice %arg14[%add3A_49, %dma_wait3A_385] : memref<10240x144xf32, #tpu.memory_space<vmem_shared>> -> memref<32x144xf32, #tpu.memory_space<vmem_shared>>
      tpu.wait_dma2 semaphore(%run_scoped3A : memref<!tpu.dma_semaphore, #tpu.memory_space<semaphore_mem>>) src(%arg13 : memref<32x144xf32, #tpu.memory_space<vmem>>) dst(%dma_wait3A_386 : memref<32x144xf32, #tpu.memory_space<vmem_shared>>)
      tpu.yield
    }) : () -> ()
    %mul3A_50 = arith.constant 640 : i32
    %mul3A_51 = arith.muli %arg1, %mul3A_50 : i32
    %add3A_52 = arith.constant 352 : i32
    %add3A_53 = arith.addi %mul3A_51, %add3A_52 : i32
    "tpu.region"() ({
      %run_scoped3A = tpu.sem_alloc : memref<!tpu.dma_semaphore, #tpu.memory_space<semaphore_mem>>
      %dma_start3A_379 = arith.constant 0 : i32
      %dma_start3A_380 = tpu.memref_slice %arg14[%add3A_53, %dma_start3A_379] : memref<10240x144xf32, #tpu.memory_space<vmem_shared>> -> memref<32x144xf32, #tpu.memory_space<vmem_shared>>
      %dma_start3A_381 = arith.constant 0 : i32
      %dma_start3A_382 = tpu.memref_slice %arg14[%add3A_53, %dma_start3A_381] : memref<10240x144xf32, #tpu.memory_space<vmem_shared>> -> memref<32x144xf32, #tpu.memory_space<vmem_shared>>
      tpu.enqueue_dma source(%arg13 : memref<32x144xf32, #tpu.memory_space<vmem>>) target(%dma_start3A_382 : memref<32x144xf32, #tpu.memory_space<vmem_shared>>) target_semaphore(%run_scoped3A : memref<!tpu.dma_semaphore, #tpu.memory_space<semaphore_mem>>)
      %dma_wait3A_383 = arith.constant 0 : i32
      %dma_wait3A_384 = tpu.memref_slice %arg14[%add3A_53, %dma_wait3A_383] : memref<10240x144xf32, #tpu.memory_space<vmem_shared>> -> memref<32x144xf32, #tpu.memory_space<vmem_shared>>
      %dma_wait3A_385 = arith.constant 0 : i32
      %dma_wait3A_386 = tpu.memref_slice %arg14[%add3A_53, %dma_wait3A_385] : memref<10240x144xf32, #tpu.memory_space<vmem_shared>> -> memref<32x144xf32, #tpu.memory_space<vmem_shared>>
      tpu.wait_dma2 semaphore(%run_scoped3A : memref<!tpu.dma_semaphore, #tpu.memory_space<semaphore_mem>>) src(%arg13 : memref<32x144xf32, #tpu.memory_space<vmem>>) dst(%dma_wait3A_386 : memref<32x144xf32, #tpu.memory_space<vmem_shared>>)
      tpu.yield
    }) : () -> ()
    %mul3A_54 = arith.constant 640 : i32
    %mul3A_55 = arith.muli %arg1, %mul3A_54 : i32
    %add3A_56 = arith.constant 384 : i32
    %add3A_57 = arith.addi %mul3A_55, %add3A_56 : i32
    "tpu.region"() ({
      %run_scoped3A = tpu.sem_alloc : memref<!tpu.dma_semaphore, #tpu.memory_space<semaphore_mem>>
      %dma_start3A_379 = arith.constant 0 : i32
      %dma_start3A_380 = tpu.memref_slice %arg14[%add3A_57, %dma_start3A_379] : memref<10240x144xf32, #tpu.memory_space<vmem_shared>> -> memref<32x144xf32, #tpu.memory_space<vmem_shared>>
      %dma_start3A_381 = arith.constant 0 : i32
      %dma_start3A_382 = tpu.memref_slice %arg14[%add3A_57, %dma_start3A_381] : memref<10240x144xf32, #tpu.memory_space<vmem_shared>> -> memref<32x144xf32, #tpu.memory_space<vmem_shared>>
      tpu.enqueue_dma source(%arg13 : memref<32x144xf32, #tpu.memory_space<vmem>>) target(%dma_start3A_382 : memref<32x144xf32, #tpu.memory_space<vmem_shared>>) target_semaphore(%run_scoped3A : memref<!tpu.dma_semaphore, #tpu.memory_space<semaphore_mem>>)
      %dma_wait3A_383 = arith.constant 0 : i32
      %dma_wait3A_384 = tpu.memref_slice %arg14[%add3A_57, %dma_wait3A_383] : memref<10240x144xf32, #tpu.memory_space<vmem_shared>> -> memref<32x144xf32, #tpu.memory_space<vmem_shared>>
      %dma_wait3A_385 = arith.constant 0 : i32
      %dma_wait3A_386 = tpu.memref_slice %arg14[%add3A_57, %dma_wait3A_385] : memref<10240x144xf32, #tpu.memory_space<vmem_shared>> -> memref<32x144xf32, #tpu.memory_space<vmem_shared>>
      tpu.wait_dma2 semaphore(%run_scoped3A : memref<!tpu.dma_semaphore, #tpu.memory_space<semaphore_mem>>) src(%arg13 : memref<32x144xf32, #tpu.memory_space<vmem>>) dst(%dma_wait3A_386 : memref<32x144xf32, #tpu.memory_space<vmem_shared>>)
      tpu.yield
    }) : () -> ()
    %mul3A_58 = arith.constant 640 : i32
    %mul3A_59 = arith.muli %arg1, %mul3A_58 : i32
    %add3A_60 = arith.constant 416 : i32
    %add3A_61 = arith.addi %mul3A_59, %add3A_60 : i32
    "tpu.region"() ({
      %run_scoped3A = tpu.sem_alloc : memref<!tpu.dma_semaphore, #tpu.memory_space<semaphore_mem>>
      %dma_start3A_379 = arith.constant 0 : i32
      %dma_start3A_380 = tpu.memref_slice %arg14[%add3A_61, %dma_start3A_379] : memref<10240x144xf32, #tpu.memory_space<vmem_shared>> -> memref<32x144xf32, #tpu.memory_space<vmem_shared>>
      %dma_start3A_381 = arith.constant 0 : i32
      %dma_start3A_382 = tpu.memref_slice %arg14[%add3A_61, %dma_start3A_381] : memref<10240x144xf32, #tpu.memory_space<vmem_shared>> -> memref<32x144xf32, #tpu.memory_space<vmem_shared>>
      tpu.enqueue_dma source(%arg13 : memref<32x144xf32, #tpu.memory_space<vmem>>) target(%dma_start3A_382 : memref<32x144xf32, #tpu.memory_space<vmem_shared>>) target_semaphore(%run_scoped3A : memref<!tpu.dma_semaphore, #tpu.memory_space<semaphore_mem>>)
      %dma_wait3A_383 = arith.constant 0 : i32
      %dma_wait3A_384 = tpu.memref_slice %arg14[%add3A_61, %dma_wait3A_383] : memref<10240x144xf32, #tpu.memory_space<vmem_shared>> -> memref<32x144xf32, #tpu.memory_space<vmem_shared>>
      %dma_wait3A_385 = arith.constant 0 : i32
      %dma_wait3A_386 = tpu.memref_slice %arg14[%add3A_61, %dma_wait3A_385] : memref<10240x144xf32, #tpu.memory_space<vmem_shared>> -> memref<32x144xf32, #tpu.memory_space<vmem_shared>>
      tpu.wait_dma2 semaphore(%run_scoped3A : memref<!tpu.dma_semaphore, #tpu.memory_space<semaphore_mem>>) src(%arg13 : memref<32x144xf32, #tpu.memory_space<vmem>>) dst(%dma_wait3A_386 : memref<32x144xf32, #tpu.memory_space<vmem_shared>>)
      tpu.yield
    }) : () -> ()
    %mul3A_62 = arith.constant 640 : i32
    %mul3A_63 = arith.muli %arg1, %mul3A_62 : i32
    %add3A_64 = arith.constant 448 : i32
    %add3A_65 = arith.addi %mul3A_63, %add3A_64 : i32
    "tpu.region"() ({
      %run_scoped3A = tpu.sem_alloc : memref<!tpu.dma_semaphore, #tpu.memory_space<semaphore_mem>>
      %dma_start3A_379 = arith.constant 0 : i32
      %dma_start3A_380 = tpu.memref_slice %arg14[%add3A_65, %dma_start3A_379] : memref<10240x144xf32, #tpu.memory_space<vmem_shared>> -> memref<32x144xf32, #tpu.memory_space<vmem_shared>>
      %dma_start3A_381 = arith.constant 0 : i32
      %dma_start3A_382 = tpu.memref_slice %arg14[%add3A_65, %dma_start3A_381] : memref<10240x144xf32, #tpu.memory_space<vmem_shared>> -> memref<32x144xf32, #tpu.memory_space<vmem_shared>>
      tpu.enqueue_dma source(%arg13 : memref<32x144xf32, #tpu.memory_space<vmem>>) target(%dma_start3A_382 : memref<32x144xf32, #tpu.memory_space<vmem_shared>>) target_semaphore(%run_scoped3A : memref<!tpu.dma_semaphore, #tpu.memory_space<semaphore_mem>>)
      %dma_wait3A_383 = arith.constant 0 : i32
      %dma_wait3A_384 = tpu.memref_slice %arg14[%add3A_65, %dma_wait3A_383] : memref<10240x144xf32, #tpu.memory_space<vmem_shared>> -> memref<32x144xf32, #tpu.memory_space<vmem_shared>>
      %dma_wait3A_385 = arith.constant 0 : i32
      %dma_wait3A_386 = tpu.memref_slice %arg14[%add3A_65, %dma_wait3A_385] : memref<10240x144xf32, #tpu.memory_space<vmem_shared>> -> memref<32x144xf32, #tpu.memory_space<vmem_shared>>
      tpu.wait_dma2 semaphore(%run_scoped3A : memref<!tpu.dma_semaphore, #tpu.memory_space<semaphore_mem>>) src(%arg13 : memref<32x144xf32, #tpu.memory_space<vmem>>) dst(%dma_wait3A_386 : memref<32x144xf32, #tpu.memory_space<vmem_shared>>)
      tpu.yield
    }) : () -> ()
    %mul3A_66 = arith.constant 640 : i32
    %mul3A_67 = arith.muli %arg1, %mul3A_66 : i32
    %add3A_68 = arith.constant 480 : i32
    %add3A_69 = arith.addi %mul3A_67, %add3A_68 : i32
    "tpu.region"() ({
      %run_scoped3A = tpu.sem_alloc : memref<!tpu.dma_semaphore, #tpu.memory_space<semaphore_mem>>
      %dma_start3A_379 = arith.constant 0 : i32
      %dma_start3A_380 = tpu.memref_slice %arg14[%add3A_69, %dma_start3A_379] : memref<10240x144xf32, #tpu.memory_space<vmem_shared>> -> memref<32x144xf32, #tpu.memory_space<vmem_shared>>
      %dma_start3A_381 = arith.constant 0 : i32
      %dma_start3A_382 = tpu.memref_slice %arg14[%add3A_69, %dma_start3A_381] : memref<10240x144xf32, #tpu.memory_space<vmem_shared>> -> memref<32x144xf32, #tpu.memory_space<vmem_shared>>
      tpu.enqueue_dma source(%arg13 : memref<32x144xf32, #tpu.memory_space<vmem>>) target(%dma_start3A_382 : memref<32x144xf32, #tpu.memory_space<vmem_shared>>) target_semaphore(%run_scoped3A : memref<!tpu.dma_semaphore, #tpu.memory_space<semaphore_mem>>)
      %dma_wait3A_383 = arith.constant 0 : i32
      %dma_wait3A_384 = tpu.memref_slice %arg14[%add3A_69, %dma_wait3A_383] : memref<10240x144xf32, #tpu.memory_space<vmem_shared>> -> memref<32x144xf32, #tpu.memory_space<vmem_shared>>
      %dma_wait3A_385 = arith.constant 0 : i32
      %dma_wait3A_386 = tpu.memref_slice %arg14[%add3A_69, %dma_wait3A_385] : memref<10240x144xf32, #tpu.memory_space<vmem_shared>> -> memref<32x144xf32, #tpu.memory_space<vmem_shared>>
      tpu.wait_dma2 semaphore(%run_scoped3A : memref<!tpu.dma_semaphore, #tpu.memory_space<semaphore_mem>>) src(%arg13 : memref<32x144xf32, #tpu.memory_space<vmem>>) dst(%dma_wait3A_386 : memref<32x144xf32, #tpu.memory_space<vmem_shared>>)
      tpu.yield
    }) : () -> ()
    %mul3A_70 = arith.constant 640 : i32
    %mul3A_71 = arith.muli %arg1, %mul3A_70 : i32
    %add3A_72 = arith.constant 512 : i32
    %add3A_73 = arith.addi %mul3A_71, %add3A_72 : i32
    "tpu.region"() ({
      %run_scoped3A = tpu.sem_alloc : memref<!tpu.dma_semaphore, #tpu.memory_space<semaphore_mem>>
      %dma_start3A_379 = arith.constant 0 : i32
      %dma_start3A_380 = tpu.memref_slice %arg14[%add3A_73, %dma_start3A_379] : memref<10240x144xf32, #tpu.memory_space<vmem_shared>> -> memref<32x144xf32, #tpu.memory_space<vmem_shared>>
      %dma_start3A_381 = arith.constant 0 : i32
      %dma_start3A_382 = tpu.memref_slice %arg14[%add3A_73, %dma_start3A_381] : memref<10240x144xf32, #tpu.memory_space<vmem_shared>> -> memref<32x144xf32, #tpu.memory_space<vmem_shared>>
      tpu.enqueue_dma source(%arg13 : memref<32x144xf32, #tpu.memory_space<vmem>>) target(%dma_start3A_382 : memref<32x144xf32, #tpu.memory_space<vmem_shared>>) target_semaphore(%run_scoped3A : memref<!tpu.dma_semaphore, #tpu.memory_space<semaphore_mem>>)
      %dma_wait3A_383 = arith.constant 0 : i32
      %dma_wait3A_384 = tpu.memref_slice %arg14[%add3A_73, %dma_wait3A_383] : memref<10240x144xf32, #tpu.memory_space<vmem_shared>> -> memref<32x144xf32, #tpu.memory_space<vmem_shared>>
      %dma_wait3A_385 = arith.constant 0 : i32
      %dma_wait3A_386 = tpu.memref_slice %arg14[%add3A_73, %dma_wait3A_385] : memref<10240x144xf32, #tpu.memory_space<vmem_shared>> -> memref<32x144xf32, #tpu.memory_space<vmem_shared>>
      tpu.wait_dma2 semaphore(%run_scoped3A : memref<!tpu.dma_semaphore, #tpu.memory_space<semaphore_mem>>) src(%arg13 : memref<32x144xf32, #tpu.memory_space<vmem>>) dst(%dma_wait3A_386 : memref<32x144xf32, #tpu.memory_space<vmem_shared>>)
      tpu.yield
    }) : () -> ()
    %mul3A_74 = arith.constant 640 : i32
    %mul3A_75 = arith.muli %arg1, %mul3A_74 : i32
    %add3A_76 = arith.constant 544 : i32
    %add3A_77 = arith.addi %mul3A_75, %add3A_76 : i32
    "tpu.region"() ({
      %run_scoped3A = tpu.sem_alloc : memref<!tpu.dma_semaphore, #tpu.memory_space<semaphore_mem>>
      %dma_start3A_379 = arith.constant 0 : i32
      %dma_start3A_380 = tpu.memref_slice %arg14[%add3A_77, %dma_start3A_379] : memref<10240x144xf32, #tpu.memory_space<vmem_shared>> -> memref<32x144xf32, #tpu.memory_space<vmem_shared>>
      %dma_start3A_381 = arith.constant 0 : i32
      %dma_start3A_382 = tpu.memref_slice %arg14[%add3A_77, %dma_start3A_381] : memref<10240x144xf32, #tpu.memory_space<vmem_shared>> -> memref<32x144xf32, #tpu.memory_space<vmem_shared>>
      tpu.enqueue_dma source(%arg13 : memref<32x144xf32, #tpu.memory_space<vmem>>) target(%dma_start3A_382 : memref<32x144xf32, #tpu.memory_space<vmem_shared>>) target_semaphore(%run_scoped3A : memref<!tpu.dma_semaphore, #tpu.memory_space<semaphore_mem>>)
      %dma_wait3A_383 = arith.constant 0 : i32
      %dma_wait3A_384 = tpu.memref_slice %arg14[%add3A_77, %dma_wait3A_383] : memref<10240x144xf32, #tpu.memory_space<vmem_shared>> -> memref<32x144xf32, #tpu.memory_space<vmem_shared>>
      %dma_wait3A_385 = arith.constant 0 : i32
      %dma_wait3A_386 = tpu.memref_slice %arg14[%add3A_77, %dma_wait3A_385] : memref<10240x144xf32, #tpu.memory_space<vmem_shared>> -> memref<32x144xf32, #tpu.memory_space<vmem_shared>>
      tpu.wait_dma2 semaphore(%run_scoped3A : memref<!tpu.dma_semaphore, #tpu.memory_space<semaphore_mem>>) src(%arg13 : memref<32x144xf32, #tpu.memory_space<vmem>>) dst(%dma_wait3A_386 : memref<32x144xf32, #tpu.memory_space<vmem_shared>>)
      tpu.yield
    }) : () -> ()
    %mul3A_78 = arith.constant 640 : i32
    %mul3A_79 = arith.muli %arg1, %mul3A_78 : i32
    %add3A_80 = arith.constant 576 : i32
    %add3A_81 = arith.addi %mul3A_79, %add3A_80 : i32
    "tpu.region"() ({
      %run_scoped3A = tpu.sem_alloc : memref<!tpu.dma_semaphore, #tpu.memory_space<semaphore_mem>>
      %dma_start3A_379 = arith.constant 0 : i32
      %dma_start3A_380 = tpu.memref_slice %arg14[%add3A_81, %dma_start3A_379] : memref<10240x144xf32, #tpu.memory_space<vmem_shared>> -> memref<32x144xf32, #tpu.memory_space<vmem_shared>>
      %dma_start3A_381 = arith.constant 0 : i32
      %dma_start3A_382 = tpu.memref_slice %arg14[%add3A_81, %dma_start3A_381] : memref<10240x144xf32, #tpu.memory_space<vmem_shared>> -> memref<32x144xf32, #tpu.memory_space<vmem_shared>>
      tpu.enqueue_dma source(%arg13 : memref<32x144xf32, #tpu.memory_space<vmem>>) target(%dma_start3A_382 : memref<32x144xf32, #tpu.memory_space<vmem_shared>>) target_semaphore(%run_scoped3A : memref<!tpu.dma_semaphore, #tpu.memory_space<semaphore_mem>>)
      %dma_wait3A_383 = arith.constant 0 : i32
      %dma_wait3A_384 = tpu.memref_slice %arg14[%add3A_81, %dma_wait3A_383] : memref<10240x144xf32, #tpu.memory_space<vmem_shared>> -> memref<32x144xf32, #tpu.memory_space<vmem_shared>>
      %dma_wait3A_385 = arith.constant 0 : i32
      %dma_wait3A_386 = tpu.memref_slice %arg14[%add3A_81, %dma_wait3A_385] : memref<10240x144xf32, #tpu.memory_space<vmem_shared>> -> memref<32x144xf32, #tpu.memory_space<vmem_shared>>
      tpu.wait_dma2 semaphore(%run_scoped3A : memref<!tpu.dma_semaphore, #tpu.memory_space<semaphore_mem>>) src(%arg13 : memref<32x144xf32, #tpu.memory_space<vmem>>) dst(%dma_wait3A_386 : memref<32x144xf32, #tpu.memory_space<vmem_shared>>)
      tpu.yield
    }) : () -> ()
    %mul3A_82 = arith.constant 640 : i32
    %mul3A_83 = arith.muli %arg1, %mul3A_82 : i32
    %add3A_84 = arith.constant 608 : i32
    %add3A_85 = arith.addi %mul3A_83, %add3A_84 : i32
    "tpu.region"() ({
      %run_scoped3A = tpu.sem_alloc : memref<!tpu.dma_semaphore, #tpu.memory_space<semaphore_mem>>
      %dma_start3A_379 = arith.constant 0 : i32
      %dma_start3A_380 = tpu.memref_slice %arg14[%add3A_85, %dma_start3A_379] : memref<10240x144xf32, #tpu.memory_space<vmem_shared>> -> memref<32x144xf32, #tpu.memory_space<vmem_shared>>
      %dma_start3A_381 = arith.constant 0 : i32
      %dma_start3A_382 = tpu.memref_slice %arg14[%add3A_85, %dma_start3A_381] : memref<10240x144xf32, #tpu.memory_space<vmem_shared>> -> memref<32x144xf32, #tpu.memory_space<vmem_shared>>
      tpu.enqueue_dma source(%arg13 : memref<32x144xf32, #tpu.memory_space<vmem>>) target(%dma_start3A_382 : memref<32x144xf32, #tpu.memory_space<vmem_shared>>) target_semaphore(%run_scoped3A : memref<!tpu.dma_semaphore, #tpu.memory_space<semaphore_mem>>)
      %dma_wait3A_383 = arith.constant 0 : i32
      %dma_wait3A_384 = tpu.memref_slice %arg14[%add3A_85, %dma_wait3A_383] : memref<10240x144xf32, #tpu.memory_space<vmem_shared>> -> memref<32x144xf32, #tpu.memory_space<vmem_shared>>
      %dma_wait3A_385 = arith.constant 0 : i32
      %dma_wait3A_386 = tpu.memref_slice %arg14[%add3A_85, %dma_wait3A_385] : memref<10240x144xf32, #tpu.memory_space<vmem_shared>> -> memref<32x144xf32, #tpu.memory_space<vmem_shared>>
      tpu.wait_dma2 semaphore(%run_scoped3A : memref<!tpu.dma_semaphore, #tpu.memory_space<semaphore_mem>>) src(%arg13 : memref<32x144xf32, #tpu.memory_space<vmem>>) dst(%dma_wait3A_386 : memref<32x144xf32, #tpu.memory_space<vmem_shared>>)
      tpu.yield
    }) : () -> ()
    %barrier3A = arith.constant 0 : index
    tpu.barrier barrier_id(%barrier3A)
    %mul3A_86 = arith.constant 20000 : i32
    %mul3A_87 = arith.muli %arg1, %mul3A_86 : i32
    %mul3A_88 = arith.constant 10240 : i32
    %mul3A_89 = arith.muli %arg0, %mul3A_88 : i32
    %min3A = arith.constant 0 : i32
    %min3A_90 = arith.constant 249 : i32
    %min3A_91 = arith.minsi %min3A, %min3A_90 : i32
    %mul3A_92 = arith.constant 80 : i32
    %mul3A_93 = arith.muli %min3A_91, %mul3A_92 : i32
    %add3A_94 = arith.addi %mul3A_87, %mul3A_93 : i32
    %dma_start3A = arith.constant 0 : i32
    %dma_start3A_95 = arith.constant 0 : i32
    %dma_start3A_96 = arith.constant 0 : i32
    %dma_start3A_97 = arith.constant 0 : i32
    %dma_start3A_98 = tpu.memref_slice %arg7[%dma_start3A, %dma_start3A_96, %dma_start3A_97] : memref<2x3x80xi32, #tpu.memory_space<vmem>> -> memref<1x3x80xi32, #tpu.memory_space<vmem>>
    %dma_start3A_99 = tpu.memref_squeeze %dma_start3A_98 : memref<1x3x80xi32, #tpu.memory_space<vmem>> -> memref<3x80xi32, #tpu.memory_space<vmem>>
    %dma_start3A_100 = arith.constant 0 : i32
    %dma_start3A_101 = tpu.memref_slice %arg4[%arg0, %dma_start3A_100, %add3A_94] : memref<2x3x320000xi32, #tpu.memory_space<hbm>> -> memref<1x3x80xi32, #tpu.memory_space<hbm>>
    %dma_start3A_102 = tpu.memref_squeeze %dma_start3A_101 : memref<1x3x80xi32, #tpu.memory_space<hbm>> -> memref<3x80xi32, #tpu.memory_space<hbm>>
    %dma_start3A_103 = tpu.memref_slice %arg15[%dma_start3A_95] : memref<2x!tpu.dma_semaphore, #tpu.memory_space<semaphore_mem>> -> memref<1x!tpu.dma_semaphore, #tpu.memory_space<semaphore_mem>>
    %dma_start3A_104 = tpu.memref_squeeze %dma_start3A_103 : memref<1x!tpu.dma_semaphore, #tpu.memory_space<semaphore_mem>> -> memref<!tpu.dma_semaphore, #tpu.memory_space<semaphore_mem>>
    %dma_start3A_105 = arith.constant 0 : i32
    %dma_start3A_106 = arith.constant 0 : i32
    %dma_start3A_107 = tpu.memref_slice %arg7[%dma_start3A, %dma_start3A_105, %dma_start3A_106] : memref<2x3x80xi32, #tpu.memory_space<vmem>> -> memref<1x3x80xi32, #tpu.memory_space<vmem>>
    %dma_start3A_108 = tpu.memref_squeeze %dma_start3A_107 : memref<1x3x80xi32, #tpu.memory_space<vmem>> -> memref<3x80xi32, #tpu.memory_space<vmem>>
    %dma_start3A_109 = arith.constant 0 : i32
    %dma_start3A_110 = tpu.memref_slice %arg4[%arg0, %dma_start3A_109, %add3A_94] : memref<2x3x320000xi32, #tpu.memory_space<hbm>> -> memref<1x3x80xi32, #tpu.memory_space<hbm>>
    %dma_start3A_111 = tpu.memref_squeeze %dma_start3A_110 : memref<1x3x80xi32, #tpu.memory_space<hbm>> -> memref<3x80xi32, #tpu.memory_space<hbm>>
    tpu.enqueue_dma source(%dma_start3A_111 : memref<3x80xi32, #tpu.memory_space<hbm>>) target(%dma_start3A_108 : memref<3x80xi32, #tpu.memory_space<vmem>>) target_semaphore(%dma_start3A_104 : memref<!tpu.dma_semaphore, #tpu.memory_space<semaphore_mem>>)
    %dma_wait3A = arith.constant 0 : i32
    %dma_wait3A_112 = arith.constant 0 : i32
    %dma_wait3A_113 = arith.constant 0 : i32
    %dma_wait3A_114 = arith.constant 0 : i32
    %dma_wait3A_115 = arith.constant 0 : i32
    %dma_wait3A_116 = tpu.memref_slice %arg7[%dma_wait3A_112, %dma_wait3A_114, %dma_wait3A_115] : memref<2x3x80xi32, #tpu.memory_space<vmem>> -> memref<1x3x80xi32, #tpu.memory_space<vmem>>
    %dma_wait3A_117 = tpu.memref_squeeze %dma_wait3A_116 : memref<1x3x80xi32, #tpu.memory_space<vmem>> -> memref<3x80xi32, #tpu.memory_space<vmem>>
    %dma_wait3A_118 = arith.constant 0 : i32
    %dma_wait3A_119 = arith.constant 0 : i32
    %dma_wait3A_120 = tpu.memref_slice %arg4[%dma_wait3A, %dma_wait3A_118, %dma_wait3A_119] : memref<2x3x320000xi32, #tpu.memory_space<hbm>> -> memref<1x3x80xi32, #tpu.memory_space<hbm>>
    %dma_wait3A_121 = tpu.memref_squeeze %dma_wait3A_120 : memref<1x3x80xi32, #tpu.memory_space<hbm>> -> memref<3x80xi32, #tpu.memory_space<hbm>>
    %dma_wait3A_122 = tpu.memref_slice %arg15[%dma_wait3A_113] : memref<2x!tpu.dma_semaphore, #tpu.memory_space<semaphore_mem>> -> memref<1x!tpu.dma_semaphore, #tpu.memory_space<semaphore_mem>>
    %dma_wait3A_123 = tpu.memref_squeeze %dma_wait3A_122 : memref<1x!tpu.dma_semaphore, #tpu.memory_space<semaphore_mem>> -> memref<!tpu.dma_semaphore, #tpu.memory_space<semaphore_mem>>
    %dma_wait3A_124 = arith.constant 0 : i32
    %dma_wait3A_125 = arith.constant 0 : i32
    %dma_wait3A_126 = tpu.memref_slice %arg7[%dma_wait3A_112, %dma_wait3A_124, %dma_wait3A_125] : memref<2x3x80xi32, #tpu.memory_space<vmem>> -> memref<1x3x80xi32, #tpu.memory_space<vmem>>
    %dma_wait3A_127 = tpu.memref_squeeze %dma_wait3A_126 : memref<1x3x80xi32, #tpu.memory_space<vmem>> -> memref<3x80xi32, #tpu.memory_space<vmem>>
    %dma_wait3A_128 = arith.constant 0 : i32
    %dma_wait3A_129 = arith.constant 0 : i32
    %dma_wait3A_130 = tpu.memref_slice %arg4[%dma_wait3A, %dma_wait3A_128, %dma_wait3A_129] : memref<2x3x320000xi32, #tpu.memory_space<hbm>> -> memref<1x3x80xi32, #tpu.memory_space<hbm>>
    %dma_wait3A_131 = tpu.memref_squeeze %dma_wait3A_130 : memref<1x3x80xi32, #tpu.memory_space<hbm>> -> memref<3x80xi32, #tpu.memory_space<hbm>>
    tpu.wait_dma2 semaphore(%dma_wait3A_123 : memref<!tpu.dma_semaphore, #tpu.memory_space<semaphore_mem>>) src(%dma_wait3A_131 : memref<3x80xi32, #tpu.memory_space<hbm>>) dst(%dma_wait3A_127 : memref<3x80xi32, #tpu.memory_space<vmem>>)
    %dma_start3A_132 = arith.constant 0 : i32
    %dma_start3A_133 = arith.constant 0 : i32
    %dma_start3A_134 = arith.constant 0 : i32
    %dma_start3A_135 = arith.constant 0 : i32
    %dma_start3A_136 = arith.constant 0 : i32
    %dma_start3A_137 = arith.constant 0 : i32
    %dma_start3A_138 = tpu.memref_slice %arg9[%dma_start3A_134, %dma_start3A_136, %dma_start3A_137] : memref<2x80x32xf32, #tpu.memory_space<vmem>> -> memref<1x80x32xf32, #tpu.memory_space<vmem>>
    %dma_start3A_139 = tpu.memref_squeeze %dma_start3A_138 : memref<1x80x32xf32, #tpu.memory_space<vmem>> -> memref<80x32xf32, #tpu.memory_space<vmem>>
    %dma_start3A_140 = arith.constant 0 : i32
    %dma_start3A_141 = tpu.memref_slice %arg7[%dma_start3A_132, %dma_start3A_133, %dma_start3A_140] : memref<2x3x80xi32, #tpu.memory_space<vmem>> -> memref<1x1x80xi32, #tpu.memory_space<vmem>>
    %dma_start3A_142 = tpu.memref_squeeze %dma_start3A_141 : memref<1x1x80xi32, #tpu.memory_space<vmem>> -> memref<80xi32, #tpu.memory_space<vmem>>
    %dma_start3A_143 = arith.constant 0 : i32
    %dma_start3A_144 = arith.constant 0 : i32
    %dma_start3A_145 = tpu.memref_slice %arg2[%dma_start3A_143, %dma_start3A_144] : memref<20480x32xf32, #tpu.memory_space<hbm>> -> memref<20480x32xf32, #tpu.memory_space<hbm>>
    %dma_start3A_146 = tpu.memref_slice %arg16[%dma_start3A_135] : memref<2x!tpu.dma_semaphore, #tpu.memory_space<semaphore_mem>> -> memref<1x!tpu.dma_semaphore, #tpu.memory_space<semaphore_mem>>
    %dma_start3A_147 = tpu.memref_squeeze %dma_start3A_146 : memref<1x!tpu.dma_semaphore, #tpu.memory_space<semaphore_mem>> -> memref<!tpu.dma_semaphore, #tpu.memory_space<semaphore_mem>>
    tpu.enqueue_indirect_dma source(%dma_start3A_145 : memref<20480x32xf32, #tpu.memory_space<hbm>>) target(%dma_start3A_139 : memref<80x32xf32, #tpu.memory_space<vmem>>) offsets(%dma_start3A_142 : memref<80xi32, #tpu.memory_space<vmem>>) semaphore(%dma_start3A_147 : memref<!tpu.dma_semaphore, #tpu.memory_space<semaphore_mem>>)
    %dma_start3A_148 = arith.constant 0 : i32
    %dma_start3A_149 = arith.constant 1 : i32
    %dma_start3A_150 = arith.constant 0 : i32
    %dma_start3A_151 = arith.constant 0 : i32
    %dma_start3A_152 = arith.constant 0 : i32
    %dma_start3A_153 = arith.constant 0 : i32
    %dma_start3A_154 = tpu.memref_slice %arg10[%dma_start3A_150, %dma_start3A_152, %dma_start3A_153] : memref<2x80x16xf32, #tpu.memory_space<vmem>> -> memref<1x80x16xf32, #tpu.memory_space<vmem>>
    %dma_start3A_155 = tpu.memref_squeeze %dma_start3A_154 : memref<1x80x16xf32, #tpu.memory_space<vmem>> -> memref<80x16xf32, #tpu.memory_space<vmem>>
    %dma_start3A_156 = arith.constant 0 : i32
    %dma_start3A_157 = tpu.memref_slice %arg7[%dma_start3A_148, %dma_start3A_149, %dma_start3A_156] : memref<2x3x80xi32, #tpu.memory_space<vmem>> -> memref<1x1x80xi32, #tpu.memory_space<vmem>>
    %dma_start3A_158 = tpu.memref_squeeze %dma_start3A_157 : memref<1x1x80xi32, #tpu.memory_space<vmem>> -> memref<80xi32, #tpu.memory_space<vmem>>
    %dma_start3A_159 = arith.constant 0 : i32
    %dma_start3A_160 = arith.constant 0 : i32
    %dma_start3A_161 = tpu.memref_slice %arg3[%dma_start3A_159, %dma_start3A_160] : memref<20480x16xf32, #tpu.memory_space<hbm>> -> memref<20480x16xf32, #tpu.memory_space<hbm>>
    %dma_start3A_162 = tpu.memref_slice %arg17[%dma_start3A_151] : memref<2x!tpu.dma_semaphore, #tpu.memory_space<semaphore_mem>> -> memref<1x!tpu.dma_semaphore, #tpu.memory_space<semaphore_mem>>
    %dma_start3A_163 = tpu.memref_squeeze %dma_start3A_162 : memref<1x!tpu.dma_semaphore, #tpu.memory_space<semaphore_mem>> -> memref<!tpu.dma_semaphore, #tpu.memory_space<semaphore_mem>>
    tpu.enqueue_indirect_dma source(%dma_start3A_161 : memref<20480x16xf32, #tpu.memory_space<hbm>>) target(%dma_start3A_155 : memref<80x16xf32, #tpu.memory_space<vmem>>) offsets(%dma_start3A_158 : memref<80xi32, #tpu.memory_space<vmem>>) semaphore(%dma_start3A_163 : memref<!tpu.dma_semaphore, #tpu.memory_space<semaphore_mem>>)
    %min3A_164 = arith.constant 1 : i32
    %min3A_165 = arith.constant 249 : i32
    %min3A_166 = arith.minsi %min3A_164, %min3A_165 : i32
    %mul3A_167 = arith.constant 80 : i32
    %mul3A_168 = arith.muli %min3A_166, %mul3A_167 : i32
    %add3A_169 = arith.addi %mul3A_87, %mul3A_168 : i32
    %dma_start3A_170 = arith.constant 1 : i32
    %dma_start3A_171 = arith.constant 1 : i32
    %dma_start3A_172 = arith.constant 0 : i32
    %dma_start3A_173 = arith.constant 0 : i32
    %dma_start3A_174 = tpu.memref_slice %arg7[%dma_start3A_170, %dma_start3A_172, %dma_start3A_173] : memref<2x3x80xi32, #tpu.memory_space<vmem>> -> memref<1x3x80xi32, #tpu.memory_space<vmem>>
    %dma_start3A_175 = tpu.memref_squeeze %dma_start3A_174 : memref<1x3x80xi32, #tpu.memory_space<vmem>> -> memref<3x80xi32, #tpu.memory_space<vmem>>
    %dma_start3A_176 = arith.constant 0 : i32
    %dma_start3A_177 = tpu.memref_slice %arg4[%arg0, %dma_start3A_176, %add3A_169] : memref<2x3x320000xi32, #tpu.memory_space<hbm>> -> memref<1x3x80xi32, #tpu.memory_space<hbm>>
    %dma_start3A_178 = tpu.memref_squeeze %dma_start3A_177 : memref<1x3x80xi32, #tpu.memory_space<hbm>> -> memref<3x80xi32, #tpu.memory_space<hbm>>
    %dma_start3A_179 = tpu.memref_slice %arg15[%dma_start3A_171] : memref<2x!tpu.dma_semaphore, #tpu.memory_space<semaphore_mem>> -> memref<1x!tpu.dma_semaphore, #tpu.memory_space<semaphore_mem>>
    %dma_start3A_180 = tpu.memref_squeeze %dma_start3A_179 : memref<1x!tpu.dma_semaphore, #tpu.memory_space<semaphore_mem>> -> memref<!tpu.dma_semaphore, #tpu.memory_space<semaphore_mem>>
    %dma_start3A_181 = arith.constant 0 : i32
    %dma_start3A_182 = arith.constant 0 : i32
    %dma_start3A_183 = tpu.memref_slice %arg7[%dma_start3A_170, %dma_start3A_181, %dma_start3A_182] : memref<2x3x80xi32, #tpu.memory_space<vmem>> -> memref<1x3x80xi32, #tpu.memory_space<vmem>>
    %dma_start3A_184 = tpu.memref_squeeze %dma_start3A_183 : memref<1x3x80xi32, #tpu.memory_space<vmem>> -> memref<3x80xi32, #tpu.memory_space<vmem>>
    %dma_start3A_185 = arith.constant 0 : i32
    %dma_start3A_186 = tpu.memref_slice %arg4[%arg0, %dma_start3A_185, %add3A_169] : memref<2x3x320000xi32, #tpu.memory_space<hbm>> -> memref<1x3x80xi32, #tpu.memory_space<hbm>>
    %dma_start3A_187 = tpu.memref_squeeze %dma_start3A_186 : memref<1x3x80xi32, #tpu.memory_space<hbm>> -> memref<3x80xi32, #tpu.memory_space<hbm>>
    tpu.enqueue_dma source(%dma_start3A_187 : memref<3x80xi32, #tpu.memory_space<hbm>>) target(%dma_start3A_184 : memref<3x80xi32, #tpu.memory_space<vmem>>) target_semaphore(%dma_start3A_180 : memref<!tpu.dma_semaphore, #tpu.memory_space<semaphore_mem>>)
    %scan3A_188 = arith.constant 0 : i32
    %scan3A_189 = arith.constant 0 : i32
    %scan3A_190 = arith.constant 125 : i32
    %scan3A_191 = arith.addi %scan3A_189, %scan3A_190 : i32
    %scan3A_192 = arith.constant 1 : i32
    %scan3A_193 = scf.for %scan3A_379 = %scan3A_189 to %scan3A_191 step %scan3A_192 iter_args(%scan3A_380 = %scan3A_188) -> (i32)  : i32 {
      %mul3A_381 = arith.constant 2 : i32
      %mul3A_382 = arith.muli %mul3A_381, %scan3A_379 : i32
      %dma_wait3A_383 = arith.constant 0 : i32
      %dma_wait3A_384 = arith.constant 0 : i32
      %dma_wait3A_385 = arith.constant 0 : i32
      %dma_wait3A_386 = arith.constant 0 : i32
      %dma_wait3A_387 = arith.constant 0 : i32
      %dma_wait3A_388 = arith.constant 0 : i32
      %dma_wait3A_389 = tpu.memref_slice %arg9[%dma_wait3A_385, %dma_wait3A_387, %dma_wait3A_388] : memref<2x80x32xf32, #tpu.memory_space<vmem>> -> memref<1x80x32xf32, #tpu.memory_space<vmem>>
      %dma_wait3A_390 = tpu.memref_squeeze %dma_wait3A_389 : memref<1x80x32xf32, #tpu.memory_space<vmem>> -> memref<80x32xf32, #tpu.memory_space<vmem>>
      %dma_wait3A_391 = arith.constant 0 : i32
      %dma_wait3A_392 = tpu.memref_slice %arg7[%dma_wait3A_383, %dma_wait3A_384, %dma_wait3A_391] : memref<2x3x80xi32, #tpu.memory_space<vmem>> -> memref<1x1x80xi32, #tpu.memory_space<vmem>>
      %dma_wait3A_393 = tpu.memref_squeeze %dma_wait3A_392 : memref<1x1x80xi32, #tpu.memory_space<vmem>> -> memref<80xi32, #tpu.memory_space<vmem>>
      %dma_wait3A_394 = arith.constant 0 : i32
      %dma_wait3A_395 = arith.constant 0 : i32
      %dma_wait3A_396 = tpu.memref_slice %arg2[%dma_wait3A_394, %dma_wait3A_395] : memref<20480x32xf32, #tpu.memory_space<hbm>> -> memref<20480x32xf32, #tpu.memory_space<hbm>>
      %dma_wait3A_397 = tpu.memref_slice %arg16[%dma_wait3A_386] : memref<2x!tpu.dma_semaphore, #tpu.memory_space<semaphore_mem>> -> memref<1x!tpu.dma_semaphore, #tpu.memory_space<semaphore_mem>>
      %dma_wait3A_398 = tpu.memref_squeeze %dma_wait3A_397 : memref<1x!tpu.dma_semaphore, #tpu.memory_space<semaphore_mem>> -> memref<!tpu.dma_semaphore, #tpu.memory_space<semaphore_mem>>
      tpu.wait_indirect_dma semaphore(%dma_wait3A_398 : memref<!tpu.dma_semaphore, #tpu.memory_space<semaphore_mem>>) src(%dma_wait3A_396 : memref<20480x32xf32, #tpu.memory_space<hbm>>) dst(%dma_wait3A_390 : memref<80x32xf32, #tpu.memory_space<vmem>>)
      %dma_wait3A_399 = arith.constant 0 : i32
      %dma_wait3A_400 = arith.constant 1 : i32
      %dma_wait3A_401 = arith.constant 0 : i32
      %dma_wait3A_402 = arith.constant 0 : i32
      %dma_wait3A_403 = arith.constant 0 : i32
      %dma_wait3A_404 = arith.constant 0 : i32
      %dma_wait3A_405 = tpu.memref_slice %arg10[%dma_wait3A_401, %dma_wait3A_403, %dma_wait3A_404] : memref<2x80x16xf32, #tpu.memory_space<vmem>> -> memref<1x80x16xf32, #tpu.memory_space<vmem>>
      %dma_wait3A_406 = tpu.memref_squeeze %dma_wait3A_405 : memref<1x80x16xf32, #tpu.memory_space<vmem>> -> memref<80x16xf32, #tpu.memory_space<vmem>>
      %dma_wait3A_407 = arith.constant 0 : i32
      %dma_wait3A_408 = tpu.memref_slice %arg7[%dma_wait3A_399, %dma_wait3A_400, %dma_wait3A_407] : memref<2x3x80xi32, #tpu.memory_space<vmem>> -> memref<1x1x80xi32, #tpu.memory_space<vmem>>
      %dma_wait3A_409 = tpu.memref_squeeze %dma_wait3A_408 : memref<1x1x80xi32, #tpu.memory_space<vmem>> -> memref<80xi32, #tpu.memory_space<vmem>>
      %dma_wait3A_410 = arith.constant 0 : i32
      %dma_wait3A_411 = arith.constant 0 : i32
      %dma_wait3A_412 = tpu.memref_slice %arg3[%dma_wait3A_410, %dma_wait3A_411] : memref<20480x16xf32, #tpu.memory_space<hbm>> -> memref<20480x16xf32, #tpu.memory_space<hbm>>
      %dma_wait3A_413 = tpu.memref_slice %arg17[%dma_wait3A_402] : memref<2x!tpu.dma_semaphore, #tpu.memory_space<semaphore_mem>> -> memref<1x!tpu.dma_semaphore, #tpu.memory_space<semaphore_mem>>
      %dma_wait3A_414 = tpu.memref_squeeze %dma_wait3A_413 : memref<1x!tpu.dma_semaphore, #tpu.memory_space<semaphore_mem>> -> memref<!tpu.dma_semaphore, #tpu.memory_space<semaphore_mem>>
      tpu.wait_indirect_dma semaphore(%dma_wait3A_414 : memref<!tpu.dma_semaphore, #tpu.memory_space<semaphore_mem>>) src(%dma_wait3A_412 : memref<20480x16xf32, #tpu.memory_space<hbm>>) dst(%dma_wait3A_406 : memref<80x16xf32, #tpu.memory_space<vmem>>)
      %dma_wait3A_415 = arith.constant 0 : i32
      %dma_wait3A_416 = arith.constant 1 : i32
      %dma_wait3A_417 = arith.constant 1 : i32
      %dma_wait3A_418 = arith.constant 0 : i32
      %dma_wait3A_419 = arith.constant 0 : i32
      %dma_wait3A_420 = tpu.memref_slice %arg7[%dma_wait3A_416, %dma_wait3A_418, %dma_wait3A_419] : memref<2x3x80xi32, #tpu.memory_space<vmem>> -> memref<1x3x80xi32, #tpu.memory_space<vmem>>
      %dma_wait3A_421 = tpu.memref_squeeze %dma_wait3A_420 : memref<1x3x80xi32, #tpu.memory_space<vmem>> -> memref<3x80xi32, #tpu.memory_space<vmem>>
      %dma_wait3A_422 = arith.constant 0 : i32
      %dma_wait3A_423 = arith.constant 0 : i32
      %dma_wait3A_424 = tpu.memref_slice %arg4[%dma_wait3A_415, %dma_wait3A_422, %dma_wait3A_423] : memref<2x3x320000xi32, #tpu.memory_space<hbm>> -> memref<1x3x80xi32, #tpu.memory_space<hbm>>
      %dma_wait3A_425 = tpu.memref_squeeze %dma_wait3A_424 : memref<1x3x80xi32, #tpu.memory_space<hbm>> -> memref<3x80xi32, #tpu.memory_space<hbm>>
      %dma_wait3A_426 = tpu.memref_slice %arg15[%dma_wait3A_417] : memref<2x!tpu.dma_semaphore, #tpu.memory_space<semaphore_mem>> -> memref<1x!tpu.dma_semaphore, #tpu.memory_space<semaphore_mem>>
      %dma_wait3A_427 = tpu.memref_squeeze %dma_wait3A_426 : memref<1x!tpu.dma_semaphore, #tpu.memory_space<semaphore_mem>> -> memref<!tpu.dma_semaphore, #tpu.memory_space<semaphore_mem>>
      %dma_wait3A_428 = arith.constant 0 : i32
      %dma_wait3A_429 = arith.constant 0 : i32
      %dma_wait3A_430 = tpu.memref_slice %arg7[%dma_wait3A_416, %dma_wait3A_428, %dma_wait3A_429] : memref<2x3x80xi32, #tpu.memory_space<vmem>> -> memref<1x3x80xi32, #tpu.memory_space<vmem>>
      %dma_wait3A_431 = tpu.memref_squeeze %dma_wait3A_430 : memref<1x3x80xi32, #tpu.memory_space<vmem>> -> memref<3x80xi32, #tpu.memory_space<vmem>>
      %dma_wait3A_432 = arith.constant 0 : i32
      %dma_wait3A_433 = arith.constant 0 : i32
      %dma_wait3A_434 = tpu.memref_slice %arg4[%dma_wait3A_415, %dma_wait3A_432, %dma_wait3A_433] : memref<2x3x320000xi32, #tpu.memory_space<hbm>> -> memref<1x3x80xi32, #tpu.memory_space<hbm>>
      %dma_wait3A_435 = tpu.memref_squeeze %dma_wait3A_434 : memref<1x3x80xi32, #tpu.memory_space<hbm>> -> memref<3x80xi32, #tpu.memory_space<hbm>>
      tpu.wait_dma2 semaphore(%dma_wait3A_427 : memref<!tpu.dma_semaphore, #tpu.memory_space<semaphore_mem>>) src(%dma_wait3A_435 : memref<3x80xi32, #tpu.memory_space<hbm>>) dst(%dma_wait3A_431 : memref<3x80xi32, #tpu.memory_space<vmem>>)
      %dma_start3A_436 = arith.constant 1 : i32
      %dma_start3A_437 = arith.constant 0 : i32
      %dma_start3A_438 = arith.constant 1 : i32
      %dma_start3A_439 = arith.constant 1 : i32
      %dma_start3A_440 = arith.constant 0 : i32
      %dma_start3A_441 = arith.constant 0 : i32
      %dma_start3A_442 = tpu.memref_slice %arg9[%dma_start3A_438, %dma_start3A_440, %dma_start3A_441] : memref<2x80x32xf32, #tpu.memory_space<vmem>> -> memref<1x80x32xf32, #tpu.memory_space<vmem>>
      %dma_start3A_443 = tpu.memref_squeeze %dma_start3A_442 : memref<1x80x32xf32, #tpu.memory_space<vmem>> -> memref<80x32xf32, #tpu.memory_space<vmem>>
      %dma_start3A_444 = arith.constant 0 : i32
      %dma_start3A_445 = tpu.memref_slice %arg7[%dma_start3A_436, %dma_start3A_437, %dma_start3A_444] : memref<2x3x80xi32, #tpu.memory_space<vmem>> -> memref<1x1x80xi32, #tpu.memory_space<vmem>>
      %dma_start3A_446 = tpu.memref_squeeze %dma_start3A_445 : memref<1x1x80xi32, #tpu.memory_space<vmem>> -> memref<80xi32, #tpu.memory_space<vmem>>
      %dma_start3A_447 = arith.constant 0 : i32
      %dma_start3A_448 = arith.constant 0 : i32
      %dma_start3A_449 = tpu.memref_slice %arg2[%dma_start3A_447, %dma_start3A_448] : memref<20480x32xf32, #tpu.memory_space<hbm>> -> memref<20480x32xf32, #tpu.memory_space<hbm>>
      %dma_start3A_450 = tpu.memref_slice %arg16[%dma_start3A_439] : memref<2x!tpu.dma_semaphore, #tpu.memory_space<semaphore_mem>> -> memref<1x!tpu.dma_semaphore, #tpu.memory_space<semaphore_mem>>
      %dma_start3A_451 = tpu.memref_squeeze %dma_start3A_450 : memref<1x!tpu.dma_semaphore, #tpu.memory_space<semaphore_mem>> -> memref<!tpu.dma_semaphore, #tpu.memory_space<semaphore_mem>>
      tpu.enqueue_indirect_dma source(%dma_start3A_449 : memref<20480x32xf32, #tpu.memory_space<hbm>>) target(%dma_start3A_443 : memref<80x32xf32, #tpu.memory_space<vmem>>) offsets(%dma_start3A_446 : memref<80xi32, #tpu.memory_space<vmem>>) semaphore(%dma_start3A_451 : memref<!tpu.dma_semaphore, #tpu.memory_space<semaphore_mem>>)
      %dma_start3A_452 = arith.constant 1 : i32
      %dma_start3A_453 = arith.constant 1 : i32
      %dma_start3A_454 = arith.constant 1 : i32
      %dma_start3A_455 = arith.constant 1 : i32
      %dma_start3A_456 = arith.constant 0 : i32
      %dma_start3A_457 = arith.constant 0 : i32
      %dma_start3A_458 = tpu.memref_slice %arg10[%dma_start3A_454, %dma_start3A_456, %dma_start3A_457] : memref<2x80x16xf32, #tpu.memory_space<vmem>> -> memref<1x80x16xf32, #tpu.memory_space<vmem>>
      %dma_start3A_459 = tpu.memref_squeeze %dma_start3A_458 : memref<1x80x16xf32, #tpu.memory_space<vmem>> -> memref<80x16xf32, #tpu.memory_space<vmem>>
      %dma_start3A_460 = arith.constant 0 : i32
      %dma_start3A_461 = tpu.memref_slice %arg7[%dma_start3A_452, %dma_start3A_453, %dma_start3A_460] : memref<2x3x80xi32, #tpu.memory_space<vmem>> -> memref<1x1x80xi32, #tpu.memory_space<vmem>>
      %dma_start3A_462 = tpu.memref_squeeze %dma_start3A_461 : memref<1x1x80xi32, #tpu.memory_space<vmem>> -> memref<80xi32, #tpu.memory_space<vmem>>
      %dma_start3A_463 = arith.constant 0 : i32
      %dma_start3A_464 = arith.constant 0 : i32
      %dma_start3A_465 = tpu.memref_slice %arg3[%dma_start3A_463, %dma_start3A_464] : memref<20480x16xf32, #tpu.memory_space<hbm>> -> memref<20480x16xf32, #tpu.memory_space<hbm>>
      %dma_start3A_466 = tpu.memref_slice %arg17[%dma_start3A_455] : memref<2x!tpu.dma_semaphore, #tpu.memory_space<semaphore_mem>> -> memref<1x!tpu.dma_semaphore, #tpu.memory_space<semaphore_mem>>
      %dma_start3A_467 = tpu.memref_squeeze %dma_start3A_466 : memref<1x!tpu.dma_semaphore, #tpu.memory_space<semaphore_mem>> -> memref<!tpu.dma_semaphore, #tpu.memory_space<semaphore_mem>>
      tpu.enqueue_indirect_dma source(%dma_start3A_465 : memref<20480x16xf32, #tpu.memory_space<hbm>>) target(%dma_start3A_459 : memref<80x16xf32, #tpu.memory_space<vmem>>) offsets(%dma_start3A_462 : memref<80xi32, #tpu.memory_space<vmem>>) semaphore(%dma_start3A_467 : memref<!tpu.dma_semaphore, #tpu.memory_space<semaphore_mem>>)
      %gt3A = arith.constant 0 : i32
      %gt3A_468 = arith.cmpi sgt, %scan3A_379, %gt3A : i32
      %convert_element_type3A = arith.extui %gt3A_468 : i1 to i32
      %cond3A = arith.constant 0 : i32
      %cond3A_469 = arith.cmpi ne, %convert_element_type3A, %cond3A : i32
      scf.if %cond3A_469 {
        %dma_wait3A_779 = arith.constant 0 : i32
        %dma_wait3A_780 = arith.constant 0 : i32
        %dma_wait3A_781 = arith.constant 0 : i32
        %dma_wait3A_782 = arith.constant 0 : i32
        %dma_wait3A_783 = arith.constant 0 : i32
        %dma_wait3A_784 = tpu.memref_slice %arg11[%dma_wait3A_779, %dma_wait3A_782, %dma_wait3A_783] : memref<2x80x144xf32, #tpu.memory_space<vmem>> -> memref<1x80x144xf32, #tpu.memory_space<vmem>>
        %dma_wait3A_785 = tpu.memref_squeeze %dma_wait3A_784 : memref<1x80x144xf32, #tpu.memory_space<vmem>> -> memref<80x144xf32, #tpu.memory_space<vmem>>
        %dma_wait3A_786 = arith.constant 0 : i32
        %dma_wait3A_787 = tpu.memref_slice %arg8[%dma_wait3A_780, %dma_wait3A_786] : memref<2x80xi32, #tpu.memory_space<vmem>> -> memref<1x80xi32, #tpu.memory_space<vmem>>
        %dma_wait3A_788 = tpu.memref_squeeze %dma_wait3A_787 : memref<1x80xi32, #tpu.memory_space<vmem>> -> memref<80xi32, #tpu.memory_space<vmem>>
        %dma_wait3A_789 = arith.constant 0 : i32
        %dma_wait3A_790 = arith.constant 0 : i32
        %dma_wait3A_791 = tpu.memref_slice %arg14[%dma_wait3A_789, %dma_wait3A_790] : memref<10240x144xf32, #tpu.memory_space<vmem_shared>> -> memref<10240x144xf32, #tpu.memory_space<vmem_shared>>
        %dma_wait3A_792 = tpu.memref_slice %arg18[%dma_wait3A_781] : memref<2x!tpu.dma_semaphore, #tpu.memory_space<semaphore_mem>> -> memref<1x!tpu.dma_semaphore, #tpu.memory_space<semaphore_mem>>
        %dma_wait3A_793 = tpu.memref_squeeze %dma_wait3A_792 : memref<1x!tpu.dma_semaphore, #tpu.memory_space<semaphore_mem>> -> memref<!tpu.dma_semaphore, #tpu.memory_space<semaphore_mem>>
        tpu.wait_indirect_dma semaphore(%dma_wait3A_793 : memref<!tpu.dma_semaphore, #tpu.memory_space<semaphore_mem>>) src(%dma_wait3A_785 : memref<80x144xf32, #tpu.memory_space<vmem>>) dst(%dma_wait3A_791 : memref<10240x144xf32, #tpu.memory_space<vmem_shared>>)
      } else {
      }
      %get3A_470 = arith.constant 0 : i32
      %get3A_471 = arith.constant 2 : i32
      %get3A_472 = arith.index_cast %get3A_470 : i32 to index
      %get3A_473 = arith.index_cast %get3A_471 : i32 to index
      %get3A_474 = arith.constant 0 : index
      %get3A_475 = tpu.vector_load %arg7[%get3A_472, %get3A_473, %get3A_474] {strides = array<i32>} : memref<2x3x80xi32, #tpu.memory_space<vmem>>, vector<1x1x16xi32>,
      %get3A_476 = vector.shape_cast %get3A_475 : vector<1x1x16xi32> to vector<16xi32>
      %swap3A = arith.constant 0 : i32
      %swap3A_477 = arith.index_cast %swap3A : i32 to index
      %swap3A_478 = arith.constant 0 : index
      %swap3A_479 = tpu.vector_load %arg8[%swap3A_477, %swap3A_478] {strides = array<i32>} : memref<2x80xi32, #tpu.memory_space<vmem>>, vector<1x16xi32>,
      %swap3A_480 = vector.shape_cast %swap3A_479 : vector<1x16xi32> to vector<16xi32>
      %swap3A_481 = vector.shape_cast %get3A_476 : vector<16xi32> to vector<1x16xi32>
      tpu.vector_store %arg8[%swap3A_477, %swap3A_478], %swap3A_481 {strides = array<i32>} : memref<2x80xi32, #tpu.memory_space<vmem>>, vector<1x16xi32>,
      %get3A_482 = arith.constant 0 : i32
      %get3A_483 = arith.constant 2 : i32
      %get3A_484 = arith.index_cast %get3A_482 : i32 to index
      %get3A_485 = arith.index_cast %get3A_483 : i32 to index
      %get3A_486 = arith.constant 16 : index
      %get3A_487 = tpu.vector_load %arg7[%get3A_484, %get3A_485, %get3A_486] {strides = array<i32>} : memref<2x3x80xi32, #tpu.memory_space<vmem>>, vector<1x1x16xi32>,
      %get3A_488 = vector.shape_cast %get3A_487 : vector<1x1x16xi32> to vector<16xi32>
      %swap3A_489 = arith.constant 0 : i32
      %swap3A_490 = arith.index_cast %swap3A_489 : i32 to index
      %swap3A_491 = arith.constant 16 : index
      %swap3A_492 = tpu.vector_load %arg8[%swap3A_490, %swap3A_491] {strides = array<i32>} : memref<2x80xi32, #tpu.memory_space<vmem>>, vector<1x16xi32>,
      %swap3A_493 = vector.shape_cast %swap3A_492 : vector<1x16xi32> to vector<16xi32>
      %swap3A_494 = vector.shape_cast %get3A_488 : vector<16xi32> to vector<1x16xi32>
      tpu.vector_store %arg8[%swap3A_490, %swap3A_491], %swap3A_494 {strides = array<i32>} : memref<2x80xi32, #tpu.memory_space<vmem>>, vector<1x16xi32>,
      %get3A_495 = arith.constant 0 : i32
      %get3A_496 = arith.constant 2 : i32
      %get3A_497 = arith.index_cast %get3A_495 : i32 to index
      %get3A_498 = arith.index_cast %get3A_496 : i32 to index
      %get3A_499 = arith.constant 32 : index
      %get3A_500 = tpu.vector_load %arg7[%get3A_497, %get3A_498, %get3A_499] {strides = array<i32>} : memref<2x3x80xi32, #tpu.memory_space<vmem>>, vector<1x1x16xi32>,
      %get3A_501 = vector.shape_cast %get3A_500 : vector<1x1x16xi32> to vector<16xi32>
      %swap3A_502 = arith.constant 0 : i32
      %swap3A_503 = arith.index_cast %swap3A_502 : i32 to index
      %swap3A_504 = arith.constant 32 : index
      %swap3A_505 = tpu.vector_load %arg8[%swap3A_503, %swap3A_504] {strides = array<i32>} : memref<2x80xi32, #tpu.memory_space<vmem>>, vector<1x16xi32>,
      %swap3A_506 = vector.shape_cast %swap3A_505 : vector<1x16xi32> to vector<16xi32>
      %swap3A_507 = vector.shape_cast %get3A_501 : vector<16xi32> to vector<1x16xi32>
      tpu.vector_store %arg8[%swap3A_503, %swap3A_504], %swap3A_507 {strides = array<i32>} : memref<2x80xi32, #tpu.memory_space<vmem>>, vector<1x16xi32>,
      %get3A_508 = arith.constant 0 : i32
      %get3A_509 = arith.constant 2 : i32
      %get3A_510 = arith.index_cast %get3A_508 : i32 to index
      %get3A_511 = arith.index_cast %get3A_509 : i32 to index
      %get3A_512 = arith.constant 48 : index
      %get3A_513 = tpu.vector_load %arg7[%get3A_510, %get3A_511, %get3A_512] {strides = array<i32>} : memref<2x3x80xi32, #tpu.memory_space<vmem>>, vector<1x1x16xi32>,
      %get3A_514 = vector.shape_cast %get3A_513 : vector<1x1x16xi32> to vector<16xi32>
      %swap3A_515 = arith.constant 0 : i32
      %swap3A_516 = arith.index_cast %swap3A_515 : i32 to index
      %swap3A_517 = arith.constant 48 : index
      %swap3A_518 = tpu.vector_load %arg8[%swap3A_516, %swap3A_517] {strides = array<i32>} : memref<2x80xi32, #tpu.memory_space<vmem>>, vector<1x16xi32>,
      %swap3A_519 = vector.shape_cast %swap3A_518 : vector<1x16xi32> to vector<16xi32>
      %swap3A_520 = vector.shape_cast %get3A_514 : vector<16xi32> to vector<1x16xi32>
      tpu.vector_store %arg8[%swap3A_516, %swap3A_517], %swap3A_520 {strides = array<i32>} : memref<2x80xi32, #tpu.memory_space<vmem>>, vector<1x16xi32>,
      %get3A_521 = arith.constant 0 : i32
      %get3A_522 = arith.constant 2 : i32
      %get3A_523 = arith.index_cast %get3A_521 : i32 to index
      %get3A_524 = arith.index_cast %get3A_522 : i32 to index
      %get3A_525 = arith.constant 64 : index
      %get3A_526 = tpu.vector_load %arg7[%get3A_523, %get3A_524, %get3A_525] {strides = array<i32>} : memref<2x3x80xi32, #tpu.memory_space<vmem>>, vector<1x1x16xi32>,
      %get3A_527 = vector.shape_cast %get3A_526 : vector<1x1x16xi32> to vector<16xi32>
      %swap3A_528 = arith.constant 0 : i32
      %swap3A_529 = arith.index_cast %swap3A_528 : i32 to index
      %swap3A_530 = arith.constant 64 : index
      %swap3A_531 = tpu.vector_load %arg8[%swap3A_529, %swap3A_530] {strides = array<i32>} : memref<2x80xi32, #tpu.memory_space<vmem>>, vector<1x16xi32>,
      %swap3A_532 = vector.shape_cast %swap3A_531 : vector<1x16xi32> to vector<16xi32>
      %swap3A_533 = vector.shape_cast %get3A_527 : vector<16xi32> to vector<1x16xi32>
      tpu.vector_store %arg8[%swap3A_529, %swap3A_530], %swap3A_533 {strides = array<i32>} : memref<2x80xi32, #tpu.memory_space<vmem>>, vector<1x16xi32>,
      %add3A_534 = arith.constant 0 : i32
      %add3A_535 = arith.addi %mul3A_382, %add3A_534 : i32
      %add3A_536 = arith.constant 2 : i32
      %add3A_537 = arith.addi %add3A_535, %add3A_536 : i32
      %min3A_538 = arith.constant 249 : i32
      %min3A_539 = arith.minsi %add3A_537, %min3A_538 : i32
      %mul3A_540 = arith.constant 80 : i32
      %mul3A_541 = arith.muli %min3A_539, %mul3A_540 : i32
      %add3A_542 = arith.addi %mul3A_87, %mul3A_541 : i32
      %dma_start3A_543 = arith.constant 0 : i32
      %dma_start3A_544 = arith.constant 0 : i32
      %dma_start3A_545 = arith.constant 0 : i32
      %dma_start3A_546 = arith.constant 0 : i32
      %dma_start3A_547 = tpu.memref_slice %arg7[%dma_start3A_543, %dma_start3A_545, %dma_start3A_546] : memref<2x3x80xi32, #tpu.memory_space<vmem>> -> memref<1x3x80xi32, #tpu.memory_space<vmem>>
      %dma_start3A_548 = tpu.memref_squeeze %dma_start3A_547 : memref<1x3x80xi32, #tpu.memory_space<vmem>> -> memref<3x80xi32, #tpu.memory_space<vmem>>
      %dma_start3A_549 = arith.constant 0 : i32
      %dma_start3A_550 = tpu.memref_slice %arg4[%arg0, %dma_start3A_549, %add3A_542] : memref<2x3x320000xi32, #tpu.memory_space<hbm>> -> memref<1x3x80xi32, #tpu.memory_space<hbm>>
      %dma_start3A_551 = tpu.memref_squeeze %dma_start3A_550 : memref<1x3x80xi32, #tpu.memory_space<hbm>> -> memref<3x80xi32, #tpu.memory_space<hbm>>
      %dma_start3A_552 = tpu.memref_slice %arg15[%dma_start3A_544] : memref<2x!tpu.dma_semaphore, #tpu.memory_space<semaphore_mem>> -> memref<1x!tpu.dma_semaphore, #tpu.memory_space<semaphore_mem>>
      %dma_start3A_553 = tpu.memref_squeeze %dma_start3A_552 : memref<1x!tpu.dma_semaphore, #tpu.memory_space<semaphore_mem>> -> memref<!tpu.dma_semaphore, #tpu.memory_space<semaphore_mem>>
      %dma_start3A_554 = arith.constant 0 : i32
      %dma_start3A_555 = arith.constant 0 : i32
      %dma_start3A_556 = tpu.memref_slice %arg7[%dma_start3A_543, %dma_start3A_554, %dma_start3A_555] : memref<2x3x80xi32, #tpu.memory_space<vmem>> -> memref<1x3x80xi32, #tpu.memory_space<vmem>>
      %dma_start3A_557 = tpu.memref_squeeze %dma_start3A_556 : memref<1x3x80xi32, #tpu.memory_space<vmem>> -> memref<3x80xi32, #tpu.memory_space<vmem>>
      %dma_start3A_558 = arith.constant 0 : i32
      %dma_start3A_559 = tpu.memref_slice %arg4[%arg0, %dma_start3A_558, %add3A_542] : memref<2x3x320000xi32, #tpu.memory_space<hbm>> -> memref<1x3x80xi32, #tpu.memory_space<hbm>>
      %dma_start3A_560 = tpu.memref_squeeze %dma_start3A_559 : memref<1x3x80xi32, #tpu.memory_space<hbm>> -> memref<3x80xi32, #tpu.memory_space<hbm>>
      tpu.enqueue_dma source(%dma_start3A_560 : memref<3x80xi32, #tpu.memory_space<hbm>>) target(%dma_start3A_557 : memref<3x80xi32, #tpu.memory_space<vmem>>) target_semaphore(%dma_start3A_553 : memref<!tpu.dma_semaphore, #tpu.memory_space<semaphore_mem>>)
      %parallel_loop3A = arith.constant 0 : i32
      %parallel_loop3A_561 = arith.constant 80 : i32
      %parallel_loop3A_562 = arith.constant 1 : i32
      scf.for %parallel_loop3A_779 = %parallel_loop3A to %parallel_loop3A_561 step %parallel_loop3A_562  : i32 {
        %parallel_loop3A_780 = arith.constant 0 : i32
        %parallel_loop3A_781 = arith.index_cast %parallel_loop3A_780 : i32 to index
        %parallel_loop3A_782 = arith.index_cast %parallel_loop3A_779 : i32 to index
        %parallel_loop3A_783 = arith.constant 0 : index
        %parallel_loop3A_784 = tpu.vector_load %arg9[%parallel_loop3A_781, %parallel_loop3A_782, %parallel_loop3A_783] {strides = array<i32>} : memref<2x80x32xf32, #tpu.memory_space<vmem>>, vector<1x1x16xf32>,
        %parallel_loop3A_785 = vector.shape_cast %parallel_loop3A_784 : vector<1x1x16xf32> to vector<16xf32>
        %parallel_loop3A_786 = arith.constant 0 : i32
        %parallel_loop3A_787 = arith.index_cast %parallel_loop3A_786 : i32 to index
        %parallel_loop3A_788 = arith.index_cast %parallel_loop3A_779 : i32 to index
        %parallel_loop3A_789 = arith.constant 16 : index
        %parallel_loop3A_790 = tpu.vector_load %arg9[%parallel_loop3A_787, %parallel_loop3A_788, %parallel_loop3A_789] {strides = array<i32>} : memref<2x80x32xf32, #tpu.memory_space<vmem>>, vector<1x1x16xf32>,
        %parallel_loop3A_791 = vector.shape_cast %parallel_loop3A_790 : vector<1x1x16xf32> to vector<16xf32>
        %parallel_loop3A_792 = arith.constant 0 : i32
        %parallel_loop3A_793 = arith.index_cast %parallel_loop3A_792 : i32 to index
        %parallel_loop3A_794 = arith.index_cast %parallel_loop3A_779 : i32 to index
        %parallel_loop3A_795 = arith.constant 0 : index
        %parallel_loop3A_796 = tpu.vector_load %arg10[%parallel_loop3A_793, %parallel_loop3A_794, %parallel_loop3A_795] {strides = array<i32>} : memref<2x80x16xf32, #tpu.memory_space<vmem>>, vector<1x1x16xf32>,
        %parallel_loop3A_797 = vector.shape_cast %parallel_loop3A_796 : vector<1x1x16xf32> to vector<16xf32>
        %parallel_loop3A_798 = arith.addf %parallel_loop3A_791, %parallel_loop3A_797 : vector<16xf32>
        %parallel_loop3A_799 = arith.constant 0.000000e+00 : f32
        %parallel_loop3A_800 = vector.broadcast %parallel_loop3A_799 : f32 to vector<16xf32>
        %parallel_loop3A_801 = arith.cmpf oge, %parallel_loop3A_798, %parallel_loop3A_800 : vector<16xf32>
        %parallel_loop3A_802 = arith.constant 2.000000e-01 : f32
        %parallel_loop3A_803 = vector.broadcast %parallel_loop3A_802 : f32 to vector<16xf32>
        %parallel_loop3A_804 = arith.mulf %parallel_loop3A_803, %parallel_loop3A_798 : vector<16xf32>
        %parallel_loop3A_805 = arith.select %parallel_loop3A_801, %parallel_loop3A_798, %parallel_loop3A_804 : vector<16xi1>, vector<16xf32>
        %parallel_loop3A_806 = arith.subf %parallel_loop3A_805, %get3A_1 : vector<16xf32>
        %parallel_loop3A_807 = math.exp %parallel_loop3A_806 : vector<16xf32>
        %parallel_loop3A_808 = arith.constant 0 : i32
        %parallel_loop3A_809 = arith.index_cast %parallel_loop3A_808 : i32 to index
        %parallel_loop3A_810 = arith.index_cast %parallel_loop3A_779 : i32 to index
        %parallel_loop3A_811 = arith.constant 128 : index
        %parallel_loop3A_812 = tpu.vector_load %arg11[%parallel_loop3A_809, %parallel_loop3A_810, %parallel_loop3A_811] {strides = array<i32>} : memref<2x80x144xf32, #tpu.memory_space<vmem>>, vector<1x1x16xf32>,
        %parallel_loop3A_813 = vector.shape_cast %parallel_loop3A_812 : vector<1x1x16xf32> to vector<16xf32>
        %parallel_loop3A_814 = vector.shape_cast %parallel_loop3A_807 : vector<16xf32> to vector<1x1x16xf32>
        tpu.vector_store %arg11[%parallel_loop3A_809, %parallel_loop3A_810, %parallel_loop3A_811], %parallel_loop3A_814 {strides = array<i32>} : memref<2x80x144xf32, #tpu.memory_space<vmem>>, vector<1x1x16xf32>,
        %parallel_loop3A_815 = arith.constant 0 : i32
        %parallel_loop3A_816 = vector.broadcast %parallel_loop3A_815 : i32 to vector<16xi32>
        %parallel_loop3A_817 = arith.constant 0 : i32
        %parallel_loop3A_818 = vector.broadcast %parallel_loop3A_817 : i32 to vector<16xi32>
        %parallel_loop3A_819 = arith.cmpi slt, %parallel_loop3A_816, %parallel_loop3A_818 : vector<16xi32>
        %parallel_loop3A_820 = arith.constant 16 : i32
        %parallel_loop3A_821 = vector.broadcast %parallel_loop3A_820 : i32 to vector<16xi32>
        %parallel_loop3A_822 = arith.addi %parallel_loop3A_816, %parallel_loop3A_821 : vector<16xi32>
        %parallel_loop3A_823 = arith.select %parallel_loop3A_819, %parallel_loop3A_822, %parallel_loop3A_816 : vector<16xi1>, vector<16xi32>
        %parallel_loop3A_824 = vector.shape_cast %parallel_loop3A_823 : vector<16xi32> to vector<16x1xi32>
        %parallel_loop3A_825 = vector.shape_cast %parallel_loop3A_824 : vector<16x1xi32> to vector<16xi32>
        %parallel_loop3A_826 = tpu.dynamic_gather %parallel_loop3A_807[%parallel_loop3A_825] in [0] : vector<16xf32>, vector<16xi32> -> vector<16xf32>
        %parallel_loop3A_827 = arith.mulf %parallel_loop3A_826, %parallel_loop3A_785 : vector<16xf32>
        %parallel_loop3A_828 = arith.constant 0 : i32
        %parallel_loop3A_829 = arith.index_cast %parallel_loop3A_828 : i32 to index
        %parallel_loop3A_830 = arith.index_cast %parallel_loop3A_779 : i32 to index
        %parallel_loop3A_831 = arith.constant 0 : index
        %parallel_loop3A_832 = tpu.vector_load %arg11[%parallel_loop3A_829, %parallel_loop3A_830, %parallel_loop3A_831] {strides = array<i32>} : memref<2x80x144xf32, #tpu.memory_space<vmem>>, vector<1x1x16xf32>,
        %parallel_loop3A_833 = vector.shape_cast %parallel_loop3A_832 : vector<1x1x16xf32> to vector<16xf32>
        %parallel_loop3A_834 = vector.shape_cast %parallel_loop3A_827 : vector<16xf32> to vector<1x1x16xf32>
        tpu.vector_store %arg11[%parallel_loop3A_829, %parallel_loop3A_830, %parallel_loop3A_831], %parallel_loop3A_834 {strides = array<i32>} : memref<2x80x144xf32, #tpu.memory_space<vmem>>, vector<1x1x16xf32>,
        %parallel_loop3A_835 = arith.constant 1 : i32
        %parallel_loop3A_836 = vector.broadcast %parallel_loop3A_835 : i32 to vector<16xi32>
        %parallel_loop3A_837 = arith.constant 0 : i32
        %parallel_loop3A_838 = vector.broadcast %parallel_loop3A_837 : i32 to vector<16xi32>
        %parallel_loop3A_839 = arith.cmpi slt, %parallel_loop3A_836, %parallel_loop3A_838 : vector<16xi32>
        %parallel_loop3A_840 = arith.constant 16 : i32
        %parallel_loop3A_841 = vector.broadcast %parallel_loop3A_840 : i32 to vector<16xi32>
        %parallel_loop3A_842 = arith.addi %parallel_loop3A_836, %parallel_loop3A_841 : vector<16xi32>
        %parallel_loop3A_843 = arith.select %parallel_loop3A_839, %parallel_loop3A_842, %parallel_loop3A_836 : vector<16xi1>, vector<16xi32>
        %parallel_loop3A_844 = vector.shape_cast %parallel_loop3A_843 : vector<16xi32> to vector<16x1xi32>
        %parallel_loop3A_845 = vector.shape_cast %parallel_loop3A_844 : vector<16x1xi32> to vector<16xi32>
        %parallel_loop3A_846 = tpu.dynamic_gather %parallel_loop3A_807[%parallel_loop3A_845] in [0] : vector<16xf32>, vector<16xi32> -> vector<16xf32>
        %parallel_loop3A_847 = arith.mulf %parallel_loop3A_846, %parallel_loop3A_785 : vector<16xf32>
        %parallel_loop3A_848 = arith.constant 0 : i32
        %parallel_loop3A_849 = arith.index_cast %parallel_loop3A_848 : i32 to index
        %parallel_loop3A_850 = arith.index_cast %parallel_loop3A_779 : i32 to index
        %parallel_loop3A_851 = arith.constant 16 : index
        %parallel_loop3A_852 = tpu.vector_load %arg11[%parallel_loop3A_849, %parallel_loop3A_850, %parallel_loop3A_851] {strides = array<i32>} : memref<2x80x144xf32, #tpu.memory_space<vmem>>, vector<1x1x16xf32>,
        %parallel_loop3A_853 = vector.shape_cast %parallel_loop3A_852 : vector<1x1x16xf32> to vector<16xf32>
        %parallel_loop3A_854 = vector.shape_cast %parallel_loop3A_847 : vector<16xf32> to vector<1x1x16xf32>
        tpu.vector_store %arg11[%parallel_loop3A_849, %parallel_loop3A_850, %parallel_loop3A_851], %parallel_loop3A_854 {strides = array<i32>} : memref<2x80x144xf32, #tpu.memory_space<vmem>>, vector<1x1x16xf32>,
        %parallel_loop3A_855 = arith.constant 2 : i32
        %parallel_loop3A_856 = vector.broadcast %parallel_loop3A_855 : i32 to vector<16xi32>
        %parallel_loop3A_857 = arith.constant 0 : i32
        %parallel_loop3A_858 = vector.broadcast %parallel_loop3A_857 : i32 to vector<16xi32>
        %parallel_loop3A_859 = arith.cmpi slt, %parallel_loop3A_856, %parallel_loop3A_858 : vector<16xi32>
        %parallel_loop3A_860 = arith.constant 16 : i32
        %parallel_loop3A_861 = vector.broadcast %parallel_loop3A_860 : i32 to vector<16xi32>
        %parallel_loop3A_862 = arith.addi %parallel_loop3A_856, %parallel_loop3A_861 : vector<16xi32>
        %parallel_loop3A_863 = arith.select %parallel_loop3A_859, %parallel_loop3A_862, %parallel_loop3A_856 : vector<16xi1>, vector<16xi32>
        %parallel_loop3A_864 = vector.shape_cast %parallel_loop3A_863 : vector<16xi32> to vector<16x1xi32>
        %parallel_loop3A_865 = vector.shape_cast %parallel_loop3A_864 : vector<16x1xi32> to vector<16xi32>
        %parallel_loop3A_866 = tpu.dynamic_gather %parallel_loop3A_807[%parallel_loop3A_865] in [0] : vector<16xf32>, vector<16xi32> -> vector<16xf32>
        %parallel_loop3A_867 = arith.mulf %parallel_loop3A_866, %parallel_loop3A_785 : vector<16xf32>
        %parallel_loop3A_868 = arith.constant 0 : i32
        %parallel_loop3A_869 = arith.index_cast %parallel_loop3A_868 : i32 to index
        %parallel_loop3A_870 = arith.index_cast %parallel_loop3A_779 : i32 to index
        %parallel_loop3A_871 = arith.constant 32 : index
        %parallel_loop3A_872 = tpu.vector_load %arg11[%parallel_loop3A_869, %parallel_loop3A_870, %parallel_loop3A_871] {strides = array<i32>} : memref<2x80x144xf32, #tpu.memory_space<vmem>>, vector<1x1x16xf32>,
        %parallel_loop3A_873 = vector.shape_cast %parallel_loop3A_872 : vector<1x1x16xf32> to vector<16xf32>
        %parallel_loop3A_874 = vector.shape_cast %parallel_loop3A_867 : vector<16xf32> to vector<1x1x16xf32>
        tpu.vector_store %arg11[%parallel_loop3A_869, %parallel_loop3A_870, %parallel_loop3A_871], %parallel_loop3A_874 {strides = array<i32>} : memref<2x80x144xf32, #tpu.memory_space<vmem>>, vector<1x1x16xf32>,
        %parallel_loop3A_875 = arith.constant 3 : i32
        %parallel_loop3A_876 = vector.broadcast %parallel_loop3A_875 : i32 to vector<16xi32>
        %parallel_loop3A_877 = arith.constant 0 : i32
        %parallel_loop3A_878 = vector.broadcast %parallel_loop3A_877 : i32 to vector<16xi32>
        %parallel_loop3A_879 = arith.cmpi slt, %parallel_loop3A_876, %parallel_loop3A_878 : vector<16xi32>
        %parallel_loop3A_880 = arith.constant 16 : i32
        %parallel_loop3A_881 = vector.broadcast %parallel_loop3A_880 : i32 to vector<16xi32>
        %parallel_loop3A_882 = arith.addi %parallel_loop3A_876, %parallel_loop3A_881 : vector<16xi32>
        %parallel_loop3A_883 = arith.select %parallel_loop3A_879, %parallel_loop3A_882, %parallel_loop3A_876 : vector<16xi1>, vector<16xi32>
        %parallel_loop3A_884 = vector.shape_cast %parallel_loop3A_883 : vector<16xi32> to vector<16x1xi32>
        %parallel_loop3A_885 = vector.shape_cast %parallel_loop3A_884 : vector<16x1xi32> to vector<16xi32>
        %parallel_loop3A_886 = tpu.dynamic_gather %parallel_loop3A_807[%parallel_loop3A_885] in [0] : vector<16xf32>, vector<16xi32> -> vector<16xf32>
        %parallel_loop3A_887 = arith.mulf %parallel_loop3A_886, %parallel_loop3A_785 : vector<16xf32>
        %parallel_loop3A_888 = arith.constant 0 : i32
        %parallel_loop3A_889 = arith.index_cast %parallel_loop3A_888 : i32 to index
        %parallel_loop3A_890 = arith.index_cast %parallel_loop3A_779 : i32 to index
        %parallel_loop3A_891 = arith.constant 48 : index
        %parallel_loop3A_892 = tpu.vector_load %arg11[%parallel_loop3A_889, %parallel_loop3A_890, %parallel_loop3A_891] {strides = array<i32>} : memref<2x80x144xf32, #tpu.memory_space<vmem>>, vector<1x1x16xf32>,
        %parallel_loop3A_893 = vector.shape_cast %parallel_loop3A_892 : vector<1x1x16xf32> to vector<16xf32>
        %parallel_loop3A_894 = vector.shape_cast %parallel_loop3A_887 : vector<16xf32> to vector<1x1x16xf32>
        tpu.vector_store %arg11[%parallel_loop3A_889, %parallel_loop3A_890, %parallel_loop3A_891], %parallel_loop3A_894 {strides = array<i32>} : memref<2x80x144xf32, #tpu.memory_space<vmem>>, vector<1x1x16xf32>,
        %parallel_loop3A_895 = arith.constant 4 : i32
        %parallel_loop3A_896 = vector.broadcast %parallel_loop3A_895 : i32 to vector<16xi32>
        %parallel_loop3A_897 = arith.constant 0 : i32
        %parallel_loop3A_898 = vector.broadcast %parallel_loop3A_897 : i32 to vector<16xi32>
        %parallel_loop3A_899 = arith.cmpi slt, %parallel_loop3A_896, %parallel_loop3A_898 : vector<16xi32>
        %parallel_loop3A_900 = arith.constant 16 : i32
        %parallel_loop3A_901 = vector.broadcast %parallel_loop3A_900 : i32 to vector<16xi32>
        %parallel_loop3A_902 = arith.addi %parallel_loop3A_896, %parallel_loop3A_901 : vector<16xi32>
        %parallel_loop3A_903 = arith.select %parallel_loop3A_899, %parallel_loop3A_902, %parallel_loop3A_896 : vector<16xi1>, vector<16xi32>
        %parallel_loop3A_904 = vector.shape_cast %parallel_loop3A_903 : vector<16xi32> to vector<16x1xi32>
        %parallel_loop3A_905 = vector.shape_cast %parallel_loop3A_904 : vector<16x1xi32> to vector<16xi32>
        %parallel_loop3A_906 = tpu.dynamic_gather %parallel_loop3A_807[%parallel_loop3A_905] in [0] : vector<16xf32>, vector<16xi32> -> vector<16xf32>
        %parallel_loop3A_907 = arith.mulf %parallel_loop3A_906, %parallel_loop3A_785 : vector<16xf32>
        %parallel_loop3A_908 = arith.constant 0 : i32
        %parallel_loop3A_909 = arith.index_cast %parallel_loop3A_908 : i32 to index
        %parallel_loop3A_910 = arith.index_cast %parallel_loop3A_779 : i32 to index
        %parallel_loop3A_911 = arith.constant 64 : index
        %parallel_loop3A_912 = tpu.vector_load %arg11[%parallel_loop3A_909, %parallel_loop3A_910, %parallel_loop3A_911] {strides = array<i32>} : memref<2x80x144xf32, #tpu.memory_space<vmem>>, vector<1x1x16xf32>,
        %parallel_loop3A_913 = vector.shape_cast %parallel_loop3A_912 : vector<1x1x16xf32> to vector<16xf32>
        %parallel_loop3A_914 = vector.shape_cast %parallel_loop3A_907 : vector<16xf32> to vector<1x1x16xf32>
        tpu.vector_store %arg11[%parallel_loop3A_909, %parallel_loop3A_910, %parallel_loop3A_911], %parallel_loop3A_914 {strides = array<i32>} : memref<2x80x144xf32, #tpu.memory_space<vmem>>, vector<1x1x16xf32>,
        %parallel_loop3A_915 = arith.constant 5 : i32
        %parallel_loop3A_916 = vector.broadcast %parallel_loop3A_915 : i32 to vector<16xi32>
        %parallel_loop3A_917 = arith.constant 0 : i32
        %parallel_loop3A_918 = vector.broadcast %parallel_loop3A_917 : i32 to vector<16xi32>
        %parallel_loop3A_919 = arith.cmpi slt, %parallel_loop3A_916, %parallel_loop3A_918 : vector<16xi32>
        %parallel_loop3A_920 = arith.constant 16 : i32
        %parallel_loop3A_921 = vector.broadcast %parallel_loop3A_920 : i32 to vector<16xi32>
        %parallel_loop3A_922 = arith.addi %parallel_loop3A_916, %parallel_loop3A_921 : vector<16xi32>
        %parallel_loop3A_923 = arith.select %parallel_loop3A_919, %parallel_loop3A_922, %parallel_loop3A_916 : vector<16xi1>, vector<16xi32>
        %parallel_loop3A_924 = vector.shape_cast %parallel_loop3A_923 : vector<16xi32> to vector<16x1xi32>
        %parallel_loop3A_925 = vector.shape_cast %parallel_loop3A_924 : vector<16x1xi32> to vector<16xi32>
        %parallel_loop3A_926 = tpu.dynamic_gather %parallel_loop3A_807[%parallel_loop3A_925] in [0] : vector<16xf32>, vector<16xi32> -> vector<16xf32>
        %parallel_loop3A_927 = arith.mulf %parallel_loop3A_926, %parallel_loop3A_785 : vector<16xf32>
        %parallel_loop3A_928 = arith.constant 0 : i32
        %parallel_loop3A_929 = arith.index_cast %parallel_loop3A_928 : i32 to index
        %parallel_loop3A_930 = arith.index_cast %parallel_loop3A_779 : i32 to index
        %parallel_loop3A_931 = arith.constant 80 : index
        %parallel_loop3A_932 = tpu.vector_load %arg11[%parallel_loop3A_929, %parallel_loop3A_930, %parallel_loop3A_931] {strides = array<i32>} : memref<2x80x144xf32, #tpu.memory_space<vmem>>, vector<1x1x16xf32>,
        %parallel_loop3A_933 = vector.shape_cast %parallel_loop3A_932 : vector<1x1x16xf32> to vector<16xf32>
        %parallel_loop3A_934 = vector.shape_cast %parallel_loop3A_927 : vector<16xf32> to vector<1x1x16xf32>
        tpu.vector_store %arg11[%parallel_loop3A_929, %parallel_loop3A_930, %parallel_loop3A_931], %parallel_loop3A_934 {strides = array<i32>} : memref<2x80x144xf32, #tpu.memory_space<vmem>>, vector<1x1x16xf32>,
        %parallel_loop3A_935 = arith.constant 6 : i32
        %parallel_loop3A_936 = vector.broadcast %parallel_loop3A_935 : i32 to vector<16xi32>
        %parallel_loop3A_937 = arith.constant 0 : i32
        %parallel_loop3A_938 = vector.broadcast %parallel_loop3A_937 : i32 to vector<16xi32>
        %parallel_loop3A_939 = arith.cmpi slt, %parallel_loop3A_936, %parallel_loop3A_938 : vector<16xi32>
        %parallel_loop3A_940 = arith.constant 16 : i32
        %parallel_loop3A_941 = vector.broadcast %parallel_loop3A_940 : i32 to vector<16xi32>
        %parallel_loop3A_942 = arith.addi %parallel_loop3A_936, %parallel_loop3A_941 : vector<16xi32>
        %parallel_loop3A_943 = arith.select %parallel_loop3A_939, %parallel_loop3A_942, %parallel_loop3A_936 : vector<16xi1>, vector<16xi32>
        %parallel_loop3A_944 = vector.shape_cast %parallel_loop3A_943 : vector<16xi32> to vector<16x1xi32>
        %parallel_loop3A_945 = vector.shape_cast %parallel_loop3A_944 : vector<16x1xi32> to vector<16xi32>
        %parallel_loop3A_946 = tpu.dynamic_gather %parallel_loop3A_807[%parallel_loop3A_945] in [0] : vector<16xf32>, vector<16xi32> -> vector<16xf32>
        %parallel_loop3A_947 = arith.mulf %parallel_loop3A_946, %parallel_loop3A_785 : vector<16xf32>
        %parallel_loop3A_948 = arith.constant 0 : i32
        %parallel_loop3A_949 = arith.index_cast %parallel_loop3A_948 : i32 to index
        %parallel_loop3A_950 = arith.index_cast %parallel_loop3A_779 : i32 to index
        %parallel_loop3A_951 = arith.constant 96 : index
        %parallel_loop3A_952 = tpu.vector_load %arg11[%parallel_loop3A_949, %parallel_loop3A_950, %parallel_loop3A_951] {strides = array<i32>} : memref<2x80x144xf32, #tpu.memory_space<vmem>>, vector<1x1x16xf32>,
        %parallel_loop3A_953 = vector.shape_cast %parallel_loop3A_952 : vector<1x1x16xf32> to vector<16xf32>
        %parallel_loop3A_954 = vector.shape_cast %parallel_loop3A_947 : vector<16xf32> to vector<1x1x16xf32>
        tpu.vector_store %arg11[%parallel_loop3A_949, %parallel_loop3A_950, %parallel_loop3A_951], %parallel_loop3A_954 {strides = array<i32>} : memref<2x80x144xf32, #tpu.memory_space<vmem>>, vector<1x1x16xf32>,
        %parallel_loop3A_955 = arith.constant 7 : i32
        %parallel_loop3A_956 = vector.broadcast %parallel_loop3A_955 : i32 to vector<16xi32>
        %parallel_loop3A_957 = arith.constant 0 : i32
        %parallel_loop3A_958 = vector.broadcast %parallel_loop3A_957 : i32 to vector<16xi32>
        %parallel_loop3A_959 = arith.cmpi slt, %parallel_loop3A_956, %parallel_loop3A_958 : vector<16xi32>
        %parallel_loop3A_960 = arith.constant 16 : i32
        %parallel_loop3A_961 = vector.broadcast %parallel_loop3A_960 : i32 to vector<16xi32>
        %parallel_loop3A_962 = arith.addi %parallel_loop3A_956, %parallel_loop3A_961 : vector<16xi32>
        %parallel_loop3A_963 = arith.select %parallel_loop3A_959, %parallel_loop3A_962, %parallel_loop3A_956 : vector<16xi1>, vector<16xi32>
        %parallel_loop3A_964 = vector.shape_cast %parallel_loop3A_963 : vector<16xi32> to vector<16x1xi32>
        %parallel_loop3A_965 = vector.shape_cast %parallel_loop3A_964 : vector<16x1xi32> to vector<16xi32>
        %parallel_loop3A_966 = tpu.dynamic_gather %parallel_loop3A_807[%parallel_loop3A_965] in [0] : vector<16xf32>, vector<16xi32> -> vector<16xf32>
        %parallel_loop3A_967 = arith.mulf %parallel_loop3A_966, %parallel_loop3A_785 : vector<16xf32>
        %parallel_loop3A_968 = arith.constant 0 : i32
        %parallel_loop3A_969 = arith.index_cast %parallel_loop3A_968 : i32 to index
        %parallel_loop3A_970 = arith.index_cast %parallel_loop3A_779 : i32 to index
        %parallel_loop3A_971 = arith.constant 112 : index
        %parallel_loop3A_972 = tpu.vector_load %arg11[%parallel_loop3A_969, %parallel_loop3A_970, %parallel_loop3A_971] {strides = array<i32>} : memref<2x80x144xf32, #tpu.memory_space<vmem>>, vector<1x1x16xf32>,
        %parallel_loop3A_973 = vector.shape_cast %parallel_loop3A_972 : vector<1x1x16xf32> to vector<16xf32>
        %parallel_loop3A_974 = vector.shape_cast %parallel_loop3A_967 : vector<16xf32> to vector<1x1x16xf32>
        tpu.vector_store %arg11[%parallel_loop3A_969, %parallel_loop3A_970, %parallel_loop3A_971], %parallel_loop3A_974 {strides = array<i32>} : memref<2x80x144xf32, #tpu.memory_space<vmem>>, vector<1x1x16xf32>,
      } {sc.loop_unroll_factor = 4 : i64, sc.parallel_access}
      %dma_start3A_563 = arith.constant 0 : i32
      %dma_start3A_564 = arith.constant 0 : i32
      %dma_start3A_565 = arith.constant 0 : i32
      %dma_start3A_566 = arith.constant 0 : i32
      %dma_start3A_567 = arith.constant 0 : i32
      %dma_start3A_568 = tpu.memref_slice %arg11[%dma_start3A_563, %dma_start3A_566, %dma_start3A_567] : memref<2x80x144xf32, #tpu.memory_space<vmem>> -> memref<1x80x144xf32, #tpu.memory_space<vmem>>
      %dma_start3A_569 = tpu.memref_squeeze %dma_start3A_568 : memref<1x80x144xf32, #tpu.memory_space<vmem>> -> memref<80x144xf32, #tpu.memory_space<vmem>>
      %dma_start3A_570 = arith.constant 0 : i32
      %dma_start3A_571 = tpu.memref_slice %arg8[%dma_start3A_564, %dma_start3A_570] : memref<2x80xi32, #tpu.memory_space<vmem>> -> memref<1x80xi32, #tpu.memory_space<vmem>>
      %dma_start3A_572 = tpu.memref_squeeze %dma_start3A_571 : memref<1x80xi32, #tpu.memory_space<vmem>> -> memref<80xi32, #tpu.memory_space<vmem>>
      %dma_start3A_573 = arith.constant 0 : i32
      %dma_start3A_574 = arith.constant 0 : i32
      %dma_start3A_575 = tpu.memref_slice %arg14[%dma_start3A_573, %dma_start3A_574] : memref<10240x144xf32, #tpu.memory_space<vmem_shared>> -> memref<10240x144xf32, #tpu.memory_space<vmem_shared>>
      %dma_start3A_576 = tpu.memref_slice %arg18[%dma_start3A_565] : memref<2x!tpu.dma_semaphore, #tpu.memory_space<semaphore_mem>> -> memref<1x!tpu.dma_semaphore, #tpu.memory_space<semaphore_mem>>
      %dma_start3A_577 = tpu.memref_squeeze %dma_start3A_576 : memref<1x!tpu.dma_semaphore, #tpu.memory_space<semaphore_mem>> -> memref<!tpu.dma_semaphore, #tpu.memory_space<semaphore_mem>>
      tpu.enqueue_indirect_dma source(%dma_start3A_569 : memref<80x144xf32, #tpu.memory_space<vmem>>) target(%dma_start3A_575 : memref<10240x144xf32, #tpu.memory_space<vmem_shared>>) offsets(%dma_start3A_572 : memref<80xi32, #tpu.memory_space<vmem>>) semaphore(%dma_start3A_577 : memref<!tpu.dma_semaphore, #tpu.memory_space<semaphore_mem>>) {add = true}
      %dma_wait3A_578 = arith.constant 1 : i32
      %dma_wait3A_579 = arith.constant 0 : i32
      %dma_wait3A_580 = arith.constant 1 : i32
      %dma_wait3A_581 = arith.constant 1 : i32
      %dma_wait3A_582 = arith.constant 0 : i32
      %dma_wait3A_583 = arith.constant 0 : i32
      %dma_wait3A_584 = tpu.memref_slice %arg9[%dma_wait3A_580, %dma_wait3A_582, %dma_wait3A_583] : memref<2x80x32xf32, #tpu.memory_space<vmem>> -> memref<1x80x32xf32, #tpu.memory_space<vmem>>
      %dma_wait3A_585 = tpu.memref_squeeze %dma_wait3A_584 : memref<1x80x32xf32, #tpu.memory_space<vmem>> -> memref<80x32xf32, #tpu.memory_space<vmem>>
      %dma_wait3A_586 = arith.constant 0 : i32
      %dma_wait3A_587 = tpu.memref_slice %arg7[%dma_wait3A_578, %dma_wait3A_579, %dma_wait3A_586] : memref<2x3x80xi32, #tpu.memory_space<vmem>> -> memref<1x1x80xi32, #tpu.memory_space<vmem>>
      %dma_wait3A_588 = tpu.memref_squeeze %dma_wait3A_587 : memref<1x1x80xi32, #tpu.memory_space<vmem>> -> memref<80xi32, #tpu.memory_space<vmem>>
      %dma_wait3A_589 = arith.constant 0 : i32
      %dma_wait3A_590 = arith.constant 0 : i32
      %dma_wait3A_591 = tpu.memref_slice %arg2[%dma_wait3A_589, %dma_wait3A_590] : memref<20480x32xf32, #tpu.memory_space<hbm>> -> memref<20480x32xf32, #tpu.memory_space<hbm>>
      %dma_wait3A_592 = tpu.memref_slice %arg16[%dma_wait3A_581] : memref<2x!tpu.dma_semaphore, #tpu.memory_space<semaphore_mem>> -> memref<1x!tpu.dma_semaphore, #tpu.memory_space<semaphore_mem>>
      %dma_wait3A_593 = tpu.memref_squeeze %dma_wait3A_592 : memref<1x!tpu.dma_semaphore, #tpu.memory_space<semaphore_mem>> -> memref<!tpu.dma_semaphore, #tpu.memory_space<semaphore_mem>>
      tpu.wait_indirect_dma semaphore(%dma_wait3A_593 : memref<!tpu.dma_semaphore, #tpu.memory_space<semaphore_mem>>) src(%dma_wait3A_591 : memref<20480x32xf32, #tpu.memory_space<hbm>>) dst(%dma_wait3A_585 : memref<80x32xf32, #tpu.memory_space<vmem>>)
      %dma_wait3A_594 = arith.constant 1 : i32
      %dma_wait3A_595 = arith.constant 1 : i32
      %dma_wait3A_596 = arith.constant 1 : i32
      %dma_wait3A_597 = arith.constant 1 : i32
      %dma_wait3A_598 = arith.constant 0 : i32
      %dma_wait3A_599 = arith.constant 0 : i32
      %dma_wait3A_600 = tpu.memref_slice %arg10[%dma_wait3A_596, %dma_wait3A_598, %dma_wait3A_599] : memref<2x80x16xf32, #tpu.memory_space<vmem>> -> memref<1x80x16xf32, #tpu.memory_space<vmem>>
      %dma_wait3A_601 = tpu.memref_squeeze %dma_wait3A_600 : memref<1x80x16xf32, #tpu.memory_space<vmem>> -> memref<80x16xf32, #tpu.memory_space<vmem>>
      %dma_wait3A_602 = arith.constant 0 : i32
      %dma_wait3A_603 = tpu.memref_slice %arg7[%dma_wait3A_594, %dma_wait3A_595, %dma_wait3A_602] : memref<2x3x80xi32, #tpu.memory_space<vmem>> -> memref<1x1x80xi32, #tpu.memory_space<vmem>>
      %dma_wait3A_604 = tpu.memref_squeeze %dma_wait3A_603 : memref<1x1x80xi32, #tpu.memory_space<vmem>> -> memref<80xi32, #tpu.memory_space<vmem>>
      %dma_wait3A_605 = arith.constant 0 : i32
      %dma_wait3A_606 = arith.constant 0 : i32
      %dma_wait3A_607 = tpu.memref_slice %arg3[%dma_wait3A_605, %dma_wait3A_606] : memref<20480x16xf32, #tpu.memory_space<hbm>> -> memref<20480x16xf32, #tpu.memory_space<hbm>>
      %dma_wait3A_608 = tpu.memref_slice %arg17[%dma_wait3A_597] : memref<2x!tpu.dma_semaphore, #tpu.memory_space<semaphore_mem>> -> memref<1x!tpu.dma_semaphore, #tpu.memory_space<semaphore_mem>>
      %dma_wait3A_609 = tpu.memref_squeeze %dma_wait3A_608 : memref<1x!tpu.dma_semaphore, #tpu.memory_space<semaphore_mem>> -> memref<!tpu.dma_semaphore, #tpu.memory_space<semaphore_mem>>
      tpu.wait_indirect_dma semaphore(%dma_wait3A_609 : memref<!tpu.dma_semaphore, #tpu.memory_space<semaphore_mem>>) src(%dma_wait3A_607 : memref<20480x16xf32, #tpu.memory_space<hbm>>) dst(%dma_wait3A_601 : memref<80x16xf32, #tpu.memory_space<vmem>>)
      %dma_wait3A_610 = arith.constant 0 : i32
      %dma_wait3A_611 = arith.constant 0 : i32
      %dma_wait3A_612 = arith.constant 0 : i32
      %dma_wait3A_613 = arith.constant 0 : i32
      %dma_wait3A_614 = arith.constant 0 : i32
      %dma_wait3A_615 = tpu.memref_slice %arg7[%dma_wait3A_611, %dma_wait3A_613, %dma_wait3A_614] : memref<2x3x80xi32, #tpu.memory_space<vmem>> -> memref<1x3x80xi32, #tpu.memory_space<vmem>>
      %dma_wait3A_616 = tpu.memref_squeeze %dma_wait3A_615 : memref<1x3x80xi32, #tpu.memory_space<vmem>> -> memref<3x80xi32, #tpu.memory_space<vmem>>
      %dma_wait3A_617 = arith.constant 0 : i32
      %dma_wait3A_618 = arith.constant 0 : i32
      %dma_wait3A_619 = tpu.memref_slice %arg4[%dma_wait3A_610, %dma_wait3A_617, %dma_wait3A_618] : memref<2x3x320000xi32, #tpu.memory_space<hbm>> -> memref<1x3x80xi32, #tpu.memory_space<hbm>>
      %dma_wait3A_620 = tpu.memref_squeeze %dma_wait3A_619 : memref<1x3x80xi32, #tpu.memory_space<hbm>> -> memref<3x80xi32, #tpu.memory_space<hbm>>
      %dma_wait3A_621 = tpu.memref_slice %arg15[%dma_wait3A_612] : memref<2x!tpu.dma_semaphore, #tpu.memory_space<semaphore_mem>> -> memref<1x!tpu.dma_semaphore, #tpu.memory_space<semaphore_mem>>
      %dma_wait3A_622 = tpu.memref_squeeze %dma_wait3A_621 : memref<1x!tpu.dma_semaphore, #tpu.memory_space<semaphore_mem>> -> memref<!tpu.dma_semaphore, #tpu.memory_space<semaphore_mem>>
      %dma_wait3A_623 = arith.constant 0 : i32
      %dma_wait3A_624 = arith.constant 0 : i32
      %dma_wait3A_625 = tpu.memref_slice %arg7[%dma_wait3A_611, %dma_wait3A_623, %dma_wait3A_624] : memref<2x3x80xi32, #tpu.memory_space<vmem>> -> memref<1x3x80xi32, #tpu.memory_space<vmem>>
      %dma_wait3A_626 = tpu.memref_squeeze %dma_wait3A_625 : memref<1x3x80xi32, #tpu.memory_space<vmem>> -> memref<3x80xi32, #tpu.memory_space<vmem>>
      %dma_wait3A_627 = arith.constant 0 : i32
      %dma_wait3A_628 = arith.constant 0 : i32
      %dma_wait3A_629 = tpu.memref_slice %arg4[%dma_wait3A_610, %dma_wait3A_627, %dma_wait3A_628] : memref<2x3x320000xi32, #tpu.memory_space<hbm>> -> memref<1x3x80xi32, #tpu.memory_space<hbm>>
      %dma_wait3A_630 = tpu.memref_squeeze %dma_wait3A_629 : memref<1x3x80xi32, #tpu.memory_space<hbm>> -> memref<3x80xi32, #tpu.memory_space<hbm>>
      tpu.wait_dma2 semaphore(%dma_wait3A_622 : memref<!tpu.dma_semaphore, #tpu.memory_space<semaphore_mem>>) src(%dma_wait3A_630 : memref<3x80xi32, #tpu.memory_space<hbm>>) dst(%dma_wait3A_626 : memref<3x80xi32, #tpu.memory_space<vmem>>)
      %dma_start3A_631 = arith.constant 0 : i32
      %dma_start3A_632 = arith.constant 0 : i32
      %dma_start3A_633 = arith.constant 0 : i32
      %dma_start3A_634 = arith.constant 0 : i32
      %dma_start3A_635 = arith.constant 0 : i32
      %dma_start3A_636 = arith.constant 0 : i32
      %dma_start3A_637 = tpu.memref_slice %arg9[%dma_start3A_633, %dma_start3A_635, %dma_start3A_636] : memref<2x80x32xf32, #tpu.memory_space<vmem>> -> memref<1x80x32xf32, #tpu.memory_space<vmem>>
      %dma_start3A_638 = tpu.memref_squeeze %dma_start3A_637 : memref<1x80x32xf32, #tpu.memory_space<vmem>> -> memref<80x32xf32, #tpu.memory_space<vmem>>
      %dma_start3A_639 = arith.constant 0 : i32
      %dma_start3A_640 = tpu.memref_slice %arg7[%dma_start3A_631, %dma_start3A_632, %dma_start3A_639] : memref<2x3x80xi32, #tpu.memory_space<vmem>> -> memref<1x1x80xi32, #tpu.memory_space<vmem>>
      %dma_start3A_641 = tpu.memref_squeeze %dma_start3A_640 : memref<1x1x80xi32, #tpu.memory_space<vmem>> -> memref<80xi32, #tpu.memory_space<vmem>>
      %dma_start3A_642 = arith.constant 0 : i32
      %dma_start3A_643 = arith.constant 0 : i32
      %dma_start3A_644 = tpu.memref_slice %arg2[%dma_start3A_642, %dma_start3A_643] : memref<20480x32xf32, #tpu.memory_space<hbm>> -> memref<20480x32xf32, #tpu.memory_space<hbm>>
      %dma_start3A_645 = tpu.memref_slice %arg16[%dma_start3A_634] : memref<2x!tpu.dma_semaphore, #tpu.memory_space<semaphore_mem>> -> memref<1x!tpu.dma_semaphore, #tpu.memory_space<semaphore_mem>>
      %dma_start3A_646 = tpu.memref_squeeze %dma_start3A_645 : memref<1x!tpu.dma_semaphore, #tpu.memory_space<semaphore_mem>> -> memref<!tpu.dma_semaphore, #tpu.memory_space<semaphore_mem>>
      tpu.enqueue_indirect_dma source(%dma_start3A_644 : memref<20480x32xf32, #tpu.memory_space<hbm>>) target(%dma_start3A_638 : memref<80x32xf32, #tpu.memory_space<vmem>>) offsets(%dma_start3A_641 : memref<80xi32, #tpu.memory_space<vmem>>) semaphore(%dma_start3A_646 : memref<!tpu.dma_semaphore, #tpu.memory_space<semaphore_mem>>)
      %dma_start3A_647 = arith.constant 0 : i32
      %dma_start3A_648 = arith.constant 1 : i32
      %dma_start3A_649 = arith.constant 0 : i32
      %dma_start3A_650 = arith.constant 0 : i32
      %dma_start3A_651 = arith.constant 0 : i32
      %dma_start3A_652 = arith.constant 0 : i32
      %dma_start3A_653 = tpu.memref_slice %arg10[%dma_start3A_649, %dma_start3A_651, %dma_start3A_652] : memref<2x80x16xf32, #tpu.memory_space<vmem>> -> memref<1x80x16xf32, #tpu.memory_space<vmem>>
      %dma_start3A_654 = tpu.memref_squeeze %dma_start3A_653 : memref<1x80x16xf32, #tpu.memory_space<vmem>> -> memref<80x16xf32, #tpu.memory_space<vmem>>
      %dma_start3A_655 = arith.constant 0 : i32
      %dma_start3A_656 = tpu.memref_slice %arg7[%dma_start3A_647, %dma_start3A_648, %dma_start3A_655] : memref<2x3x80xi32, #tpu.memory_space<vmem>> -> memref<1x1x80xi32, #tpu.memory_space<vmem>>
      %dma_start3A_657 = tpu.memref_squeeze %dma_start3A_656 : memref<1x1x80xi32, #tpu.memory_space<vmem>> -> memref<80xi32, #tpu.memory_space<vmem>>
      %dma_start3A_658 = arith.constant 0 : i32
      %dma_start3A_659 = arith.constant 0 : i32
      %dma_start3A_660 = tpu.memref_slice %arg3[%dma_start3A_658, %dma_start3A_659] : memref<20480x16xf32, #tpu.memory_space<hbm>> -> memref<20480x16xf32, #tpu.memory_space<hbm>>
      %dma_start3A_661 = tpu.memref_slice %arg17[%dma_start3A_650] : memref<2x!tpu.dma_semaphore, #tpu.memory_space<semaphore_mem>> -> memref<1x!tpu.dma_semaphore, #tpu.memory_space<semaphore_mem>>
      %dma_start3A_662 = tpu.memref_squeeze %dma_start3A_661 : memref<1x!tpu.dma_semaphore, #tpu.memory_space<semaphore_mem>> -> memref<!tpu.dma_semaphore, #tpu.memory_space<semaphore_mem>>
      tpu.enqueue_indirect_dma source(%dma_start3A_660 : memref<20480x16xf32, #tpu.memory_space<hbm>>) target(%dma_start3A_654 : memref<80x16xf32, #tpu.memory_space<vmem>>) offsets(%dma_start3A_657 : memref<80xi32, #tpu.memory_space<vmem>>) semaphore(%dma_start3A_662 : memref<!tpu.dma_semaphore, #tpu.memory_space<semaphore_mem>>)
      %gt3A_663 = arith.constant 0 : i32
      %gt3A_664 = arith.cmpi sgt, %scan3A_379, %gt3A_663 : i32
      %convert_element_type3A_665 = arith.extui %gt3A_664 : i1 to i32
      %cond3A_666 = arith.constant 0 : i32
      %cond3A_667 = arith.cmpi ne, %convert_element_type3A_665, %cond3A_666 : i32
      scf.if %cond3A_667 {
        %dma_wait3A_779 = arith.constant 1 : i32
        %dma_wait3A_780 = arith.constant 1 : i32
        %dma_wait3A_781 = arith.constant 1 : i32
        %dma_wait3A_782 = arith.constant 0 : i32
        %dma_wait3A_783 = arith.constant 0 : i32
        %dma_wait3A_784 = tpu.memref_slice %arg11[%dma_wait3A_779, %dma_wait3A_782, %dma_wait3A_783] : memref<2x80x144xf32, #tpu.memory_space<vmem>> -> memref<1x80x144xf32, #tpu.memory_space<vmem>>
        %dma_wait3A_785 = tpu.memref_squeeze %dma_wait3A_784 : memref<1x80x144xf32, #tpu.memory_space<vmem>> -> memref<80x144xf32, #tpu.memory_space<vmem>>
        %dma_wait3A_786 = arith.constant 0 : i32
        %dma_wait3A_787 = tpu.memref_slice %arg8[%dma_wait3A_780, %dma_wait3A_786] : memref<2x80xi32, #tpu.memory_space<vmem>> -> memref<1x80xi32, #tpu.memory_space<vmem>>
        %dma_wait3A_788 = tpu.memref_squeeze %dma_wait3A_787 : memref<1x80xi32, #tpu.memory_space<vmem>> -> memref<80xi32, #tpu.memory_space<vmem>>
        %dma_wait3A_789 = arith.constant 0 : i32
        %dma_wait3A_790 = arith.constant 0 : i32
        %dma_wait3A_791 = tpu.memref_slice %arg14[%dma_wait3A_789, %dma_wait3A_790] : memref<10240x144xf32, #tpu.memory_space<vmem_shared>> -> memref<10240x144xf32, #tpu.memory_space<vmem_shared>>
        %dma_wait3A_792 = tpu.memref_slice %arg18[%dma_wait3A_781] : memref<2x!tpu.dma_semaphore, #tpu.memory_space<semaphore_mem>> -> memref<1x!tpu.dma_semaphore, #tpu.memory_space<semaphore_mem>>
        %dma_wait3A_793 = tpu.memref_squeeze %dma_wait3A_792 : memref<1x!tpu.dma_semaphore, #tpu.memory_space<semaphore_mem>> -> memref<!tpu.dma_semaphore, #tpu.memory_space<semaphore_mem>>
        tpu.wait_indirect_dma semaphore(%dma_wait3A_793 : memref<!tpu.dma_semaphore, #tpu.memory_space<semaphore_mem>>) src(%dma_wait3A_785 : memref<80x144xf32, #tpu.memory_space<vmem>>) dst(%dma_wait3A_791 : memref<10240x144xf32, #tpu.memory_space<vmem_shared>>)
      } else {
      }
      %get3A_668 = arith.constant 1 : i32
      %get3A_669 = arith.constant 2 : i32
      %get3A_670 = arith.index_cast %get3A_668 : i32 to index
      %get3A_671 = arith.index_cast %get3A_669 : i32 to index
      %get3A_672 = arith.constant 0 : index
      %get3A_673 = tpu.vector_load %arg7[%get3A_670, %get3A_671, %get3A_672] {strides = array<i32>} : memref<2x3x80xi32, #tpu.memory_space<vmem>>, vector<1x1x16xi32>,
      %get3A_674 = vector.shape_cast %get3A_673 : vector<1x1x16xi32> to vector<16xi32>
      %swap3A_675 = arith.constant 1 : i32
      %swap3A_676 = arith.index_cast %swap3A_675 : i32 to index
      %swap3A_677 = arith.constant 0 : index
      %swap3A_678 = tpu.vector_load %arg8[%swap3A_676, %swap3A_677] {strides = array<i32>} : memref<2x80xi32, #tpu.memory_space<vmem>>, vector<1x16xi32>,
      %swap3A_679 = vector.shape_cast %swap3A_678 : vector<1x16xi32> to vector<16xi32>
      %swap3A_680 = vector.shape_cast %get3A_674 : vector<16xi32> to vector<1x16xi32>
      tpu.vector_store %arg8[%swap3A_676, %swap3A_677], %swap3A_680 {strides = array<i32>} : memref<2x80xi32, #tpu.memory_space<vmem>>, vector<1x16xi32>,
      %get3A_681 = arith.constant 1 : i32
      %get3A_682 = arith.constant 2 : i32
      %get3A_683 = arith.index_cast %get3A_681 : i32 to index
      %get3A_684 = arith.index_cast %get3A_682 : i32 to index
      %get3A_685 = arith.constant 16 : index
      %get3A_686 = tpu.vector_load %arg7[%get3A_683, %get3A_684, %get3A_685] {strides = array<i32>} : memref<2x3x80xi32, #tpu.memory_space<vmem>>, vector<1x1x16xi32>,
      %get3A_687 = vector.shape_cast %get3A_686 : vector<1x1x16xi32> to vector<16xi32>
      %swap3A_688 = arith.constant 1 : i32
      %swap3A_689 = arith.index_cast %swap3A_688 : i32 to index
      %swap3A_690 = arith.constant 16 : index
      %swap3A_691 = tpu.vector_load %arg8[%swap3A_689, %swap3A_690] {strides = array<i32>} : memref<2x80xi32, #tpu.memory_space<vmem>>, vector<1x16xi32>,
      %swap3A_692 = vector.shape_cast %swap3A_691 : vector<1x16xi32> to vector<16xi32>
      %swap3A_693 = vector.shape_cast %get3A_687 : vector<16xi32> to vector<1x16xi32>
      tpu.vector_store %arg8[%swap3A_689, %swap3A_690], %swap3A_693 {strides = array<i32>} : memref<2x80xi32, #tpu.memory_space<vmem>>, vector<1x16xi32>,
      %get3A_694 = arith.constant 1 : i32
      %get3A_695 = arith.constant 2 : i32
      %get3A_696 = arith.index_cast %get3A_694 : i32 to index
      %get3A_697 = arith.index_cast %get3A_695 : i32 to index
      %get3A_698 = arith.constant 32 : index
      %get3A_699 = tpu.vector_load %arg7[%get3A_696, %get3A_697, %get3A_698] {strides = array<i32>} : memref<2x3x80xi32, #tpu.memory_space<vmem>>, vector<1x1x16xi32>,
      %get3A_700 = vector.shape_cast %get3A_699 : vector<1x1x16xi32> to vector<16xi32>
      %swap3A_701 = arith.constant 1 : i32
      %swap3A_702 = arith.index_cast %swap3A_701 : i32 to index
      %swap3A_703 = arith.constant 32 : index
      %swap3A_704 = tpu.vector_load %arg8[%swap3A_702, %swap3A_703] {strides = array<i32>} : memref<2x80xi32, #tpu.memory_space<vmem>>, vector<1x16xi32>,
      %swap3A_705 = vector.shape_cast %swap3A_704 : vector<1x16xi32> to vector<16xi32>
      %swap3A_706 = vector.shape_cast %get3A_700 : vector<16xi32> to vector<1x16xi32>
      tpu.vector_store %arg8[%swap3A_702, %swap3A_703], %swap3A_706 {strides = array<i32>} : memref<2x80xi32, #tpu.memory_space<vmem>>, vector<1x16xi32>,
      %get3A_707 = arith.constant 1 : i32
      %get3A_708 = arith.constant 2 : i32
      %get3A_709 = arith.index_cast %get3A_707 : i32 to index
      %get3A_710 = arith.index_cast %get3A_708 : i32 to index
      %get3A_711 = arith.constant 48 : index
      %get3A_712 = tpu.vector_load %arg7[%get3A_709, %get3A_710, %get3A_711] {strides = array<i32>} : memref<2x3x80xi32, #tpu.memory_space<vmem>>, vector<1x1x16xi32>,
      %get3A_713 = vector.shape_cast %get3A_712 : vector<1x1x16xi32> to vector<16xi32>
      %swap3A_714 = arith.constant 1 : i32
      %swap3A_715 = arith.index_cast %swap3A_714 : i32 to index
      %swap3A_716 = arith.constant 48 : index
      %swap3A_717 = tpu.vector_load %arg8[%swap3A_715, %swap3A_716] {strides = array<i32>} : memref<2x80xi32, #tpu.memory_space<vmem>>, vector<1x16xi32>,
      %swap3A_718 = vector.shape_cast %swap3A_717 : vector<1x16xi32> to vector<16xi32>
      %swap3A_719 = vector.shape_cast %get3A_713 : vector<16xi32> to vector<1x16xi32>
      tpu.vector_store %arg8[%swap3A_715, %swap3A_716], %swap3A_719 {strides = array<i32>} : memref<2x80xi32, #tpu.memory_space<vmem>>, vector<1x16xi32>,
      %get3A_720 = arith.constant 1 : i32
      %get3A_721 = arith.constant 2 : i32
      %get3A_722 = arith.index_cast %get3A_720 : i32 to index
      %get3A_723 = arith.index_cast %get3A_721 : i32 to index
      %get3A_724 = arith.constant 64 : index
      %get3A_725 = tpu.vector_load %arg7[%get3A_722, %get3A_723, %get3A_724] {strides = array<i32>} : memref<2x3x80xi32, #tpu.memory_space<vmem>>, vector<1x1x16xi32>,
      %get3A_726 = vector.shape_cast %get3A_725 : vector<1x1x16xi32> to vector<16xi32>
      %swap3A_727 = arith.constant 1 : i32
      %swap3A_728 = arith.index_cast %swap3A_727 : i32 to index
      %swap3A_729 = arith.constant 64 : index
      %swap3A_730 = tpu.vector_load %arg8[%swap3A_728, %swap3A_729] {strides = array<i32>} : memref<2x80xi32, #tpu.memory_space<vmem>>, vector<1x16xi32>,
      %swap3A_731 = vector.shape_cast %swap3A_730 : vector<1x16xi32> to vector<16xi32>
      %swap3A_732 = vector.shape_cast %get3A_726 : vector<16xi32> to vector<1x16xi32>
      tpu.vector_store %arg8[%swap3A_728, %swap3A_729], %swap3A_732 {strides = array<i32>} : memref<2x80xi32, #tpu.memory_space<vmem>>, vector<1x16xi32>,
      %add3A_733 = arith.constant 1 : i32
      %add3A_734 = arith.addi %mul3A_382, %add3A_733 : i32
      %add3A_735 = arith.constant 2 : i32
      %add3A_736 = arith.addi %add3A_734, %add3A_735 : i32
      %min3A_737 = arith.constant 249 : i32
      %min3A_738 = arith.minsi %add3A_736, %min3A_737 : i32
      %mul3A_739 = arith.constant 80 : i32
      %mul3A_740 = arith.muli %min3A_738, %mul3A_739 : i32
      %add3A_741 = arith.addi %mul3A_87, %mul3A_740 : i32
      %dma_start3A_742 = arith.constant 1 : i32
      %dma_start3A_743 = arith.constant 1 : i32
      %dma_start3A_744 = arith.constant 0 : i32
      %dma_start3A_745 = arith.constant 0 : i32
      %dma_start3A_746 = tpu.memref_slice %arg7[%dma_start3A_742, %dma_start3A_744, %dma_start3A_745] : memref<2x3x80xi32, #tpu.memory_space<vmem>> -> memref<1x3x80xi32, #tpu.memory_space<vmem>>
      %dma_start3A_747 = tpu.memref_squeeze %dma_start3A_746 : memref<1x3x80xi32, #tpu.memory_space<vmem>> -> memref<3x80xi32, #tpu.memory_space<vmem>>
      %dma_start3A_748 = arith.constant 0 : i32
      %dma_start3A_749 = tpu.memref_slice %arg4[%arg0, %dma_start3A_748, %add3A_741] : memref<2x3x320000xi32, #tpu.memory_space<hbm>> -> memref<1x3x80xi32, #tpu.memory_space<hbm>>
      %dma_start3A_750 = tpu.memref_squeeze %dma_start3A_749 : memref<1x3x80xi32, #tpu.memory_space<hbm>> -> memref<3x80xi32, #tpu.memory_space<hbm>>
      %dma_start3A_751 = tpu.memref_slice %arg15[%dma_start3A_743] : memref<2x!tpu.dma_semaphore, #tpu.memory_space<semaphore_mem>> -> memref<1x!tpu.dma_semaphore, #tpu.memory_space<semaphore_mem>>
      %dma_start3A_752 = tpu.memref_squeeze %dma_start3A_751 : memref<1x!tpu.dma_semaphore, #tpu.memory_space<semaphore_mem>> -> memref<!tpu.dma_semaphore, #tpu.memory_space<semaphore_mem>>
      %dma_start3A_753 = arith.constant 0 : i32
      %dma_start3A_754 = arith.constant 0 : i32
      %dma_start3A_755 = tpu.memref_slice %arg7[%dma_start3A_742, %dma_start3A_753, %dma_start3A_754] : memref<2x3x80xi32, #tpu.memory_space<vmem>> -> memref<1x3x80xi32, #tpu.memory_space<vmem>>
      %dma_start3A_756 = tpu.memref_squeeze %dma_start3A_755 : memref<1x3x80xi32, #tpu.memory_space<vmem>> -> memref<3x80xi32, #tpu.memory_space<vmem>>
      %dma_start3A_757 = arith.constant 0 : i32
      %dma_start3A_758 = tpu.memref_slice %arg4[%arg0, %dma_start3A_757, %add3A_741] : memref<2x3x320000xi32, #tpu.memory_space<hbm>> -> memref<1x3x80xi32, #tpu.memory_space<hbm>>
      %dma_start3A_759 = tpu.memref_squeeze %dma_start3A_758 : memref<1x3x80xi32, #tpu.memory_space<hbm>> -> memref<3x80xi32, #tpu.memory_space<hbm>>
      tpu.enqueue_dma source(%dma_start3A_759 : memref<3x80xi32, #tpu.memory_space<hbm>>) target(%dma_start3A_756 : memref<3x80xi32, #tpu.memory_space<vmem>>) target_semaphore(%dma_start3A_752 : memref<!tpu.dma_semaphore, #tpu.memory_space<semaphore_mem>>)
      %parallel_loop3A_760 = arith.constant 0 : i32
      %parallel_loop3A_761 = arith.constant 80 : i32
      %parallel_loop3A_762 = arith.constant 1 : i32
      scf.for %parallel_loop3A_779 = %parallel_loop3A_760 to %parallel_loop3A_761 step %parallel_loop3A_762  : i32 {
        %parallel_loop3A_780 = arith.constant 1 : i32
        %parallel_loop3A_781 = arith.index_cast %parallel_loop3A_780 : i32 to index
        %parallel_loop3A_782 = arith.index_cast %parallel_loop3A_779 : i32 to index
        %parallel_loop3A_783 = arith.constant 0 : index
        %parallel_loop3A_784 = tpu.vector_load %arg9[%parallel_loop3A_781, %parallel_loop3A_782, %parallel_loop3A_783] {strides = array<i32>} : memref<2x80x32xf32, #tpu.memory_space<vmem>>, vector<1x1x16xf32>,
        %parallel_loop3A_785 = vector.shape_cast %parallel_loop3A_784 : vector<1x1x16xf32> to vector<16xf32>
        %parallel_loop3A_786 = arith.constant 1 : i32
        %parallel_loop3A_787 = arith.index_cast %parallel_loop3A_786 : i32 to index
        %parallel_loop3A_788 = arith.index_cast %parallel_loop3A_779 : i32 to index
        %parallel_loop3A_789 = arith.constant 16 : index
        %parallel_loop3A_790 = tpu.vector_load %arg9[%parallel_loop3A_787, %parallel_loop3A_788, %parallel_loop3A_789] {strides = array<i32>} : memref<2x80x32xf32, #tpu.memory_space<vmem>>, vector<1x1x16xf32>,
        %parallel_loop3A_791 = vector.shape_cast %parallel_loop3A_790 : vector<1x1x16xf32> to vector<16xf32>
        %parallel_loop3A_792 = arith.constant 1 : i32
        %parallel_loop3A_793 = arith.index_cast %parallel_loop3A_792 : i32 to index
        %parallel_loop3A_794 = arith.index_cast %parallel_loop3A_779 : i32 to index
        %parallel_loop3A_795 = arith.constant 0 : index
        %parallel_loop3A_796 = tpu.vector_load %arg10[%parallel_loop3A_793, %parallel_loop3A_794, %parallel_loop3A_795] {strides = array<i32>} : memref<2x80x16xf32, #tpu.memory_space<vmem>>, vector<1x1x16xf32>,
        %parallel_loop3A_797 = vector.shape_cast %parallel_loop3A_796 : vector<1x1x16xf32> to vector<16xf32>
        %parallel_loop3A_798 = arith.addf %parallel_loop3A_791, %parallel_loop3A_797 : vector<16xf32>
        %parallel_loop3A_799 = arith.constant 0.000000e+00 : f32
        %parallel_loop3A_800 = vector.broadcast %parallel_loop3A_799 : f32 to vector<16xf32>
        %parallel_loop3A_801 = arith.cmpf oge, %parallel_loop3A_798, %parallel_loop3A_800 : vector<16xf32>
        %parallel_loop3A_802 = arith.constant 2.000000e-01 : f32
        %parallel_loop3A_803 = vector.broadcast %parallel_loop3A_802 : f32 to vector<16xf32>
        %parallel_loop3A_804 = arith.mulf %parallel_loop3A_803, %parallel_loop3A_798 : vector<16xf32>
        %parallel_loop3A_805 = arith.select %parallel_loop3A_801, %parallel_loop3A_798, %parallel_loop3A_804 : vector<16xi1>, vector<16xf32>
        %parallel_loop3A_806 = arith.subf %parallel_loop3A_805, %get3A_1 : vector<16xf32>
        %parallel_loop3A_807 = math.exp %parallel_loop3A_806 : vector<16xf32>
        %parallel_loop3A_808 = arith.constant 1 : i32
        %parallel_loop3A_809 = arith.index_cast %parallel_loop3A_808 : i32 to index
        %parallel_loop3A_810 = arith.index_cast %parallel_loop3A_779 : i32 to index
        %parallel_loop3A_811 = arith.constant 128 : index
        %parallel_loop3A_812 = tpu.vector_load %arg11[%parallel_loop3A_809, %parallel_loop3A_810, %parallel_loop3A_811] {strides = array<i32>} : memref<2x80x144xf32, #tpu.memory_space<vmem>>, vector<1x1x16xf32>,
        %parallel_loop3A_813 = vector.shape_cast %parallel_loop3A_812 : vector<1x1x16xf32> to vector<16xf32>
        %parallel_loop3A_814 = vector.shape_cast %parallel_loop3A_807 : vector<16xf32> to vector<1x1x16xf32>
        tpu.vector_store %arg11[%parallel_loop3A_809, %parallel_loop3A_810, %parallel_loop3A_811], %parallel_loop3A_814 {strides = array<i32>} : memref<2x80x144xf32, #tpu.memory_space<vmem>>, vector<1x1x16xf32>,
        %parallel_loop3A_815 = arith.constant 0 : i32
        %parallel_loop3A_816 = vector.broadcast %parallel_loop3A_815 : i32 to vector<16xi32>
        %parallel_loop3A_817 = arith.constant 0 : i32
        %parallel_loop3A_818 = vector.broadcast %parallel_loop3A_817 : i32 to vector<16xi32>
        %parallel_loop3A_819 = arith.cmpi slt, %parallel_loop3A_816, %parallel_loop3A_818 : vector<16xi32>
        %parallel_loop3A_820 = arith.constant 16 : i32
        %parallel_loop3A_821 = vector.broadcast %parallel_loop3A_820 : i32 to vector<16xi32>
        %parallel_loop3A_822 = arith.addi %parallel_loop3A_816, %parallel_loop3A_821 : vector<16xi32>
        %parallel_loop3A_823 = arith.select %parallel_loop3A_819, %parallel_loop3A_822, %parallel_loop3A_816 : vector<16xi1>, vector<16xi32>
        %parallel_loop3A_824 = vector.shape_cast %parallel_loop3A_823 : vector<16xi32> to vector<16x1xi32>
        %parallel_loop3A_825 = vector.shape_cast %parallel_loop3A_824 : vector<16x1xi32> to vector<16xi32>
        %parallel_loop3A_826 = tpu.dynamic_gather %parallel_loop3A_807[%parallel_loop3A_825] in [0] : vector<16xf32>, vector<16xi32> -> vector<16xf32>
        %parallel_loop3A_827 = arith.mulf %parallel_loop3A_826, %parallel_loop3A_785 : vector<16xf32>
        %parallel_loop3A_828 = arith.constant 1 : i32
        %parallel_loop3A_829 = arith.index_cast %parallel_loop3A_828 : i32 to index
        %parallel_loop3A_830 = arith.index_cast %parallel_loop3A_779 : i32 to index
        %parallel_loop3A_831 = arith.constant 0 : index
        %parallel_loop3A_832 = tpu.vector_load %arg11[%parallel_loop3A_829, %parallel_loop3A_830, %parallel_loop3A_831] {strides = array<i32>} : memref<2x80x144xf32, #tpu.memory_space<vmem>>, vector<1x1x16xf32>,
        %parallel_loop3A_833 = vector.shape_cast %parallel_loop3A_832 : vector<1x1x16xf32> to vector<16xf32>
        %parallel_loop3A_834 = vector.shape_cast %parallel_loop3A_827 : vector<16xf32> to vector<1x1x16xf32>
        tpu.vector_store %arg11[%parallel_loop3A_829, %parallel_loop3A_830, %parallel_loop3A_831], %parallel_loop3A_834 {strides = array<i32>} : memref<2x80x144xf32, #tpu.memory_space<vmem>>, vector<1x1x16xf32>,
        %parallel_loop3A_835 = arith.constant 1 : i32
        %parallel_loop3A_836 = vector.broadcast %parallel_loop3A_835 : i32 to vector<16xi32>
        %parallel_loop3A_837 = arith.constant 0 : i32
        %parallel_loop3A_838 = vector.broadcast %parallel_loop3A_837 : i32 to vector<16xi32>
        %parallel_loop3A_839 = arith.cmpi slt, %parallel_loop3A_836, %parallel_loop3A_838 : vector<16xi32>
        %parallel_loop3A_840 = arith.constant 16 : i32
        %parallel_loop3A_841 = vector.broadcast %parallel_loop3A_840 : i32 to vector<16xi32>
        %parallel_loop3A_842 = arith.addi %parallel_loop3A_836, %parallel_loop3A_841 : vector<16xi32>
        %parallel_loop3A_843 = arith.select %parallel_loop3A_839, %parallel_loop3A_842, %parallel_loop3A_836 : vector<16xi1>, vector<16xi32>
        %parallel_loop3A_844 = vector.shape_cast %parallel_loop3A_843 : vector<16xi32> to vector<16x1xi32>
        %parallel_loop3A_845 = vector.shape_cast %parallel_loop3A_844 : vector<16x1xi32> to vector<16xi32>
        %parallel_loop3A_846 = tpu.dynamic_gather %parallel_loop3A_807[%parallel_loop3A_845] in [0] : vector<16xf32>, vector<16xi32> -> vector<16xf32>
        %parallel_loop3A_847 = arith.mulf %parallel_loop3A_846, %parallel_loop3A_785 : vector<16xf32>
        %parallel_loop3A_848 = arith.constant 1 : i32
        %parallel_loop3A_849 = arith.index_cast %parallel_loop3A_848 : i32 to index
        %parallel_loop3A_850 = arith.index_cast %parallel_loop3A_779 : i32 to index
        %parallel_loop3A_851 = arith.constant 16 : index
        %parallel_loop3A_852 = tpu.vector_load %arg11[%parallel_loop3A_849, %parallel_loop3A_850, %parallel_loop3A_851] {strides = array<i32>} : memref<2x80x144xf32, #tpu.memory_space<vmem>>, vector<1x1x16xf32>,
        %parallel_loop3A_853 = vector.shape_cast %parallel_loop3A_852 : vector<1x1x16xf32> to vector<16xf32>
        %parallel_loop3A_854 = vector.shape_cast %parallel_loop3A_847 : vector<16xf32> to vector<1x1x16xf32>
        tpu.vector_store %arg11[%parallel_loop3A_849, %parallel_loop3A_850, %parallel_loop3A_851], %parallel_loop3A_854 {strides = array<i32>} : memref<2x80x144xf32, #tpu.memory_space<vmem>>, vector<1x1x16xf32>,
        %parallel_loop3A_855 = arith.constant 2 : i32
        %parallel_loop3A_856 = vector.broadcast %parallel_loop3A_855 : i32 to vector<16xi32>
        %parallel_loop3A_857 = arith.constant 0 : i32
        %parallel_loop3A_858 = vector.broadcast %parallel_loop3A_857 : i32 to vector<16xi32>
        %parallel_loop3A_859 = arith.cmpi slt, %parallel_loop3A_856, %parallel_loop3A_858 : vector<16xi32>
        %parallel_loop3A_860 = arith.constant 16 : i32
        %parallel_loop3A_861 = vector.broadcast %parallel_loop3A_860 : i32 to vector<16xi32>
        %parallel_loop3A_862 = arith.addi %parallel_loop3A_856, %parallel_loop3A_861 : vector<16xi32>
        %parallel_loop3A_863 = arith.select %parallel_loop3A_859, %parallel_loop3A_862, %parallel_loop3A_856 : vector<16xi1>, vector<16xi32>
        %parallel_loop3A_864 = vector.shape_cast %parallel_loop3A_863 : vector<16xi32> to vector<16x1xi32>
        %parallel_loop3A_865 = vector.shape_cast %parallel_loop3A_864 : vector<16x1xi32> to vector<16xi32>
        %parallel_loop3A_866 = tpu.dynamic_gather %parallel_loop3A_807[%parallel_loop3A_865] in [0] : vector<16xf32>, vector<16xi32> -> vector<16xf32>
        %parallel_loop3A_867 = arith.mulf %parallel_loop3A_866, %parallel_loop3A_785 : vector<16xf32>
        %parallel_loop3A_868 = arith.constant 1 : i32
        %parallel_loop3A_869 = arith.index_cast %parallel_loop3A_868 : i32 to index
        %parallel_loop3A_870 = arith.index_cast %parallel_loop3A_779 : i32 to index
        %parallel_loop3A_871 = arith.constant 32 : index
        %parallel_loop3A_872 = tpu.vector_load %arg11[%parallel_loop3A_869, %parallel_loop3A_870, %parallel_loop3A_871] {strides = array<i32>} : memref<2x80x144xf32, #tpu.memory_space<vmem>>, vector<1x1x16xf32>,
        %parallel_loop3A_873 = vector.shape_cast %parallel_loop3A_872 : vector<1x1x16xf32> to vector<16xf32>
        %parallel_loop3A_874 = vector.shape_cast %parallel_loop3A_867 : vector<16xf32> to vector<1x1x16xf32>
        tpu.vector_store %arg11[%parallel_loop3A_869, %parallel_loop3A_870, %parallel_loop3A_871], %parallel_loop3A_874 {strides = array<i32>} : memref<2x80x144xf32, #tpu.memory_space<vmem>>, vector<1x1x16xf32>,
        %parallel_loop3A_875 = arith.constant 3 : i32
        %parallel_loop3A_876 = vector.broadcast %parallel_loop3A_875 : i32 to vector<16xi32>
        %parallel_loop3A_877 = arith.constant 0 : i32
        %parallel_loop3A_878 = vector.broadcast %parallel_loop3A_877 : i32 to vector<16xi32>
        %parallel_loop3A_879 = arith.cmpi slt, %parallel_loop3A_876, %parallel_loop3A_878 : vector<16xi32>
        %parallel_loop3A_880 = arith.constant 16 : i32
        %parallel_loop3A_881 = vector.broadcast %parallel_loop3A_880 : i32 to vector<16xi32>
        %parallel_loop3A_882 = arith.addi %parallel_loop3A_876, %parallel_loop3A_881 : vector<16xi32>
        %parallel_loop3A_883 = arith.select %parallel_loop3A_879, %parallel_loop3A_882, %parallel_loop3A_876 : vector<16xi1>, vector<16xi32>
        %parallel_loop3A_884 = vector.shape_cast %parallel_loop3A_883 : vector<16xi32> to vector<16x1xi32>
        %parallel_loop3A_885 = vector.shape_cast %parallel_loop3A_884 : vector<16x1xi32> to vector<16xi32>
        %parallel_loop3A_886 = tpu.dynamic_gather %parallel_loop3A_807[%parallel_loop3A_885] in [0] : vector<16xf32>, vector<16xi32> -> vector<16xf32>
        %parallel_loop3A_887 = arith.mulf %parallel_loop3A_886, %parallel_loop3A_785 : vector<16xf32>
        %parallel_loop3A_888 = arith.constant 1 : i32
        %parallel_loop3A_889 = arith.index_cast %parallel_loop3A_888 : i32 to index
        %parallel_loop3A_890 = arith.index_cast %parallel_loop3A_779 : i32 to index
        %parallel_loop3A_891 = arith.constant 48 : index
        %parallel_loop3A_892 = tpu.vector_load %arg11[%parallel_loop3A_889, %parallel_loop3A_890, %parallel_loop3A_891] {strides = array<i32>} : memref<2x80x144xf32, #tpu.memory_space<vmem>>, vector<1x1x16xf32>,
        %parallel_loop3A_893 = vector.shape_cast %parallel_loop3A_892 : vector<1x1x16xf32> to vector<16xf32>
        %parallel_loop3A_894 = vector.shape_cast %parallel_loop3A_887 : vector<16xf32> to vector<1x1x16xf32>
        tpu.vector_store %arg11[%parallel_loop3A_889, %parallel_loop3A_890, %parallel_loop3A_891], %parallel_loop3A_894 {strides = array<i32>} : memref<2x80x144xf32, #tpu.memory_space<vmem>>, vector<1x1x16xf32>,
        %parallel_loop3A_895 = arith.constant 4 : i32
        %parallel_loop3A_896 = vector.broadcast %parallel_loop3A_895 : i32 to vector<16xi32>
        %parallel_loop3A_897 = arith.constant 0 : i32
        %parallel_loop3A_898 = vector.broadcast %parallel_loop3A_897 : i32 to vector<16xi32>
        %parallel_loop3A_899 = arith.cmpi slt, %parallel_loop3A_896, %parallel_loop3A_898 : vector<16xi32>
        %parallel_loop3A_900 = arith.constant 16 : i32
        %parallel_loop3A_901 = vector.broadcast %parallel_loop3A_900 : i32 to vector<16xi32>
        %parallel_loop3A_902 = arith.addi %parallel_loop3A_896, %parallel_loop3A_901 : vector<16xi32>
        %parallel_loop3A_903 = arith.select %parallel_loop3A_899, %parallel_loop3A_902, %parallel_loop3A_896 : vector<16xi1>, vector<16xi32>
        %parallel_loop3A_904 = vector.shape_cast %parallel_loop3A_903 : vector<16xi32> to vector<16x1xi32>
        %parallel_loop3A_905 = vector.shape_cast %parallel_loop3A_904 : vector<16x1xi32> to vector<16xi32>
        %parallel_loop3A_906 = tpu.dynamic_gather %parallel_loop3A_807[%parallel_loop3A_905] in [0] : vector<16xf32>, vector<16xi32> -> vector<16xf32>
        %parallel_loop3A_907 = arith.mulf %parallel_loop3A_906, %parallel_loop3A_785 : vector<16xf32>
        %parallel_loop3A_908 = arith.constant 1 : i32
        %parallel_loop3A_909 = arith.index_cast %parallel_loop3A_908 : i32 to index
        %parallel_loop3A_910 = arith.index_cast %parallel_loop3A_779 : i32 to index
        %parallel_loop3A_911 = arith.constant 64 : index
        %parallel_loop3A_912 = tpu.vector_load %arg11[%parallel_loop3A_909, %parallel_loop3A_910, %parallel_loop3A_911] {strides = array<i32>} : memref<2x80x144xf32, #tpu.memory_space<vmem>>, vector<1x1x16xf32>,
        %parallel_loop3A_913 = vector.shape_cast %parallel_loop3A_912 : vector<1x1x16xf32> to vector<16xf32>
        %parallel_loop3A_914 = vector.shape_cast %parallel_loop3A_907 : vector<16xf32> to vector<1x1x16xf32>
        tpu.vector_store %arg11[%parallel_loop3A_909, %parallel_loop3A_910, %parallel_loop3A_911], %parallel_loop3A_914 {strides = array<i32>} : memref<2x80x144xf32, #tpu.memory_space<vmem>>, vector<1x1x16xf32>,
        %parallel_loop3A_915 = arith.constant 5 : i32
        %parallel_loop3A_916 = vector.broadcast %parallel_loop3A_915 : i32 to vector<16xi32>
        %parallel_loop3A_917 = arith.constant 0 : i32
        %parallel_loop3A_918 = vector.broadcast %parallel_loop3A_917 : i32 to vector<16xi32>
        %parallel_loop3A_919 = arith.cmpi slt, %parallel_loop3A_916, %parallel_loop3A_918 : vector<16xi32>
        %parallel_loop3A_920 = arith.constant 16 : i32
        %parallel_loop3A_921 = vector.broadcast %parallel_loop3A_920 : i32 to vector<16xi32>
        %parallel_loop3A_922 = arith.addi %parallel_loop3A_916, %parallel_loop3A_921 : vector<16xi32>
        %parallel_loop3A_923 = arith.select %parallel_loop3A_919, %parallel_loop3A_922, %parallel_loop3A_916 : vector<16xi1>, vector<16xi32>
        %parallel_loop3A_924 = vector.shape_cast %parallel_loop3A_923 : vector<16xi32> to vector<16x1xi32>
        %parallel_loop3A_925 = vector.shape_cast %parallel_loop3A_924 : vector<16x1xi32> to vector<16xi32>
        %parallel_loop3A_926 = tpu.dynamic_gather %parallel_loop3A_807[%parallel_loop3A_925] in [0] : vector<16xf32>, vector<16xi32> -> vector<16xf32>
        %parallel_loop3A_927 = arith.mulf %parallel_loop3A_926, %parallel_loop3A_785 : vector<16xf32>
        %parallel_loop3A_928 = arith.constant 1 : i32
        %parallel_loop3A_929 = arith.index_cast %parallel_loop3A_928 : i32 to index
        %parallel_loop3A_930 = arith.index_cast %parallel_loop3A_779 : i32 to index
        %parallel_loop3A_931 = arith.constant 80 : index
        %parallel_loop3A_932 = tpu.vector_load %arg11[%parallel_loop3A_929, %parallel_loop3A_930, %parallel_loop3A_931] {strides = array<i32>} : memref<2x80x144xf32, #tpu.memory_space<vmem>>, vector<1x1x16xf32>,
        %parallel_loop3A_933 = vector.shape_cast %parallel_loop3A_932 : vector<1x1x16xf32> to vector<16xf32>
        %parallel_loop3A_934 = vector.shape_cast %parallel_loop3A_927 : vector<16xf32> to vector<1x1x16xf32>
        tpu.vector_store %arg11[%parallel_loop3A_929, %parallel_loop3A_930, %parallel_loop3A_931], %parallel_loop3A_934 {strides = array<i32>} : memref<2x80x144xf32, #tpu.memory_space<vmem>>, vector<1x1x16xf32>,
        %parallel_loop3A_935 = arith.constant 6 : i32
        %parallel_loop3A_936 = vector.broadcast %parallel_loop3A_935 : i32 to vector<16xi32>
        %parallel_loop3A_937 = arith.constant 0 : i32
        %parallel_loop3A_938 = vector.broadcast %parallel_loop3A_937 : i32 to vector<16xi32>
        %parallel_loop3A_939 = arith.cmpi slt, %parallel_loop3A_936, %parallel_loop3A_938 : vector<16xi32>
        %parallel_loop3A_940 = arith.constant 16 : i32
        %parallel_loop3A_941 = vector.broadcast %parallel_loop3A_940 : i32 to vector<16xi32>
        %parallel_loop3A_942 = arith.addi %parallel_loop3A_936, %parallel_loop3A_941 : vector<16xi32>
        %parallel_loop3A_943 = arith.select %parallel_loop3A_939, %parallel_loop3A_942, %parallel_loop3A_936 : vector<16xi1>, vector<16xi32>
        %parallel_loop3A_944 = vector.shape_cast %parallel_loop3A_943 : vector<16xi32> to vector<16x1xi32>
        %parallel_loop3A_945 = vector.shape_cast %parallel_loop3A_944 : vector<16x1xi32> to vector<16xi32>
        %parallel_loop3A_946 = tpu.dynamic_gather %parallel_loop3A_807[%parallel_loop3A_945] in [0] : vector<16xf32>, vector<16xi32> -> vector<16xf32>
        %parallel_loop3A_947 = arith.mulf %parallel_loop3A_946, %parallel_loop3A_785 : vector<16xf32>
        %parallel_loop3A_948 = arith.constant 1 : i32
        %parallel_loop3A_949 = arith.index_cast %parallel_loop3A_948 : i32 to index
        %parallel_loop3A_950 = arith.index_cast %parallel_loop3A_779 : i32 to index
        %parallel_loop3A_951 = arith.constant 96 : index
        %parallel_loop3A_952 = tpu.vector_load %arg11[%parallel_loop3A_949, %parallel_loop3A_950, %parallel_loop3A_951] {strides = array<i32>} : memref<2x80x144xf32, #tpu.memory_space<vmem>>, vector<1x1x16xf32>,
        %parallel_loop3A_953 = vector.shape_cast %parallel_loop3A_952 : vector<1x1x16xf32> to vector<16xf32>
        %parallel_loop3A_954 = vector.shape_cast %parallel_loop3A_947 : vector<16xf32> to vector<1x1x16xf32>
        tpu.vector_store %arg11[%parallel_loop3A_949, %parallel_loop3A_950, %parallel_loop3A_951], %parallel_loop3A_954 {strides = array<i32>} : memref<2x80x144xf32, #tpu.memory_space<vmem>>, vector<1x1x16xf32>,
        %parallel_loop3A_955 = arith.constant 7 : i32
        %parallel_loop3A_956 = vector.broadcast %parallel_loop3A_955 : i32 to vector<16xi32>
        %parallel_loop3A_957 = arith.constant 0 : i32
        %parallel_loop3A_958 = vector.broadcast %parallel_loop3A_957 : i32 to vector<16xi32>
        %parallel_loop3A_959 = arith.cmpi slt, %parallel_loop3A_956, %parallel_loop3A_958 : vector<16xi32>
        %parallel_loop3A_960 = arith.constant 16 : i32
        %parallel_loop3A_961 = vector.broadcast %parallel_loop3A_960 : i32 to vector<16xi32>
        %parallel_loop3A_962 = arith.addi %parallel_loop3A_956, %parallel_loop3A_961 : vector<16xi32>
        %parallel_loop3A_963 = arith.select %parallel_loop3A_959, %parallel_loop3A_962, %parallel_loop3A_956 : vector<16xi1>, vector<16xi32>
        %parallel_loop3A_964 = vector.shape_cast %parallel_loop3A_963 : vector<16xi32> to vector<16x1xi32>
        %parallel_loop3A_965 = vector.shape_cast %parallel_loop3A_964 : vector<16x1xi32> to vector<16xi32>
        %parallel_loop3A_966 = tpu.dynamic_gather %parallel_loop3A_807[%parallel_loop3A_965] in [0] : vector<16xf32>, vector<16xi32> -> vector<16xf32>
        %parallel_loop3A_967 = arith.mulf %parallel_loop3A_966, %parallel_loop3A_785 : vector<16xf32>
        %parallel_loop3A_968 = arith.constant 1 : i32
        %parallel_loop3A_969 = arith.index_cast %parallel_loop3A_968 : i32 to index
        %parallel_loop3A_970 = arith.index_cast %parallel_loop3A_779 : i32 to index
        %parallel_loop3A_971 = arith.constant 112 : index
        %parallel_loop3A_972 = tpu.vector_load %arg11[%parallel_loop3A_969, %parallel_loop3A_970, %parallel_loop3A_971] {strides = array<i32>} : memref<2x80x144xf32, #tpu.memory_space<vmem>>, vector<1x1x16xf32>,
        %parallel_loop3A_973 = vector.shape_cast %parallel_loop3A_972 : vector<1x1x16xf32> to vector<16xf32>
        %parallel_loop3A_974 = vector.shape_cast %parallel_loop3A_967 : vector<16xf32> to vector<1x1x16xf32>
        tpu.vector_store %arg11[%parallel_loop3A_969, %parallel_loop3A_970, %parallel_loop3A_971], %parallel_loop3A_974 {strides = array<i32>} : memref<2x80x144xf32, #tpu.memory_space<vmem>>, vector<1x1x16xf32>,
      } {sc.loop_unroll_factor = 4 : i64, sc.parallel_access}
      %dma_start3A_763 = arith.constant 1 : i32
      %dma_start3A_764 = arith.constant 1 : i32
      %dma_start3A_765 = arith.constant 1 : i32
      %dma_start3A_766 = arith.constant 0 : i32
      %dma_start3A_767 = arith.constant 0 : i32
      %dma_start3A_768 = tpu.memref_slice %arg11[%dma_start3A_763, %dma_start3A_766, %dma_start3A_767] : memref<2x80x144xf32, #tpu.memory_space<vmem>> -> memref<1x80x144xf32, #tpu.memory_space<vmem>>
      %dma_start3A_769 = tpu.memref_squeeze %dma_start3A_768 : memref<1x80x144xf32, #tpu.memory_space<vmem>> -> memref<80x144xf32, #tpu.memory_space<vmem>>
      %dma_start3A_770 = arith.constant 0 : i32
      %dma_start3A_771 = tpu.memref_slice %arg8[%dma_start3A_764, %dma_start3A_770] : memref<2x80xi32, #tpu.memory_space<vmem>> -> memref<1x80xi32, #tpu.memory_space<vmem>>
      %dma_start3A_772 = tpu.memref_squeeze %dma_start3A_771 : memref<1x80xi32, #tpu.memory_space<vmem>> -> memref<80xi32, #tpu.memory_space<vmem>>
      %dma_start3A_773 = arith.constant 0 : i32
      %dma_start3A_774 = arith.constant 0 : i32
      %dma_start3A_775 = tpu.memref_slice %arg14[%dma_start3A_773, %dma_start3A_774] : memref<10240x144xf32, #tpu.memory_space<vmem_shared>> -> memref<10240x144xf32, #tpu.memory_space<vmem_shared>>
      %dma_start3A_776 = tpu.memref_slice %arg18[%dma_start3A_765] : memref<2x!tpu.dma_semaphore, #tpu.memory_space<semaphore_mem>> -> memref<1x!tpu.dma_semaphore, #tpu.memory_space<semaphore_mem>>
      %dma_start3A_777 = tpu.memref_squeeze %dma_start3A_776 : memref<1x!tpu.dma_semaphore, #tpu.memory_space<semaphore_mem>> -> memref<!tpu.dma_semaphore, #tpu.memory_space<semaphore_mem>>
      tpu.enqueue_indirect_dma source(%dma_start3A_769 : memref<80x144xf32, #tpu.memory_space<vmem>>) target(%dma_start3A_775 : memref<10240x144xf32, #tpu.memory_space<vmem_shared>>) offsets(%dma_start3A_772 : memref<80xi32, #tpu.memory_space<vmem>>) semaphore(%dma_start3A_777 : memref<!tpu.dma_semaphore, #tpu.memory_space<semaphore_mem>>) {add = true}
      %scan3A_778 = arith.constant 0 : i32
      scf.yield %scan3A_778 : i32
    }
    %scan3A_194 = arith.constant 125 : i32
    %dma_wait3A_195 = arith.constant 0 : i32
    %dma_wait3A_196 = arith.constant 0 : i32
    %dma_wait3A_197 = arith.constant 0 : i32
    %dma_wait3A_198 = arith.constant 0 : i32
    %dma_wait3A_199 = arith.constant 0 : i32
    %dma_wait3A_200 = arith.constant 0 : i32
    %dma_wait3A_201 = tpu.memref_slice %arg9[%dma_wait3A_197, %dma_wait3A_199, %dma_wait3A_200] : memref<2x80x32xf32, #tpu.memory_space<vmem>> -> memref<1x80x32xf32, #tpu.memory_space<vmem>>
    %dma_wait3A_202 = tpu.memref_squeeze %dma_wait3A_201 : memref<1x80x32xf32, #tpu.memory_space<vmem>> -> memref<80x32xf32, #tpu.memory_space<vmem>>
    %dma_wait3A_203 = arith.constant 0 : i32
    %dma_wait3A_204 = tpu.memref_slice %arg7[%dma_wait3A_195, %dma_wait3A_196, %dma_wait3A_203] : memref<2x3x80xi32, #tpu.memory_space<vmem>> -> memref<1x1x80xi32, #tpu.memory_space<vmem>>
    %dma_wait3A_205 = tpu.memref_squeeze %dma_wait3A_204 : memref<1x1x80xi32, #tpu.memory_space<vmem>> -> memref<80xi32, #tpu.memory_space<vmem>>
    %dma_wait3A_206 = arith.constant 0 : i32
    %dma_wait3A_207 = arith.constant 0 : i32
    %dma_wait3A_208 = tpu.memref_slice %arg2[%dma_wait3A_206, %dma_wait3A_207] : memref<20480x32xf32, #tpu.memory_space<hbm>> -> memref<20480x32xf32, #tpu.memory_space<hbm>>
    %dma_wait3A_209 = tpu.memref_slice %arg16[%dma_wait3A_198] : memref<2x!tpu.dma_semaphore, #tpu.memory_space<semaphore_mem>> -> memref<1x!tpu.dma_semaphore, #tpu.memory_space<semaphore_mem>>
    %dma_wait3A_210 = tpu.memref_squeeze %dma_wait3A_209 : memref<1x!tpu.dma_semaphore, #tpu.memory_space<semaphore_mem>> -> memref<!tpu.dma_semaphore, #tpu.memory_space<semaphore_mem>>
    tpu.wait_indirect_dma semaphore(%dma_wait3A_210 : memref<!tpu.dma_semaphore, #tpu.memory_space<semaphore_mem>>) src(%dma_wait3A_208 : memref<20480x32xf32, #tpu.memory_space<hbm>>) dst(%dma_wait3A_202 : memref<80x32xf32, #tpu.memory_space<vmem>>)
    %dma_wait3A_211 = arith.constant 0 : i32
    %dma_wait3A_212 = arith.constant 1 : i32
    %dma_wait3A_213 = arith.constant 0 : i32
    %dma_wait3A_214 = arith.constant 0 : i32
    %dma_wait3A_215 = arith.constant 0 : i32
    %dma_wait3A_216 = arith.constant 0 : i32
    %dma_wait3A_217 = tpu.memref_slice %arg10[%dma_wait3A_213, %dma_wait3A_215, %dma_wait3A_216] : memref<2x80x16xf32, #tpu.memory_space<vmem>> -> memref<1x80x16xf32, #tpu.memory_space<vmem>>
    %dma_wait3A_218 = tpu.memref_squeeze %dma_wait3A_217 : memref<1x80x16xf32, #tpu.memory_space<vmem>> -> memref<80x16xf32, #tpu.memory_space<vmem>>
    %dma_wait3A_219 = arith.constant 0 : i32
    %dma_wait3A_220 = tpu.memref_slice %arg7[%dma_wait3A_211, %dma_wait3A_212, %dma_wait3A_219] : memref<2x3x80xi32, #tpu.memory_space<vmem>> -> memref<1x1x80xi32, #tpu.memory_space<vmem>>
    %dma_wait3A_221 = tpu.memref_squeeze %dma_wait3A_220 : memref<1x1x80xi32, #tpu.memory_space<vmem>> -> memref<80xi32, #tpu.memory_space<vmem>>
    %dma_wait3A_222 = arith.constant 0 : i32
    %dma_wait3A_223 = arith.constant 0 : i32
    %dma_wait3A_224 = tpu.memref_slice %arg3[%dma_wait3A_222, %dma_wait3A_223] : memref<20480x16xf32, #tpu.memory_space<hbm>> -> memref<20480x16xf32, #tpu.memory_space<hbm>>
    %dma_wait3A_225 = tpu.memref_slice %arg17[%dma_wait3A_214] : memref<2x!tpu.dma_semaphore, #tpu.memory_space<semaphore_mem>> -> memref<1x!tpu.dma_semaphore, #tpu.memory_space<semaphore_mem>>
    %dma_wait3A_226 = tpu.memref_squeeze %dma_wait3A_225 : memref<1x!tpu.dma_semaphore, #tpu.memory_space<semaphore_mem>> -> memref<!tpu.dma_semaphore, #tpu.memory_space<semaphore_mem>>
    tpu.wait_indirect_dma semaphore(%dma_wait3A_226 : memref<!tpu.dma_semaphore, #tpu.memory_space<semaphore_mem>>) src(%dma_wait3A_224 : memref<20480x16xf32, #tpu.memory_space<hbm>>) dst(%dma_wait3A_218 : memref<80x16xf32, #tpu.memory_space<vmem>>)
    %dma_wait3A_227 = arith.constant 0 : i32
    %dma_wait3A_228 = arith.constant 1 : i32
    %dma_wait3A_229 = arith.constant 1 : i32
    %dma_wait3A_230 = arith.constant 0 : i32
    %dma_wait3A_231 = arith.constant 0 : i32
    %dma_wait3A_232 = tpu.memref_slice %arg7[%dma_wait3A_228, %dma_wait3A_230, %dma_wait3A_231] : memref<2x3x80xi32, #tpu.memory_space<vmem>> -> memref<1x3x80xi32, #tpu.memory_space<vmem>>
    %dma_wait3A_233 = tpu.memref_squeeze %dma_wait3A_232 : memref<1x3x80xi32, #tpu.memory_space<vmem>> -> memref<3x80xi32, #tpu.memory_space<vmem>>
    %dma_wait3A_234 = arith.constant 0 : i32
    %dma_wait3A_235 = arith.constant 0 : i32
    %dma_wait3A_236 = tpu.memref_slice %arg4[%dma_wait3A_227, %dma_wait3A_234, %dma_wait3A_235] : memref<2x3x320000xi32, #tpu.memory_space<hbm>> -> memref<1x3x80xi32, #tpu.memory_space<hbm>>
    %dma_wait3A_237 = tpu.memref_squeeze %dma_wait3A_236 : memref<1x3x80xi32, #tpu.memory_space<hbm>> -> memref<3x80xi32, #tpu.memory_space<hbm>>
    %dma_wait3A_238 = tpu.memref_slice %arg15[%dma_wait3A_229] : memref<2x!tpu.dma_semaphore, #tpu.memory_space<semaphore_mem>> -> memref<1x!tpu.dma_semaphore, #tpu.memory_space<semaphore_mem>>
    %dma_wait3A_239 = tpu.memref_squeeze %dma_wait3A_238 : memref<1x!tpu.dma_semaphore, #tpu.memory_space<semaphore_mem>> -> memref<!tpu.dma_semaphore, #tpu.memory_space<semaphore_mem>>
    %dma_wait3A_240 = arith.constant 0 : i32
    %dma_wait3A_241 = arith.constant 0 : i32
    %dma_wait3A_242 = tpu.memref_slice %arg7[%dma_wait3A_228, %dma_wait3A_240, %dma_wait3A_241] : memref<2x3x80xi32, #tpu.memory_space<vmem>> -> memref<1x3x80xi32, #tpu.memory_space<vmem>>
    %dma_wait3A_243 = tpu.memref_squeeze %dma_wait3A_242 : memref<1x3x80xi32, #tpu.memory_space<vmem>> -> memref<3x80xi32, #tpu.memory_space<vmem>>
    %dma_wait3A_244 = arith.constant 0 : i32
    %dma_wait3A_245 = arith.constant 0 : i32
    %dma_wait3A_246 = tpu.memref_slice %arg4[%dma_wait3A_227, %dma_wait3A_244, %dma_wait3A_245] : memref<2x3x320000xi32, #tpu.memory_space<hbm>> -> memref<1x3x80xi32, #tpu.memory_space<hbm>>
    %dma_wait3A_247 = tpu.memref_squeeze %dma_wait3A_246 : memref<1x3x80xi32, #tpu.memory_space<hbm>> -> memref<3x80xi32, #tpu.memory_space<hbm>>
    tpu.wait_dma2 semaphore(%dma_wait3A_239 : memref<!tpu.dma_semaphore, #tpu.memory_space<semaphore_mem>>) src(%dma_wait3A_247 : memref<3x80xi32, #tpu.memory_space<hbm>>) dst(%dma_wait3A_243 : memref<3x80xi32, #tpu.memory_space<vmem>>)
    %dma_wait3A_248 = arith.constant 0 : i32
    %dma_wait3A_249 = arith.constant 0 : i32
    %dma_wait3A_250 = arith.constant 0 : i32
    %dma_wait3A_251 = arith.constant 0 : i32
    %dma_wait3A_252 = arith.constant 0 : i32
    %dma_wait3A_253 = tpu.memref_slice %arg11[%dma_wait3A_248, %dma_wait3A_251, %dma_wait3A_252] : memref<2x80x144xf32, #tpu.memory_space<vmem>> -> memref<1x80x144xf32, #tpu.memory_space<vmem>>
    %dma_wait3A_254 = tpu.memref_squeeze %dma_wait3A_253 : memref<1x80x144xf32, #tpu.memory_space<vmem>> -> memref<80x144xf32, #tpu.memory_space<vmem>>
    %dma_wait3A_255 = arith.constant 0 : i32
    %dma_wait3A_256 = tpu.memref_slice %arg8[%dma_wait3A_249, %dma_wait3A_255] : memref<2x80xi32, #tpu.memory_space<vmem>> -> memref<1x80xi32, #tpu.memory_space<vmem>>
    %dma_wait3A_257 = tpu.memref_squeeze %dma_wait3A_256 : memref<1x80xi32, #tpu.memory_space<vmem>> -> memref<80xi32, #tpu.memory_space<vmem>>
    %dma_wait3A_258 = arith.constant 0 : i32
    %dma_wait3A_259 = arith.constant 0 : i32
    %dma_wait3A_260 = tpu.memref_slice %arg14[%dma_wait3A_258, %dma_wait3A_259] : memref<10240x144xf32, #tpu.memory_space<vmem_shared>> -> memref<10240x144xf32, #tpu.memory_space<vmem_shared>>
    %dma_wait3A_261 = tpu.memref_slice %arg18[%dma_wait3A_250] : memref<2x!tpu.dma_semaphore, #tpu.memory_space<semaphore_mem>> -> memref<1x!tpu.dma_semaphore, #tpu.memory_space<semaphore_mem>>
    %dma_wait3A_262 = tpu.memref_squeeze %dma_wait3A_261 : memref<1x!tpu.dma_semaphore, #tpu.memory_space<semaphore_mem>> -> memref<!tpu.dma_semaphore, #tpu.memory_space<semaphore_mem>>
    tpu.wait_indirect_dma semaphore(%dma_wait3A_262 : memref<!tpu.dma_semaphore, #tpu.memory_space<semaphore_mem>>) src(%dma_wait3A_254 : memref<80x144xf32, #tpu.memory_space<vmem>>) dst(%dma_wait3A_260 : memref<10240x144xf32, #tpu.memory_space<vmem_shared>>)
    %dma_wait3A_263 = arith.constant 1 : i32
    %dma_wait3A_264 = arith.constant 1 : i32
    %dma_wait3A_265 = arith.constant 1 : i32
    %dma_wait3A_266 = arith.constant 0 : i32
    %dma_wait3A_267 = arith.constant 0 : i32
    %dma_wait3A_268 = tpu.memref_slice %arg11[%dma_wait3A_263, %dma_wait3A_266, %dma_wait3A_267] : memref<2x80x144xf32, #tpu.memory_space<vmem>> -> memref<1x80x144xf32, #tpu.memory_space<vmem>>
    %dma_wait3A_269 = tpu.memref_squeeze %dma_wait3A_268 : memref<1x80x144xf32, #tpu.memory_space<vmem>> -> memref<80x144xf32, #tpu.memory_space<vmem>>
    %dma_wait3A_270 = arith.constant 0 : i32
    %dma_wait3A_271 = tpu.memref_slice %arg8[%dma_wait3A_264, %dma_wait3A_270] : memref<2x80xi32, #tpu.memory_space<vmem>> -> memref<1x80xi32, #tpu.memory_space<vmem>>
    %dma_wait3A_272 = tpu.memref_squeeze %dma_wait3A_271 : memref<1x80xi32, #tpu.memory_space<vmem>> -> memref<80xi32, #tpu.memory_space<vmem>>
    %dma_wait3A_273 = arith.constant 0 : i32
    %dma_wait3A_274 = arith.constant 0 : i32
    %dma_wait3A_275 = tpu.memref_slice %arg14[%dma_wait3A_273, %dma_wait3A_274] : memref<10240x144xf32, #tpu.memory_space<vmem_shared>> -> memref<10240x144xf32, #tpu.memory_space<vmem_shared>>
    %dma_wait3A_276 = tpu.memref_slice %arg18[%dma_wait3A_265] : memref<2x!tpu.dma_semaphore, #tpu.memory_space<semaphore_mem>> -> memref<1x!tpu.dma_semaphore, #tpu.memory_space<semaphore_mem>>
    %dma_wait3A_277 = tpu.memref_squeeze %dma_wait3A_276 : memref<1x!tpu.dma_semaphore, #tpu.memory_space<semaphore_mem>> -> memref<!tpu.dma_semaphore, #tpu.memory_space<semaphore_mem>>
    tpu.wait_indirect_dma semaphore(%dma_wait3A_277 : memref<!tpu.dma_semaphore, #tpu.memory_space<semaphore_mem>>) src(%dma_wait3A_269 : memref<80x144xf32, #tpu.memory_space<vmem>>) dst(%dma_wait3A_275 : memref<10240x144xf32, #tpu.memory_space<vmem_shared>>)
    %barrier3A_278 = arith.constant 0 : index
    tpu.barrier barrier_id(%barrier3A_278)
    %mul3A_279 = arith.constant 640 : i32
    %mul3A_280 = arith.muli %arg1, %mul3A_279 : i32
    %add3A_281 = arith.constant 0 : i32
    %add3A_282 = arith.addi %mul3A_280, %add3A_281 : i32
    %add3A_283 = arith.addi %mul3A_89, %add3A_282 : i32
    "tpu.region"() ({
      %run_scoped3A = tpu.sem_alloc : memref<!tpu.dma_semaphore, #tpu.memory_space<semaphore_mem>>
      %dma_start3A_379 = arith.constant 0 : i32
      %dma_start3A_380 = tpu.memref_slice %arg6[%add3A_283, %dma_start3A_379] : memref<20480x144xf32, #tpu.memory_space<hbm>> -> memref<32x144xf32, #tpu.memory_space<hbm>>
      %dma_start3A_381 = arith.constant 0 : i32
      %dma_start3A_382 = tpu.memref_slice %arg14[%add3A_282, %dma_start3A_381] : memref<10240x144xf32, #tpu.memory_space<vmem_shared>> -> memref<32x144xf32, #tpu.memory_space<vmem_shared>>
      tpu.enqueue_dma source(%dma_start3A_382 : memref<32x144xf32, #tpu.memory_space<vmem_shared>>) target(%dma_start3A_380 : memref<32x144xf32, #tpu.memory_space<hbm>>) target_semaphore(%run_scoped3A : memref<!tpu.dma_semaphore, #tpu.memory_space<semaphore_mem>>)
      %dma_wait3A_383 = arith.constant 0 : i32
      %dma_wait3A_384 = tpu.memref_slice %arg6[%add3A_283, %dma_wait3A_383] : memref<20480x144xf32, #tpu.memory_space<hbm>> -> memref<32x144xf32, #tpu.memory_space<hbm>>
      %dma_wait3A_385 = arith.constant 0 : i32
      %dma_wait3A_386 = tpu.memref_slice %arg14[%add3A_282, %dma_wait3A_385] : memref<10240x144xf32, #tpu.memory_space<vmem_shared>> -> memref<32x144xf32, #tpu.memory_space<vmem_shared>>
      tpu.wait_dma2 semaphore(%run_scoped3A : memref<!tpu.dma_semaphore, #tpu.memory_space<semaphore_mem>>) src(%dma_wait3A_386 : memref<32x144xf32, #tpu.memory_space<vmem_shared>>) dst(%dma_wait3A_384 : memref<32x144xf32, #tpu.memory_space<hbm>>)
      tpu.yield
    }) : () -> ()
    %mul3A_284 = arith.constant 640 : i32
    %mul3A_285 = arith.muli %arg1, %mul3A_284 : i32
    %add3A_286 = arith.constant 32 : i32
    %add3A_287 = arith.addi %mul3A_285, %add3A_286 : i32
    %add3A_288 = arith.addi %mul3A_89, %add3A_287 : i32
    "tpu.region"() ({
      %run_scoped3A = tpu.sem_alloc : memref<!tpu.dma_semaphore, #tpu.memory_space<semaphore_mem>>
      %dma_start3A_379 = arith.constant 0 : i32
      %dma_start3A_380 = tpu.memref_slice %arg6[%add3A_288, %dma_start3A_379] : memref<20480x144xf32, #tpu.memory_space<hbm>> -> memref<32x144xf32, #tpu.memory_space<hbm>>
      %dma_start3A_381 = arith.constant 0 : i32
      %dma_start3A_382 = tpu.memref_slice %arg14[%add3A_287, %dma_start3A_381] : memref<10240x144xf32, #tpu.memory_space<vmem_shared>> -> memref<32x144xf32, #tpu.memory_space<vmem_shared>>
      tpu.enqueue_dma source(%dma_start3A_382 : memref<32x144xf32, #tpu.memory_space<vmem_shared>>) target(%dma_start3A_380 : memref<32x144xf32, #tpu.memory_space<hbm>>) target_semaphore(%run_scoped3A : memref<!tpu.dma_semaphore, #tpu.memory_space<semaphore_mem>>)
      %dma_wait3A_383 = arith.constant 0 : i32
      %dma_wait3A_384 = tpu.memref_slice %arg6[%add3A_288, %dma_wait3A_383] : memref<20480x144xf32, #tpu.memory_space<hbm>> -> memref<32x144xf32, #tpu.memory_space<hbm>>
      %dma_wait3A_385 = arith.constant 0 : i32
      %dma_wait3A_386 = tpu.memref_slice %arg14[%add3A_287, %dma_wait3A_385] : memref<10240x144xf32, #tpu.memory_space<vmem_shared>> -> memref<32x144xf32, #tpu.memory_space<vmem_shared>>
      tpu.wait_dma2 semaphore(%run_scoped3A : memref<!tpu.dma_semaphore, #tpu.memory_space<semaphore_mem>>) src(%dma_wait3A_386 : memref<32x144xf32, #tpu.memory_space<vmem_shared>>) dst(%dma_wait3A_384 : memref<32x144xf32, #tpu.memory_space<hbm>>)
      tpu.yield
    }) : () -> ()
    %mul3A_289 = arith.constant 640 : i32
    %mul3A_290 = arith.muli %arg1, %mul3A_289 : i32
    %add3A_291 = arith.constant 64 : i32
    %add3A_292 = arith.addi %mul3A_290, %add3A_291 : i32
    %add3A_293 = arith.addi %mul3A_89, %add3A_292 : i32
    "tpu.region"() ({
      %run_scoped3A = tpu.sem_alloc : memref<!tpu.dma_semaphore, #tpu.memory_space<semaphore_mem>>
      %dma_start3A_379 = arith.constant 0 : i32
      %dma_start3A_380 = tpu.memref_slice %arg6[%add3A_293, %dma_start3A_379] : memref<20480x144xf32, #tpu.memory_space<hbm>> -> memref<32x144xf32, #tpu.memory_space<hbm>>
      %dma_start3A_381 = arith.constant 0 : i32
      %dma_start3A_382 = tpu.memref_slice %arg14[%add3A_292, %dma_start3A_381] : memref<10240x144xf32, #tpu.memory_space<vmem_shared>> -> memref<32x144xf32, #tpu.memory_space<vmem_shared>>
      tpu.enqueue_dma source(%dma_start3A_382 : memref<32x144xf32, #tpu.memory_space<vmem_shared>>) target(%dma_start3A_380 : memref<32x144xf32, #tpu.memory_space<hbm>>) target_semaphore(%run_scoped3A : memref<!tpu.dma_semaphore, #tpu.memory_space<semaphore_mem>>)
      %dma_wait3A_383 = arith.constant 0 : i32
      %dma_wait3A_384 = tpu.memref_slice %arg6[%add3A_293, %dma_wait3A_383] : memref<20480x144xf32, #tpu.memory_space<hbm>> -> memref<32x144xf32, #tpu.memory_space<hbm>>
      %dma_wait3A_385 = arith.constant 0 : i32
      %dma_wait3A_386 = tpu.memref_slice %arg14[%add3A_292, %dma_wait3A_385] : memref<10240x144xf32, #tpu.memory_space<vmem_shared>> -> memref<32x144xf32, #tpu.memory_space<vmem_shared>>
      tpu.wait_dma2 semaphore(%run_scoped3A : memref<!tpu.dma_semaphore, #tpu.memory_space<semaphore_mem>>) src(%dma_wait3A_386 : memref<32x144xf32, #tpu.memory_space<vmem_shared>>) dst(%dma_wait3A_384 : memref<32x144xf32, #tpu.memory_space<hbm>>)
      tpu.yield
    }) : () -> ()
    %mul3A_294 = arith.constant 640 : i32
    %mul3A_295 = arith.muli %arg1, %mul3A_294 : i32
    %add3A_296 = arith.constant 96 : i32
    %add3A_297 = arith.addi %mul3A_295, %add3A_296 : i32
    %add3A_298 = arith.addi %mul3A_89, %add3A_297 : i32
    "tpu.region"() ({
      %run_scoped3A = tpu.sem_alloc : memref<!tpu.dma_semaphore, #tpu.memory_space<semaphore_mem>>
      %dma_start3A_379 = arith.constant 0 : i32
      %dma_start3A_380 = tpu.memref_slice %arg6[%add3A_298, %dma_start3A_379] : memref<20480x144xf32, #tpu.memory_space<hbm>> -> memref<32x144xf32, #tpu.memory_space<hbm>>
      %dma_start3A_381 = arith.constant 0 : i32
      %dma_start3A_382 = tpu.memref_slice %arg14[%add3A_297, %dma_start3A_381] : memref<10240x144xf32, #tpu.memory_space<vmem_shared>> -> memref<32x144xf32, #tpu.memory_space<vmem_shared>>
      tpu.enqueue_dma source(%dma_start3A_382 : memref<32x144xf32, #tpu.memory_space<vmem_shared>>) target(%dma_start3A_380 : memref<32x144xf32, #tpu.memory_space<hbm>>) target_semaphore(%run_scoped3A : memref<!tpu.dma_semaphore, #tpu.memory_space<semaphore_mem>>)
      %dma_wait3A_383 = arith.constant 0 : i32
      %dma_wait3A_384 = tpu.memref_slice %arg6[%add3A_298, %dma_wait3A_383] : memref<20480x144xf32, #tpu.memory_space<hbm>> -> memref<32x144xf32, #tpu.memory_space<hbm>>
      %dma_wait3A_385 = arith.constant 0 : i32
      %dma_wait3A_386 = tpu.memref_slice %arg14[%add3A_297, %dma_wait3A_385] : memref<10240x144xf32, #tpu.memory_space<vmem_shared>> -> memref<32x144xf32, #tpu.memory_space<vmem_shared>>
      tpu.wait_dma2 semaphore(%run_scoped3A : memref<!tpu.dma_semaphore, #tpu.memory_space<semaphore_mem>>) src(%dma_wait3A_386 : memref<32x144xf32, #tpu.memory_space<vmem_shared>>) dst(%dma_wait3A_384 : memref<32x144xf32, #tpu.memory_space<hbm>>)
      tpu.yield
    }) : () -> ()
    %mul3A_299 = arith.constant 640 : i32
    %mul3A_300 = arith.muli %arg1, %mul3A_299 : i32
    %add3A_301 = arith.constant 128 : i32
    %add3A_302 = arith.addi %mul3A_300, %add3A_301 : i32
    %add3A_303 = arith.addi %mul3A_89, %add3A_302 : i32
    "tpu.region"() ({
      %run_scoped3A = tpu.sem_alloc : memref<!tpu.dma_semaphore, #tpu.memory_space<semaphore_mem>>
      %dma_start3A_379 = arith.constant 0 : i32
      %dma_start3A_380 = tpu.memref_slice %arg6[%add3A_303, %dma_start3A_379] : memref<20480x144xf32, #tpu.memory_space<hbm>> -> memref<32x144xf32, #tpu.memory_space<hbm>>
      %dma_start3A_381 = arith.constant 0 : i32
      %dma_start3A_382 = tpu.memref_slice %arg14[%add3A_302, %dma_start3A_381] : memref<10240x144xf32, #tpu.memory_space<vmem_shared>> -> memref<32x144xf32, #tpu.memory_space<vmem_shared>>
      tpu.enqueue_dma source(%dma_start3A_382 : memref<32x144xf32, #tpu.memory_space<vmem_shared>>) target(%dma_start3A_380 : memref<32x144xf32, #tpu.memory_space<hbm>>) target_semaphore(%run_scoped3A : memref<!tpu.dma_semaphore, #tpu.memory_space<semaphore_mem>>)
      %dma_wait3A_383 = arith.constant 0 : i32
      %dma_wait3A_384 = tpu.memref_slice %arg6[%add3A_303, %dma_wait3A_383] : memref<20480x144xf32, #tpu.memory_space<hbm>> -> memref<32x144xf32, #tpu.memory_space<hbm>>
      %dma_wait3A_385 = arith.constant 0 : i32
      %dma_wait3A_386 = tpu.memref_slice %arg14[%add3A_302, %dma_wait3A_385] : memref<10240x144xf32, #tpu.memory_space<vmem_shared>> -> memref<32x144xf32, #tpu.memory_space<vmem_shared>>
      tpu.wait_dma2 semaphore(%run_scoped3A : memref<!tpu.dma_semaphore, #tpu.memory_space<semaphore_mem>>) src(%dma_wait3A_386 : memref<32x144xf32, #tpu.memory_space<vmem_shared>>) dst(%dma_wait3A_384 : memref<32x144xf32, #tpu.memory_space<hbm>>)
      tpu.yield
    }) : () -> ()
    %mul3A_304 = arith.constant 640 : i32
    %mul3A_305 = arith.muli %arg1, %mul3A_304 : i32
    %add3A_306 = arith.constant 160 : i32
    %add3A_307 = arith.addi %mul3A_305, %add3A_306 : i32
    %add3A_308 = arith.addi %mul3A_89, %add3A_307 : i32
    "tpu.region"() ({
      %run_scoped3A = tpu.sem_alloc : memref<!tpu.dma_semaphore, #tpu.memory_space<semaphore_mem>>
      %dma_start3A_379 = arith.constant 0 : i32
      %dma_start3A_380 = tpu.memref_slice %arg6[%add3A_308, %dma_start3A_379] : memref<20480x144xf32, #tpu.memory_space<hbm>> -> memref<32x144xf32, #tpu.memory_space<hbm>>
      %dma_start3A_381 = arith.constant 0 : i32
      %dma_start3A_382 = tpu.memref_slice %arg14[%add3A_307, %dma_start3A_381] : memref<10240x144xf32, #tpu.memory_space<vmem_shared>> -> memref<32x144xf32, #tpu.memory_space<vmem_shared>>
      tpu.enqueue_dma source(%dma_start3A_382 : memref<32x144xf32, #tpu.memory_space<vmem_shared>>) target(%dma_start3A_380 : memref<32x144xf32, #tpu.memory_space<hbm>>) target_semaphore(%run_scoped3A : memref<!tpu.dma_semaphore, #tpu.memory_space<semaphore_mem>>)
      %dma_wait3A_383 = arith.constant 0 : i32
      %dma_wait3A_384 = tpu.memref_slice %arg6[%add3A_308, %dma_wait3A_383] : memref<20480x144xf32, #tpu.memory_space<hbm>> -> memref<32x144xf32, #tpu.memory_space<hbm>>
      %dma_wait3A_385 = arith.constant 0 : i32
      %dma_wait3A_386 = tpu.memref_slice %arg14[%add3A_307, %dma_wait3A_385] : memref<10240x144xf32, #tpu.memory_space<vmem_shared>> -> memref<32x144xf32, #tpu.memory_space<vmem_shared>>
      tpu.wait_dma2 semaphore(%run_scoped3A : memref<!tpu.dma_semaphore, #tpu.memory_space<semaphore_mem>>) src(%dma_wait3A_386 : memref<32x144xf32, #tpu.memory_space<vmem_shared>>) dst(%dma_wait3A_384 : memref<32x144xf32, #tpu.memory_space<hbm>>)
      tpu.yield
    }) : () -> ()
    %mul3A_309 = arith.constant 640 : i32
    %mul3A_310 = arith.muli %arg1, %mul3A_309 : i32
    %add3A_311 = arith.constant 192 : i32
    %add3A_312 = arith.addi %mul3A_310, %add3A_311 : i32
    %add3A_313 = arith.addi %mul3A_89, %add3A_312 : i32
    "tpu.region"() ({
      %run_scoped3A = tpu.sem_alloc : memref<!tpu.dma_semaphore, #tpu.memory_space<semaphore_mem>>
      %dma_start3A_379 = arith.constant 0 : i32
      %dma_start3A_380 = tpu.memref_slice %arg6[%add3A_313, %dma_start3A_379] : memref<20480x144xf32, #tpu.memory_space<hbm>> -> memref<32x144xf32, #tpu.memory_space<hbm>>
      %dma_start3A_381 = arith.constant 0 : i32
      %dma_start3A_382 = tpu.memref_slice %arg14[%add3A_312, %dma_start3A_381] : memref<10240x144xf32, #tpu.memory_space<vmem_shared>> -> memref<32x144xf32, #tpu.memory_space<vmem_shared>>
      tpu.enqueue_dma source(%dma_start3A_382 : memref<32x144xf32, #tpu.memory_space<vmem_shared>>) target(%dma_start3A_380 : memref<32x144xf32, #tpu.memory_space<hbm>>) target_semaphore(%run_scoped3A : memref<!tpu.dma_semaphore, #tpu.memory_space<semaphore_mem>>)
      %dma_wait3A_383 = arith.constant 0 : i32
      %dma_wait3A_384 = tpu.memref_slice %arg6[%add3A_313, %dma_wait3A_383] : memref<20480x144xf32, #tpu.memory_space<hbm>> -> memref<32x144xf32, #tpu.memory_space<hbm>>
      %dma_wait3A_385 = arith.constant 0 : i32
      %dma_wait3A_386 = tpu.memref_slice %arg14[%add3A_312, %dma_wait3A_385] : memref<10240x144xf32, #tpu.memory_space<vmem_shared>> -> memref<32x144xf32, #tpu.memory_space<vmem_shared>>
      tpu.wait_dma2 semaphore(%run_scoped3A : memref<!tpu.dma_semaphore, #tpu.memory_space<semaphore_mem>>) src(%dma_wait3A_386 : memref<32x144xf32, #tpu.memory_space<vmem_shared>>) dst(%dma_wait3A_384 : memref<32x144xf32, #tpu.memory_space<hbm>>)
      tpu.yield
    }) : () -> ()
    %mul3A_314 = arith.constant 640 : i32
    %mul3A_315 = arith.muli %arg1, %mul3A_314 : i32
    %add3A_316 = arith.constant 224 : i32
    %add3A_317 = arith.addi %mul3A_315, %add3A_316 : i32
    %add3A_318 = arith.addi %mul3A_89, %add3A_317 : i32
    "tpu.region"() ({
      %run_scoped3A = tpu.sem_alloc : memref<!tpu.dma_semaphore, #tpu.memory_space<semaphore_mem>>
      %dma_start3A_379 = arith.constant 0 : i32
      %dma_start3A_380 = tpu.memref_slice %arg6[%add3A_318, %dma_start3A_379] : memref<20480x144xf32, #tpu.memory_space<hbm>> -> memref<32x144xf32, #tpu.memory_space<hbm>>
      %dma_start3A_381 = arith.constant 0 : i32
      %dma_start3A_382 = tpu.memref_slice %arg14[%add3A_317, %dma_start3A_381] : memref<10240x144xf32, #tpu.memory_space<vmem_shared>> -> memref<32x144xf32, #tpu.memory_space<vmem_shared>>
      tpu.enqueue_dma source(%dma_start3A_382 : memref<32x144xf32, #tpu.memory_space<vmem_shared>>) target(%dma_start3A_380 : memref<32x144xf32, #tpu.memory_space<hbm>>) target_semaphore(%run_scoped3A : memref<!tpu.dma_semaphore, #tpu.memory_space<semaphore_mem>>)
      %dma_wait3A_383 = arith.constant 0 : i32
      %dma_wait3A_384 = tpu.memref_slice %arg6[%add3A_318, %dma_wait3A_383] : memref<20480x144xf32, #tpu.memory_space<hbm>> -> memref<32x144xf32, #tpu.memory_space<hbm>>
      %dma_wait3A_385 = arith.constant 0 : i32
      %dma_wait3A_386 = tpu.memref_slice %arg14[%add3A_317, %dma_wait3A_385] : memref<10240x144xf32, #tpu.memory_space<vmem_shared>> -> memref<32x144xf32, #tpu.memory_space<vmem_shared>>
      tpu.wait_dma2 semaphore(%run_scoped3A : memref<!tpu.dma_semaphore, #tpu.memory_space<semaphore_mem>>) src(%dma_wait3A_386 : memref<32x144xf32, #tpu.memory_space<vmem_shared>>) dst(%dma_wait3A_384 : memref<32x144xf32, #tpu.memory_space<hbm>>)
      tpu.yield
    }) : () -> ()
    %mul3A_319 = arith.constant 640 : i32
    %mul3A_320 = arith.muli %arg1, %mul3A_319 : i32
    %add3A_321 = arith.constant 256 : i32
    %add3A_322 = arith.addi %mul3A_320, %add3A_321 : i32
    %add3A_323 = arith.addi %mul3A_89, %add3A_322 : i32
    "tpu.region"() ({
      %run_scoped3A = tpu.sem_alloc : memref<!tpu.dma_semaphore, #tpu.memory_space<semaphore_mem>>
      %dma_start3A_379 = arith.constant 0 : i32
      %dma_start3A_380 = tpu.memref_slice %arg6[%add3A_323, %dma_start3A_379] : memref<20480x144xf32, #tpu.memory_space<hbm>> -> memref<32x144xf32, #tpu.memory_space<hbm>>
      %dma_start3A_381 = arith.constant 0 : i32
      %dma_start3A_382 = tpu.memref_slice %arg14[%add3A_322, %dma_start3A_381] : memref<10240x144xf32, #tpu.memory_space<vmem_shared>> -> memref<32x144xf32, #tpu.memory_space<vmem_shared>>
      tpu.enqueue_dma source(%dma_start3A_382 : memref<32x144xf32, #tpu.memory_space<vmem_shared>>) target(%dma_start3A_380 : memref<32x144xf32, #tpu.memory_space<hbm>>) target_semaphore(%run_scoped3A : memref<!tpu.dma_semaphore, #tpu.memory_space<semaphore_mem>>)
      %dma_wait3A_383 = arith.constant 0 : i32
      %dma_wait3A_384 = tpu.memref_slice %arg6[%add3A_323, %dma_wait3A_383] : memref<20480x144xf32, #tpu.memory_space<hbm>> -> memref<32x144xf32, #tpu.memory_space<hbm>>
      %dma_wait3A_385 = arith.constant 0 : i32
      %dma_wait3A_386 = tpu.memref_slice %arg14[%add3A_322, %dma_wait3A_385] : memref<10240x144xf32, #tpu.memory_space<vmem_shared>> -> memref<32x144xf32, #tpu.memory_space<vmem_shared>>
      tpu.wait_dma2 semaphore(%run_scoped3A : memref<!tpu.dma_semaphore, #tpu.memory_space<semaphore_mem>>) src(%dma_wait3A_386 : memref<32x144xf32, #tpu.memory_space<vmem_shared>>) dst(%dma_wait3A_384 : memref<32x144xf32, #tpu.memory_space<hbm>>)
      tpu.yield
    }) : () -> ()
    %mul3A_324 = arith.constant 640 : i32
    %mul3A_325 = arith.muli %arg1, %mul3A_324 : i32
    %add3A_326 = arith.constant 288 : i32
    %add3A_327 = arith.addi %mul3A_325, %add3A_326 : i32
    %add3A_328 = arith.addi %mul3A_89, %add3A_327 : i32
    "tpu.region"() ({
      %run_scoped3A = tpu.sem_alloc : memref<!tpu.dma_semaphore, #tpu.memory_space<semaphore_mem>>
      %dma_start3A_379 = arith.constant 0 : i32
      %dma_start3A_380 = tpu.memref_slice %arg6[%add3A_328, %dma_start3A_379] : memref<20480x144xf32, #tpu.memory_space<hbm>> -> memref<32x144xf32, #tpu.memory_space<hbm>>
      %dma_start3A_381 = arith.constant 0 : i32
      %dma_start3A_382 = tpu.memref_slice %arg14[%add3A_327, %dma_start3A_381] : memref<10240x144xf32, #tpu.memory_space<vmem_shared>> -> memref<32x144xf32, #tpu.memory_space<vmem_shared>>
      tpu.enqueue_dma source(%dma_start3A_382 : memref<32x144xf32, #tpu.memory_space<vmem_shared>>) target(%dma_start3A_380 : memref<32x144xf32, #tpu.memory_space<hbm>>) target_semaphore(%run_scoped3A : memref<!tpu.dma_semaphore, #tpu.memory_space<semaphore_mem>>)
      %dma_wait3A_383 = arith.constant 0 : i32
      %dma_wait3A_384 = tpu.memref_slice %arg6[%add3A_328, %dma_wait3A_383] : memref<20480x144xf32, #tpu.memory_space<hbm>> -> memref<32x144xf32, #tpu.memory_space<hbm>>
      %dma_wait3A_385 = arith.constant 0 : i32
      %dma_wait3A_386 = tpu.memref_slice %arg14[%add3A_327, %dma_wait3A_385] : memref<10240x144xf32, #tpu.memory_space<vmem_shared>> -> memref<32x144xf32, #tpu.memory_space<vmem_shared>>
      tpu.wait_dma2 semaphore(%run_scoped3A : memref<!tpu.dma_semaphore, #tpu.memory_space<semaphore_mem>>) src(%dma_wait3A_386 : memref<32x144xf32, #tpu.memory_space<vmem_shared>>) dst(%dma_wait3A_384 : memref<32x144xf32, #tpu.memory_space<hbm>>)
      tpu.yield
    }) : () -> ()
    %mul3A_329 = arith.constant 640 : i32
    %mul3A_330 = arith.muli %arg1, %mul3A_329 : i32
    %add3A_331 = arith.constant 320 : i32
    %add3A_332 = arith.addi %mul3A_330, %add3A_331 : i32
    %add3A_333 = arith.addi %mul3A_89, %add3A_332 : i32
    "tpu.region"() ({
      %run_scoped3A = tpu.sem_alloc : memref<!tpu.dma_semaphore, #tpu.memory_space<semaphore_mem>>
      %dma_start3A_379 = arith.constant 0 : i32
      %dma_start3A_380 = tpu.memref_slice %arg6[%add3A_333, %dma_start3A_379] : memref<20480x144xf32, #tpu.memory_space<hbm>> -> memref<32x144xf32, #tpu.memory_space<hbm>>
      %dma_start3A_381 = arith.constant 0 : i32
      %dma_start3A_382 = tpu.memref_slice %arg14[%add3A_332, %dma_start3A_381] : memref<10240x144xf32, #tpu.memory_space<vmem_shared>> -> memref<32x144xf32, #tpu.memory_space<vmem_shared>>
      tpu.enqueue_dma source(%dma_start3A_382 : memref<32x144xf32, #tpu.memory_space<vmem_shared>>) target(%dma_start3A_380 : memref<32x144xf32, #tpu.memory_space<hbm>>) target_semaphore(%run_scoped3A : memref<!tpu.dma_semaphore, #tpu.memory_space<semaphore_mem>>)
      %dma_wait3A_383 = arith.constant 0 : i32
      %dma_wait3A_384 = tpu.memref_slice %arg6[%add3A_333, %dma_wait3A_383] : memref<20480x144xf32, #tpu.memory_space<hbm>> -> memref<32x144xf32, #tpu.memory_space<hbm>>
      %dma_wait3A_385 = arith.constant 0 : i32
      %dma_wait3A_386 = tpu.memref_slice %arg14[%add3A_332, %dma_wait3A_385] : memref<10240x144xf32, #tpu.memory_space<vmem_shared>> -> memref<32x144xf32, #tpu.memory_space<vmem_shared>>
      tpu.wait_dma2 semaphore(%run_scoped3A : memref<!tpu.dma_semaphore, #tpu.memory_space<semaphore_mem>>) src(%dma_wait3A_386 : memref<32x144xf32, #tpu.memory_space<vmem_shared>>) dst(%dma_wait3A_384 : memref<32x144xf32, #tpu.memory_space<hbm>>)
      tpu.yield
    }) : () -> ()
    %mul3A_334 = arith.constant 640 : i32
    %mul3A_335 = arith.muli %arg1, %mul3A_334 : i32
    %add3A_336 = arith.constant 352 : i32
    %add3A_337 = arith.addi %mul3A_335, %add3A_336 : i32
    %add3A_338 = arith.addi %mul3A_89, %add3A_337 : i32
    "tpu.region"() ({
      %run_scoped3A = tpu.sem_alloc : memref<!tpu.dma_semaphore, #tpu.memory_space<semaphore_mem>>
      %dma_start3A_379 = arith.constant 0 : i32
      %dma_start3A_380 = tpu.memref_slice %arg6[%add3A_338, %dma_start3A_379] : memref<20480x144xf32, #tpu.memory_space<hbm>> -> memref<32x144xf32, #tpu.memory_space<hbm>>
      %dma_start3A_381 = arith.constant 0 : i32
      %dma_start3A_382 = tpu.memref_slice %arg14[%add3A_337, %dma_start3A_381] : memref<10240x144xf32, #tpu.memory_space<vmem_shared>> -> memref<32x144xf32, #tpu.memory_space<vmem_shared>>
      tpu.enqueue_dma source(%dma_start3A_382 : memref<32x144xf32, #tpu.memory_space<vmem_shared>>) target(%dma_start3A_380 : memref<32x144xf32, #tpu.memory_space<hbm>>) target_semaphore(%run_scoped3A : memref<!tpu.dma_semaphore, #tpu.memory_space<semaphore_mem>>)
      %dma_wait3A_383 = arith.constant 0 : i32
      %dma_wait3A_384 = tpu.memref_slice %arg6[%add3A_338, %dma_wait3A_383] : memref<20480x144xf32, #tpu.memory_space<hbm>> -> memref<32x144xf32, #tpu.memory_space<hbm>>
      %dma_wait3A_385 = arith.constant 0 : i32
      %dma_wait3A_386 = tpu.memref_slice %arg14[%add3A_337, %dma_wait3A_385] : memref<10240x144xf32, #tpu.memory_space<vmem_shared>> -> memref<32x144xf32, #tpu.memory_space<vmem_shared>>
      tpu.wait_dma2 semaphore(%run_scoped3A : memref<!tpu.dma_semaphore, #tpu.memory_space<semaphore_mem>>) src(%dma_wait3A_386 : memref<32x144xf32, #tpu.memory_space<vmem_shared>>) dst(%dma_wait3A_384 : memref<32x144xf32, #tpu.memory_space<hbm>>)
      tpu.yield
    }) : () -> ()
    %mul3A_339 = arith.constant 640 : i32
    %mul3A_340 = arith.muli %arg1, %mul3A_339 : i32
    %add3A_341 = arith.constant 384 : i32
    %add3A_342 = arith.addi %mul3A_340, %add3A_341 : i32
    %add3A_343 = arith.addi %mul3A_89, %add3A_342 : i32
    "tpu.region"() ({
      %run_scoped3A = tpu.sem_alloc : memref<!tpu.dma_semaphore, #tpu.memory_space<semaphore_mem>>
      %dma_start3A_379 = arith.constant 0 : i32
      %dma_start3A_380 = tpu.memref_slice %arg6[%add3A_343, %dma_start3A_379] : memref<20480x144xf32, #tpu.memory_space<hbm>> -> memref<32x144xf32, #tpu.memory_space<hbm>>
      %dma_start3A_381 = arith.constant 0 : i32
      %dma_start3A_382 = tpu.memref_slice %arg14[%add3A_342, %dma_start3A_381] : memref<10240x144xf32, #tpu.memory_space<vmem_shared>> -> memref<32x144xf32, #tpu.memory_space<vmem_shared>>
      tpu.enqueue_dma source(%dma_start3A_382 : memref<32x144xf32, #tpu.memory_space<vmem_shared>>) target(%dma_start3A_380 : memref<32x144xf32, #tpu.memory_space<hbm>>) target_semaphore(%run_scoped3A : memref<!tpu.dma_semaphore, #tpu.memory_space<semaphore_mem>>)
      %dma_wait3A_383 = arith.constant 0 : i32
      %dma_wait3A_384 = tpu.memref_slice %arg6[%add3A_343, %dma_wait3A_383] : memref<20480x144xf32, #tpu.memory_space<hbm>> -> memref<32x144xf32, #tpu.memory_space<hbm>>
      %dma_wait3A_385 = arith.constant 0 : i32
      %dma_wait3A_386 = tpu.memref_slice %arg14[%add3A_342, %dma_wait3A_385] : memref<10240x144xf32, #tpu.memory_space<vmem_shared>> -> memref<32x144xf32, #tpu.memory_space<vmem_shared>>
      tpu.wait_dma2 semaphore(%run_scoped3A : memref<!tpu.dma_semaphore, #tpu.memory_space<semaphore_mem>>) src(%dma_wait3A_386 : memref<32x144xf32, #tpu.memory_space<vmem_shared>>) dst(%dma_wait3A_384 : memref<32x144xf32, #tpu.memory_space<hbm>>)
      tpu.yield
    }) : () -> ()
    %mul3A_344 = arith.constant 640 : i32
    %mul3A_345 = arith.muli %arg1, %mul3A_344 : i32
    %add3A_346 = arith.constant 416 : i32
    %add3A_347 = arith.addi %mul3A_345, %add3A_346 : i32
    %add3A_348 = arith.addi %mul3A_89, %add3A_347 : i32
    "tpu.region"() ({
      %run_scoped3A = tpu.sem_alloc : memref<!tpu.dma_semaphore, #tpu.memory_space<semaphore_mem>>
      %dma_start3A_379 = arith.constant 0 : i32
      %dma_start3A_380 = tpu.memref_slice %arg6[%add3A_348, %dma_start3A_379] : memref<20480x144xf32, #tpu.memory_space<hbm>> -> memref<32x144xf32, #tpu.memory_space<hbm>>
      %dma_start3A_381 = arith.constant 0 : i32
      %dma_start3A_382 = tpu.memref_slice %arg14[%add3A_347, %dma_start3A_381] : memref<10240x144xf32, #tpu.memory_space<vmem_shared>> -> memref<32x144xf32, #tpu.memory_space<vmem_shared>>
      tpu.enqueue_dma source(%dma_start3A_382 : memref<32x144xf32, #tpu.memory_space<vmem_shared>>) target(%dma_start3A_380 : memref<32x144xf32, #tpu.memory_space<hbm>>) target_semaphore(%run_scoped3A : memref<!tpu.dma_semaphore, #tpu.memory_space<semaphore_mem>>)
      %dma_wait3A_383 = arith.constant 0 : i32
      %dma_wait3A_384 = tpu.memref_slice %arg6[%add3A_348, %dma_wait3A_383] : memref<20480x144xf32, #tpu.memory_space<hbm>> -> memref<32x144xf32, #tpu.memory_space<hbm>>
      %dma_wait3A_385 = arith.constant 0 : i32
      %dma_wait3A_386 = tpu.memref_slice %arg14[%add3A_347, %dma_wait3A_385] : memref<10240x144xf32, #tpu.memory_space<vmem_shared>> -> memref<32x144xf32, #tpu.memory_space<vmem_shared>>
      tpu.wait_dma2 semaphore(%run_scoped3A : memref<!tpu.dma_semaphore, #tpu.memory_space<semaphore_mem>>) src(%dma_wait3A_386 : memref<32x144xf32, #tpu.memory_space<vmem_shared>>) dst(%dma_wait3A_384 : memref<32x144xf32, #tpu.memory_space<hbm>>)
      tpu.yield
    }) : () -> ()
    %mul3A_349 = arith.constant 640 : i32
    %mul3A_350 = arith.muli %arg1, %mul3A_349 : i32
    %add3A_351 = arith.constant 448 : i32
    %add3A_352 = arith.addi %mul3A_350, %add3A_351 : i32
    %add3A_353 = arith.addi %mul3A_89, %add3A_352 : i32
    "tpu.region"() ({
      %run_scoped3A = tpu.sem_alloc : memref<!tpu.dma_semaphore, #tpu.memory_space<semaphore_mem>>
      %dma_start3A_379 = arith.constant 0 : i32
      %dma_start3A_380 = tpu.memref_slice %arg6[%add3A_353, %dma_start3A_379] : memref<20480x144xf32, #tpu.memory_space<hbm>> -> memref<32x144xf32, #tpu.memory_space<hbm>>
      %dma_start3A_381 = arith.constant 0 : i32
      %dma_start3A_382 = tpu.memref_slice %arg14[%add3A_352, %dma_start3A_381] : memref<10240x144xf32, #tpu.memory_space<vmem_shared>> -> memref<32x144xf32, #tpu.memory_space<vmem_shared>>
      tpu.enqueue_dma source(%dma_start3A_382 : memref<32x144xf32, #tpu.memory_space<vmem_shared>>) target(%dma_start3A_380 : memref<32x144xf32, #tpu.memory_space<hbm>>) target_semaphore(%run_scoped3A : memref<!tpu.dma_semaphore, #tpu.memory_space<semaphore_mem>>)
      %dma_wait3A_383 = arith.constant 0 : i32
      %dma_wait3A_384 = tpu.memref_slice %arg6[%add3A_353, %dma_wait3A_383] : memref<20480x144xf32, #tpu.memory_space<hbm>> -> memref<32x144xf32, #tpu.memory_space<hbm>>
      %dma_wait3A_385 = arith.constant 0 : i32
      %dma_wait3A_386 = tpu.memref_slice %arg14[%add3A_352, %dma_wait3A_385] : memref<10240x144xf32, #tpu.memory_space<vmem_shared>> -> memref<32x144xf32, #tpu.memory_space<vmem_shared>>
      tpu.wait_dma2 semaphore(%run_scoped3A : memref<!tpu.dma_semaphore, #tpu.memory_space<semaphore_mem>>) src(%dma_wait3A_386 : memref<32x144xf32, #tpu.memory_space<vmem_shared>>) dst(%dma_wait3A_384 : memref<32x144xf32, #tpu.memory_space<hbm>>)
      tpu.yield
    }) : () -> ()
    %mul3A_354 = arith.constant 640 : i32
    %mul3A_355 = arith.muli %arg1, %mul3A_354 : i32
    %add3A_356 = arith.constant 480 : i32
    %add3A_357 = arith.addi %mul3A_355, %add3A_356 : i32
    %add3A_358 = arith.addi %mul3A_89, %add3A_357 : i32
    "tpu.region"() ({
      %run_scoped3A = tpu.sem_alloc : memref<!tpu.dma_semaphore, #tpu.memory_space<semaphore_mem>>
      %dma_start3A_379 = arith.constant 0 : i32
      %dma_start3A_380 = tpu.memref_slice %arg6[%add3A_358, %dma_start3A_379] : memref<20480x144xf32, #tpu.memory_space<hbm>> -> memref<32x144xf32, #tpu.memory_space<hbm>>
      %dma_start3A_381 = arith.constant 0 : i32
      %dma_start3A_382 = tpu.memref_slice %arg14[%add3A_357, %dma_start3A_381] : memref<10240x144xf32, #tpu.memory_space<vmem_shared>> -> memref<32x144xf32, #tpu.memory_space<vmem_shared>>
      tpu.enqueue_dma source(%dma_start3A_382 : memref<32x144xf32, #tpu.memory_space<vmem_shared>>) target(%dma_start3A_380 : memref<32x144xf32, #tpu.memory_space<hbm>>) target_semaphore(%run_scoped3A : memref<!tpu.dma_semaphore, #tpu.memory_space<semaphore_mem>>)
      %dma_wait3A_383 = arith.constant 0 : i32
      %dma_wait3A_384 = tpu.memref_slice %arg6[%add3A_358, %dma_wait3A_383] : memref<20480x144xf32, #tpu.memory_space<hbm>> -> memref<32x144xf32, #tpu.memory_space<hbm>>
      %dma_wait3A_385 = arith.constant 0 : i32
      %dma_wait3A_386 = tpu.memref_slice %arg14[%add3A_357, %dma_wait3A_385] : memref<10240x144xf32, #tpu.memory_space<vmem_shared>> -> memref<32x144xf32, #tpu.memory_space<vmem_shared>>
      tpu.wait_dma2 semaphore(%run_scoped3A : memref<!tpu.dma_semaphore, #tpu.memory_space<semaphore_mem>>) src(%dma_wait3A_386 : memref<32x144xf32, #tpu.memory_space<vmem_shared>>) dst(%dma_wait3A_384 : memref<32x144xf32, #tpu.memory_space<hbm>>)
      tpu.yield
    }) : () -> ()
    %mul3A_359 = arith.constant 640 : i32
    %mul3A_360 = arith.muli %arg1, %mul3A_359 : i32
    %add3A_361 = arith.constant 512 : i32
    %add3A_362 = arith.addi %mul3A_360, %add3A_361 : i32
    %add3A_363 = arith.addi %mul3A_89, %add3A_362 : i32
    "tpu.region"() ({
      %run_scoped3A = tpu.sem_alloc : memref<!tpu.dma_semaphore, #tpu.memory_space<semaphore_mem>>
      %dma_start3A_379 = arith.constant 0 : i32
      %dma_start3A_380 = tpu.memref_slice %arg6[%add3A_363, %dma_start3A_379] : memref<20480x144xf32, #tpu.memory_space<hbm>> -> memref<32x144xf32, #tpu.memory_space<hbm>>
      %dma_start3A_381 = arith.constant 0 : i32
      %dma_start3A_382 = tpu.memref_slice %arg14[%add3A_362, %dma_start3A_381] : memref<10240x144xf32, #tpu.memory_space<vmem_shared>> -> memref<32x144xf32, #tpu.memory_space<vmem_shared>>
      tpu.enqueue_dma source(%dma_start3A_382 : memref<32x144xf32, #tpu.memory_space<vmem_shared>>) target(%dma_start3A_380 : memref<32x144xf32, #tpu.memory_space<hbm>>) target_semaphore(%run_scoped3A : memref<!tpu.dma_semaphore, #tpu.memory_space<semaphore_mem>>)
      %dma_wait3A_383 = arith.constant 0 : i32
      %dma_wait3A_384 = tpu.memref_slice %arg6[%add3A_363, %dma_wait3A_383] : memref<20480x144xf32, #tpu.memory_space<hbm>> -> memref<32x144xf32, #tpu.memory_space<hbm>>
      %dma_wait3A_385 = arith.constant 0 : i32
      %dma_wait3A_386 = tpu.memref_slice %arg14[%add3A_362, %dma_wait3A_385] : memref<10240x144xf32, #tpu.memory_space<vmem_shared>> -> memref<32x144xf32, #tpu.memory_space<vmem_shared>>
      tpu.wait_dma2 semaphore(%run_scoped3A : memref<!tpu.dma_semaphore, #tpu.memory_space<semaphore_mem>>) src(%dma_wait3A_386 : memref<32x144xf32, #tpu.memory_space<vmem_shared>>) dst(%dma_wait3A_384 : memref<32x144xf32, #tpu.memory_space<hbm>>)
      tpu.yield
    }) : () -> ()
    %mul3A_364 = arith.constant 640 : i32
    %mul3A_365 = arith.muli %arg1, %mul3A_364 : i32
    %add3A_366 = arith.constant 544 : i32
    %add3A_367 = arith.addi %mul3A_365, %add3A_366 : i32
    %add3A_368 = arith.addi %mul3A_89, %add3A_367 : i32
    "tpu.region"() ({
      %run_scoped3A = tpu.sem_alloc : memref<!tpu.dma_semaphore, #tpu.memory_space<semaphore_mem>>
      %dma_start3A_379 = arith.constant 0 : i32
      %dma_start3A_380 = tpu.memref_slice %arg6[%add3A_368, %dma_start3A_379] : memref<20480x144xf32, #tpu.memory_space<hbm>> -> memref<32x144xf32, #tpu.memory_space<hbm>>
      %dma_start3A_381 = arith.constant 0 : i32
      %dma_start3A_382 = tpu.memref_slice %arg14[%add3A_367, %dma_start3A_381] : memref<10240x144xf32, #tpu.memory_space<vmem_shared>> -> memref<32x144xf32, #tpu.memory_space<vmem_shared>>
      tpu.enqueue_dma source(%dma_start3A_382 : memref<32x144xf32, #tpu.memory_space<vmem_shared>>) target(%dma_start3A_380 : memref<32x144xf32, #tpu.memory_space<hbm>>) target_semaphore(%run_scoped3A : memref<!tpu.dma_semaphore, #tpu.memory_space<semaphore_mem>>)
      %dma_wait3A_383 = arith.constant 0 : i32
      %dma_wait3A_384 = tpu.memref_slice %arg6[%add3A_368, %dma_wait3A_383] : memref<20480x144xf32, #tpu.memory_space<hbm>> -> memref<32x144xf32, #tpu.memory_space<hbm>>
      %dma_wait3A_385 = arith.constant 0 : i32
      %dma_wait3A_386 = tpu.memref_slice %arg14[%add3A_367, %dma_wait3A_385] : memref<10240x144xf32, #tpu.memory_space<vmem_shared>> -> memref<32x144xf32, #tpu.memory_space<vmem_shared>>
      tpu.wait_dma2 semaphore(%run_scoped3A : memref<!tpu.dma_semaphore, #tpu.memory_space<semaphore_mem>>) src(%dma_wait3A_386 : memref<32x144xf32, #tpu.memory_space<vmem_shared>>) dst(%dma_wait3A_384 : memref<32x144xf32, #tpu.memory_space<hbm>>)
      tpu.yield
    }) : () -> ()
    %mul3A_369 = arith.constant 640 : i32
    %mul3A_370 = arith.muli %arg1, %mul3A_369 : i32
    %add3A_371 = arith.constant 576 : i32
    %add3A_372 = arith.addi %mul3A_370, %add3A_371 : i32
    %add3A_373 = arith.addi %mul3A_89, %add3A_372 : i32
    "tpu.region"() ({
      %run_scoped3A = tpu.sem_alloc : memref<!tpu.dma_semaphore, #tpu.memory_space<semaphore_mem>>
      %dma_start3A_379 = arith.constant 0 : i32
      %dma_start3A_380 = tpu.memref_slice %arg6[%add3A_373, %dma_start3A_379] : memref<20480x144xf32, #tpu.memory_space<hbm>> -> memref<32x144xf32, #tpu.memory_space<hbm>>
      %dma_start3A_381 = arith.constant 0 : i32
      %dma_start3A_382 = tpu.memref_slice %arg14[%add3A_372, %dma_start3A_381] : memref<10240x144xf32, #tpu.memory_space<vmem_shared>> -> memref<32x144xf32, #tpu.memory_space<vmem_shared>>
      tpu.enqueue_dma source(%dma_start3A_382 : memref<32x144xf32, #tpu.memory_space<vmem_shared>>) target(%dma_start3A_380 : memref<32x144xf32, #tpu.memory_space<hbm>>) target_semaphore(%run_scoped3A : memref<!tpu.dma_semaphore, #tpu.memory_space<semaphore_mem>>)
      %dma_wait3A_383 = arith.constant 0 : i32
      %dma_wait3A_384 = tpu.memref_slice %arg6[%add3A_373, %dma_wait3A_383] : memref<20480x144xf32, #tpu.memory_space<hbm>> -> memref<32x144xf32, #tpu.memory_space<hbm>>
      %dma_wait3A_385 = arith.constant 0 : i32
      %dma_wait3A_386 = tpu.memref_slice %arg14[%add3A_372, %dma_wait3A_385] : memref<10240x144xf32, #tpu.memory_space<vmem_shared>> -> memref<32x144xf32, #tpu.memory_space<vmem_shared>>
      tpu.wait_dma2 semaphore(%run_scoped3A : memref<!tpu.dma_semaphore, #tpu.memory_space<semaphore_mem>>) src(%dma_wait3A_386 : memref<32x144xf32, #tpu.memory_space<vmem_shared>>) dst(%dma_wait3A_384 : memref<32x144xf32, #tpu.memory_space<hbm>>)
      tpu.yield
    }) : () -> ()
    %mul3A_374 = arith.constant 640 : i32
    %mul3A_375 = arith.muli %arg1, %mul3A_374 : i32
    %add3A_376 = arith.constant 608 : i32
    %add3A_377 = arith.addi %mul3A_375, %add3A_376 : i32
    %add3A_378 = arith.addi %mul3A_89, %add3A_377 : i32
    "tpu.region"() ({
      %run_scoped3A = tpu.sem_alloc : memref<!tpu.dma_semaphore, #tpu.memory_space<semaphore_mem>>
      %dma_start3A_379 = arith.constant 0 : i32
      %dma_start3A_380 = tpu.memref_slice %arg6[%add3A_378, %dma_start3A_379] : memref<20480x144xf32, #tpu.memory_space<hbm>> -> memref<32x144xf32, #tpu.memory_space<hbm>>
      %dma_start3A_381 = arith.constant 0 : i32
      %dma_start3A_382 = tpu.memref_slice %arg14[%add3A_377, %dma_start3A_381] : memref<10240x144xf32, #tpu.memory_space<vmem_shared>> -> memref<32x144xf32, #tpu.memory_space<vmem_shared>>
      tpu.enqueue_dma source(%dma_start3A_382 : memref<32x144xf32, #tpu.memory_space<vmem_shared>>) target(%dma_start3A_380 : memref<32x144xf32, #tpu.memory_space<hbm>>) target_semaphore(%run_scoped3A : memref<!tpu.dma_semaphore, #tpu.memory_space<semaphore_mem>>)
      %dma_wait3A_383 = arith.constant 0 : i32
      %dma_wait3A_384 = tpu.memref_slice %arg6[%add3A_378, %dma_wait3A_383] : memref<20480x144xf32, #tpu.memory_space<hbm>> -> memref<32x144xf32, #tpu.memory_space<hbm>>
      %dma_wait3A_385 = arith.constant 0 : i32
      %dma_wait3A_386 = tpu.memref_slice %arg14[%add3A_377, %dma_wait3A_385] : memref<10240x144xf32, #tpu.memory_space<vmem_shared>> -> memref<32x144xf32, #tpu.memory_space<vmem_shared>>
      tpu.wait_dma2 semaphore(%run_scoped3A : memref<!tpu.dma_semaphore, #tpu.memory_space<semaphore_mem>>) src(%dma_wait3A_386 : memref<32x144xf32, #tpu.memory_space<vmem_shared>>) dst(%dma_wait3A_384 : memref<32x144xf32, #tpu.memory_space<hbm>>)
      tpu.yield
    }) : () -> ()
    return
  }
}

module attributes {stable_mosaic.version = 14 : i64} {
  func.func @_prep_body(%arg0: i32, %arg1: memref<1000x128xf32, #tpu.memory_space<vmem>>, %arg2: memref<16x128xf32, #tpu.memory_space<vmem>>, %arg3: memref<8x32xf32, #tpu.memory_space<vmem>>, %arg4: memref<8x32xf32, #tpu.memory_space<vmem>>, %arg5: memref<2x1000x32xf32, #tpu.memory_space<vmem>>, %arg6: memref<2x1000x16xf32, #tpu.memory_space<vmem>>, %arg7: memref<2x16xf32, #tpu.memory_space<vmem>>, %arg8: memref<2x16xf32, #tpu.memory_space<vmem>>, %arg9: memref<2x16xf32, #tpu.memory_space<vmem>>) attributes {dimension_semantics = [#tpu.dimension_semantics<arbitrary>], iteration_bounds = array<i64: 10>, scalar_prefetch = 0 : i64, scratch_operands = 2 : i64, tpu.core_type = #tpu.core_type<tc>, window_params = [{transform_indices = @transform_0, window_bounds = array<i64: 1000, 128>}, {pipeline_mode = #tpu.pipeline_mode<synchronous>, transform_indices = @transform_1, window_bounds = array<i64: 16, 128>}, {pipeline_mode = #tpu.pipeline_mode<synchronous>, transform_indices = @transform_2, window_bounds = array<i64: 8, 32>}, {pipeline_mode = #tpu.pipeline_mode<synchronous>, transform_indices = @transform_3, window_bounds = array<i64: 8, 32>}, {transform_indices = @transform_4, window_bounds = array<i64: 2, 1000, 32>}, {transform_indices = @transform_5, window_bounds = array<i64: 2, 1000, 16>}, {pipeline_mode = #tpu.pipeline_mode<synchronous>, transform_indices = @transform_6, window_bounds = array<i64: 2, 16>}]} {
    %get3A = arith.constant 0 : index
    %get3A_0 = arith.constant 0 : index
    %get3A_1 = vector.load %arg1[%get3A, %get3A_0] : memref<1000x128xf32, #tpu.memory_space<vmem>>, vector<1000x128xf32>
    %get3A_2 = arith.constant 0 : index
    %get3A_3 = arith.constant 0 : index
    %get3A_4 = vector.load %arg2[%get3A_2, %get3A_3] : memref<16x128xf32, #tpu.memory_space<vmem>>, vector<16x128xf32>
    %dot_general3A = arith.constant dense<0.000000e+00> : vector<1000x16xf32>
    %dot_general3A_5 = tpu.matmul %get3A_1, %get3A_4, %dot_general3A {dimension_numbers = #tpu.dot_dimension_numbers<[1], [1], [0], [0], [0, 0, 1, 0], [], []>, transpose_lhs_hint = false} : vector<1000x128xf32>, vector<16x128xf32>, vector<1000x16xf32> -> vector<1000x16xf32>
    %iota3A = tpu.iota {dimensions = array<i32: 0>} : vector<16x32xi32>
    %iota3A_6 = tpu.iota {dimensions = array<i32: 1>} : vector<16x32xi32>
    %eq3A = arith.cmpi eq, %iota3A, %iota3A_6 : vector<16x32xi32>
    %convert_element_type3A = arith.extui %eq3A : vector<16x32xi1> to vector<16x32xi32>
    %convert_element_type3A_7 = arith.sitofp %convert_element_type3A : vector<16x32xi32> to vector<16x32xf32>
    %iota3A_8 = tpu.iota {dimensions = array<i32: 0>} : vector<8x32xi32>
    %iota3A_9 = tpu.iota {dimensions = array<i32: 1>} : vector<8x32xi32>
    %ge3A = arith.constant 16 : i32
    %ge3A_10 = vector.broadcast %ge3A : i32 to vector<8x32xi32>
    %ge3A_11 = arith.cmpi sge, %iota3A_9, %ge3A_10 : vector<8x32xi32>
    %sub3A = arith.constant 16 : i32
    %sub3A_12 = vector.broadcast %sub3A : i32 to vector<8x32xi32>
    %sub3A_13 = arith.subi %iota3A_9, %sub3A_12 : vector<8x32xi32>
    %jit3A = arith.constant 8 : i32
    %eq3A_14 = arith.constant 0 : i32
    %eq3A_15 = arith.cmpi eq, %jit3A, %eq3A_14 : i32
    %jit3A_16 = arith.constant 1 : i32
    %select_n3A = arith.select %eq3A_15, %jit3A_16, %jit3A : i32
    %rem3A = vector.broadcast %select_n3A : i32 to vector<8x32xi32>
    %rem3A_17 = arith.remsi %sub3A_13, %rem3A : vector<8x32xi32>
    %ne3A = arith.constant 0 : i32
    %ne3A_18 = vector.broadcast %ne3A : i32 to vector<8x32xi32>
    %ne3A_19 = arith.cmpi ne, %rem3A_17, %ne3A_18 : vector<8x32xi32>
    %lt3A = arith.constant 0 : i32
    %lt3A_20 = vector.broadcast %lt3A : i32 to vector<8x32xi32>
    %lt3A_21 = arith.cmpi slt, %rem3A_17, %lt3A_20 : vector<8x32xi32>
    %lt3A_22 = arith.constant 0 : i32
    %lt3A_23 = arith.cmpi slt, %select_n3A, %lt3A_22 : i32
    %ne3A_24 = vector.broadcast %lt3A_23 : i1 to vector<8x32xi1>
    %ne3A_25 = vector.broadcast %ne3A_24 : vector<8x32xi1> to vector<8x32xi1>
    %ne3A_26 = arith.xori %lt3A_21, %ne3A_25 : vector<8x32xi1>
    %and3A = arith.andi %ne3A_26, %ne3A_19 : vector<8x32xi1>
    %add3A = vector.broadcast %select_n3A : i32 to vector<8x32xi32>
    %add3A_27 = arith.addi %rem3A_17, %add3A : vector<8x32xi32>
    %select_n3A_28 = arith.select %and3A, %add3A_27, %rem3A_17 : vector<8x32xi1>, vector<8x32xi32>
    %eq3A_29 = arith.cmpi eq, %select_n3A_28, %iota3A_8 : vector<8x32xi32>
    %and3A_30 = arith.andi %ge3A_11, %eq3A_29 : vector<8x32xi1>
    %convert_element_type3A_31 = arith.extui %and3A_30 : vector<8x32xi1> to vector<8x32xi32>
    %convert_element_type3A_32 = arith.sitofp %convert_element_type3A_31 : vector<8x32xi32> to vector<8x32xf32>
    %iota3A_33 = tpu.iota {dimensions = array<i32: 0>} : vector<8x16xi32>
    %iota3A_34 = tpu.iota {dimensions = array<i32: 1>} : vector<8x16xi32>
    %jit3A_35 = arith.constant 8 : i32
    %eq3A_36 = arith.constant 0 : i32
    %eq3A_37 = arith.cmpi eq, %jit3A_35, %eq3A_36 : i32
    %jit3A_38 = arith.constant 1 : i32
    %select_n3A_39 = arith.select %eq3A_37, %jit3A_38, %jit3A_35 : i32
    %rem3A_40 = vector.broadcast %select_n3A_39 : i32 to vector<8x16xi32>
    %rem3A_41 = arith.remsi %iota3A_34, %rem3A_40 : vector<8x16xi32>
    %ne3A_42 = arith.constant 0 : i32
    %ne3A_43 = vector.broadcast %ne3A_42 : i32 to vector<8x16xi32>
    %ne3A_44 = arith.cmpi ne, %rem3A_41, %ne3A_43 : vector<8x16xi32>
    %lt3A_45 = arith.constant 0 : i32
    %lt3A_46 = vector.broadcast %lt3A_45 : i32 to vector<8x16xi32>
    %lt3A_47 = arith.cmpi slt, %rem3A_41, %lt3A_46 : vector<8x16xi32>
    %lt3A_48 = arith.constant 0 : i32
    %lt3A_49 = arith.cmpi slt, %select_n3A_39, %lt3A_48 : i32
    %ne3A_50 = vector.broadcast %lt3A_49 : i1 to vector<8x16xi1>
    %ne3A_51 = vector.broadcast %ne3A_50 : vector<8x16xi1> to vector<8x16xi1>
    %ne3A_52 = arith.xori %lt3A_47, %ne3A_51 : vector<8x16xi1>
    %and3A_53 = arith.andi %ne3A_52, %ne3A_44 : vector<8x16xi1>
    %add3A_54 = vector.broadcast %select_n3A_39 : i32 to vector<8x16xi32>
    %add3A_55 = arith.addi %rem3A_41, %add3A_54 : vector<8x16xi32>
    %select_n3A_56 = arith.select %and3A_53, %add3A_55, %rem3A_41 : vector<8x16xi1>, vector<8x16xi32>
    %eq3A_57 = arith.cmpi eq, %select_n3A_56, %iota3A_33 : vector<8x16xi32>
    %convert_element_type3A_58 = arith.extui %eq3A_57 : vector<8x16xi1> to vector<8x16xi32>
    %convert_element_type3A_59 = arith.sitofp %convert_element_type3A_58 : vector<8x16xi32> to vector<8x16xf32>
    %convert_element_type3A_60 = arith.truncf %dot_general3A_5 : vector<1000x16xf32> to vector<1000x16xbf16>
    %convert_element_type3A_61 = arith.extf %convert_element_type3A_60 : vector<1000x16xbf16> to vector<1000x16xf32>
    %sub3A_62 = arith.subf %dot_general3A_5, %convert_element_type3A_61 : vector<1000x16xf32>
    %dot_general3A_63 = arith.constant dense<0.000000e+00> : vector<1000x32xf32>
    %dot_general3A_64 = tpu.matmul %convert_element_type3A_61, %convert_element_type3A_7, %dot_general3A_63 {dimension_numbers = #tpu.dot_dimension_numbers<[1], [0], [0], [1], [0, 0, 1, 1], [], []>, transpose_lhs_hint = false} : vector<1000x16xf32>, vector<16x32xf32>, vector<1000x32xf32> -> vector<1000x32xf32>
    %dot_general3A_65 = arith.constant dense<0.000000e+00> : vector<1000x32xf32>
    %dot_general3A_66 = tpu.matmul %sub3A_62, %convert_element_type3A_7, %dot_general3A_65 {dimension_numbers = #tpu.dot_dimension_numbers<[1], [0], [0], [1], [0, 0, 1, 1], [], []>, transpose_lhs_hint = false} : vector<1000x16xf32>, vector<16x32xf32>, vector<1000x32xf32> -> vector<1000x32xf32>
    %add3A_67 = arith.addf %dot_general3A_64, %dot_general3A_66 : vector<1000x32xf32>
    %get3A_68 = arith.constant 0 : index
    %get3A_69 = arith.constant 0 : index
    %get3A_70 = vector.load %arg3[%get3A_68, %get3A_69] : memref<8x32xf32, #tpu.memory_space<vmem>>, vector<8x32xf32>
    %slice3A = vector.extract_strided_slice %get3A_70 {offsets = [0, 0], sizes = [8, 16], strides = [1, 1]} : vector<8x32xf32> to vector<8x16xf32>
    %slice3A_71 = vector.extract_strided_slice %get3A_70 {offsets = [0, 16], sizes = [8, 16], strides = [1, 1]} : vector<8x32xf32> to vector<8x16xf32>
    %dot_general3A_72 = arith.constant dense<0.000000e+00> : vector<1000x8xf32>
    %dot_general3A_73 = tpu.matmul %dot_general3A_5, %slice3A_71, %dot_general3A_72 {dimension_numbers = #tpu.dot_dimension_numbers<[1], [1], [0], [0], [0, 0, 1, 0], [], []>, transpose_lhs_hint = false} : vector<1000x16xf32>, vector<8x16xf32>, vector<1000x8xf32> -> vector<1000x8xf32>
    %dot_general3A_74 = arith.constant dense<0.000000e+00> : vector<1000x8xf32>
    %dot_general3A_75 = tpu.matmul %dot_general3A_5, %slice3A, %dot_general3A_74 {dimension_numbers = #tpu.dot_dimension_numbers<[1], [1], [0], [0], [0, 0, 1, 0], [], []>, transpose_lhs_hint = false} : vector<1000x16xf32>, vector<8x16xf32>, vector<1000x8xf32> -> vector<1000x8xf32>
    %convert_element_type3A_76 = arith.truncf %dot_general3A_73 : vector<1000x8xf32> to vector<1000x8xbf16>
    %convert_element_type3A_77 = arith.extf %convert_element_type3A_76 : vector<1000x8xbf16> to vector<1000x8xf32>
    %sub3A_78 = arith.subf %dot_general3A_73, %convert_element_type3A_77 : vector<1000x8xf32>
    %dot_general3A_79 = arith.constant dense<0.000000e+00> : vector<1000x32xf32>
    %dot_general3A_80 = tpu.matmul %convert_element_type3A_77, %convert_element_type3A_32, %dot_general3A_79 {dimension_numbers = #tpu.dot_dimension_numbers<[1], [0], [0], [1], [0, 0, 1, 1], [], []>, transpose_lhs_hint = false} : vector<1000x8xf32>, vector<8x32xf32>, vector<1000x32xf32> -> vector<1000x32xf32>
    %dot_general3A_81 = arith.constant dense<0.000000e+00> : vector<1000x32xf32>
    %dot_general3A_82 = tpu.matmul %sub3A_78, %convert_element_type3A_32, %dot_general3A_81 {dimension_numbers = #tpu.dot_dimension_numbers<[1], [0], [0], [1], [0, 0, 1, 1], [], []>, transpose_lhs_hint = false} : vector<1000x8xf32>, vector<8x32xf32>, vector<1000x32xf32> -> vector<1000x32xf32>
    %add3A_83 = arith.addf %dot_general3A_80, %dot_general3A_82 : vector<1000x32xf32>
    %add3A_84 = arith.addf %add3A_67, %add3A_83 : vector<1000x32xf32>
    %swap3A = arith.constant 0 : index
    %swap3A_85 = arith.constant 0 : index
    %swap3A_86 = arith.constant 0 : index
    %swap3A_87 = vector.load %arg5[%swap3A, %swap3A_85, %swap3A_86] : memref<2x1000x32xf32, #tpu.memory_space<vmem>>, vector<1x1000x32xf32>
    %swap3A_88 = vector.shape_cast %swap3A_87 : vector<1x1000x32xf32> to vector<1000x32xf32>
    %swap3A_89 = vector.shape_cast %add3A_84 : vector<1000x32xf32> to vector<1x1000x32xf32>
    tpu.vector_store %arg5[%swap3A, %swap3A_85, %swap3A_86], %swap3A_89 {strides = array<i32>} : memref<2x1000x32xf32, #tpu.memory_space<vmem>>, vector<1x1000x32xf32>,
    %convert_element_type3A_90 = arith.truncf %dot_general3A_75 : vector<1000x8xf32> to vector<1000x8xbf16>
    %convert_element_type3A_91 = arith.extf %convert_element_type3A_90 : vector<1000x8xbf16> to vector<1000x8xf32>
    %sub3A_92 = arith.subf %dot_general3A_75, %convert_element_type3A_91 : vector<1000x8xf32>
    %dot_general3A_93 = arith.constant dense<0.000000e+00> : vector<1000x16xf32>
    %dot_general3A_94 = tpu.matmul %convert_element_type3A_91, %convert_element_type3A_59, %dot_general3A_93 {dimension_numbers = #tpu.dot_dimension_numbers<[1], [0], [0], [1], [0, 0, 1, 1], [], []>, transpose_lhs_hint = false} : vector<1000x8xf32>, vector<8x16xf32>, vector<1000x16xf32> -> vector<1000x16xf32>
    %dot_general3A_95 = arith.constant dense<0.000000e+00> : vector<1000x16xf32>
    %dot_general3A_96 = tpu.matmul %sub3A_92, %convert_element_type3A_59, %dot_general3A_95 {dimension_numbers = #tpu.dot_dimension_numbers<[1], [0], [0], [1], [0, 0, 1, 1], [], []>, transpose_lhs_hint = false} : vector<1000x8xf32>, vector<8x16xf32>, vector<1000x16xf32> -> vector<1000x16xf32>
    %add3A_97 = arith.addf %dot_general3A_94, %dot_general3A_96 : vector<1000x16xf32>
    %convert_element_type3A_98 = arith.truncf %dot_general3A_73 : vector<1000x8xf32> to vector<1000x8xbf16>
    %convert_element_type3A_99 = arith.extf %convert_element_type3A_98 : vector<1000x8xbf16> to vector<1000x8xf32>
    %sub3A_100 = arith.subf %dot_general3A_73, %convert_element_type3A_99 : vector<1000x8xf32>
    %dot_general3A_101 = arith.constant dense<0.000000e+00> : vector<1000x16xf32>
    %dot_general3A_102 = tpu.matmul %convert_element_type3A_99, %convert_element_type3A_59, %dot_general3A_101 {dimension_numbers = #tpu.dot_dimension_numbers<[1], [0], [0], [1], [0, 0, 1, 1], [], []>, transpose_lhs_hint = false} : vector<1000x8xf32>, vector<8x16xf32>, vector<1000x16xf32> -> vector<1000x16xf32>
    %dot_general3A_103 = arith.constant dense<0.000000e+00> : vector<1000x16xf32>
    %dot_general3A_104 = tpu.matmul %sub3A_100, %convert_element_type3A_59, %dot_general3A_103 {dimension_numbers = #tpu.dot_dimension_numbers<[1], [0], [0], [1], [0, 0, 1, 1], [], []>, transpose_lhs_hint = false} : vector<1000x8xf32>, vector<8x16xf32>, vector<1000x16xf32> -> vector<1000x16xf32>
    %add3A_105 = arith.addf %dot_general3A_102, %dot_general3A_104 : vector<1000x16xf32>
    %swap3A_106 = arith.constant 0 : index
    %swap3A_107 = arith.constant 0 : index
    %swap3A_108 = arith.constant 0 : index
    %swap3A_109 = vector.load %arg6[%swap3A_106, %swap3A_107, %swap3A_108] : memref<2x1000x16xf32, #tpu.memory_space<vmem>>, vector<1x1000x16xf32>
    %swap3A_110 = vector.shape_cast %swap3A_109 : vector<1x1000x16xf32> to vector<1000x16xf32>
    %swap3A_111 = vector.shape_cast %add3A_97 : vector<1000x16xf32> to vector<1x1000x16xf32>
    tpu.vector_store %arg6[%swap3A_106, %swap3A_107, %swap3A_108], %swap3A_111 {strides = array<i32>} : memref<2x1000x16xf32, #tpu.memory_space<vmem>>, vector<1x1000x16xf32>,
    %reduce_max3A = arith.constant dense<0xFF800000> : vector<16xf32>
    %reduce_max3A_112 = vector.multi_reduction <maximumf>, %add3A_105, %reduce_max3A [0] : vector<1000x16xf32> to vector<16xf32>
    %broadcast_in_dim3A = vector.shape_cast %reduce_max3A_112 : vector<16xf32> to vector<1x16xf32>
    %reduce_max3A_113 = arith.constant dense<0xFF800000> : vector<16xf32>
    %reduce_max3A_114 = vector.multi_reduction <maximumf>, %add3A_97, %reduce_max3A_113 [0] : vector<1000x16xf32> to vector<16xf32>
    %broadcast_in_dim3A_115 = vector.shape_cast %reduce_max3A_114 : vector<16xf32> to vector<1x16xf32>
    %eq3A_116 = arith.constant 0 : i32
    %eq3A_117 = arith.cmpi eq, %arg0, %eq3A_116 : i32
    %convert_element_type3A_118 = arith.extui %eq3A_117 : i1 to i32
    %cond3A = arith.constant 0 : i32
    %cond3A_119 = arith.cmpi ne, %convert_element_type3A_118, %cond3A : i32
    scf.if %cond3A_119 {
      %swap3A_191 = arith.constant 0 : index
      %swap3A_192 = arith.constant 0 : index
      %swap3A_193 = vector.load %arg8[%swap3A_191, %swap3A_192] : memref<2x16xf32, #tpu.memory_space<vmem>>, vector<1x16xf32>
      tpu.vector_store %arg8[%swap3A_191, %swap3A_192], %broadcast_in_dim3A {strides = array<i32>} : memref<2x16xf32, #tpu.memory_space<vmem>>, vector<1x16xf32>,
      %swap3A_194 = arith.constant 0 : index
      %swap3A_195 = arith.constant 0 : index
      %swap3A_196 = vector.load %arg9[%swap3A_194, %swap3A_195] : memref<2x16xf32, #tpu.memory_space<vmem>>, vector<1x16xf32>
      tpu.vector_store %arg9[%swap3A_194, %swap3A_195], %broadcast_in_dim3A_115 {strides = array<i32>} : memref<2x16xf32, #tpu.memory_space<vmem>>, vector<1x16xf32>,
    } else {
    }
    %gt3A = arith.constant 0 : i32
    %gt3A_120 = arith.cmpi sgt, %arg0, %gt3A : i32
    %convert_element_type3A_121 = arith.extui %gt3A_120 : i1 to i32
    %cond3A_122 = arith.constant 0 : i32
    %cond3A_123 = arith.cmpi ne, %convert_element_type3A_121, %cond3A_122 : i32
    scf.if %cond3A_123 {
      %get3A_191 = arith.constant 0 : index
      %get3A_192 = arith.constant 0 : index
      %get3A_193 = vector.load %arg8[%get3A_191, %get3A_192] : memref<2x16xf32, #tpu.memory_space<vmem>>, vector<1x16xf32>
      %max3A = arith.maximumf %get3A_193, %broadcast_in_dim3A : vector<1x16xf32>
      %swap3A_194 = arith.constant 0 : index
      %swap3A_195 = arith.constant 0 : index
      %swap3A_196 = vector.load %arg8[%swap3A_194, %swap3A_195] : memref<2x16xf32, #tpu.memory_space<vmem>>, vector<1x16xf32>
      tpu.vector_store %arg8[%swap3A_194, %swap3A_195], %max3A {strides = array<i32>} : memref<2x16xf32, #tpu.memory_space<vmem>>, vector<1x16xf32>,
      %get3A_197 = arith.constant 0 : index
      %get3A_198 = arith.constant 0 : index
      %get3A_199 = vector.load %arg9[%get3A_197, %get3A_198] : memref<2x16xf32, #tpu.memory_space<vmem>>, vector<1x16xf32>
      %max3A_200 = arith.maximumf %get3A_199, %broadcast_in_dim3A_115 : vector<1x16xf32>
      %swap3A_201 = arith.constant 0 : index
      %swap3A_202 = arith.constant 0 : index
      %swap3A_203 = vector.load %arg9[%swap3A_201, %swap3A_202] : memref<2x16xf32, #tpu.memory_space<vmem>>, vector<1x16xf32>
      tpu.vector_store %arg9[%swap3A_201, %swap3A_202], %max3A_200 {strides = array<i32>} : memref<2x16xf32, #tpu.memory_space<vmem>>, vector<1x16xf32>,
    } else {
    }
    %get3A_124 = arith.constant 0 : index
    %get3A_125 = arith.constant 0 : index
    %get3A_126 = vector.load %arg4[%get3A_124, %get3A_125] : memref<8x32xf32, #tpu.memory_space<vmem>>, vector<8x32xf32>
    %slice3A_127 = vector.extract_strided_slice %get3A_126 {offsets = [0, 0], sizes = [8, 16], strides = [1, 1]} : vector<8x32xf32> to vector<8x16xf32>
    %slice3A_128 = vector.extract_strided_slice %get3A_126 {offsets = [0, 16], sizes = [8, 16], strides = [1, 1]} : vector<8x32xf32> to vector<8x16xf32>
    %dot_general3A_129 = arith.constant dense<0.000000e+00> : vector<1000x8xf32>
    %dot_general3A_130 = tpu.matmul %dot_general3A_5, %slice3A_128, %dot_general3A_129 {dimension_numbers = #tpu.dot_dimension_numbers<[1], [1], [0], [0], [0, 0, 1, 0], [], []>, transpose_lhs_hint = false} : vector<1000x16xf32>, vector<8x16xf32>, vector<1000x8xf32> -> vector<1000x8xf32>
    %dot_general3A_131 = arith.constant dense<0.000000e+00> : vector<1000x8xf32>
    %dot_general3A_132 = tpu.matmul %dot_general3A_5, %slice3A_127, %dot_general3A_131 {dimension_numbers = #tpu.dot_dimension_numbers<[1], [1], [0], [0], [0, 0, 1, 0], [], []>, transpose_lhs_hint = false} : vector<1000x16xf32>, vector<8x16xf32>, vector<1000x8xf32> -> vector<1000x8xf32>
    %convert_element_type3A_133 = arith.truncf %dot_general3A_130 : vector<1000x8xf32> to vector<1000x8xbf16>
    %convert_element_type3A_134 = arith.extf %convert_element_type3A_133 : vector<1000x8xbf16> to vector<1000x8xf32>
    %sub3A_135 = arith.subf %dot_general3A_130, %convert_element_type3A_134 : vector<1000x8xf32>
    %dot_general3A_136 = arith.constant dense<0.000000e+00> : vector<1000x32xf32>
    %dot_general3A_137 = tpu.matmul %convert_element_type3A_134, %convert_element_type3A_32, %dot_general3A_136 {dimension_numbers = #tpu.dot_dimension_numbers<[1], [0], [0], [1], [0, 0, 1, 1], [], []>, transpose_lhs_hint = false} : vector<1000x8xf32>, vector<8x32xf32>, vector<1000x32xf32> -> vector<1000x32xf32>
    %dot_general3A_138 = arith.constant dense<0.000000e+00> : vector<1000x32xf32>
    %dot_general3A_139 = tpu.matmul %sub3A_135, %convert_element_type3A_32, %dot_general3A_138 {dimension_numbers = #tpu.dot_dimension_numbers<[1], [0], [0], [1], [0, 0, 1, 1], [], []>, transpose_lhs_hint = false} : vector<1000x8xf32>, vector<8x32xf32>, vector<1000x32xf32> -> vector<1000x32xf32>
    %add3A_140 = arith.addf %dot_general3A_137, %dot_general3A_139 : vector<1000x32xf32>
    %add3A_141 = arith.addf %add3A_67, %add3A_140 : vector<1000x32xf32>
    %swap3A_142 = arith.constant 1 : index
    %swap3A_143 = arith.constant 0 : index
    %swap3A_144 = arith.constant 0 : index
    %swap3A_145 = vector.load %arg5[%swap3A_142, %swap3A_143, %swap3A_144] : memref<2x1000x32xf32, #tpu.memory_space<vmem>>, vector<1x1000x32xf32>
    %swap3A_146 = vector.shape_cast %swap3A_145 : vector<1x1000x32xf32> to vector<1000x32xf32>
    %swap3A_147 = vector.shape_cast %add3A_141 : vector<1000x32xf32> to vector<1x1000x32xf32>
    tpu.vector_store %arg5[%swap3A_142, %swap3A_143, %swap3A_144], %swap3A_147 {strides = array<i32>} : memref<2x1000x32xf32, #tpu.memory_space<vmem>>, vector<1x1000x32xf32>,
    %convert_element_type3A_148 = arith.truncf %dot_general3A_132 : vector<1000x8xf32> to vector<1000x8xbf16>
    %convert_element_type3A_149 = arith.extf %convert_element_type3A_148 : vector<1000x8xbf16> to vector<1000x8xf32>
    %sub3A_150 = arith.subf %dot_general3A_132, %convert_element_type3A_149 : vector<1000x8xf32>
    %dot_general3A_151 = arith.constant dense<0.000000e+00> : vector<1000x16xf32>
    %dot_general3A_152 = tpu.matmul %convert_element_type3A_149, %convert_element_type3A_59, %dot_general3A_151 {dimension_numbers = #tpu.dot_dimension_numbers<[1], [0], [0], [1], [0, 0, 1, 1], [], []>, transpose_lhs_hint = false} : vector<1000x8xf32>, vector<8x16xf32>, vector<1000x16xf32> -> vector<1000x16xf32>
    %dot_general3A_153 = arith.constant dense<0.000000e+00> : vector<1000x16xf32>
    %dot_general3A_154 = tpu.matmul %sub3A_150, %convert_element_type3A_59, %dot_general3A_153 {dimension_numbers = #tpu.dot_dimension_numbers<[1], [0], [0], [1], [0, 0, 1, 1], [], []>, transpose_lhs_hint = false} : vector<1000x8xf32>, vector<8x16xf32>, vector<1000x16xf32> -> vector<1000x16xf32>
    %add3A_155 = arith.addf %dot_general3A_152, %dot_general3A_154 : vector<1000x16xf32>
    %convert_element_type3A_156 = arith.truncf %dot_general3A_130 : vector<1000x8xf32> to vector<1000x8xbf16>
    %convert_element_type3A_157 = arith.extf %convert_element_type3A_156 : vector<1000x8xbf16> to vector<1000x8xf32>
    %sub3A_158 = arith.subf %dot_general3A_130, %convert_element_type3A_157 : vector<1000x8xf32>
    %dot_general3A_159 = arith.constant dense<0.000000e+00> : vector<1000x16xf32>
    %dot_general3A_160 = tpu.matmul %convert_element_type3A_157, %convert_element_type3A_59, %dot_general3A_159 {dimension_numbers = #tpu.dot_dimension_numbers<[1], [0], [0], [1], [0, 0, 1, 1], [], []>, transpose_lhs_hint = false} : vector<1000x8xf32>, vector<8x16xf32>, vector<1000x16xf32> -> vector<1000x16xf32>
    %dot_general3A_161 = arith.constant dense<0.000000e+00> : vector<1000x16xf32>
    %dot_general3A_162 = tpu.matmul %sub3A_158, %convert_element_type3A_59, %dot_general3A_161 {dimension_numbers = #tpu.dot_dimension_numbers<[1], [0], [0], [1], [0, 0, 1, 1], [], []>, transpose_lhs_hint = false} : vector<1000x8xf32>, vector<8x16xf32>, vector<1000x16xf32> -> vector<1000x16xf32>
    %add3A_163 = arith.addf %dot_general3A_160, %dot_general3A_162 : vector<1000x16xf32>
    %swap3A_164 = arith.constant 1 : index
    %swap3A_165 = arith.constant 0 : index
    %swap3A_166 = arith.constant 0 : index
    %swap3A_167 = vector.load %arg6[%swap3A_164, %swap3A_165, %swap3A_166] : memref<2x1000x16xf32, #tpu.memory_space<vmem>>, vector<1x1000x16xf32>
    %swap3A_168 = vector.shape_cast %swap3A_167 : vector<1x1000x16xf32> to vector<1000x16xf32>
    %swap3A_169 = vector.shape_cast %add3A_155 : vector<1000x16xf32> to vector<1x1000x16xf32>
    tpu.vector_store %arg6[%swap3A_164, %swap3A_165, %swap3A_166], %swap3A_169 {strides = array<i32>} : memref<2x1000x16xf32, #tpu.memory_space<vmem>>, vector<1x1000x16xf32>,
    %reduce_max3A_170 = arith.constant dense<0xFF800000> : vector<16xf32>
    %reduce_max3A_171 = vector.multi_reduction <maximumf>, %add3A_163, %reduce_max3A_170 [0] : vector<1000x16xf32> to vector<16xf32>
    %broadcast_in_dim3A_172 = vector.shape_cast %reduce_max3A_171 : vector<16xf32> to vector<1x16xf32>
    %reduce_max3A_173 = arith.constant dense<0xFF800000> : vector<16xf32>
    %reduce_max3A_174 = vector.multi_reduction <maximumf>, %add3A_155, %reduce_max3A_173 [0] : vector<1000x16xf32> to vector<16xf32>
    %broadcast_in_dim3A_175 = vector.shape_cast %reduce_max3A_174 : vector<16xf32> to vector<1x16xf32>
    %eq3A_176 = arith.constant 0 : i32
    %eq3A_177 = arith.cmpi eq, %arg0, %eq3A_176 : i32
    %convert_element_type3A_178 = arith.extui %eq3A_177 : i1 to i32
    %cond3A_179 = arith.constant 0 : i32
    %cond3A_180 = arith.cmpi ne, %convert_element_type3A_178, %cond3A_179 : i32
    scf.if %cond3A_180 {
      %swap3A_191 = arith.constant 1 : index
      %swap3A_192 = arith.constant 0 : index
      %swap3A_193 = vector.load %arg8[%swap3A_191, %swap3A_192] : memref<2x16xf32, #tpu.memory_space<vmem>>, vector<1x16xf32>
      tpu.vector_store %arg8[%swap3A_191, %swap3A_192], %broadcast_in_dim3A_172 {strides = array<i32>} : memref<2x16xf32, #tpu.memory_space<vmem>>, vector<1x16xf32>,
      %swap3A_194 = arith.constant 1 : index
      %swap3A_195 = arith.constant 0 : index
      %swap3A_196 = vector.load %arg9[%swap3A_194, %swap3A_195] : memref<2x16xf32, #tpu.memory_space<vmem>>, vector<1x16xf32>
      tpu.vector_store %arg9[%swap3A_194, %swap3A_195], %broadcast_in_dim3A_175 {strides = array<i32>} : memref<2x16xf32, #tpu.memory_space<vmem>>, vector<1x16xf32>,
    } else {
    }
    %gt3A_181 = arith.constant 0 : i32
    %gt3A_182 = arith.cmpi sgt, %arg0, %gt3A_181 : i32
    %convert_element_type3A_183 = arith.extui %gt3A_182 : i1 to i32
    %cond3A_184 = arith.constant 0 : i32
    %cond3A_185 = arith.cmpi ne, %convert_element_type3A_183, %cond3A_184 : i32
    scf.if %cond3A_185 {
      %get3A_191 = arith.constant 1 : index
      %get3A_192 = arith.constant 0 : index
      %get3A_193 = vector.load %arg8[%get3A_191, %get3A_192] : memref<2x16xf32, #tpu.memory_space<vmem>>, vector<1x16xf32>
      %max3A = arith.maximumf %get3A_193, %broadcast_in_dim3A_172 : vector<1x16xf32>
      %swap3A_194 = arith.constant 1 : index
      %swap3A_195 = arith.constant 0 : index
      %swap3A_196 = vector.load %arg8[%swap3A_194, %swap3A_195] : memref<2x16xf32, #tpu.memory_space<vmem>>, vector<1x16xf32>
      tpu.vector_store %arg8[%swap3A_194, %swap3A_195], %max3A {strides = array<i32>} : memref<2x16xf32, #tpu.memory_space<vmem>>, vector<1x16xf32>,
      %get3A_197 = arith.constant 1 : index
      %get3A_198 = arith.constant 0 : index
      %get3A_199 = vector.load %arg9[%get3A_197, %get3A_198] : memref<2x16xf32, #tpu.memory_space<vmem>>, vector<1x16xf32>
      %max3A_200 = arith.maximumf %get3A_199, %broadcast_in_dim3A_175 : vector<1x16xf32>
      %swap3A_201 = arith.constant 1 : index
      %swap3A_202 = arith.constant 0 : index
      %swap3A_203 = vector.load %arg9[%swap3A_201, %swap3A_202] : memref<2x16xf32, #tpu.memory_space<vmem>>, vector<1x16xf32>
      tpu.vector_store %arg9[%swap3A_201, %swap3A_202], %max3A_200 {strides = array<i32>} : memref<2x16xf32, #tpu.memory_space<vmem>>, vector<1x16xf32>,
    } else {
    }
    %eq3A_186 = arith.constant 9 : i32
    %eq3A_187 = arith.cmpi eq, %arg0, %eq3A_186 : i32
    %convert_element_type3A_188 = arith.extui %eq3A_187 : i1 to i32
    %cond3A_189 = arith.constant 0 : i32
    %cond3A_190 = arith.cmpi ne, %convert_element_type3A_188, %cond3A_189 : i32
    scf.if %cond3A_190 {
      %get3A_191 = arith.constant 0 : index
      %get3A_192 = arith.constant 0 : index
      %get3A_193 = vector.load %arg8[%get3A_191, %get3A_192] : memref<2x16xf32, #tpu.memory_space<vmem>>, vector<2x16xf32>
      %get3A_194 = arith.constant 0 : index
      %get3A_195 = arith.constant 0 : index
      %get3A_196 = vector.load %arg9[%get3A_194, %get3A_195] : memref<2x16xf32, #tpu.memory_space<vmem>>, vector<2x16xf32>
      %add3A_197 = arith.addf %get3A_193, %get3A_196 : vector<2x16xf32>
      %ge3A_198 = arith.constant 0.000000e+00 : f32
      %ge3A_199 = vector.broadcast %ge3A_198 : f32 to vector<2x16xf32>
      %ge3A_200 = arith.cmpf oge, %add3A_197, %ge3A_199 : vector<2x16xf32>
      %mul3A = arith.constant 2.000000e-01 : f32
      %mul3A_201 = vector.broadcast %mul3A : f32 to vector<2x16xf32>
      %mul3A_202 = arith.mulf %mul3A_201, %add3A_197 : vector<2x16xf32>
      %select_n3A_203 = arith.select %ge3A_200, %add3A_197, %mul3A_202 : vector<2x16xi1>, vector<2x16xf32>
      %swap3A_204 = arith.constant 0 : index
      %swap3A_205 = arith.constant 0 : index
      %swap3A_206 = vector.load %arg7[%swap3A_204, %swap3A_205] : memref<2x16xf32, #tpu.memory_space<vmem>>, vector<2x16xf32>
      tpu.vector_store %arg7[%swap3A_204, %swap3A_205], %select_n3A_203 {strides = array<i32>} : memref<2x16xf32, #tpu.memory_space<vmem>>, vector<2x16xf32>,
    } else {
    }
    return
  }
  func.func @transform_0(%arg0: i32) -> (i32, i32) {
    %c0_i32 = arith.constant 0 : i32
    %c0_i32_0 = arith.constant 0 : i32
    return %arg0, %c0_i32 : i32, i32
  }
  func.func @transform_1(%arg0: i32) -> (i32, i32) {
    %c0_i32 = arith.constant 0 : i32
    %c0_i32_0 = arith.constant 0 : i32
    %c0_i32_1 = arith.constant 0 : i32
    return %c0_i32, %c0_i32_0 : i32, i32
  }
  func.func @transform_2(%arg0: i32) -> (i32, i32) {
    %c0_i32 = arith.constant 0 : i32
    %c0_i32_0 = arith.constant 0 : i32
    %c0_i32_1 = arith.constant 0 : i32
    return %c0_i32, %c0_i32_0 : i32, i32
  }
  func.func @transform_3(%arg0: i32) -> (i32, i32) {
    %c0_i32 = arith.constant 0 : i32
    %c0_i32_0 = arith.constant 0 : i32
    %c0_i32_1 = arith.constant 0 : i32
    return %c0_i32, %c0_i32_0 : i32, i32
  }
  func.func @transform_4(%arg0: i32) -> (i32, i32, i32) {
    %c0_i32 = arith.constant 0 : i32
    %c0_i32_0 = arith.constant 0 : i32
    %c0_i32_1 = arith.constant 0 : i32
    return %c0_i32, %arg0, %c0_i32_0 : i32, i32, i32
  }
  func.func @transform_5(%arg0: i32) -> (i32, i32, i32) {
    %c0_i32 = arith.constant 0 : i32
    %c0_i32_0 = arith.constant 0 : i32
    %c0_i32_1 = arith.constant 0 : i32
    return %c0_i32, %arg0, %c0_i32_0 : i32, i32, i32
  }
  func.func @transform_6(%arg0: i32) -> (i32, i32) {
    %c0_i32 = arith.constant 0 : i32
    %c0_i32_0 = arith.constant 0 : i32
    %c0_i32_1 = arith.constant 0 : i32
    return %c0_i32, %c0_i32_0 : i32, i32
  }
}

module attributes {stable_mosaic.version = 14 : i64} {
  func.func @_finish_body(%arg0: i32, %arg1: i32, %arg2: memref<2x1024x144xf32, #tpu.memory_space<vmem>>, %arg3: memref<2x1024x32xf32, #tpu.memory_space<vmem>>, %arg4: memref<2x1024x16xf32, #tpu.memory_space<vmem>>, %arg5: memref<2x16xf32, #tpu.memory_space<vmem>>, %arg6: memref<128x128xf32, #tpu.memory_space<vmem>>, %arg7: memref<1x128xf32, #tpu.memory_space<vmem>>, %arg8: memref<1x128xf32, #tpu.memory_space<vmem>>, %arg9: memref<1024x128xf32, #tpu.memory_space<vmem>>, %arg10: memref<2x10240x128xf32, #tpu.memory_space<vmem>>, %arg11: memref<1x128xf32, #tpu.memory_space<vmem>>) attributes {dimension_semantics = [#tpu.dimension_semantics<arbitrary>, #tpu.dimension_semantics<arbitrary>], iteration_bounds = array<i64: 2, 10>, scalar_prefetch = 0 : i64, scratch_operands = 2 : i64, tpu.core_type = #tpu.core_type<tc>, window_params = [{transform_indices = @transform_0, window_bounds = array<i64: 2, 1024, 144>}, {transform_indices = @transform_1, window_bounds = array<i64: 2, 1024, 32>}, {transform_indices = @transform_2, window_bounds = array<i64: 2, 1024, 16>}, {pipeline_mode = #tpu.pipeline_mode<synchronous>, transform_indices = @transform_3, window_bounds = array<i64: 2, 16>}, {pipeline_mode = #tpu.pipeline_mode<synchronous>, transform_indices = @transform_4, window_bounds = array<i64: 128, 128>}, {pipeline_mode = #tpu.pipeline_mode<synchronous>, transform_indices = @transform_5, window_bounds = array<i64: 1, 128>}, {pipeline_mode = #tpu.pipeline_mode<synchronous>, transform_indices = @transform_6, window_bounds = array<i64: 1, 128>}, {transform_indices = @transform_7, window_bounds = array<i64: 1024, 128>}]} {
    %eq3A = arith.constant 0 : i32
    %eq3A_0 = arith.cmpi eq, %arg0, %eq3A : i32
    %convert_element_type3A = arith.extui %eq3A_0 : i1 to i32
    %cond3A = arith.constant 0 : i32
    %cond3A_1 = arith.cmpi ne, %convert_element_type3A, %cond3A : i32
    scf.if %cond3A_1 {
      %mul3A = arith.constant 1024 : i32
      %mul3A_7 = arith.muli %arg1, %mul3A : i32
      %iota3A = tpu.iota {dimensions = array<i32: 0>} : vector<1024x1xi32>
      %add3A = vector.broadcast %mul3A_7 : i32 to vector<1024x1xi32>
      %add3A_8 = arith.addi %add3A, %iota3A : vector<1024x1xi32>
      %lt3A = arith.constant 10000 : i32
      %lt3A_9 = vector.broadcast %lt3A : i32 to vector<1024x1xi32>
      %lt3A_10 = arith.cmpi slt, %add3A_8, %lt3A_9 : vector<1024x1xi32>
      %iota3A_11 = tpu.iota {dimensions = array<i32: 0>} : vector<8x128xi32>
      %iota3A_12 = tpu.iota {dimensions = array<i32: 1>} : vector<8x128xi32>
      %jit3A = arith.constant 16 : i32
      %div3A = vector.broadcast %jit3A : i32 to vector<8x128xi32>
      %div3A_13 = arith.divsi %iota3A_12, %div3A : vector<8x128xi32>
      %sign3A = arith.constant 0 : i32
      %sign3A_14 = vector.broadcast %sign3A : i32 to vector<8x128xi32>
      %sign3A_15 = arith.cmpi sgt, %iota3A_12, %sign3A_14 : vector<8x128xi32>
      %sign3A_16 = arith.extui %sign3A_15 : vector<8x128xi1> to vector<8x128xi32>
      %sign3A_17 = arith.constant 0 : i32
      %sign3A_18 = vector.broadcast %sign3A_17 : i32 to vector<8x128xi32>
      %sign3A_19 = arith.cmpi slt, %iota3A_12, %sign3A_18 : vector<8x128xi32>
      %sign3A_20 = arith.extui %sign3A_19 : vector<8x128xi1> to vector<8x128xi32>
      %sign3A_21 = arith.subi %sign3A_16, %sign3A_20 : vector<8x128xi32>
      %sign3A_22 = arith.constant 0 : i32
      %sign3A_23 = arith.cmpi sgt, %jit3A, %sign3A_22 : i32
      %sign3A_24 = arith.extui %sign3A_23 : i1 to i32
      %sign3A_25 = arith.constant 0 : i32
      %sign3A_26 = arith.cmpi slt, %jit3A, %sign3A_25 : i32
      %sign3A_27 = arith.extui %sign3A_26 : i1 to i32
      %sign3A_28 = arith.subi %sign3A_24, %sign3A_27 : i32
      %ne3A = vector.broadcast %sign3A_28 : i32 to vector<8x128xi32>
      %ne3A_29 = arith.cmpi ne, %sign3A_21, %ne3A : vector<8x128xi32>
      %rem3A = vector.broadcast %jit3A : i32 to vector<8x128xi32>
      %rem3A_30 = arith.remsi %iota3A_12, %rem3A : vector<8x128xi32>
      %ne3A_31 = arith.constant 0 : i32
      %ne3A_32 = vector.broadcast %ne3A_31 : i32 to vector<8x128xi32>
      %ne3A_33 = arith.cmpi ne, %rem3A_30, %ne3A_32 : vector<8x128xi32>
      %and3A = arith.andi %ne3A_29, %ne3A_33 : vector<8x128xi1>
      %sub3A = arith.constant 1 : i32
      %sub3A_34 = vector.broadcast %sub3A : i32 to vector<8x128xi32>
      %sub3A_35 = arith.subi %div3A_13, %sub3A_34 : vector<8x128xi32>
      %select_n3A = arith.select %and3A, %sub3A_35, %div3A_13 : vector<8x128xi1>, vector<8x128xi32>
      %eq3A_36 = arith.cmpi eq, %select_n3A, %iota3A_11 : vector<8x128xi32>
      %convert_element_type3A_37 = arith.extui %eq3A_36 : vector<8x128xi1> to vector<8x128xi32>
      %convert_element_type3A_38 = arith.sitofp %convert_element_type3A_37 : vector<8x128xi32> to vector<8x128xf32>
      %iota3A_39 = tpu.iota {dimensions = array<i32: 0>} : vector<16x128xi32>
      %iota3A_40 = tpu.iota {dimensions = array<i32: 1>} : vector<16x128xi32>
      %jit3A_41 = arith.constant 16 : i32
      %eq3A_42 = arith.constant 0 : i32
      %eq3A_43 = arith.cmpi eq, %jit3A_41, %eq3A_42 : i32
      %jit3A_44 = arith.constant 1 : i32
      %select_n3A_45 = arith.select %eq3A_43, %jit3A_44, %jit3A_41 : i32
      %rem3A_46 = vector.broadcast %select_n3A_45 : i32 to vector<16x128xi32>
      %rem3A_47 = arith.remsi %iota3A_40, %rem3A_46 : vector<16x128xi32>
      %ne3A_48 = arith.constant 0 : i32
      %ne3A_49 = vector.broadcast %ne3A_48 : i32 to vector<16x128xi32>
      %ne3A_50 = arith.cmpi ne, %rem3A_47, %ne3A_49 : vector<16x128xi32>
      %lt3A_51 = arith.constant 0 : i32
      %lt3A_52 = vector.broadcast %lt3A_51 : i32 to vector<16x128xi32>
      %lt3A_53 = arith.cmpi slt, %rem3A_47, %lt3A_52 : vector<16x128xi32>
      %lt3A_54 = arith.constant 0 : i32
      %lt3A_55 = arith.cmpi slt, %select_n3A_45, %lt3A_54 : i32
      %ne3A_56 = vector.broadcast %lt3A_55 : i1 to vector<16x128xi1>
      %ne3A_57 = vector.broadcast %ne3A_56 : vector<16x128xi1> to vector<16x128xi1>
      %ne3A_58 = arith.xori %lt3A_53, %ne3A_57 : vector<16x128xi1>
      %and3A_59 = arith.andi %ne3A_58, %ne3A_50 : vector<16x128xi1>
      %add3A_60 = vector.broadcast %select_n3A_45 : i32 to vector<16x128xi32>
      %add3A_61 = arith.addi %rem3A_47, %add3A_60 : vector<16x128xi32>
      %select_n3A_62 = arith.select %and3A_59, %add3A_61, %rem3A_47 : vector<16x128xi1>, vector<16x128xi32>
      %eq3A_63 = arith.cmpi eq, %select_n3A_62, %iota3A_39 : vector<16x128xi32>
      %convert_element_type3A_64 = arith.extui %eq3A_63 : vector<16x128xi1> to vector<16x128xi32>
      %convert_element_type3A_65 = arith.sitofp %convert_element_type3A_64 : vector<16x128xi32> to vector<16x128xf32>
      %get3A = arith.constant 0 : index
      %get3A_66 = arith.constant 0 : index
      %get3A_67 = arith.constant 0 : index
      %get3A_68 = vector.load %arg2[%get3A, %get3A_66, %get3A_67] : memref<2x1024x144xf32, #tpu.memory_space<vmem>>, vector<1x1024x144xf32>
      %get3A_69 = vector.shape_cast %get3A_68 : vector<1x1024x144xf32> to vector<1024x144xf32>
      %slice3A = vector.extract_strided_slice %get3A_69 {offsets = [0, 0], sizes = [1024, 128], strides = [1, 1]} : vector<1024x144xf32> to vector<1024x128xf32>
      %slice3A_70 = vector.extract_strided_slice %get3A_69 {offsets = [0, 128], sizes = [1024, 8], strides = [1, 1]} : vector<1024x144xf32> to vector<1024x8xf32>
      %get3A_71 = arith.constant 0 : index
      %get3A_72 = arith.constant 0 : index
      %get3A_73 = arith.constant 0 : index
      %get3A_74 = vector.load %arg3[%get3A_71, %get3A_72, %get3A_73] : memref<2x1024x32xf32, #tpu.memory_space<vmem>>, vector<1x1024x32xf32>
      %get3A_75 = vector.shape_cast %get3A_74 : vector<1x1024x32xf32> to vector<1024x32xf32>
      %slice3A_76 = vector.extract_strided_slice %get3A_75 {offsets = [0, 0], sizes = [1024, 16], strides = [1, 1]} : vector<1024x32xf32> to vector<1024x16xf32>
      %get3A_77 = arith.constant 0 : index
      %get3A_78 = arith.constant 0 : index
      %get3A_79 = arith.constant 0 : index
      %get3A_80 = vector.load %arg3[%get3A_77, %get3A_78, %get3A_79] : memref<2x1024x32xf32, #tpu.memory_space<vmem>>, vector<1x1024x32xf32>
      %get3A_81 = vector.shape_cast %get3A_80 : vector<1x1024x32xf32> to vector<1024x32xf32>
      %slice3A_82 = vector.extract_strided_slice %get3A_81 {offsets = [0, 16], sizes = [1024, 8], strides = [1, 1]} : vector<1024x32xf32> to vector<1024x8xf32>
      %get3A_83 = arith.constant 0 : index
      %get3A_84 = arith.constant 0 : index
      %get3A_85 = arith.constant 0 : index
      %get3A_86 = vector.load %arg4[%get3A_83, %get3A_84, %get3A_85] : memref<2x1024x16xf32, #tpu.memory_space<vmem>>, vector<1x1024x16xf32>
      %get3A_87 = vector.shape_cast %get3A_86 : vector<1x1024x16xf32> to vector<1024x16xf32>
      %slice3A_88 = vector.extract_strided_slice %get3A_87 {offsets = [0, 0], sizes = [1024, 8], strides = [1, 1]} : vector<1024x16xf32> to vector<1024x8xf32>
      %get3A_89 = arith.constant 0 : index
      %get3A_90 = arith.constant 0 : index
      %get3A_91 = vector.load %arg5[%get3A_89, %get3A_90] : memref<2x16xf32, #tpu.memory_space<vmem>>, vector<2x16xf32>
      %slice3A_92 = vector.extract_strided_slice %get3A_91 {offsets = [0, 0], sizes = [1, 8], strides = [1, 1]} : vector<2x16xf32> to vector<1x8xf32>
      %squeeze3A = vector.shape_cast %slice3A_92 : vector<1x8xf32> to vector<8xf32>
      %add3A_93 = arith.addf %slice3A_82, %slice3A_88 : vector<1024x8xf32>
      %ge3A = arith.constant 0.000000e+00 : f32
      %ge3A_94 = vector.broadcast %ge3A : f32 to vector<1024x8xf32>
      %ge3A_95 = arith.cmpf oge, %add3A_93, %ge3A_94 : vector<1024x8xf32>
      %mul3A_96 = arith.constant 2.000000e-01 : f32
      %mul3A_97 = vector.broadcast %mul3A_96 : f32 to vector<1024x8xf32>
      %mul3A_98 = arith.mulf %mul3A_97, %add3A_93 : vector<1024x8xf32>
      %select_n3A_99 = arith.select %ge3A_95, %add3A_93, %mul3A_98 : vector<1024x8xi1>, vector<1024x8xf32>
      %broadcast_in_dim3A = vector.shape_cast %squeeze3A : vector<8xf32> to vector<1x8xf32>
      %sub3A_100 = vector.broadcast %broadcast_in_dim3A : vector<1x8xf32> to vector<1024x8xf32>
      %sub3A_101 = arith.subf %select_n3A_99, %sub3A_100 : vector<1024x8xf32>
      %exp3A = math.exp %sub3A_101 : vector<1024x8xf32>
      %add3A_102 = arith.addf %slice3A_70, %exp3A : vector<1024x8xf32>
      %add3A_103 = arith.constant 1.000000e-16 : f32
      %add3A_104 = vector.broadcast %add3A_103 : f32 to vector<1024x8xf32>
      %add3A_105 = arith.addf %add3A_102, %add3A_104 : vector<1024x8xf32>
      %div3A_106 = arith.constant 1.000000e+00 : f32
      %div3A_107 = vector.broadcast %div3A_106 : f32 to vector<1024x8xf32>
      %div3A_108 = arith.divf %div3A_107, %add3A_105 : vector<1024x8xf32>
      %convert_element_type3A_109 = arith.truncf %exp3A : vector<1024x8xf32> to vector<1024x8xbf16>
      %convert_element_type3A_110 = arith.extf %convert_element_type3A_109 : vector<1024x8xbf16> to vector<1024x8xf32>
      %sub3A_111 = arith.subf %exp3A, %convert_element_type3A_110 : vector<1024x8xf32>
      %dot_general3A = arith.constant dense<0.000000e+00> : vector<1024x128xf32>
      %dot_general3A_112 = tpu.matmul %convert_element_type3A_110, %convert_element_type3A_38, %dot_general3A {dimension_numbers = #tpu.dot_dimension_numbers<[1], [0], [0], [1], [0, 0, 1, 1], [], []>, transpose_lhs_hint = false} : vector<1024x8xf32>, vector<8x128xf32>, vector<1024x128xf32> -> vector<1024x128xf32>
      %dot_general3A_113 = arith.constant dense<0.000000e+00> : vector<1024x128xf32>
      %dot_general3A_114 = tpu.matmul %sub3A_111, %convert_element_type3A_38, %dot_general3A_113 {dimension_numbers = #tpu.dot_dimension_numbers<[1], [0], [0], [1], [0, 0, 1, 1], [], []>, transpose_lhs_hint = false} : vector<1024x8xf32>, vector<8x128xf32>, vector<1024x128xf32> -> vector<1024x128xf32>
      %add3A_115 = arith.addf %dot_general3A_112, %dot_general3A_114 : vector<1024x128xf32>
      %convert_element_type3A_116 = arith.truncf %div3A_108 : vector<1024x8xf32> to vector<1024x8xbf16>
      %convert_element_type3A_117 = arith.extf %convert_element_type3A_116 : vector<1024x8xbf16> to vector<1024x8xf32>
      %sub3A_118 = arith.subf %div3A_108, %convert_element_type3A_117 : vector<1024x8xf32>
      %dot_general3A_119 = arith.constant dense<0.000000e+00> : vector<1024x128xf32>
      %dot_general3A_120 = tpu.matmul %convert_element_type3A_117, %convert_element_type3A_38, %dot_general3A_119 {dimension_numbers = #tpu.dot_dimension_numbers<[1], [0], [0], [1], [0, 0, 1, 1], [], []>, transpose_lhs_hint = false} : vector<1024x8xf32>, vector<8x128xf32>, vector<1024x128xf32> -> vector<1024x128xf32>
      %dot_general3A_121 = arith.constant dense<0.000000e+00> : vector<1024x128xf32>
      %dot_general3A_122 = tpu.matmul %sub3A_118, %convert_element_type3A_38, %dot_general3A_121 {dimension_numbers = #tpu.dot_dimension_numbers<[1], [0], [0], [1], [0, 0, 1, 1], [], []>, transpose_lhs_hint = false} : vector<1024x8xf32>, vector<8x128xf32>, vector<1024x128xf32> -> vector<1024x128xf32>
      %add3A_123 = arith.addf %dot_general3A_120, %dot_general3A_122 : vector<1024x128xf32>
      %convert_element_type3A_124 = arith.truncf %slice3A_76 : vector<1024x16xf32> to vector<1024x16xbf16>
      %convert_element_type3A_125 = arith.extf %convert_element_type3A_124 : vector<1024x16xbf16> to vector<1024x16xf32>
      %sub3A_126 = arith.subf %slice3A_76, %convert_element_type3A_125 : vector<1024x16xf32>
      %dot_general3A_127 = arith.constant dense<0.000000e+00> : vector<1024x128xf32>
      %dot_general3A_128 = tpu.matmul %convert_element_type3A_125, %convert_element_type3A_65, %dot_general3A_127 {dimension_numbers = #tpu.dot_dimension_numbers<[1], [0], [0], [1], [0, 0, 1, 1], [], []>, transpose_lhs_hint = false} : vector<1024x16xf32>, vector<16x128xf32>, vector<1024x128xf32> -> vector<1024x128xf32>
      %dot_general3A_129 = arith.constant dense<0.000000e+00> : vector<1024x128xf32>
      %dot_general3A_130 = tpu.matmul %sub3A_126, %convert_element_type3A_65, %dot_general3A_129 {dimension_numbers = #tpu.dot_dimension_numbers<[1], [0], [0], [1], [0, 0, 1, 1], [], []>, transpose_lhs_hint = false} : vector<1024x16xf32>, vector<16x128xf32>, vector<1024x128xf32> -> vector<1024x128xf32>
      %add3A_131 = arith.addf %dot_general3A_128, %dot_general3A_130 : vector<1024x128xf32>
      %mul3A_132 = arith.mulf %add3A_115, %add3A_131 : vector<1024x128xf32>
      %add3A_133 = arith.addf %slice3A, %mul3A_132 : vector<1024x128xf32>
      %mul3A_134 = arith.mulf %add3A_133, %add3A_123 : vector<1024x128xf32>
      %gt3A = arith.constant 0.000000e+00 : f32
      %gt3A_135 = vector.broadcast %gt3A : f32 to vector<1024x128xf32>
      %gt3A_136 = arith.cmpf ogt, %mul3A_134, %gt3A_135 : vector<1024x128xf32>
      %min3A = arith.constant 0.000000e+00 : f32
      %min3A_137 = vector.broadcast %min3A : f32 to vector<1024x128xf32>
      %min3A_138 = arith.minimumf %mul3A_134, %min3A_137 : vector<1024x128xf32>
      %exp3A_139 = math.exp %min3A_138 : vector<1024x128xf32>
      %sub3A_140 = arith.constant 1.000000e+00 : f32
      %sub3A_141 = vector.broadcast %sub3A_140 : f32 to vector<1024x128xf32>
      %sub3A_142 = arith.subf %exp3A_139, %sub3A_141 : vector<1024x128xf32>
      %select_n3A_143 = arith.select %gt3A_136, %mul3A_134, %sub3A_142 : vector<1024x128xi1>, vector<1024x128xf32>
      %mul3A_144 = arith.constant 1024 : i32
      %mul3A_145 = arith.muli %arg1, %mul3A_144 : i32
      %swap3A = arith.constant 0 : index
      %swap3A_146 = arith.index_cast %mul3A_145 : i32 to index
      %swap3A_147 = arith.constant 0 : index
      %swap3A_148 = vector.load %arg10[%swap3A, %swap3A_146, %swap3A_147] : memref<2x10240x128xf32, #tpu.memory_space<vmem>>, vector<1x1024x128xf32>
      %swap3A_149 = vector.shape_cast %swap3A_148 : vector<1x1024x128xf32> to vector<1024x128xf32>
      %swap3A_150 = vector.shape_cast %select_n3A_143 : vector<1024x128xf32> to vector<1x1024x128xf32>
      tpu.vector_store %arg10[%swap3A, %swap3A_146, %swap3A_147], %swap3A_150 {strides = array<i32>} : memref<2x10240x128xf32, #tpu.memory_space<vmem>>, vector<1x1024x128xf32>,
      %get3A_151 = arith.constant 0 : index
      %get3A_152 = arith.constant 0 : index
      %get3A_153 = vector.load %arg6[%get3A_151, %get3A_152] : memref<128x128xf32, #tpu.memory_space<vmem>>, vector<128x128xf32>
      %dot_general3A_154 = arith.constant dense<0.000000e+00> : vector<1024x128xf32>
      %dot_general3A_155 = tpu.matmul %select_n3A_143, %get3A_153, %dot_general3A_154 {dimension_numbers = #tpu.dot_dimension_numbers<[1], [1], [0], [0], [0, 0, 1, 0], [], []>, transpose_lhs_hint = false} : vector<1024x128xf32>, vector<128x128xf32>, vector<1024x128xf32> -> vector<1024x128xf32>
      %get3A_156 = arith.constant 0 : index
      %get3A_157 = arith.constant 0 : index
      %get3A_158 = vector.load %arg7[%get3A_156, %get3A_157] : memref<1x128xf32, #tpu.memory_space<vmem>>, vector<1x128xf32>
      %add3A_159 = vector.broadcast %get3A_158 : vector<1x128xf32> to vector<1024x128xf32>
      %add3A_160 = arith.addf %dot_general3A_155, %add3A_159 : vector<1024x128xf32>
      %tanh3A = math.tanh %add3A_160 : vector<1024x128xf32>
      %get3A_161 = arith.constant 0 : index
      %get3A_162 = arith.constant 0 : index
      %get3A_163 = vector.load %arg8[%get3A_161, %get3A_162] : memref<1x128xf32, #tpu.memory_space<vmem>>, vector<1x128xf32>
      %mul3A_164 = vector.broadcast %get3A_163 : vector<1x128xf32> to vector<1024x128xf32>
      %mul3A_165 = arith.mulf %tanh3A, %mul3A_164 : vector<1024x128xf32>
      %jit3A_166 = arith.constant 0.000000e+00 : f32
      %broadcast_in_dim3A_167 = vector.shape_cast %lt3A_10 : vector<1024x1xi1> to vector<1024x1xi1>
      %broadcast_in_dim3A_168 = vector.broadcast %broadcast_in_dim3A_167 : vector<1024x1xi1> to vector<1024x128xi1>
      %broadcast_in_dim3A_169 = vector.broadcast %jit3A_166 : f32 to vector<1024x128xf32>
      %select_n3A_170 = arith.select %broadcast_in_dim3A_168, %mul3A_165, %broadcast_in_dim3A_169 : vector<1024x128xi1>, vector<1024x128xf32>
      %reduce_sum3A = vector.shape_cast %select_n3A_170 : vector<1024x128xf32> to vector<1x1024x128xf32>
      %reduce_sum3A_171 = arith.constant dense<0.000000e+00> : vector<1xf32>
      %reduce_sum3A_172 = vector.multi_reduction <add>, %reduce_sum3A, %reduce_sum3A_171 [1, 2] : vector<1x1024x128xf32> to vector<1xf32>
      %reduce_sum3A_173 = vector.shape_cast %reduce_sum3A_172 : vector<1xf32> to vector<1x1x1xf32>
      %reduce_sum3A_174 = vector.extract %reduce_sum3A_173[0, 0, 0] : f32 from vector<1x1x1xf32>
      %mul3A_175 = arith.constant 9.99999974E-5 : f32
      %mul3A_176 = arith.mulf %reduce_sum3A_174, %mul3A_175 : f32
      %get3A_177 = arith.constant 1 : index
      %get3A_178 = arith.constant 0 : index
      %get3A_179 = arith.constant 0 : index
      %get3A_180 = vector.load %arg2[%get3A_177, %get3A_178, %get3A_179] : memref<2x1024x144xf32, #tpu.memory_space<vmem>>, vector<1x1024x144xf32>
      %get3A_181 = vector.shape_cast %get3A_180 : vector<1x1024x144xf32> to vector<1024x144xf32>
      %slice3A_182 = vector.extract_strided_slice %get3A_181 {offsets = [0, 0], sizes = [1024, 128], strides = [1, 1]} : vector<1024x144xf32> to vector<1024x128xf32>
      %slice3A_183 = vector.extract_strided_slice %get3A_181 {offsets = [0, 128], sizes = [1024, 8], strides = [1, 1]} : vector<1024x144xf32> to vector<1024x8xf32>
      %get3A_184 = arith.constant 1 : index
      %get3A_185 = arith.constant 0 : index
      %get3A_186 = arith.constant 0 : index
      %get3A_187 = vector.load %arg3[%get3A_184, %get3A_185, %get3A_186] : memref<2x1024x32xf32, #tpu.memory_space<vmem>>, vector<1x1024x32xf32>
      %get3A_188 = vector.shape_cast %get3A_187 : vector<1x1024x32xf32> to vector<1024x32xf32>
      %slice3A_189 = vector.extract_strided_slice %get3A_188 {offsets = [0, 0], sizes = [1024, 16], strides = [1, 1]} : vector<1024x32xf32> to vector<1024x16xf32>
      %get3A_190 = arith.constant 1 : index
      %get3A_191 = arith.constant 0 : index
      %get3A_192 = arith.constant 0 : index
      %get3A_193 = vector.load %arg3[%get3A_190, %get3A_191, %get3A_192] : memref<2x1024x32xf32, #tpu.memory_space<vmem>>, vector<1x1024x32xf32>
      %get3A_194 = vector.shape_cast %get3A_193 : vector<1x1024x32xf32> to vector<1024x32xf32>
      %slice3A_195 = vector.extract_strided_slice %get3A_194 {offsets = [0, 16], sizes = [1024, 8], strides = [1, 1]} : vector<1024x32xf32> to vector<1024x8xf32>
      %get3A_196 = arith.constant 1 : index
      %get3A_197 = arith.constant 0 : index
      %get3A_198 = arith.constant 0 : index
      %get3A_199 = vector.load %arg4[%get3A_196, %get3A_197, %get3A_198] : memref<2x1024x16xf32, #tpu.memory_space<vmem>>, vector<1x1024x16xf32>
      %get3A_200 = vector.shape_cast %get3A_199 : vector<1x1024x16xf32> to vector<1024x16xf32>
      %slice3A_201 = vector.extract_strided_slice %get3A_200 {offsets = [0, 0], sizes = [1024, 8], strides = [1, 1]} : vector<1024x16xf32> to vector<1024x8xf32>
      %get3A_202 = arith.constant 0 : index
      %get3A_203 = arith.constant 0 : index
      %get3A_204 = vector.load %arg5[%get3A_202, %get3A_203] : memref<2x16xf32, #tpu.memory_space<vmem>>, vector<2x16xf32>
      %slice3A_205 = vector.extract_strided_slice %get3A_204 {offsets = [1, 0], sizes = [1, 8], strides = [1, 1]} : vector<2x16xf32> to vector<1x8xf32>
      %squeeze3A_206 = vector.shape_cast %slice3A_205 : vector<1x8xf32> to vector<8xf32>
      %add3A_207 = arith.addf %slice3A_195, %slice3A_201 : vector<1024x8xf32>
      %ge3A_208 = arith.constant 0.000000e+00 : f32
      %ge3A_209 = vector.broadcast %ge3A_208 : f32 to vector<1024x8xf32>
      %ge3A_210 = arith.cmpf oge, %add3A_207, %ge3A_209 : vector<1024x8xf32>
      %mul3A_211 = arith.constant 2.000000e-01 : f32
      %mul3A_212 = vector.broadcast %mul3A_211 : f32 to vector<1024x8xf32>
      %mul3A_213 = arith.mulf %mul3A_212, %add3A_207 : vector<1024x8xf32>
      %select_n3A_214 = arith.select %ge3A_210, %add3A_207, %mul3A_213 : vector<1024x8xi1>, vector<1024x8xf32>
      %broadcast_in_dim3A_215 = vector.shape_cast %squeeze3A_206 : vector<8xf32> to vector<1x8xf32>
      %sub3A_216 = vector.broadcast %broadcast_in_dim3A_215 : vector<1x8xf32> to vector<1024x8xf32>
      %sub3A_217 = arith.subf %select_n3A_214, %sub3A_216 : vector<1024x8xf32>
      %exp3A_218 = math.exp %sub3A_217 : vector<1024x8xf32>
      %add3A_219 = arith.addf %slice3A_183, %exp3A_218 : vector<1024x8xf32>
      %add3A_220 = arith.constant 1.000000e-16 : f32
      %add3A_221 = vector.broadcast %add3A_220 : f32 to vector<1024x8xf32>
      %add3A_222 = arith.addf %add3A_219, %add3A_221 : vector<1024x8xf32>
      %div3A_223 = arith.constant 1.000000e+00 : f32
      %div3A_224 = vector.broadcast %div3A_223 : f32 to vector<1024x8xf32>
      %div3A_225 = arith.divf %div3A_224, %add3A_222 : vector<1024x8xf32>
      %convert_element_type3A_226 = arith.truncf %exp3A_218 : vector<1024x8xf32> to vector<1024x8xbf16>
      %convert_element_type3A_227 = arith.extf %convert_element_type3A_226 : vector<1024x8xbf16> to vector<1024x8xf32>
      %sub3A_228 = arith.subf %exp3A_218, %convert_element_type3A_227 : vector<1024x8xf32>
      %dot_general3A_229 = arith.constant dense<0.000000e+00> : vector<1024x128xf32>
      %dot_general3A_230 = tpu.matmul %convert_element_type3A_227, %convert_element_type3A_38, %dot_general3A_229 {dimension_numbers = #tpu.dot_dimension_numbers<[1], [0], [0], [1], [0, 0, 1, 1], [], []>, transpose_lhs_hint = false} : vector<1024x8xf32>, vector<8x128xf32>, vector<1024x128xf32> -> vector<1024x128xf32>
      %dot_general3A_231 = arith.constant dense<0.000000e+00> : vector<1024x128xf32>
      %dot_general3A_232 = tpu.matmul %sub3A_228, %convert_element_type3A_38, %dot_general3A_231 {dimension_numbers = #tpu.dot_dimension_numbers<[1], [0], [0], [1], [0, 0, 1, 1], [], []>, transpose_lhs_hint = false} : vector<1024x8xf32>, vector<8x128xf32>, vector<1024x128xf32> -> vector<1024x128xf32>
      %add3A_233 = arith.addf %dot_general3A_230, %dot_general3A_232 : vector<1024x128xf32>
      %convert_element_type3A_234 = arith.truncf %div3A_225 : vector<1024x8xf32> to vector<1024x8xbf16>
      %convert_element_type3A_235 = arith.extf %convert_element_type3A_234 : vector<1024x8xbf16> to vector<1024x8xf32>
      %sub3A_236 = arith.subf %div3A_225, %convert_element_type3A_235 : vector<1024x8xf32>
      %dot_general3A_237 = arith.constant dense<0.000000e+00> : vector<1024x128xf32>
      %dot_general3A_238 = tpu.matmul %convert_element_type3A_235, %convert_element_type3A_38, %dot_general3A_237 {dimension_numbers = #tpu.dot_dimension_numbers<[1], [0], [0], [1], [0, 0, 1, 1], [], []>, transpose_lhs_hint = false} : vector<1024x8xf32>, vector<8x128xf32>, vector<1024x128xf32> -> vector<1024x128xf32>
      %dot_general3A_239 = arith.constant dense<0.000000e+00> : vector<1024x128xf32>
      %dot_general3A_240 = tpu.matmul %sub3A_236, %convert_element_type3A_38, %dot_general3A_239 {dimension_numbers = #tpu.dot_dimension_numbers<[1], [0], [0], [1], [0, 0, 1, 1], [], []>, transpose_lhs_hint = false} : vector<1024x8xf32>, vector<8x128xf32>, vector<1024x128xf32> -> vector<1024x128xf32>
      %add3A_241 = arith.addf %dot_general3A_238, %dot_general3A_240 : vector<1024x128xf32>
      %convert_element_type3A_242 = arith.truncf %slice3A_189 : vector<1024x16xf32> to vector<1024x16xbf16>
      %convert_element_type3A_243 = arith.extf %convert_element_type3A_242 : vector<1024x16xbf16> to vector<1024x16xf32>
      %sub3A_244 = arith.subf %slice3A_189, %convert_element_type3A_243 : vector<1024x16xf32>
      %dot_general3A_245 = arith.constant dense<0.000000e+00> : vector<1024x128xf32>
      %dot_general3A_246 = tpu.matmul %convert_element_type3A_243, %convert_element_type3A_65, %dot_general3A_245 {dimension_numbers = #tpu.dot_dimension_numbers<[1], [0], [0], [1], [0, 0, 1, 1], [], []>, transpose_lhs_hint = false} : vector<1024x16xf32>, vector<16x128xf32>, vector<1024x128xf32> -> vector<1024x128xf32>
      %dot_general3A_247 = arith.constant dense<0.000000e+00> : vector<1024x128xf32>
      %dot_general3A_248 = tpu.matmul %sub3A_244, %convert_element_type3A_65, %dot_general3A_247 {dimension_numbers = #tpu.dot_dimension_numbers<[1], [0], [0], [1], [0, 0, 1, 1], [], []>, transpose_lhs_hint = false} : vector<1024x16xf32>, vector<16x128xf32>, vector<1024x128xf32> -> vector<1024x128xf32>
      %add3A_249 = arith.addf %dot_general3A_246, %dot_general3A_248 : vector<1024x128xf32>
      %mul3A_250 = arith.mulf %add3A_233, %add3A_249 : vector<1024x128xf32>
      %add3A_251 = arith.addf %slice3A_182, %mul3A_250 : vector<1024x128xf32>
      %mul3A_252 = arith.mulf %add3A_251, %add3A_241 : vector<1024x128xf32>
      %gt3A_253 = arith.constant 0.000000e+00 : f32
      %gt3A_254 = vector.broadcast %gt3A_253 : f32 to vector<1024x128xf32>
      %gt3A_255 = arith.cmpf ogt, %mul3A_252, %gt3A_254 : vector<1024x128xf32>
      %min3A_256 = arith.constant 0.000000e+00 : f32
      %min3A_257 = vector.broadcast %min3A_256 : f32 to vector<1024x128xf32>
      %min3A_258 = arith.minimumf %mul3A_252, %min3A_257 : vector<1024x128xf32>
      %exp3A_259 = math.exp %min3A_258 : vector<1024x128xf32>
      %sub3A_260 = arith.constant 1.000000e+00 : f32
      %sub3A_261 = vector.broadcast %sub3A_260 : f32 to vector<1024x128xf32>
      %sub3A_262 = arith.subf %exp3A_259, %sub3A_261 : vector<1024x128xf32>
      %select_n3A_263 = arith.select %gt3A_255, %mul3A_252, %sub3A_262 : vector<1024x128xi1>, vector<1024x128xf32>
      %mul3A_264 = arith.constant 1024 : i32
      %mul3A_265 = arith.muli %arg1, %mul3A_264 : i32
      %swap3A_266 = arith.constant 1 : index
      %swap3A_267 = arith.index_cast %mul3A_265 : i32 to index
      %swap3A_268 = arith.constant 0 : index
      %swap3A_269 = vector.load %arg10[%swap3A_266, %swap3A_267, %swap3A_268] : memref<2x10240x128xf32, #tpu.memory_space<vmem>>, vector<1x1024x128xf32>
      %swap3A_270 = vector.shape_cast %swap3A_269 : vector<1x1024x128xf32> to vector<1024x128xf32>
      %swap3A_271 = vector.shape_cast %select_n3A_263 : vector<1024x128xf32> to vector<1x1024x128xf32>
      tpu.vector_store %arg10[%swap3A_266, %swap3A_267, %swap3A_268], %swap3A_271 {strides = array<i32>} : memref<2x10240x128xf32, #tpu.memory_space<vmem>>, vector<1x1024x128xf32>,
      %get3A_272 = arith.constant 0 : index
      %get3A_273 = arith.constant 0 : index
      %get3A_274 = vector.load %arg6[%get3A_272, %get3A_273] : memref<128x128xf32, #tpu.memory_space<vmem>>, vector<128x128xf32>
      %dot_general3A_275 = arith.constant dense<0.000000e+00> : vector<1024x128xf32>
      %dot_general3A_276 = tpu.matmul %select_n3A_263, %get3A_274, %dot_general3A_275 {dimension_numbers = #tpu.dot_dimension_numbers<[1], [1], [0], [0], [0, 0, 1, 0], [], []>, transpose_lhs_hint = false} : vector<1024x128xf32>, vector<128x128xf32>, vector<1024x128xf32> -> vector<1024x128xf32>
      %get3A_277 = arith.constant 0 : index
      %get3A_278 = arith.constant 0 : index
      %get3A_279 = vector.load %arg7[%get3A_277, %get3A_278] : memref<1x128xf32, #tpu.memory_space<vmem>>, vector<1x128xf32>
      %add3A_280 = vector.broadcast %get3A_279 : vector<1x128xf32> to vector<1024x128xf32>
      %add3A_281 = arith.addf %dot_general3A_276, %add3A_280 : vector<1024x128xf32>
      %tanh3A_282 = math.tanh %add3A_281 : vector<1024x128xf32>
      %get3A_283 = arith.constant 0 : index
      %get3A_284 = arith.constant 0 : index
      %get3A_285 = vector.load %arg8[%get3A_283, %get3A_284] : memref<1x128xf32, #tpu.memory_space<vmem>>, vector<1x128xf32>
      %mul3A_286 = vector.broadcast %get3A_285 : vector<1x128xf32> to vector<1024x128xf32>
      %mul3A_287 = arith.mulf %tanh3A_282, %mul3A_286 : vector<1024x128xf32>
      %jit3A_288 = arith.constant 0.000000e+00 : f32
      %broadcast_in_dim3A_289 = vector.shape_cast %lt3A_10 : vector<1024x1xi1> to vector<1024x1xi1>
      %broadcast_in_dim3A_290 = vector.broadcast %broadcast_in_dim3A_289 : vector<1024x1xi1> to vector<1024x128xi1>
      %broadcast_in_dim3A_291 = vector.broadcast %jit3A_288 : f32 to vector<1024x128xf32>
      %select_n3A_292 = arith.select %broadcast_in_dim3A_290, %mul3A_287, %broadcast_in_dim3A_291 : vector<1024x128xi1>, vector<1024x128xf32>
      %reduce_sum3A_293 = vector.shape_cast %select_n3A_292 : vector<1024x128xf32> to vector<1x1024x128xf32>
      %reduce_sum3A_294 = arith.constant dense<0.000000e+00> : vector<1xf32>
      %reduce_sum3A_295 = vector.multi_reduction <add>, %reduce_sum3A_293, %reduce_sum3A_294 [1, 2] : vector<1x1024x128xf32> to vector<1xf32>
      %reduce_sum3A_296 = vector.shape_cast %reduce_sum3A_295 : vector<1xf32> to vector<1x1x1xf32>
      %reduce_sum3A_297 = vector.extract %reduce_sum3A_296[0, 0, 0] : f32 from vector<1x1x1xf32>
      %mul3A_298 = arith.constant 9.99999974E-5 : f32
      %mul3A_299 = arith.mulf %reduce_sum3A_297, %mul3A_298 : f32
      %iota3A_300 = tpu.iota {dimensions = array<i32: 1>} : vector<1x128xi32>
      %eq3A_301 = arith.constant 0 : i32
      %eq3A_302 = vector.broadcast %eq3A_301 : i32 to vector<1x128xi32>
      %eq3A_303 = arith.cmpi eq, %iota3A_300, %eq3A_302 : vector<1x128xi32>
      %eq3A_304 = arith.constant 1 : i32
      %eq3A_305 = vector.broadcast %eq3A_304 : i32 to vector<1x128xi32>
      %eq3A_306 = arith.cmpi eq, %iota3A_300, %eq3A_305 : vector<1x128xi32>
      %jit3A_307 = arith.constant 0.000000e+00 : f32
      %broadcast_in_dim3A_308 = vector.broadcast %mul3A_299 : f32 to vector<1x128xf32>
      %broadcast_in_dim3A_309 = vector.broadcast %jit3A_307 : f32 to vector<1x128xf32>
      %select_n3A_310 = arith.select %eq3A_306, %broadcast_in_dim3A_308, %broadcast_in_dim3A_309 : vector<1x128xi1>, vector<1x128xf32>
      %broadcast_in_dim3A_311 = vector.broadcast %mul3A_176 : f32 to vector<1x128xf32>
      %select_n3A_312 = arith.select %eq3A_303, %broadcast_in_dim3A_311, %select_n3A_310 : vector<1x128xi1>, vector<1x128xf32>
      %eq3A_313 = arith.constant 0 : i32
      %eq3A_314 = arith.cmpi eq, %arg1, %eq3A_313 : i32
      %convert_element_type3A_315 = arith.extui %eq3A_314 : i1 to i32
      %cond3A_316 = arith.constant 0 : i32
      %cond3A_317 = arith.cmpi ne, %convert_element_type3A_315, %cond3A_316 : i32
      scf.if %cond3A_317 {
        %swap3A_323 = arith.constant 0 : index
        %swap3A_324 = arith.constant 0 : index
        %swap3A_325 = vector.load %arg11[%swap3A_323, %swap3A_324] : memref<1x128xf32, #tpu.memory_space<vmem>>, vector<1x128xf32>
        tpu.vector_store %arg11[%swap3A_323, %swap3A_324], %select_n3A_312 {strides = array<i32>} : memref<1x128xf32, #tpu.memory_space<vmem>>, vector<1x128xf32>,
      } else {
      }
      %gt3A_318 = arith.constant 0 : i32
      %gt3A_319 = arith.cmpi sgt, %arg1, %gt3A_318 : i32
      %convert_element_type3A_320 = arith.extui %gt3A_319 : i1 to i32
      %cond3A_321 = arith.constant 0 : i32
      %cond3A_322 = arith.cmpi ne, %convert_element_type3A_320, %cond3A_321 : i32
      scf.if %cond3A_322 {
        %get3A_323 = arith.constant 0 : index
        %get3A_324 = arith.constant 0 : index
        %get3A_325 = vector.load %arg11[%get3A_323, %get3A_324] : memref<1x128xf32, #tpu.memory_space<vmem>>, vector<1x128xf32>
        %add3A_326 = arith.addf %get3A_325, %select_n3A_312 : vector<1x128xf32>
        %swap3A_327 = arith.constant 0 : index
        %swap3A_328 = arith.constant 0 : index
        %swap3A_329 = vector.load %arg11[%swap3A_327, %swap3A_328] : memref<1x128xf32, #tpu.memory_space<vmem>>, vector<1x128xf32>
        tpu.vector_store %arg11[%swap3A_327, %swap3A_328], %add3A_326 {strides = array<i32>} : memref<1x128xf32, #tpu.memory_space<vmem>>, vector<1x128xf32>,
      } else {
      }
    } else {
    }
    %eq3A_2 = arith.constant 1 : i32
    %eq3A_3 = arith.cmpi eq, %arg0, %eq3A_2 : i32
    %convert_element_type3A_4 = arith.extui %eq3A_3 : i1 to i32
    %cond3A_5 = arith.constant 0 : i32
    %cond3A_6 = arith.cmpi ne, %convert_element_type3A_4, %cond3A_5 : i32
    scf.if %cond3A_6 {
      %get3A = arith.constant 0 : index
      %get3A_7 = arith.constant 0 : index
      %get3A_8 = vector.load %arg11[%get3A, %get3A_7] : memref<1x128xf32, #tpu.memory_space<vmem>>, vector<1x128xf32>
      %iota3A = tpu.iota {dimensions = array<i32: 1>} : vector<1x128xi32>
      %eq3A_9 = arith.constant 0 : i32
      %eq3A_10 = vector.broadcast %eq3A_9 : i32 to vector<1x128xi32>
      %eq3A_11 = arith.cmpi eq, %iota3A, %eq3A_10 : vector<1x128xi32>
      %jit3A = arith.constant 0.000000e+00 : f32
      %broadcast_in_dim3A = vector.broadcast %jit3A : f32 to vector<1x128xf32>
      %select_n3A = arith.select %eq3A_11, %get3A_8, %broadcast_in_dim3A : vector<1x128xi1>, vector<1x128xf32>
      %reduce_sum3A = vector.shape_cast %select_n3A : vector<1x128xf32> to vector<1x1x128xf32>
      %reduce_sum3A_12 = arith.constant dense<0.000000e+00> : vector<1xf32>
      %reduce_sum3A_13 = vector.multi_reduction <add>, %reduce_sum3A, %reduce_sum3A_12 [1, 2] : vector<1x1x128xf32> to vector<1xf32>
      %reduce_sum3A_14 = vector.shape_cast %reduce_sum3A_13 : vector<1xf32> to vector<1x1x1xf32>
      %reduce_sum3A_15 = vector.extract %reduce_sum3A_14[0, 0, 0] : f32 from vector<1x1x1xf32>
      %eq3A_16 = arith.constant 1 : i32
      %eq3A_17 = vector.broadcast %eq3A_16 : i32 to vector<1x128xi32>
      %eq3A_18 = arith.cmpi eq, %iota3A, %eq3A_17 : vector<1x128xi32>
      %jit3A_19 = arith.constant 0.000000e+00 : f32
      %broadcast_in_dim3A_20 = vector.broadcast %jit3A_19 : f32 to vector<1x128xf32>
      %select_n3A_21 = arith.select %eq3A_18, %get3A_8, %broadcast_in_dim3A_20 : vector<1x128xi1>, vector<1x128xf32>
      %reduce_sum3A_22 = vector.shape_cast %select_n3A_21 : vector<1x128xf32> to vector<1x1x128xf32>
      %reduce_sum3A_23 = arith.constant dense<0.000000e+00> : vector<1xf32>
      %reduce_sum3A_24 = vector.multi_reduction <add>, %reduce_sum3A_22, %reduce_sum3A_23 [1, 2] : vector<1x1x128xf32> to vector<1xf32>
      %reduce_sum3A_25 = vector.shape_cast %reduce_sum3A_24 : vector<1xf32> to vector<1x1x1xf32>
      %reduce_sum3A_26 = vector.extract %reduce_sum3A_25[0, 0, 0] : f32 from vector<1x1x1xf32>
      %max3A = arith.maximumf %reduce_sum3A_15, %reduce_sum3A_26 : f32
      %sub3A = arith.subf %reduce_sum3A_15, %max3A : f32
      %exp3A = math.exp %sub3A : f32
      %sub3A_27 = arith.subf %reduce_sum3A_26, %max3A : f32
      %exp3A_28 = math.exp %sub3A_27 : f32
      %add3A = arith.addf %exp3A, %exp3A_28 : f32
      %div3A = arith.divf %exp3A, %add3A : f32
      %mul3A = arith.constant 1024 : i32
      %mul3A_29 = arith.muli %arg1, %mul3A : i32
      %get3A_30 = arith.constant 0 : index
      %get3A_31 = arith.index_cast %mul3A_29 : i32 to index
      %get3A_32 = arith.constant 0 : index
      %get3A_33 = vector.load %arg10[%get3A_30, %get3A_31, %get3A_32] : memref<2x10240x128xf32, #tpu.memory_space<vmem>>, vector<1x1024x128xf32>
      %get3A_34 = vector.shape_cast %get3A_33 : vector<1x1024x128xf32> to vector<1024x128xf32>
      %mul3A_35 = vector.broadcast %div3A : f32 to vector<1024x128xf32>
      %mul3A_36 = arith.mulf %mul3A_35, %get3A_34 : vector<1024x128xf32>
      %sub3A_37 = arith.constant 1.000000e+00 : f32
      %sub3A_38 = arith.subf %sub3A_37, %div3A : f32
      %mul3A_39 = arith.constant 1024 : i32
      %mul3A_40 = arith.muli %arg1, %mul3A_39 : i32
      %get3A_41 = arith.constant 1 : index
      %get3A_42 = arith.index_cast %mul3A_40 : i32 to index
      %get3A_43 = arith.constant 0 : index
      %get3A_44 = vector.load %arg10[%get3A_41, %get3A_42, %get3A_43] : memref<2x10240x128xf32, #tpu.memory_space<vmem>>, vector<1x1024x128xf32>
      %get3A_45 = vector.shape_cast %get3A_44 : vector<1x1024x128xf32> to vector<1024x128xf32>
      %mul3A_46 = vector.broadcast %sub3A_38 : f32 to vector<1024x128xf32>
      %mul3A_47 = arith.mulf %mul3A_46, %get3A_45 : vector<1024x128xf32>
      %add3A_48 = arith.addf %mul3A_36, %mul3A_47 : vector<1024x128xf32>
      %swap3A = arith.constant 0 : index
      %swap3A_49 = arith.constant 0 : index
      %swap3A_50 = vector.load %arg9[%swap3A, %swap3A_49] : memref<1024x128xf32, #tpu.memory_space<vmem>>, vector<1024x128xf32>
      tpu.vector_store %arg9[%swap3A, %swap3A_49], %add3A_48 {strides = array<i32>} : memref<1024x128xf32, #tpu.memory_space<vmem>>, vector<1024x128xf32>,
    } else {
    }
    return
  }
  func.func @transform_0(%arg0: i32, %arg1: i32) -> (i32, i32, i32) {
    %c0_i32 = arith.constant 0 : i32
    %c0_i32_0 = arith.constant 0 : i32
    %c0_i32_1 = arith.constant 0 : i32
    return %c0_i32, %arg1, %c0_i32_0 : i32, i32, i32
  }
  func.func @transform_1(%arg0: i32, %arg1: i32) -> (i32, i32, i32) {
    %c0_i32 = arith.constant 0 : i32
    %c0_i32_0 = arith.constant 0 : i32
    %c0_i32_1 = arith.constant 0 : i32
    return %c0_i32, %arg1, %c0_i32_0 : i32, i32, i32
  }
  func.func @transform_2(%arg0: i32, %arg1: i32) -> (i32, i32, i32) {
    %c0_i32 = arith.constant 0 : i32
    %c0_i32_0 = arith.constant 0 : i32
    %c0_i32_1 = arith.constant 0 : i32
    return %c0_i32, %arg1, %c0_i32_0 : i32, i32, i32
  }
  func.func @transform_3(%arg0: i32, %arg1: i32) -> (i32, i32) {
    %c0_i32 = arith.constant 0 : i32
    %c0_i32_0 = arith.constant 0 : i32
    %c0_i32_1 = arith.constant 0 : i32
    return %c0_i32, %c0_i32_0 : i32, i32
  }
  func.func @transform_4(%arg0: i32, %arg1: i32) -> (i32, i32) {
    %c0_i32 = arith.constant 0 : i32
    %c0_i32_0 = arith.constant 0 : i32
    %c0_i32_1 = arith.constant 0 : i32
    return %c0_i32, %c0_i32_0 : i32, i32
  }
  func.func @transform_5(%arg0: i32, %arg1: i32) -> (i32, i32) {
    %c0_i32 = arith.constant 0 : i32
    %c0_i32_0 = arith.constant 0 : i32
    %c0_i32_1 = arith.constant 0 : i32
    return %c0_i32, %c0_i32_0 : i32, i32
  }
  func.func @transform_6(%arg0: i32, %arg1: i32) -> (i32, i32) {
    %c0_i32 = arith.constant 0 : i32
    %c0_i32_0 = arith.constant 0 : i32
    %c0_i32_1 = arith.constant 0 : i32
    return %c0_i32, %c0_i32_0 : i32, i32
  }
  func.func @transform_7(%arg0: i32, %arg1: i32) -> (i32, i32) {
    %c0_i32 = arith.constant 0 : i32
    %c0_i32_0 = arith.constant 0 : i32
    return %arg1, %c0_i32 : i32, i32
  }
}

</mosaic_0001>

<sc_bundles>
// kernel: kernel.5.cloned.1.call-start
scs
__scs_entry_jumppad:
0x0: {  	(pc) =	sbr.rel $0x88, $3  }
0x1: {  	(tag) =	ssettag $0x0;
	lr =	simm.s32 $0x1  }
0x2: {  	[smem:$0x3F98] =	sst lr;
	_ =	strace $0xD0000000  }
0x3: {  	_ = 	snop  }
0x4: {  	_ = 	snop  }
0x5: {  	_ = 	snop  }
0x6: {  	_ = 	snop  }
0x7: {  	_ = 	snop  }
__scs_overlays_trampoline_lowered:
0x8: {  	[smem:$0x3FA7] =	sst s0  }
0x9: {  	[smem:$0x3FA8] =	sst s1  }
0xa: {  	[smem:$0x3FA9] =	sst s2  }
0xb: {  	[smem:$0x3FAA] =	sst s3  }
0xc: {  	[smem:$0x3FAB] =	sst s4  }
0xd: {  	[smem:$0x3FAC] =	sst s5  }
0xe: {  	[smem:$0x3FAD] =	sst s6  }
0xf: {  	[smem:$0x3FAE] =	sst s7  }
0x10: {  	[smem:$0x3FAF] =	sst s8  }
0x11: {  	[smem:$0x3FB0] =	sst s9;
	s0 =	simm.s32 @!p0 $0x0  }
0x12: {  	s1 =	sld [smem:$0x3F96];
	s0 =	simm.s32 @p0 $0x1  }
0x13: {  	[smem:$0x3FB1] =	sst s0;
	s0 =	simm.s32 @!p1 $0x0  }
0x14: {  	s2 =	sld [smem:$0x3F95];
	s0 =	simm.s32 @p1 $0x1  }
0x15: {  	[smem:$0x3FB2] =	sst s0;
	s0 =	simm.s32 @!p2 $0x0  }
0x16: {  	s3 =	sld [smem:$0x3FDB];
	s0 =	simm.s32 @p2 $0x1  }
0x17: {  	s4 =	simm.s32 $0x1BF5;
	[smem:$0x3FB4] =	sst s0  }
0x18: {  	s0 =	sld [smem:$0x3F97];
	_ =	swait.ge [sflag:s4], $0x0  }
0x19: {  	s7 =	sld [smem:$0x3F98]  }
0x1a: {  	s8 =	sadd.s32 $0xFFFFE003, lr  }
0x1b: {  	s9 =	sadd.s32 $0xFFFFFEF7, lr;
	s5 =	simm.s32 $0xFFFFFFFF;
	p2 =	slt.u32 s8, $0xFFFFF086  }
0x1c: {  	p1 =	slt.u32 s9, $0xF7A;
	s5 =	simm.s32 @!p2 $0x0  }
0x1d: {  	s5 =	simm.s32 @p1 $0x1;
	p0 =	seq.s32 s7, s2  }
0x1e: {  	s7 =	smul.u32 @!p0 $0xF7A, s2;
	p2 =	seq.s32 @!p0 s5, $0x0  }
0x1f: {  	s9 =	smul.u32 $0xF7A, s1;
	s8 =	simm.s32 @!p0 $0x1BF5;
	p2 =	por !p2, p0  }
0x20: {  	[sflag:s8] =	ssyncset.s32 @!p0 $0xFFFFF086;
	s6 =	sadd.s32 @!p0 s3, s7;
	s7 =	simm.s32 @!p0 $0x108  }
0x21: {  	s3 =	sadd.s32 s3, s9;
	s6 =	sadd.s32 @!p0 $0x88, s6;
	s7 =	simm.s32 @p2 $0x1082  }
0x22: {  	[simem:s7], [sflag:s8] =	dma.local @!p0 [hbm:s6], $0xF7A  }
0x23: {  	s9 =	sor.u32 $0xD0000000, s2;
	s6 =	simm.s32 $0x108;
	_ =	swait.ge @!p0 [sflag:s8], $0x0  }
0x24: {  	s3 =	sadd.s32 $0x88, s3;
	s6 =	simm.s32 @!p1 $0x1082;
	[sflag:s4] =	ssyncset.s32 $0xFFFFF086  }
0x25: {  	[simem:s6], [sflag:s4] =	dma.local [hbm:s3], $0xF7A  }
0x26: {  	[smem:$0x3F98] =	sst s1;
	(tag) =	ssettag s2;
	_ =	strace s9  }
0x27: {  	s1 =	sld [smem:$0x3FA8]  }
0x28: {  	s2 =	sld [smem:$0x3FA9]  }
0x29: {  	s4 =	sld [smem:$0x3FAB]  }
0x2a: {  	p0 =	seq.s32 s5, $0x0;
	s5 =	sld [smem:$0x3FAC]  }
0x2b: {  	s6 =	sld [smem:$0x3FAD]  }
0x2c: {  	s7 =	sld [smem:$0x3FAE]  }
0x2d: {  	s3 =	simm.s32 $0x108;
	s8 =	sld [smem:$0x3FAF]  }
0x2e: {  	s3 =	simm.s32 @!p0 $0x1082;
	s9 =	sld [smem:$0x3FB0]  }
0x2f: {  	lr =	sadd.s32 s0, s3;
	s0 =	sld [smem:$0x3FA7]  }
0x30: {  	s3 =	sld [smem:$0x3FAA]  }
0x31: {  	[smem:$0x3FB3] =	sst s10  }
0x32: {  	s10 =	sld [smem:$0x3FB1];
	_ =	sdelay $0x3  }
0x33: {  	p0 =	seq.s32 s10, $0x1;
	s10 =	sld [smem:$0x3FB3];
	_ =	sdelay $0x3  }
0x34: {  	[smem:$0x3FB3] =	sst s10  }
0x35: {  	s10 =	sld [smem:$0x3FB2];
	_ =	sdelay $0x3  }
0x36: {  	p1 =	seq.s32 s10, $0x1;
	s10 =	sld [smem:$0x3FB3];
	_ =	sdelay $0x3  }
0x37: {  	[smem:$0x3FB3] =	sst s10  }
0x38: {  	s10 =	sld [smem:$0x3FB4]  }
0x39: {  	_ = 	snop;
	(pc) =	sbr.ind lr, $3  }
0x3a: {  	_ = 	snop  }
0x3b: {  	_ = 	snop  }
0x3c: {  	p2 =	seq.s32 s10, $0x1;
	s10 =	sld [smem:$0x3FB3]  }
0x3d: {  	_ =	shalt  }
0x3e: {  	_ =	shalt  }
0x3f: {  	_ =	shalt  }
0x40: {  	_ =	shalt  }
0x41: {  	_ =	shalt  }
0x42: {  	_ =	shalt  }
0x43: {  	_ =	shalt  }
0x44: {  	_ =	shalt  }
0x45: {  	_ =	shalt  }
0x46: {  	_ =	shalt  }
0x47: {  	_ =	shalt  }
0x48: {  	_ =	shalt  }
0x49: {  	_ =	shalt  }
0x4a: {  	_ =	shalt  }
0x4b: {  	_ =	shalt  }
0x4c: {  	_ =	shalt  }
0x4d: {  	_ =	shalt  }
0x4e: {  	_ =	shalt  }
0x4f: {  	_ =	shalt  }
0x50: {  	_ =	shalt  }
0x51: {  	_ =	shalt  }
0x52: {  	_ =	shalt  }
0x53: {  	_ =	shalt  }
0x54: {  	_ =	shalt  }
0x55: {  	_ =	shalt  }
0x56: {  	_ =	shalt  }
0x57: {  	_ =	shalt  }
0x58: {  	_ =	shalt  }
0x59: {  	_ =	shalt  }
0x5a: {  	_ =	shalt  }
0x5b: {  	_ =	shalt  }
0x5c: {  	_ =	shalt  }
0x5d: {  	_ =	shalt  }
0x5e: {  	_ =	shalt  }
0x5f: {  	_ =	shalt  }
0x60: {  	_ =	shalt  }
0x61: {  	_ =	shalt  }
0x62: {  	_ =	shalt  }
0x63: {  	_ =	shalt  }
0x64: {  	_ =	shalt  }
0x65: {  	_ =	shalt  }
0x66: {  	_ =	shalt  }
0x67: {  	_ =	shalt  }
0x68: {  	_ =	shalt  }
0x69: {  	_ =	shalt  }
0x6a: {  	_ =	shalt  }
0x6b: {  	_ =	shalt  }
0x6c: {  	_ =	shalt  }
0x6d: {  	_ =	shalt  }
0x6e: {  	_ =	shalt  }
0x6f: {  	_ =	shalt  }
0x70: {  	_ =	shalt  }
0x71: {  	_ =	shalt  }
0x72: {  	_ =	shalt  }
0x73: {  	_ =	shalt  }
0x74: {  	_ =	shalt  }
0x75: {  	_ =	shalt  }
0x76: {  	_ =	shalt  }
0x77: {  	_ =	shalt  }
0x78: {  	_ =	shalt  }
0x79: {  	_ =	shalt  }
0x7a: {  	_ =	shalt  }
0x7b: {  	_ =	shalt  }
0x7c: {  	_ =	shalt  }
0x7d: {  	_ =	shalt  }
0x7e: {  	_ =	shalt  }
0x7f: {  	_ =	shalt  }
0x80: {  	_ =	shalt  }
0x81: {  	_ =	shalt  }
0x82: {  	_ =	shalt  }
0x83: {  	_ =	shalt  }
0x84: {  	_ =	shalt  }
0x85: {  	_ =	shalt  }
0x86: {  	_ =	shalt  }
0x87: {  	_ =	shalt  }
.Lfunc_end0:
.L_simem_size_0:
called_computation_lowered:
.L_overlay_start_0:
0x88: {  	s2 =	sld [smem:$0x3FD9]  }
0x89: {  	s3 =	sld [smem:$0x3FFE];
	_ =	sdelay $0x1  }
0x8a: {  	s1 =	srdreg.scid  }
0x8b: {  	s0 =	sand.u32 $0x1, s1  }
0x8c: {  	s17 =	sshll.u32 s0, $0xA;
	s2 =	sadd.s32 s3, s2  }
0x8d: {  	s2 =	sadd.s32 s2, s17  }
0x8e: {  	[smem:$0x3FBF] =	sst s2  }
0x8f: {  	_ = 	snop  }
0x90: {  	s2 =	sld [smem:$0x3FD0];
	(tm) =	ssettm $0x1  }
0x91: {  	s18 =	sld [smem:$0x3FFB];
	_ =	sdelay $0x3  }
0x92: {  	_ =	strace s18  }
0x93: {  	s3 =	sld [smem:$0x3FFC];
	_ =	sdelay $0x3  }
0x94: {  	_ =	strace s3  }
0x95: {  	s3 =	sld [smem:$0x3FFD];
	_ =	sdelay $0x3  }
0x96: {  	_ =	strace s3  }
0x97: {  	_ =	strace $0x8FFFFFFF  }
0x98: {  	s19 =	sld [smem:$0x3FDB];
	_ =	sdelay $0x1  }
0x99: {  	s4 =	simm.s32 $_scs_section_size  }
0x9a: {  	s5 =	simm.s32 $_size__tile_overlayer_lowered;
	s6 =	simm.s32 $_tile_overlayer_lowered  }
0x9b: {  	s22 =	simm.s32 $0x1BFF;
	s21 =	sshll.u32 s6, $0x1;
	s3 =	sadd.s32 s4, s19  }
0x9c: {  	s7 =	simm.s32 $0x0;
	s20 =	sshll.u32 s5, $0x1;
	s5 =	sadd.s32 s21, s3  }
0x9d: {  	[timem:s7], [sflag:s22] =	dma.local [hbm:s5], s20  }
0x9e: {  	_ =	swait.ge [sflag:s22], s20  }
0x9f: {  	s4 =	ssub.s32 $0x0, s20;
	[sflag:s22] =	ssyncset.done $0x0  }
0xa0: {  	[sflag:s22] =	ssyncadd.s32 s4;
	_ =	sdelay $0x1  }
0xa1: {  	s23 =	simm.s32 $0x1B8B  }
0xa2: {  	_ =	swait.ge [sflag:s23], $0x1  }
0xa3: {  	[sflag:s23] =	ssyncset.done $0x0  }
0xa4: {  	s25 =	simm.s32 $0x1B8E;
	s24 =	sld [smem:$0x3FFE];
	[sflag:s23] =	ssyncadd.s32 $0xFFFFFFFF  }
0xa5: {  	s26 =	simm.s32 $execute0_lowered;
	[smem:$0x3FD2] =	sst s25  }
0xa6: {  	s5 =	sshll.u32 s26, $0x1;
	_ =	strace $0x80000046;
	[dreg:$0x1] =	wrdreg $0xFFFFFFFF  }
0xa7: {  	s28 =	simm.s32 $_size_execute0_lowered;
	s3 =	sadd.s32 s3, s5;
	[dreg:$0x0] =	wrdreg $0x0  }
0xa8: {  	s5 =	sshll.u32 s28, $0x1;
	[dreg:$0x2] =	wrdreg s3  }
0xa9: {  	[dreg:$0x3] =	wrdreg s5  }
0xaa: {  	[dreg:$0x4] =	wrdreg $0xC0  }
0xab: {  	_ =	task [dreg:s7], $0x5FFFF  }
0xac: {  	[dreg:$0x1] =	wrdreg $0xFFFFFFFF  }
0xad: {  	[dreg:$0x0] =	wrdreg $0x60  }
0xae: {  	[dreg:$0x2] =	wrdreg s2  }
0xaf: {  	[dreg:$0x3] =	wrdreg s24  }
0xb0: {  	[dreg:$0x4] =	wrdreg $0x8C900  }
0xb1: {  	[dreg:$0x5] =	wrdreg $0x9  }
0xb2: {  	_ =	task.clear_ibuf [dreg:s7], $0x6FFFF;
	_ =	strace $0x90000046  }
0xb3: {  	s29 =	simm.s32 $0x9;
	_ =	strace $0x80000048  }
0xb4: {  	_ =	swait.ge [sflag:s29], $0x1  }
0xb5: {  	[sflag:s29] =	ssyncadd.s32 $0xFFFFFFFF  }
0xb6: {  	_ =	strace $0x90000048  }
0xb7: {  	_ =	sfence  }
0xb8: {  	s30 =	sld [smem:$0x0];
	_ =	sdelay $0x2  }
0xb9: {  	s31 =	sshll.u32 s1, $0xD;
	s1 =	sshrl.u32 s1, $0x2  }
0xba: {  	s3 =	sand.u32 $0x4000, s31;
	s1 =	sadd.s32 s1, s30  }
0xbb: {  	s0 =	sor.u32 s3, s0;
	s1 =	sshll.u32 s1, $0x11  }
0xbc: {  	s0 =	sor.u32 s1, s0  }
0xbd: {  	s0 =	sadd.s32 $0x8F2B, s0  }
0xbe: {  	[sflag:s0] =	ssyncadd.remote.s32 $0x1  }
0xbf: {  	_ =	sfence.sel $0xFFFF  }
0xc0: {  	[dreg:$0x0] =	wrdreg $0xFFFFFFFF;
	(pc) =	sbr.abs _section_cstart, $3  }
0xc1: {  	[dreg:$0x1] =	wrdreg $0xFFFFFFFF  }
0xc2: {  	_ =	task.clear_ibuf [dreg:s7], $0x2FFFF;
	_ =	strace $0x9FFFFFFF  }
0xc3: {  	(tm) =	ssettm $0x7FFFFFFF  }
tec
execute0_lowered:
.L_overlay_start_1:
0x0: {  	(tag) =	ssettag $0x1  }
0x1: {  	s1 =	rddreg [dreg:$0x0]  }
0x2: {  	s0 =	rddreg [dreg:$0x1]  }
0x3: {  	s2 =	rddreg [dreg:$0x2];
	s3 =	simm.s32 $0x0;
	s4 =	srdreg.scid  }
0x4: {  	s19 =	stileid.u32;
	s28 =	simm.s32 $0x230;
	[smem:$0x7FF] =	sst s3  }
0x5: {  	s7 =	sand.u32 $0x1, s4;
	s5 =	sadd.s32 $0x8D400, s0;
	s8 =	smul.u32 $0x280, s19  }
0x6: {  	s6 =	sadd.s32 $0x2800, s0;
	s10 =	sadd.s32 $0x97400, s0;
	s23 =	smul.u32 $0x4E20, s19  }
0x7: {  	_ =	strace $0x80000047;
	s4 =	sshll.u32 s7, $0x1;
	s24 =	ssub.s32 $0x2, s7  }
0x8: {  	s9 =	sadd.s32 s4, s0;
	s4 =	smul.u32 $0x5A000, s19;
	s11 =	sor.u32 $0x20, s8  }
0x9: {  	s12 =	sshrl.u32 s24, $0x1;
	s14 =	sor.u32 $0x40, s8;
	s13 =	smul.u32 $0x240, s11  }
0xa: {  	s15 =	sor.u32 $0x60, s8;
	s16 =	sadd.s32 $0x80, s8;
	s25 =	smul.u32 $0x240, s14  }
0xb: {  	s0 =	ssub.s32 s24, s12;
	s9 =	sadd.s32 $0x8D200, s9;
	s26 =	smul.u32 $0x240, s15  }
0xc: {  	s18 =	smul.u32 $0x240, s16;
	[dreg:$0x4] =	wrdreg s9;
	s17 =	sshrl.u32 s4, $0x2  }
0xd: {  	s24 =	sadd.s32 $0x16800, s4;
	s0 =	smax.u32 s0, $0x1;
	s13 =	sshrl.u32 s13, $0x2  }
0xe: {  	s21 =	sadd.s32 s17, s2;
	s12 =	sshrl.u32 s25, $0x2;
	s9 =	sshrl.u32 s26, $0x2  }
0xf: {  	s20 =	sshrl.u32 s18, $0x2;
	s25 =	sadd.s32 $0x1B000, s4;
	s26 =	smul.u32 $0x2800, s7  }
0x10: {  	s7 =	smul.u32 $0xEA600, s7;
	[dreg:$0x1f] =	wrdreg s0;
	s30 =	sadd.s32 s13, s2  }
0x11: {  	s31 =	sadd.s32 s12, s2;
	s9 =	sadd.s32 s9, s2;
	s22 =	sadd.s32 s20, s2  }
0x12: {  	s12 =	sshrl.u32 s24, $0x2;
	s13 =	sshrl.u32 s25, $0x2;
	[dreg:$0x5] =	wrdreg s21  }
0x13: {  	s20 =	sadd.s32 $0x1F800, s4;
	s25 =	sadd.s32 $0x24000, s4;
	[dreg:$0x8] =	wrdreg s9  }
0x14: {  	[dreg:$0x9] =	wrdreg s22;
	s19 =	sadd.s32 s12, s2;
	s13 =	sadd.s32 s13, s2  }
0x15: {  	s8 =	sadd.s32 s8, s26;
	s7 =	sadd.s32 s23, s7;
	s18 =	sadd.s32 s26, s11  }
0x16: {  	s22 =	sadd.s32 s26, s14;
	s11 =	sshrl.u32 s20, $0x2;
	s8 =	smul.u32 $0x12, s8  }
0x17: {  	s23 =	sadd.s32 s26, s15;
	[dreg:$0x6] =	wrdreg s30;
	s9 =	smul.u32 $0x12, s18  }
0x18: {  	s24 =	sadd.s32 s26, s16;
	[dreg:$0x7] =	wrdreg s31;
	s12 =	smul.u32 $0x12, s22  }
0x19: {  	s26 =	sshrl.u32 s25, $0x2;
	[dreg:$0xb] =	wrdreg s13;
	s13 =	smul.u32 $0x12, s23  }
0x1a: {  	s11 =	sadd.s32 s11, s2;
	s14 =	smul.u32 $0x12, s24;
	s18 =	sadd.s32 $0x28800, s4  }
0x1b: {  	s20 =	sadd.s32 s26, s2;
	s22 =	sadd.s32 $0x2D000, s4;
	[dreg:$0xa] =	wrdreg s19  }
0x1c: {  	s24 =	sadd.s32 $0x31800, s4;
	s26 =	sadd.s32 $0x36000, s4;
	[dreg:$0xc] =	wrdreg s11  }
0x1d: {  	[dreg:$0x12] =	wrdreg s20;
	s23 =	sshrl.u32 s22, $0x2;
	s25 =	sshrl.u32 s24, $0x2  }
0x1e: {  	s20 =	sadd.s32 $0x4C800, s4;
	s15 =	sadd.s32 s10, s8;
	s9 =	sadd.s32 s10, s9  }
0x1f: {  	s12 =	sadd.s32 s10, s12;
	s16 =	sadd.s32 s10, s13;
	[dreg:$0xe] =	wrdreg s9  }
0x20: {  	s17 =	sadd.s32 s10, s14;
	s8 =	sshrl.u32 s18, $0x2;
	[dreg:$0xf] =	wrdreg s12  }
0x21: {  	s10 =	sadd.s32 $0x3A800, s4;
	s14 =	sadd.s32 $0x43800, s4;
	[dreg:$0x10] =	wrdreg s16  }
0x22: {  	s22 =	sshrl.u32 s20, $0x2;
	[dreg:$0x11] =	wrdreg s17;
	s8 =	sadd.s32 s8, s2  }
0x23: {  	s9 =	sshrl.u32 s26, $0x2;
	s11 =	sshrl.u32 s10, $0x2;
	[dreg:$0xd] =	wrdreg s15  }
0x24: {  	s12 =	sadd.s32 $0x3F000, s4;
	s10 =	sadd.s32 $0x1200, s15;
	[dreg:$0x13] =	wrdreg s8  }
0x25: {  	s16 =	sshrl.u32 s14, $0x2;
	s14 =	sadd.s32 $0x1B00, s15;
	[smem:$0x7F2] =	sst s10  }
0x26: {  	s17 =	sadd.s32 $0x48000, s4;
	s20 =	sadd.s32 $0x1F80, s15;
	[smem:$0x7F6] =	sst s14  }
0x27: {  	s8 =	sadd.s32 s23, s2;
	s13 =	sshrl.u32 s12, $0x2;
	[smem:$0x7F8] =	sst s20  }
0x28: {  	s23 =	sadd.s32 $0x51000, s4;
	s12 =	sadd.s32 $0x1680, s15;
	[dreg:$0x14] =	wrdreg s8  }
0x29: {  	s4 =	sadd.s32 $0x55800, s4;
	s8 =	sadd.s32 s25, s2;
	[smem:$0x7F4] =	sst s12  }
0x2a: {  	s24 =	sshrl.u32 s23, $0x2;
	s23 =	sadd.s32 $0x2400, s15;
	[dreg:$0x15] =	wrdreg s8  }
0x2b: {  	s4 =	sshrl.u32 s4, $0x2;
	s8 =	sadd.s32 s9, s2;
	[smem:$0x7FA] =	sst s23  }
0x2c: {  	s25 =	sshrl.u32 s7, $0x3;
	s4 =	sadd.s32 s4, s2;
	[dreg:$0x16] =	wrdreg s8  }
0x2d: {  	s29 =	simm.s32 $0x4D80;
	s26 =	sadd.s32 s6, s25;
	[dreg:$0x1d] =	wrdreg s4  }
0x2e: {  	s18 =	sshrl.u32 s17, $0x2;
	s9 =	sadd.s32 $0xFC0, s15;
	[dreg:$0x1e] =	wrdreg s26  }
0x2f: {  	s17 =	sadd.s32 $0xA0, s7;
	s25 =	sadd.s32 $0x2880, s15;
	[smem:$0x7F1] =	sst s9  }
0x30: {  	s20 =	simm.s32 $0x9;
	s8 =	sadd.s32 s11, s2;
	[smem:$0x7FC] =	sst s25  }
0x31: {  	s10 =	simm.s32 $0x1680;
	s4 =	sadd.s32 $0xA, s26;
	[dreg:$0x17] =	wrdreg s8  }
0x32: {  	s14 =	simm.s32 $0x2;
	s11 =	sadd.s32 $0x1440, s15;
	[smem:$0x7EE] =	sst s4  }
0x33: {  	s12 =	simm.s32 $0x3;
	s26 =	sadd.s32 $0x2AC0, s15;
	[smem:$0x7F3] =	sst s11  }
0x34: {  	s23 =	simm.s32 $0x1E0;
	s8 =	sadd.s32 s13, s2;
	[smem:$0x7FD] =	sst s26  }
0x35: {  	s9 =	simm.s32 $0x280;
	s13 =	sadd.s32 $0x18C0, s15;
	[dreg:$0x18] =	wrdreg s8  }
0x36: {  	s25 =	simm.s32 $0x4;
	s8 =	sadd.s32 s16, s2;
	[smem:$0x7F5] =	sst s13  }
0x37: {  	s11 =	simm.s32 $0xF0;
	s16 =	sadd.s32 $0x1D40, s15;
	[dreg:$0x19] =	wrdreg s8  }
0x38: {  	s26 =	simm.s32 $0x6;
	s8 =	sadd.s32 s18, s2;
	[smem:$0x7F7] =	sst s16  }
0x39: {  	s18 =	sadd.s32 $0xF0, s7;
	s7 =	sadd.s32 $0xB40, s15;
	[dreg:$0x1a] =	wrdreg s8  }
0x3a: {  	s4 =	simm.s32 $0x0;
	s8 =	sadd.s32 s22, s2;
	[smem:$0x7EF] =	sst s7  }
0x3b: {  	s13 =	simm.s32 $0x5;
	s22 =	sadd.s32 $0x21C0, s15;
	[dreg:$0x1b] =	wrdreg s8  }
0x3c: {  	s16 =	simm.s32 $0x4E200;
	s8 =	sadd.s32 s24, s2;
	[smem:$0x7F9] =	sst s22  }
0x3d: {  	v0 =	vimm.f32 $0.0e+00;
	v1 =	vimm.s32 $0x0;
	v2 =	vimm.s32 $0x1;
	s7 =	simm.s32 $0x50;
	s24 =	sadd.s32 $0x2640, s15;
	[dreg:$0x1c] =	wrdreg s8  }
0x3e: {  	v3 =	vimm.s32 $0x2;
	v4 =	vimm.s32 $0x3;
	v5 =	vimm.s32 $0x4;
	s22 =	simm.s32 $0x1B80;
	s8 =	sadd.s32 $0xD80, s15;
	[smem:$0x7FB] =	sst s24  }
0x3f: {  	v6 =	vimm.s32 $0x5;
	v7 =	vimm.s32 $0x6;
	v8 =	vimm.s32 $0x7;
	s24 =	simm.s32 $0x2080;
	[smem:$0x7F0] =	sst s8;
	s8 =	simm.s32 $0x1  }
.LBB2_1:
0x40: {  	[smem:$0x7ED] =	sst s4  }
0x41: {  	s0 =	rddreg [dreg:$0x4];
	s15 =	simm.s32 $0x7A80  }
0x42: {  	[tilespmem:s15], [sflag:$0x9] =	stream.linear.gather [hbm4b:s0+s3], $0x10, $0x38;
	[tilespmem:$0x1F490] =	vst v63  }
0x43: {  	_ =	swait.ge [sflag:s20], $0x10  }
0x44: {  	[sflag:s20] =	ssyncset.done $0x0  }
0x45: {  	[sflag:s20] =	ssyncadd.s32 $0xFFFFFFF0  }
0x46: {  	s4 =	simm.s32 $0x240;
	s0 =	simm.s32 $0x0;
	v9 =	vld [tilespmem:$0x7A80]  }
.LBB2_2:
0x47: {  	p0 =	sne.s32 s4, $0x45C0;
	[tilespmem:s0+$0x7B10] =	vst v0  }
0x48: {  	[tilespmem:s0+$0x7A90] =	vst v0  }
0x49: {  	[tilespmem:s0+$0x7AA0] =	vst v0  }
0x4a: {  	[tilespmem:s0+$0x7AB0] =	vst v0  }
.Ltmp0:
0x4b: {  	[tilespmem:s0+$0x7AC0] =	vst v0;
	(pc) =	sbr.rel @p0 .LBB2_2-.Ltmp0, $4  }
0x4c: {  	[tilespmem:s0+$0x7AD0] =	vst v0  }
0x4d: {  	[tilespmem:s0+$0x7AE0] =	vst v0  }
0x4e: {  	[tilespmem:s0+$0x7AF0] =	vst v0  }
0x4f: {  	[tilespmem:s0+$0x7B00] =	vst v0;
	s0 =	sshra.s32 s4, $0x2;
	s4 =	sadd.s32 $0x240, s4  }
0x50: {  	[tilespmem:s0+$0x7B10] =	vst v0  }
0x51: {  	[tilespmem:s0+$0x7A90] =	vst v0  }
0x52: {  	[tilespmem:s0+$0x7AA0] =	vst v0  }
0x53: {  	[tilespmem:s0+$0x7AB0] =	vst v0  }
0x54: {  	[tilespmem:s0+$0x7AC0] =	vst v0  }
0x55: {  	[tilespmem:s0+$0x7AD0] =	vst v0  }
0x56: {  	[tilespmem:s0+$0x7AE0] =	vst v0  }
0x57: {  	[tilespmem:s0+$0x7AF0] =	vst v0  }
0x58: {  	[tilespmem:s0+$0x7B00] =	vst v0;
	s4 =	simm.s32 $0x7A90  }
0x59: {  	[spmem:s21] =	stream.linear.scatter [tilespmem:s4], [sflag:$0x9], $0x1200, $0x38;
	[tilespmem:$0x1F490] =	vst v63  }
0x5a: {  	_ =	swait.ge [sflag:s20], $0x1200  }
0x5b: {  	[sflag:s20] =	ssyncset.done $0x0  }
0x5c: {  	[sflag:s20] =	ssyncadd.s32 $0xFFFFEE00  }
0x5d: {  	[spmem:s30] =	stream.linear.scatter [tilespmem:s4], [sflag:$0x9], $0x1200, $0x38;
	[tilespmem:$0x1F490] =	vst v63  }
0x5e: {  	_ =	swait.ge [sflag:s20], $0x1200  }
0x5f: {  	[sflag:s20] =	ssyncset.done $0x0  }
0x60: {  	[sflag:s20] =	ssyncadd.s32 $0xFFFFEE00  }
0x61: {  	[spmem:s31] =	stream.linear.scatter [tilespmem:s4], [sflag:$0x9], $0x1200, $0x38;
	[tilespmem:$0x1F490] =	vst v63  }
0x62: {  	_ =	swait.ge [sflag:s20], $0x1200  }
0x63: {  	[sflag:s20] =	ssyncset.done $0x0  }
0x64: {  	s21 =	rddreg [dreg:$0x8];
	[sflag:s20] =	ssyncadd.s32 $0xFFFFEE00  }
0x65: {  	[spmem:s21] =	stream.linear.scatter [tilespmem:s4], [sflag:$0x9], $0x1200, $0x38;
	[tilespmem:$0x1F490] =	vst v63  }
0x66: {  	_ =	swait.ge [sflag:s20], $0x1200  }
0x67: {  	[sflag:s20] =	ssyncset.done $0x0  }
0x68: {  	s30 =	rddreg [dreg:$0x9];
	[sflag:s20] =	ssyncadd.s32 $0xFFFFEE00  }
0x69: {  	[spmem:s30] =	stream.linear.scatter [tilespmem:s4], [sflag:$0x9], $0x1200, $0x38;
	[tilespmem:$0x1F490] =	vst v63  }
0x6a: {  	_ =	swait.ge [sflag:s20], $0x1200  }
0x6b: {  	[sflag:s20] =	ssyncset.done $0x0  }
0x6c: {  	[sflag:s20] =	ssyncadd.s32 $0xFFFFEE00  }
0x6d: {  	[spmem:s19] =	stream.linear.scatter [tilespmem:s4], [sflag:$0x9], $0x1200, $0x38;
	[tilespmem:$0x1F490] =	vst v63  }
0x6e: {  	_ =	swait.ge [sflag:s20], $0x1200  }
0x6f: {  	[sflag:s20] =	ssyncset.done $0x0  }
0x70: {  	s15 =	rddreg [dreg:$0xb];
	[sflag:s20] =	ssyncadd.s32 $0xFFFFEE00  }
0x71: {  	[spmem:s15] =	stream.linear.scatter [tilespmem:s4], [sflag:$0x9], $0x1200, $0x38;
	[tilespmem:$0x1F490] =	vst v63  }
0x72: {  	_ =	swait.ge [sflag:s20], $0x1200  }
0x73: {  	[sflag:s20] =	ssyncset.done $0x0  }
0x74: {  	s19 =	rddreg [dreg:$0xc];
	[sflag:s20] =	ssyncadd.s32 $0xFFFFEE00  }
0x75: {  	[spmem:s19] =	stream.linear.scatter [tilespmem:s4], [sflag:$0x9], $0x1200, $0x38;
	[tilespmem:$0x1F490] =	vst v63  }
0x76: {  	_ =	swait.ge [sflag:s20], $0x1200  }
0x77: {  	[sflag:s20] =	ssyncset.done $0x0  }
0x78: {  	s21 =	rddreg [dreg:$0x12];
	[sflag:s20] =	ssyncadd.s32 $0xFFFFEE00  }
0x79: {  	[spmem:s21] =	stream.linear.scatter [tilespmem:s4], [sflag:$0x9], $0x1200, $0x38;
	[tilespmem:$0x1F490] =	vst v63  }
0x7a: {  	_ =	swait.ge [sflag:s20], $0x1200  }
0x7b: {  	[sflag:s20] =	ssyncset.done $0x0  }
0x7c: {  	s30 =	rddreg [dreg:$0x13];
	[sflag:s20] =	ssyncadd.s32 $0xFFFFEE00  }
0x7d: {  	[spmem:s30] =	stream.linear.scatter [tilespmem:s4], [sflag:$0x9], $0x1200, $0x38;
	[tilespmem:$0x1F490] =	vst v63  }
0x7e: {  	_ =	swait.ge [sflag:s20], $0x1200  }
0x7f: {  	[sflag:s20] =	ssyncset.done $0x0  }
0x80: {  	s15 =	rddreg [dreg:$0x14];
	[sflag:s20] =	ssyncadd.s32 $0xFFFFEE00  }
0x81: {  	[spmem:s15] =	stream.linear.scatter [tilespmem:s4], [sflag:$0x9], $0x1200, $0x38;
	[tilespmem:$0x1F490] =	vst v63  }
0x82: {  	_ =	swait.ge [sflag:s20], $0x1200  }
0x83: {  	[sflag:s20] =	ssyncset.done $0x0  }
0x84: {  	s19 =	rddreg [dreg:$0x15];
	[sflag:s20] =	ssyncadd.s32 $0xFFFFEE00  }
0x85: {  	[spmem:s19] =	stream.linear.scatter [tilespmem:s4], [sflag:$0x9], $0x1200, $0x38;
	[tilespmem:$0x1F490] =	vst v63  }
0x86: {  	_ =	swait.ge [sflag:s20], $0x1200  }
0x87: {  	[sflag:s20] =	ssyncset.done $0x0  }
0x88: {  	s21 =	rddreg [dreg:$0x16];
	[sflag:s20] =	ssyncadd.s32 $0xFFFFEE00  }
0x89: {  	[spmem:s21] =	stream.linear.scatter [tilespmem:s4], [sflag:$0x9], $0x1200, $0x38;
	[tilespmem:$0x1F490] =	vst v63  }
0x8a: {  	_ =	swait.ge [sflag:s20], $0x1200  }
0x8b: {  	[sflag:s20] =	ssyncset.done $0x0  }
0x8c: {  	s30 =	rddreg [dreg:$0x17];
	[sflag:s20] =	ssyncadd.s32 $0xFFFFEE00  }
0x8d: {  	[spmem:s30] =	stream.linear.scatter [tilespmem:s4], [sflag:$0x9], $0x1200, $0x38;
	[tilespmem:$0x1F490] =	vst v63  }
0x8e: {  	_ =	swait.ge [sflag:s20], $0x1200  }
0x8f: {  	[sflag:s20] =	ssyncset.done $0x0  }
0x90: {  	s15 =	rddreg [dreg:$0x18];
	[sflag:s20] =	ssyncadd.s32 $0xFFFFEE00  }
0x91: {  	[spmem:s15] =	stream.linear.scatter [tilespmem:s4], [sflag:$0x9], $0x1200, $0x38;
	[tilespmem:$0x1F490] =	vst v63  }
0x92: {  	_ =	swait.ge [sflag:s20], $0x1200  }
0x93: {  	[sflag:s20] =	ssyncset.done $0x0  }
0x94: {  	s19 =	rddreg [dreg:$0x19];
	[sflag:s20] =	ssyncadd.s32 $0xFFFFEE00  }
0x95: {  	[spmem:s19] =	stream.linear.scatter [tilespmem:s4], [sflag:$0x9], $0x1200, $0x38;
	[tilespmem:$0x1F490] =	vst v63  }
0x96: {  	_ =	swait.ge [sflag:s20], $0x1200  }
0x97: {  	[sflag:s20] =	ssyncset.done $0x0  }
0x98: {  	s21 =	rddreg [dreg:$0x1a];
	[sflag:s20] =	ssyncadd.s32 $0xFFFFEE00  }
0x99: {  	[spmem:s21] =	stream.linear.scatter [tilespmem:s4], [sflag:$0x9], $0x1200, $0x38;
	[tilespmem:$0x1F490] =	vst v63  }
0x9a: {  	_ =	swait.ge [sflag:s20], $0x1200  }
0x9b: {  	[sflag:s20] =	ssyncset.done $0x0  }
0x9c: {  	s30 =	rddreg [dreg:$0x1b];
	[sflag:s20] =	ssyncadd.s32 $0xFFFFEE00  }
0x9d: {  	[spmem:s30] =	stream.linear.scatter [tilespmem:s4], [sflag:$0x9], $0x1200, $0x38;
	[tilespmem:$0x1F490] =	vst v63  }
0x9e: {  	_ =	swait.ge [sflag:s20], $0x1200  }
0x9f: {  	[sflag:s20] =	ssyncset.done $0x0  }
0xa0: {  	s15 =	rddreg [dreg:$0x1c];
	[sflag:s20] =	ssyncadd.s32 $0xFFFFEE00  }
0xa1: {  	[spmem:s15] =	stream.linear.scatter [tilespmem:s4], [sflag:$0x9], $0x1200, $0x38;
	[tilespmem:$0x1F490] =	vst v63  }
0xa2: {  	_ =	swait.ge [sflag:s20], $0x1200  }
0xa3: {  	[sflag:s20] =	ssyncset.done $0x0  }
0xa4: {  	s19 =	rddreg [dreg:$0x1d];
	[sflag:s20] =	ssyncadd.s32 $0xFFFFEE00  }
0xa5: {  	[spmem:s19] =	stream.linear.scatter [tilespmem:s4], [sflag:$0x9], $0x1200, $0x38;
	[tilespmem:$0x1F490] =	vst v63  }
0xa6: {  	_ =	swait.ge [sflag:s20], $0x1200  }
0xa7: {  	[sflag:s20] =	ssyncset.done $0x0  }
0xa8: {  	[sflag:s20] =	ssyncadd.s32 $0xFFFFEE00  }
0xa9: {  	[bflag:$0x0] =	sbarrier.arrive $0xFFFF  }
0xaa: {  	s31 =	simm.s32 $0x0;
	s21 =	rddreg [dreg:$0x1e]  }
0xab: {  	[tilespmem:s31], [sflag:$0x1] =	stream.strided.gather [hbm4b:s21+s7], $0xF0, s16, s7, $0x38;
	[tilespmem:$0x1F490] =	vst v63  }
0xac: {  	_ =	swait.ge [sflag:s8], $0xF0  }
0xad: {  	[sflag:s8] =	ssyncset.done $0x0  }
0xae: {  	[sflag:s8] =	ssyncadd.s32 $0xFFFFFF10  }
0xaf: {  	[tilespmem:s9], [sflag:$0x3] =	stream.indirect.gather [hbm4b:s1+s7], $0x20, s31, s7, $0xb8;
	[tilespmem:$0x1F490] =	vst v63  }
0xb0: {  	s30 =	sld [smem:$0x7EE]  }
0xb1: {  	[tilespmem:s10], [sflag:$0x5] =	stream.indirect.gather [hbm4b:s5+s7], $0x10, s7, s7, $0xb8;
	[tilespmem:$0x1F490] =	vst v63  }
0xb2: {  	_ = 	snop  }
0xb3: {  	[tilespmem:s11], [sflag:$0x2] =	stream.strided.gather [hbm4b:s30+s7], $0xF0, s16, s7, $0x38;
	[tilespmem:$0x1F490] =	vst v63  }
.LBB2_4:
0xb4: {  	_ =	swait.ge [sflag:s12], $0xA00  }
0xb5: {  	[sflag:s12] =	ssyncset.done $0x0  }
0xb6: {  	[sflag:s12] =	ssyncadd.s32 $0xFFFFF600  }
0xb7: {  	_ =	swait.ge [sflag:s13], $0x500  }
0xb8: {  	[sflag:s13] =	ssyncset.done $0x0  }
0xb9: {  	[sflag:s13] =	ssyncadd.s32 $0xFFFFFB00  }
0xba: {  	_ =	swait.ge [sflag:s14], $0xF0  }
0xbb: {  	[sflag:s14] =	ssyncset.done $0x0  }
0xbc: {  	s0 =	simm.s32 $0xC80;
	p0 =	seq.s32 s31, $0x0;
	[sflag:s14] =	ssyncadd.s32 $0xFFFFFF10  }
0xbd: {  	[tilespmem:s0], [sflag:$0x4] =	stream.indirect.gather [hbm4b:s1+s7], $0x20, s11, s7, $0xb8;
	[tilespmem:$0x1F490] =	vst v63  }
0xbe: {  	s19 =	simm.s32 $0x140;
	s0 =	simm.s32 @!p0 $0x7  }
0xbf: {  	[tilespmem:s22], [sflag:$0x6] =	stream.indirect.gather [hbm4b:s5+s7], $0x10, s19, s7, $0xb8;
	[tilespmem:$0x1F490] =	vst v63  }
0xc0: {  	_ =	swait.ge @!p0 [sflag:s0], $0x2D00  }
0xc1: {  	[sflag:s0] =	ssyncset.done @!p0 $0x0  }
0xc2: {  	[sflag:s0] =	ssyncadd.s32 @!p0 $0xFFFFD300  }
0xc3: {  	v10 =	vld [tilespmem:$0xA0]  }
0xc4: {  	v11 =	vld [tilespmem:$0xB0]  }
0xc5: {  	v12 =	vld [tilespmem:$0xC0]  }
0xc6: {  	s0 =	sshll.u32 s31, $0x1;
	v13 =	vld [tilespmem:$0xD0]  }
0xc7: {  	v14 =	vld [tilespmem:$0xE0];
	s4 =	smin.u32 s0, $0xF7  }
0xc8: {  	s4 =	smul.u32 $0x50, s4;
	[tilespmem:$0x1E0] =	vst v10  }
0xc9: {  	[tilespmem:$0x1F0] =	vst v11  }
0xca: {  	s4 =	sadd.s32 s4, s17;
	[tilespmem:$0x200] =	vst v12  }
0xcb: {  	s4 =	sshrl.u32 s4, $0x3;
	[tilespmem:$0x210] =	vst v13  }
0xcc: {  	s21 =	simm.s32 $0x16A0;
	[tilespmem:$0x220] =	vst v14;
	s4 =	sadd.s32 s6, s4  }
0xcd: {  	[tilespmem:s3], [sflag:$0x1] =	stream.strided.gather [hbm4b:s4+s7], $0xF0, s16, s7, $0x38;
	[tilespmem:$0x1F490] =	vst v63  }
0xce: {  	s15 =	simm.s32 $0x2C0;
	v10 =	vld [tilespmem:s21+$0xFFFFFFF0]  }
0xcf: {  	v11 =	vld [tilespmem:s15+$0xFFFFFFF0]  }
0xd0: {  	v12 =	vld [tilespmem:s21+$0xFFFFFFE0]  }
0xd1: {  	v13 =	vld [tilespmem:s15+$0xFFFFFFD0];
	_ =	sdelay $0x2  }
0xd2: {  	v10 =	vadd.f32 v10, v11  }
0xd3: {  	v14 =	vld [tilespmem:s15+$0x30]  }
0xd4: {  	v15 =	vld [tilespmem:s21+$0x0];
	v12 =	vadd.f32 v12, v13;
	v13 =	vmul.f32 $2.000000030e-01, v10  }
0xd5: {  	v11 =	vld [tilespmem:s21+$0x10];
	vm0 =	vge.f32 v10, $0.0e+00  }
0xd6: {  	v16 =	vld [tilespmem:s15+$0x10];
	v10 =	vsel vm0, v10, v13  }
0xd7: {  	v17 =	vmul.f32 $2.000000030e-01, v12;
	v10 =	vsub.f32 v10, v9  }
0xd8: {  	vm14 =	vge.f32 v12, $0.0e+00  }
0xd9: {  	v12 =	vsel vm14, v12, v17;
	v10 =	vmul.f32 $1.442695020e+00, v10  }
0xda: {  	v11 =	vadd.f32 v11, v14;
	v12 =	vsub.f32 v12, v9  }
0xdb: {  	v13 =	vadd.f32 v15, v16;
	(erf) = vpow2.f32 v10  }
0xdc: {  	v14 =	vmul.f32 $2.000000030e-01, v11;
	v12 =	vmul.f32 $1.442695020e+00, v12  }
0xdd: {  	vm15 =	vge.f32 v11, $0.0e+00;
	v10 =	vmul.f32 $2.000000030e-01, v13  }
0xde: {  	vm1 =	vge.f32 v13, $0.0e+00;
	v11 =	vsel vm15, v11, v14;
	(erf) = vpow2.f32 v12  }
0xdf: {  	v11 =	vsub.f32 v11, v9;
	v10 =	vsel vm1, v13, v10  }
0xe0: {  	v10 =	vsub.f32 v10, v9  }
0xe1: {  	v11 =	vmul.f32 $1.442695020e+00, v11  }
0xe2: {  	v10 =	vmul.f32 $1.442695020e+00, v10  }
0xe3: {  	(erf) = vpow2.f32 v11  }
0xe4: {  	v13 =	vld [tilespmem:s15+$0xFFFFFFE0];
	(erf) = vpow2.f32 v10;
	v26 =	vpop (erf)  }
0xe5: {  	v10 =	vperm.xlane v26, v2;
	v11 =	vperm.xlane v26, v1  }
0xe6: {  	v25 =	vperm.xlane v26, v4;
	v19 =	vperm.xlane v26, v3  }
0xe7: {  	v23 =	vpop (erf);
	v21 =	vperm.xlane v26, v5;
	v32 =	vperm.xlane v26, v7  }
0xe8: {  	v16 =	vperm.xlane v23, v4;
	v12 =	vperm.xlane v23, v1  }
0xe9: {  	v28 =	vperm.xlane v23, v2;
	v29 =	vmul.f32 v10, v13;
	v10 =	vld [tilespmem:s15+$0xFFFFFFC0]  }
0xea: {  	s4 =	simm.s32 $0x21A0;
	v22 =	vperm.xlane v23, v3;
	v18 =	vmul.f32 v11, v13  }
0xeb: {  	[tilespmem:s4+$0xFFFFFFF0] =	vst v26;
	v14 =	vperm.xlane v23, v6;
	v24 =	vperm.xlane v23, v7  }
0xec: {  	v19 =	vmul.f32 v19, v13;
	v17 =	vpop (erf);
	[tilespmem:s4+$0xFFFFFF70] =	vst v18;
	v18 =	vperm.xlane v26, v6  }
0xed: {  	v30 =	vperm.xlane v23, v5;
	v11 =	vld [tilespmem:s15+$0x0];
	[tilespmem:s4+$0xFFFFFF60] =	vst v23;
	v27 =	vperm.xlane v17, v7  }
0xee: {  	[tilespmem:s4+$0xFFFFFF90] =	vst v19;
	v15 =	vpop (erf);
	v33 =	vmul.f32 v18, v13;
	v16 =	vmul.f32 v16, v10  }
0xef: {  	s30 =	simm.s32 $0x0;
	[tilespmem:s4+$0x80] =	vst v15;
	v20 =	vperm.xlane v15, v4;
	v31 =	vperm.xlane v15, v7  }
0xf0: {  	s19 =	simm.s32 $0x16E0;
	s21 =	simm.s32 $0x21A0;
	v18 =	vperm.xlane v15, v3;
	v19 =	vperm.xlane v15, v1;
	[tilespmem:s4+$0xFFFFFF10] =	vst v16;
	v16 =	vld [tilespmem:s15+$0x20];
	s15 =	simm.s32 $0x340  }
.LBB2_5:
0xf1: {  	v34 =	vld [tilespmem:s19+$0x0];
	s30 =	sadd.s32 $0x4, s30;
	v30 =	vmul.f32 v30, v10;
	[tilespmem:s4+$0xFFFFFFC0] =	vst v33;
	v26 =	vperm.xlane v26, v8;
	s21 =	sadd.s32 $0x240, s21  }
0xf2: {  	v31 =	vmul.f32 v31, v11;
	v33 =	vld [tilespmem:s19+$0xFFFFFFE0];
	p1 =	slt.u32 s30, $0x4C;
	[tilespmem:s4+$0xFFFFFF80] =	vst v29;
	v29 =	vmul.f32 v32, v13  }
0xf3: {  	v35 =	vperm.xlane v15, v8;
	v32 =	vld [tilespmem:s19+$0xFFFFFFF0];
	v26 =	vmul.f32 v26, v13;
	[tilespmem:s4+$0x110] =	vst v17  }
0xf4: {  	v28 =	vmul.f32 v28, v10;
	v36 =	vld [tilespmem:s15+$0xFFFFFFF0];
	[tilespmem:s4+$0xFFFFFFD0] =	vst v29;
	v29 =	vperm.xlane v15, v2  }
0xf5: {  	v23 =	vperm.xlane v23, v8;
	v38 =	vperm.xlane v15, v6;
	v37 =	vld [tilespmem:s15+$0x10]  }
0xf6: {  	v25 =	vmul.f32 v25, v13;
	v39 =	vld [tilespmem:s15+$0xFFFFFFD0];
	[tilespmem:s4+$0xFFFFFFE0] =	vst v26;
	v26 =	vmul.f32 v35, v11  }
0xf7: {  	v23 =	vmul.f32 v23, v10;
	v35 =	vld [tilespmem:s15+$0x30];
	[tilespmem:s4+$0xFFFFFEF0] =	vst v28;
	v28 =	vperm.xlane v17, v1  }
0xf8: {  	v41 =	vperm.xlane v17, v8;
	v40 =	vld [tilespmem:s19+$0x10];
	[tilespmem:s4+$0x70] =	vst v26;
	v26 =	vperm.xlane v17, v2  }
0xf9: {  	v27 =	vmul.f32 v27, v16;
	v32 =	vadd.f32 v32, v36;
	v36 =	vperm.xlane v17, v4  }
0xfa: {  	v24 =	vmul.f32 v24, v10;
	v34 =	vadd.f32 v34, v37;
	[tilespmem:s4+$0xFFFFFFA0] =	vst v25;
	v25 =	vperm.xlane v17, v6  }
0xfb: {  	v28 =	vmul.f32 v28, v16;
	v33 =	vadd.f32 v33, v39;
	v37 =	vmul.f32 $2.000000030e-01, v32;
	[tilespmem:s4+$0xF0] =	vst v27  }
0xfc: {  	vm1 =	vge.f32 v32, $0.0e+00;
	v27 =	vmul.f32 v36, v16;
	vm0 =	vge.f32 v34, $0.0e+00;
	[tilespmem:s4+$0x60] =	vst v31  }
0xfd: {  	v22 =	vmul.f32 v22, v10;
	v31 =	vmul.f32 $2.000000030e-01, v33;
	v32 =	vsel vm1, v32, v37  }
0xfe: {  	v21 =	vmul.f32 v21, v13;
	vm1 =	vge.f32 v33, $0.0e+00;
	v32 =	vsub.f32 v32, v9;
	[tilespmem:s4+$0xC0] =	vst v27  }
0xff: {  	v27 =	vadd.f32 v40, v35;
	v13 =	vsel vm1, v33, v31;
	[tilespmem:s4+$0xFFFFFF00] =	vst v22;
	v22 =	vperm.xlane v17, v3  }
0x100: {  	v26 =	vmul.f32 v26, v16;
	v13 =	vsub.f32 v13, v9;
	v31 =	vmul.f32 $1.442695020e+00, v32;
	[tilespmem:s4+$0x90] =	vst v28  }
0x101: {  	v17 =	vperm.xlane v17, v5;
	v28 =	vmul.f32 $2.000000030e-01, v27;
	[tilespmem:s4+$0xFFFFFF40] =	vst v24  }
0x102: {  	vm1 =	vge.f32 v27, $0.0e+00;
	v13 =	vmul.f32 $1.442695020e+00, v13;
	(erf) = vpow2.f32 v31;
	[tilespmem:s4+$0xA0] =	vst v26  }
0x103: {  	v24 =	vmul.f32 $2.000000030e-01, v34;
	v17 =	vmul.f32 v17, v16;
	v26 =	vsel vm1, v27, v28  }
0x104: {  	v27 =	vmul.f32 v41, v16;
	v26 =	vsub.f32 v26, v9;
	(erf) = vpow2.f32 v13;
	[tilespmem:s4+$0xFFFFFF50] =	vst v23  }
0x105: {  	v20 =	vmul.f32 v20, v11;
	v13 =	vsel vm0, v34, v24;
	v23 =	vmul.f32 v25, v16;
	[tilespmem:s4+$0xFFFFFF20] =	vst v30  }
0x106: {  	v14 =	vmul.f32 v14, v10;
	v13 =	vsub.f32 v13, v9;
	v24 =	vmul.f32 $1.442695020e+00, v26;
	[tilespmem:s4+$0xD0] =	vst v17  }
0x107: {  	v10 =	vmul.f32 v12, v10;
	v12 =	vperm.xlane v15, v5;
	[tilespmem:s4+$0x30] =	vst v20  }
0x108: {  	v15 =	vmul.f32 $1.442695020e+00, v13;
	(erf) = vpow2.f32 v24;
	[tilespmem:s4+$0xE0] =	vst v23  }
0x109: {  	v20 =	vmul.f32 v12, v11;
	v13 =	vld [tilespmem:s15+$0xFFFFFFE0];
	[tilespmem:s4+$0xFFFFFF30] =	vst v14;
	v14 =	vmul.f32 v29, v11  }
0x10a: {  	v12 =	vmul.f32 v38, v11;
	(erf) = vpow2.f32 v15;
	[tilespmem:s4+$0xFFFFFFB0] =	vst v21  }
0x10b: {  	v15 =	vmul.f32 v19, v11;
	v11 =	vmul.f32 v18, v11;
	v26 =	vpop (erf);
	[tilespmem:s4+$0x10] =	vst v14  }
0x10c: {  	v14 =	vperm.xlane v26, v1;
	v17 =	vperm.xlane v26, v2;
	[tilespmem:s4+$0xFFFFFEE0] =	vst v10  }
0x10d: {  	v16 =	vmul.f32 v22, v16;
	v23 =	vpop (erf);
	[tilespmem:s4+$0x50] =	vst v12  }
0x10e: {  	v18 =	vperm.xlane v23, v4;
	v29 =	vmul.f32 v17, v13;
	[tilespmem:s4+$0x20] =	vst v11  }
0x10f: {  	v25 =	vperm.xlane v26, v4;
	v12 =	vperm.xlane v23, v1;
	v10 =	vld [tilespmem:s15+$0xFFFFFFC0];
	[tilespmem:s4+$0xB0] =	vst v16  }
0x110: {  	v28 =	vperm.xlane v23, v2;
	v16 =	vmul.f32 v14, v13;
	[tilespmem:s4+$0x0] =	vst v15  }
0x111: {  	v22 =	vperm.xlane v23, v3;
	v14 =	vperm.xlane v23, v6;
	v17 =	vpop (erf);
	[tilespmem:s4+$0x40] =	vst v20  }
0x112: {  	v19 =	vperm.xlane v26, v3;
	v24 =	vperm.xlane v23, v7;
	[tilespmem:s4+$0x100] =	vst v27;
	s4 =	smov.u32 s21  }
0x113: {  	v21 =	vperm.xlane v26, v5;
	v27 =	vperm.xlane v17, v7;
	[tilespmem:s21+$0xFFFFFFF0] =	vst v26;
	v11 =	vld [tilespmem:s15+$0x0];
	v15 =	vpop (erf)  }
.Ltmp1:
0x114: {  	v19 =	vmul.f32 v19, v13;
	v18 =	vmul.f32 v18, v10;
	[tilespmem:s21+$0x80] =	vst v15;
	(pc) =	sbr.rel @p1 .LBB2_5-.Ltmp1, $4  }
0x115: {  	v20 =	vperm.xlane v15, v4;
	[tilespmem:s21+$0xFFFFFF70] =	vst v16;
	v16 =	vperm.xlane v26, v6  }
0x116: {  	v30 =	vperm.xlane v23, v5;
	v31 =	vperm.xlane v15, v7;
	[tilespmem:s21+$0xFFFFFF10] =	vst v18  }
0x117: {  	v18 =	vperm.xlane v15, v3;
	[tilespmem:s21+$0xFFFFFF90] =	vst v19;
	v33 =	vmul.f32 v16, v13  }
0x118: {  	s19 =	sadd.s32 $0x40, s19;
	v32 =	vperm.xlane v26, v7;
	v19 =	vperm.xlane v15, v1;
	[tilespmem:s21+$0xFFFFFF60] =	vst v23;
	v16 =	vld [tilespmem:s15+$0x20];
	s15 =	sadd.s32 $0x80, s15  }
0x119: {  	[tilespmem:s4+$0xFFFFFFC0] =	vst v33  }
0x11a: {  	[tilespmem:s4+$0xFFFFFF80] =	vst v29;
	v28 =	vmul.f32 v28, v10  }
0x11b: {  	[tilespmem:s4+$0x110] =	vst v17;
	v25 =	vmul.f32 v25, v13  }
0x11c: {  	v22 =	vmul.f32 v22, v10;
	[tilespmem:s4+$0xFFFFFEF0] =	vst v28  }
0x11d: {  	v24 =	vmul.f32 v24, v10;
	[tilespmem:s4+$0xFFFFFFA0] =	vst v25  }
0x11e: {  	v20 =	vmul.f32 v20, v11;
	[tilespmem:s4+$0xFFFFFF00] =	vst v22  }
0x11f: {  	v26 =	vperm.xlane v26, v8;
	v14 =	vmul.f32 v14, v10;
	[tilespmem:s4+$0xFFFFFF40] =	vst v24  }
0x120: {  	v29 =	vmul.f32 v32, v13;
	[tilespmem:s4+$0x30] =	vst v20  }
0x121: {  	v23 =	vperm.xlane v23, v8;
	v26 =	vmul.f32 v26, v13;
	[tilespmem:s4+$0xFFFFFF30] =	vst v14  }
0x122: {  	v28 =	vmul.f32 v31, v11;
	[tilespmem:s4+$0xFFFFFFD0] =	vst v29  }
0x123: {  	v63 =	vperm.xlane v15, v8;
	v23 =	vmul.f32 v23, v10;
	[tilespmem:s4+$0xFFFFFFE0] =	vst v26  }
0x124: {  	v13 =	vmul.f32 v21, v13;
	[tilespmem:s4+$0x60] =	vst v28  }
0x125: {  	v25 =	vperm.xlane v17, v1;
	v26 =	vmul.f32 v63, v11;
	[tilespmem:s4+$0xFFFFFF50] =	vst v23  }
0x126: {  	v24 =	vperm.xlane v17, v5;
	v27 =	vmul.f32 v27, v16;
	[tilespmem:s4+$0xFFFFFFB0] =	vst v13  }
0x127: {  	v20 =	vperm.xlane v15, v6;
	v25 =	vmul.f32 v25, v16;
	[tilespmem:s4+$0x70] =	vst v26  }
0x128: {  	v24 =	vmul.f32 v24, v16;
	[tilespmem:s4+$0xF0] =	vst v27  }
0x129: {  	v23 =	vperm.xlane v15, v2;
	v13 =	vmul.f32 v20, v11;
	[tilespmem:s4+$0x90] =	vst v25  }
0x12a: {  	v25 =	vmul.f32 v30, v10;
	[tilespmem:s4+$0xD0] =	vst v24  }
0x12b: {  	v26 =	vperm.xlane v17, v4;
	v14 =	vmul.f32 v23, v11;
	[tilespmem:s4+$0x50] =	vst v13  }
0x12c: {  	v27 =	vperm.xlane v17, v2;
	v10 =	vmul.f32 v12, v10;
	[tilespmem:s4+$0xFFFFFF20] =	vst v25  }
0x12d: {  	v26 =	vmul.f32 v26, v16;
	[tilespmem:s4+$0x10] =	vst v14  }
0x12e: {  	v12 =	vperm.xlane v17, v3;
	v22 =	vmul.f32 v27, v16;
	[tilespmem:s4+$0xFFFFFEE0] =	vst v10  }
0x12f: {  	v14 =	vmul.f32 v18, v11;
	[tilespmem:s4+$0xC0] =	vst v26  }
0x130: {  	v10 =	vperm.xlane v15, v5;
	v12 =	vmul.f32 v12, v16;
	[tilespmem:s4+$0xA0] =	vst v22  }
0x131: {  	v13 =	vperm.xlane v17, v8;
	v15 =	vmul.f32 v19, v11;
	[tilespmem:s4+$0x20] =	vst v14  }
0x132: {  	v22 =	vperm.xlane v17, v6;
	v10 =	vmul.f32 v10, v11;
	[tilespmem:s4+$0xB0] =	vst v12  }
0x133: {  	v11 =	vmul.f32 v13, v16;
	[tilespmem:s4+$0x0] =	vst v15  }
0x134: {  	v22 =	vmul.f32 v22, v16;
	[tilespmem:s4+$0x40] =	vst v10  }
0x135: {  	[tilespmem:s4+$0x100] =	vst v11  }
0x136: {  	[tilespmem:s4+$0xE0] =	vst v22  }
0x137: {  	[spmem:s2] =	stream.indirect.scatter.add.f32 [tilespmem:s24], [sflag:$0x7], $0x90, s23, s7, $0xb8;
	[tilespmem:$0x1F490] =	vst v63  }
0x138: {  	_ =	swait.ge [sflag:s25], $0xA00  }
0x139: {  	[sflag:s25] =	ssyncset.done $0x0  }
0x13a: {  	[sflag:s25] =	ssyncadd.s32 $0xFFFFF600  }
0x13b: {  	_ =	swait.ge [sflag:s26], $0x500  }
0x13c: {  	[sflag:s26] =	ssyncset.done $0x0  }
0x13d: {  	[sflag:s26] =	ssyncadd.s32 $0xFFFFFB00  }
0x13e: {  	_ =	swait.ge [sflag:s8], $0xF0  }
0x13f: {  	[sflag:s8] =	ssyncset.done $0x0  }
0x140: {  	[sflag:s8] =	ssyncadd.s32 $0xFFFFFF10  }
0x141: {  	[tilespmem:s9], [sflag:$0x3] =	stream.indirect.gather [hbm4b:s1+s7], $0x20, s3, s7, $0xb8;
	[tilespmem:$0x1F490] =	vst v63  }
0x142: {  	s4 =	simm.s32 @!p0 $0x8  }
0x143: {  	[tilespmem:s10], [sflag:$0x5] =	stream.indirect.gather [hbm4b:s5+s7], $0x10, s7, s7, $0xb8;
	[tilespmem:$0x1F490] =	vst v63  }
0x144: {  	_ =	swait.ge @!p0 [sflag:s4], $0x2D00  }
0x145: {  	[sflag:s4] =	ssyncset.done @!p0 $0x0  }
0x146: {  	[sflag:s4] =	ssyncadd.s32 @!p0 $0xFFFFD300  }
0x147: {  	v10 =	vld [tilespmem:$0x190]  }
0x148: {  	v11 =	vld [tilespmem:$0x1A0]  }
0x149: {  	v12 =	vld [tilespmem:$0x1B0]  }
0x14a: {  	v13 =	vld [tilespmem:$0x1C0]  }
0x14b: {  	s0 =	smin.u32 s0, $0xF6;
	v14 =	vld [tilespmem:$0x1D0]  }
0x14c: {  	s0 =	smul.u32 $0x50, s0;
	[tilespmem:$0x230] =	vst v10  }
0x14d: {  	[tilespmem:$0x240] =	vst v11  }
0x14e: {  	s0 =	sadd.s32 s0, s18;
	[tilespmem:$0x250] =	vst v12  }
0x14f: {  	s0 =	sshrl.u32 s0, $0x3;
	[tilespmem:$0x260] =	vst v13  }
0x150: {  	s30 =	simm.s32 $0x1BB0;
	s0 =	sadd.s32 s6, s0;
	[tilespmem:$0x270] =	vst v14  }
0x151: {  	[tilespmem:s11], [sflag:$0x2] =	stream.strided.gather [hbm4b:s0+s7], $0xF0, s16, s7, $0x38;
	[tilespmem:$0x1F490] =	vst v63  }
0x152: {  	s15 =	simm.s32 $0xCF0;
	v10 =	vld [tilespmem:s30+$0xFFFFFFE0]  }
0x153: {  	v11 =	vld [tilespmem:s15+$0xFFFFFFC0]  }
0x154: {  	v12 =	vld [tilespmem:s30+$0xFFFFFFD0]  }
0x155: {  	v13 =	vld [tilespmem:s15+$0xFFFFFFA0];
	_ =	sdelay $0x2  }
0x156: {  	v10 =	vadd.f32 v10, v11  }
0x157: {  	v14 =	vld [tilespmem:s15+$0x0]  }
0x158: {  	v15 =	vld [tilespmem:s30+$0xFFFFFFF0];
	v12 =	vadd.f32 v12, v13;
	v13 =	vmul.f32 $2.000000030e-01, v10  }
0x159: {  	v11 =	vld [tilespmem:s30+$0x0];
	vm0 =	vge.f32 v10, $0.0e+00  }
0x15a: {  	v16 =	vld [tilespmem:s15+$0xFFFFFFE0];
	v10 =	vsel vm0, v10, v13  }
0x15b: {  	v17 =	vmul.f32 $2.000000030e-01, v12;
	v10 =	vsub.f32 v10, v9  }
0x15c: {  	vm14 =	vge.f32 v12, $0.0e+00  }
0x15d: {  	v12 =	vsel vm14, v12, v17;
	v10 =	vmul.f32 $1.442695020e+00, v10  }
0x15e: {  	v11 =	vadd.f32 v11, v14;
	v12 =	vsub.f32 v12, v9  }
0x15f: {  	v13 =	vadd.f32 v15, v16;
	(erf) = vpow2.f32 v10  }
0x160: {  	v14 =	vmul.f32 $2.000000030e-01, v11;
	v12 =	vmul.f32 $1.442695020e+00, v12  }
0x161: {  	vm15 =	vge.f32 v11, $0.0e+00;
	v10 =	vmul.f32 $2.000000030e-01, v13  }
0x162: {  	vm1 =	vge.f32 v13, $0.0e+00;
	v11 =	vsel vm15, v11, v14;
	(erf) = vpow2.f32 v12  }
0x163: {  	v11 =	vsub.f32 v11, v9;
	v10 =	vsel vm1, v13, v10  }
0x164: {  	v10 =	vsub.f32 v10, v9  }
0x165: {  	v11 =	vmul.f32 $1.442695020e+00, v11  }
0x166: {  	v10 =	vmul.f32 $1.442695020e+00, v10  }
0x167: {  	(erf) = vpow2.f32 v11  }
0x168: {  	v13 =	vld [tilespmem:s15+$0xFFFFFFB0];
	(erf) = vpow2.f32 v10;
	v26 =	vpop (erf)  }
0x169: {  	v10 =	vperm.xlane v26, v2;
	v11 =	vperm.xlane v26, v1  }
0x16a: {  	v25 =	vperm.xlane v26, v4;
	v19 =	vperm.xlane v26, v3  }
0x16b: {  	v23 =	vpop (erf);
	v21 =	vperm.xlane v26, v5;
	v32 =	vperm.xlane v26, v7  }
0x16c: {  	v16 =	vperm.xlane v23, v4;
	v12 =	vperm.xlane v23, v1  }
0x16d: {  	v28 =	vperm.xlane v23, v2;
	v29 =	vmul.f32 v10, v13;
	v10 =	vld [tilespmem:s15+$0xFFFFFF90]  }
0x16e: {  	s0 =	simm.s32 $0x4FB0;
	v22 =	vperm.xlane v23, v3;
	v18 =	vmul.f32 v11, v13  }
0x16f: {  	[tilespmem:s0+$0xFFFFFEE0] =	vst v26;
	v14 =	vperm.xlane v23, v6;
	v24 =	vperm.xlane v23, v7  }
0x170: {  	v19 =	vmul.f32 v19, v13;
	v17 =	vpop (erf);
	[tilespmem:s0+$0xFFFFFE60] =	vst v18;
	v18 =	vperm.xlane v26, v6  }
0x171: {  	v30 =	vperm.xlane v23, v5;
	v11 =	vld [tilespmem:s15+$0xFFFFFFD0];
	[tilespmem:s0+$0xFFFFFE50] =	vst v23;
	v27 =	vperm.xlane v17, v7  }
0x172: {  	[tilespmem:s0+$0xFFFFFE80] =	vst v19;
	v15 =	vpop (erf);
	v33 =	vmul.f32 v18, v13;
	v16 =	vmul.f32 v16, v10  }
0x173: {  	s19 =	simm.s32 $0x1BF0;
	[tilespmem:s0+$0xFFFFFF70] =	vst v15;
	v20 =	vperm.xlane v15, v4;
	v31 =	vperm.xlane v15, v7  }
0x174: {  	s21 =	simm.s32 $0x4FB0;
	s4 =	simm.s32 $0x0;
	v18 =	vperm.xlane v15, v3;
	v19 =	vperm.xlane v15, v1;
	[tilespmem:s0+$0xFFFFFE00] =	vst v16;
	v16 =	vld [tilespmem:s15+$0xFFFFFFF0];
	s15 =	simm.s32 $0xD70  }
.LBB2_7:
0x175: {  	v34 =	vld [tilespmem:s19+$0xFFFFFFF0];
	s4 =	sadd.s32 $0x4, s4;
	v30 =	vmul.f32 v30, v10;
	[tilespmem:s0+$0xFFFFFEB0] =	vst v33;
	v26 =	vperm.xlane v26, v8;
	s21 =	sadd.s32 $0x240, s21  }
0x176: {  	v31 =	vmul.f32 v31, v11;
	v33 =	vld [tilespmem:s19+$0xFFFFFFD0];
	p0 =	slt.u32 s4, $0x4C;
	[tilespmem:s0+$0xFFFFFE70] =	vst v29;
	v29 =	vmul.f32 v32, v13  }
0x177: {  	v35 =	vperm.xlane v15, v8;
	v32 =	vld [tilespmem:s19+$0xFFFFFFE0];
	v26 =	vmul.f32 v26, v13;
	[tilespmem:s0+$0x0] =	vst v17  }
0x178: {  	v28 =	vmul.f32 v28, v10;
	v36 =	vld [tilespmem:s15+$0xFFFFFFC0];
	[tilespmem:s0+$0xFFFFFEC0] =	vst v29;
	v29 =	vperm.xlane v15, v2  }
0x179: {  	v23 =	vperm.xlane v23, v8;
	v38 =	vperm.xlane v15, v6;
	v37 =	vld [tilespmem:s15+$0xFFFFFFE0]  }
0x17a: {  	v25 =	vmul.f32 v25, v13;
	v39 =	vld [tilespmem:s15+$0xFFFFFFA0];
	[tilespmem:s0+$0xFFFFFED0] =	vst v26;
	v26 =	vmul.f32 v35, v11  }
0x17b: {  	v23 =	vmul.f32 v23, v10;
	v35 =	vld [tilespmem:s15+$0x0];
	[tilespmem:s0+$0xFFFFFDE0] =	vst v28;
	v28 =	vperm.xlane v17, v1  }
0x17c: {  	v41 =	vperm.xlane v17, v8;
	v40 =	vld [tilespmem:s19+$0x0];
	[tilespmem:s0+$0xFFFFFF60] =	vst v26;
	v26 =	vperm.xlane v17, v2  }
0x17d: {  	v27 =	vmul.f32 v27, v16;
	v32 =	vadd.f32 v32, v36;
	v36 =	vperm.xlane v17, v4  }
0x17e: {  	v24 =	vmul.f32 v24, v10;
	v34 =	vadd.f32 v34, v37;
	[tilespmem:s0+$0xFFFFFE90] =	vst v25;
	v25 =	vperm.xlane v17, v6  }
0x17f: {  	v28 =	vmul.f32 v28, v16;
	v33 =	vadd.f32 v33, v39;
	v37 =	vmul.f32 $2.000000030e-01, v32;
	[tilespmem:s0+$0xFFFFFFE0] =	vst v27  }
0x180: {  	vm1 =	vge.f32 v32, $0.0e+00;
	v27 =	vmul.f32 v36, v16;
	vm0 =	vge.f32 v34, $0.0e+00;
	[tilespmem:s0+$0xFFFFFF50] =	vst v31  }
0x181: {  	v22 =	vmul.f32 v22, v10;
	v31 =	vmul.f32 $2.000000030e-01, v33;
	v32 =	vsel vm1, v32, v37  }
0x182: {  	v21 =	vmul.f32 v21, v13;
	vm1 =	vge.f32 v33, $0.0e+00;
	v32 =	vsub.f32 v32, v9;
	[tilespmem:s0+$0xFFFFFFB0] =	vst v27  }
0x183: {  	v27 =	vadd.f32 v40, v35;
	v13 =	vsel vm1, v33, v31;
	[tilespmem:s0+$0xFFFFFDF0] =	vst v22;
	v22 =	vperm.xlane v17, v3  }
0x184: {  	v26 =	vmul.f32 v26, v16;
	v13 =	vsub.f32 v13, v9;
	v31 =	vmul.f32 $1.442695020e+00, v32;
	[tilespmem:s0+$0xFFFFFF80] =	vst v28  }
0x185: {  	v17 =	vperm.xlane v17, v5;
	v28 =	vmul.f32 $2.000000030e-01, v27;
	[tilespmem:s0+$0xFFFFFE30] =	vst v24  }
0x186: {  	vm1 =	vge.f32 v27, $0.0e+00;
	v13 =	vmul.f32 $1.442695020e+00, v13;
	(erf) = vpow2.f32 v31;
	[tilespmem:s0+$0xFFFFFF90] =	vst v26  }
0x187: {  	v24 =	vmul.f32 $2.000000030e-01, v34;
	v17 =	vmul.f32 v17, v16;
	v26 =	vsel vm1, v27, v28  }
0x188: {  	v27 =	vmul.f32 v41, v16;
	v26 =	vsub.f32 v26, v9;
	(erf) = vpow2.f32 v13;
	[tilespmem:s0+$0xFFFFFE40] =	vst v23  }
0x189: {  	v20 =	vmul.f32 v20, v11;
	v13 =	vsel vm0, v34, v24;
	v23 =	vmul.f32 v25, v16;
	[tilespmem:s0+$0xFFFFFE10] =	vst v30  }
0x18a: {  	v14 =	vmul.f32 v14, v10;
	v13 =	vsub.f32 v13, v9;
	v24 =	vmul.f32 $1.442695020e+00, v26;
	[tilespmem:s0+$0xFFFFFFC0] =	vst v17  }
0x18b: {  	v10 =	vmul.f32 v12, v10;
	v12 =	vperm.xlane v15, v5;
	[tilespmem:s0+$0xFFFFFF20] =	vst v20  }
0x18c: {  	v15 =	vmul.f32 $1.442695020e+00, v13;
	(erf) = vpow2.f32 v24;
	[tilespmem:s0+$0xFFFFFFD0] =	vst v23  }
0x18d: {  	v20 =	vmul.f32 v12, v11;
	v13 =	vld [tilespmem:s15+$0xFFFFFFB0];
	[tilespmem:s0+$0xFFFFFE20] =	vst v14;
	v14 =	vmul.f32 v29, v11  }
0x18e: {  	v12 =	vmul.f32 v38, v11;
	(erf) = vpow2.f32 v15;
	[tilespmem:s0+$0xFFFFFEA0] =	vst v21  }
0x18f: {  	v15 =	vmul.f32 v19, v11;
	v11 =	vmul.f32 v18, v11;
	v26 =	vpop (erf);
	[tilespmem:s0+$0xFFFFFF00] =	vst v14  }
0x190: {  	v14 =	vperm.xlane v26, v1;
	v17 =	vperm.xlane v26, v2;
	[tilespmem:s0+$0xFFFFFDD0] =	vst v10  }
0x191: {  	v16 =	vmul.f32 v22, v16;
	v23 =	vpop (erf);
	[tilespmem:s0+$0xFFFFFF40] =	vst v12  }
0x192: {  	v18 =	vperm.xlane v23, v4;
	v29 =	vmul.f32 v17, v13;
	[tilespmem:s0+$0xFFFFFF10] =	vst v11  }
0x193: {  	v25 =	vperm.xlane v26, v4;
	v12 =	vperm.xlane v23, v1;
	v10 =	vld [tilespmem:s15+$0xFFFFFF90];
	[tilespmem:s0+$0xFFFFFFA0] =	vst v16  }
0x194: {  	v28 =	vperm.xlane v23, v2;
	v16 =	vmul.f32 v14, v13;
	[tilespmem:s0+$0xFFFFFEF0] =	vst v15  }
0x195: {  	v22 =	vperm.xlane v23, v3;
	v14 =	vperm.xlane v23, v6;
	v17 =	vpop (erf);
	[tilespmem:s0+$0xFFFFFF30] =	vst v20  }
0x196: {  	v19 =	vperm.xlane v26, v3;
	v24 =	vperm.xlane v23, v7;
	[tilespmem:s0+$0xFFFFFFF0] =	vst v27;
	s0 =	smov.u32 s21  }
0x197: {  	v21 =	vperm.xlane v26, v5;
	v27 =	vperm.xlane v17, v7;
	[tilespmem:s21+$0xFFFFFEE0] =	vst v26;
	v11 =	vld [tilespmem:s15+$0xFFFFFFD0];
	v15 =	vpop (erf)  }
.Ltmp2:
0x198: {  	v19 =	vmul.f32 v19, v13;
	v18 =	vmul.f32 v18, v10;
	[tilespmem:s21+$0xFFFFFF70] =	vst v15;
	(pc) =	sbr.rel @p0 .LBB2_7-.Ltmp2, $4  }
0x199: {  	v20 =	vperm.xlane v15, v4;
	[tilespmem:s21+$0xFFFFFE60] =	vst v16;
	v16 =	vperm.xlane v26, v6  }
0x19a: {  	v30 =	vperm.xlane v23, v5;
	v31 =	vperm.xlane v15, v7;
	[tilespmem:s21+$0xFFFFFE00] =	vst v18  }
0x19b: {  	v18 =	vperm.xlane v15, v3;
	[tilespmem:s21+$0xFFFFFE80] =	vst v19;
	v33 =	vmul.f32 v16, v13  }
0x19c: {  	s19 =	sadd.s32 $0x40, s19;
	v32 =	vperm.xlane v26, v7;
	v19 =	vperm.xlane v15, v1;
	[tilespmem:s21+$0xFFFFFE50] =	vst v23;
	v16 =	vld [tilespmem:s15+$0xFFFFFFF0];
	s15 =	sadd.s32 $0x80, s15  }
0x19d: {  	[tilespmem:s0+$0xFFFFFEB0] =	vst v33  }
0x19e: {  	[tilespmem:s0+$0xFFFFFE70] =	vst v29;
	v28 =	vmul.f32 v28, v10  }
0x19f: {  	[tilespmem:s0+$0x0] =	vst v17;
	v25 =	vmul.f32 v25, v13  }
0x1a0: {  	v48 =	vmul.f32 v31, v11;
	[tilespmem:s0+$0xFFFFFDE0] =	vst v28  }
0x1a1: {  	v22 =	vmul.f32 v22, v10;
	[tilespmem:s0+$0xFFFFFE90] =	vst v25  }
0x1a2: {  	v24 =	vmul.f32 v24, v10;
	[tilespmem:s0+$0xFFFFFF50] =	vst v48  }
0x1a3: {  	v53 =	vmul.f32 v30, v10;
	[tilespmem:s0+$0xFFFFFDF0] =	vst v22  }
0x1a4: {  	v20 =	vmul.f32 v20, v11;
	[tilespmem:s0+$0xFFFFFE30] =	vst v24  }
0x1a5: {  	v14 =	vmul.f32 v14, v10;
	[tilespmem:s0+$0xFFFFFE10] =	vst v53  }
0x1a6: {  	v56 =	vmul.f32 v21, v13;
	[tilespmem:s0+$0xFFFFFF20] =	vst v20  }
0x1a7: {  	v61 =	vmul.f32 v18, v11;
	[tilespmem:s0+$0xFFFFFE20] =	vst v14  }
0x1a8: {  	v26 =	vperm.xlane v26, v8;
	v44 =	vmul.f32 v32, v13;
	[tilespmem:s0+$0xFFFFFEA0] =	vst v56  }
0x1a9: {  	v45 =	vperm.xlane v15, v8;
	v63 =	vmul.f32 v19, v11;
	[tilespmem:s0+$0xFFFFFF10] =	vst v61  }
0x1aa: {  	v23 =	vperm.xlane v23, v8;
	v26 =	vmul.f32 v26, v13;
	[tilespmem:s0+$0xFFFFFEC0] =	vst v44  }
0x1ab: {  	v55 =	vperm.xlane v15, v2;
	v46 =	vmul.f32 v45, v11;
	[tilespmem:s0+$0xFFFFFEF0] =	vst v63  }
0x1ac: {  	v23 =	vmul.f32 v23, v10;
	[tilespmem:s0+$0xFFFFFED0] =	vst v26  }
0x1ad: {  	v57 =	vperm.xlane v15, v6;
	v58 =	vmul.f32 v55, v11;
	[tilespmem:s0+$0xFFFFFF60] =	vst v46  }
0x1ae: {  	v10 =	vmul.f32 v12, v10;
	[tilespmem:s0+$0xFFFFFE40] =	vst v23  }
0x1af: {  	v47 =	vperm.xlane v17, v4;
	v60 =	vmul.f32 v57, v11;
	[tilespmem:s0+$0xFFFFFF00] =	vst v58  }
0x1b0: {  	v49 =	vperm.xlane v17, v1;
	v27 =	vmul.f32 v27, v16;
	[tilespmem:s0+$0xFFFFFDD0] =	vst v10  }
0x1b1: {  	v50 =	vperm.xlane v17, v2;
	v26 =	vmul.f32 v47, v16;
	[tilespmem:s0+$0xFFFFFF40] =	vst v60  }
0x1b2: {  	v52 =	vperm.xlane v17, v5;
	v25 =	vmul.f32 v49, v16;
	[tilespmem:s0+$0xFFFFFFE0] =	vst v27  }
0x1b3: {  	v54 =	vperm.xlane v17, v6;
	v51 =	vmul.f32 v50, v16;
	[tilespmem:s0+$0xFFFFFFB0] =	vst v26  }
0x1b4: {  	v59 =	vperm.xlane v17, v3;
	v24 =	vmul.f32 v52, v16;
	[tilespmem:s0+$0xFFFFFF80] =	vst v25  }
0x1b5: {  	s31 =	sadd.s32 $0x1, s31;
	v22 =	vmul.f32 v54, v16;
	v10 =	vperm.xlane v15, v5;
	[tilespmem:s0+$0xFFFFFF90] =	vst v51  }
0x1b6: {  	v62 =	vperm.xlane v17, v8;
	p0 =	sne.s32 s31, $0x7D;
	v12 =	vmul.f32 v59, v16;
	[tilespmem:s0+$0xFFFFFFC0] =	vst v24  }
.Ltmp3:
0x1b7: {  	[tilespmem:s0+$0xFFFFFFD0] =	vst v22;
	v10 =	vmul.f32 v10, v11;
	(pc) =	sbr.rel @p0 .LBB2_4-.Ltmp3, $4  }
0x1b8: {  	[tilespmem:s0+$0xFFFFFFA0] =	vst v12;
	v11 =	vmul.f32 v62, v16  }
0x1b9: {  	[tilespmem:s0+$0xFFFFFF30] =	vst v10  }
0x1ba: {  	[tilespmem:s0+$0xFFFFFFF0] =	vst v11  }
0x1bb: {  	[spmem:s2] =	stream.indirect.scatter.add.f32 [tilespmem:s29], [sflag:$0x8], $0x90, s28, s7, $0xb8;
	[tilespmem:$0x1F490] =	vst v63  }
0x1bc: {  	_ =	swait.ge [sflag:s12], $0xA00  }
0x1bd: {  	[sflag:s12] =	ssyncset.done $0x0  }
0x1be: {  	[sflag:s12] =	ssyncadd.s32 $0xFFFFF600  }
0x1bf: {  	_ =	swait.ge [sflag:s13], $0x500  }
0x1c0: {  	[sflag:s13] =	ssyncset.done $0x0  }
0x1c1: {  	[sflag:s13] =	ssyncadd.s32 $0xFFFFFB00  }
0x1c2: {  	_ =	swait.ge [sflag:s14], $0xF0  }
0x1c3: {  	[sflag:s14] =	ssyncset.done $0x0  }
0x1c4: {  	s0 =	simm.s32 $0x7;
	[sflag:s14] =	ssyncadd.s32 $0xFFFFFF10  }
0x1c5: {  	_ =	swait.ge [sflag:s0], $0x2D00  }
0x1c6: {  	[sflag:s0] =	ssyncset.done $0x0  }
0x1c7: {  	s21 =	simm.s32 $0x8;
	[sflag:s0] =	ssyncadd.s32 $0xFFFFD300  }
0x1c8: {  	_ =	swait.ge [sflag:s21], $0x2D00  }
0x1c9: {  	[sflag:s21] =	ssyncset.done $0x0  }
0x1ca: {  	[sflag:s21] =	ssyncadd.s32 $0xFFFFD300  }
0x1cb: {  	s4 =	stileid.u32;
	[bflag:$0x0] =	sbarrier.arrive $0xFFFF  }
0x1cc: {  	s0 =	sshll.u32 s4, $0x6;
	s21 =	rddreg [dreg:$0x5]  }
0x1cd: {  	s0 =	sor.u32 $0x1C09, s0;
	s15 =	rddreg [dreg:$0xd];
	s4 =	sshrl.u32 s21, $0x3  }
0x1ce: {  	[hbm:s15], [sflag:s0] =	dma.local [spmem:s4], $0x240  }
0x1cf: {  	_ =	swait.ge [sflag:s20], $0x240  }
0x1d0: {  	[sflag:s20] =	ssyncset.done $0x0;
	s30 =	rddreg [dreg:$0x6]  }
0x1d1: {  	s19 =	rddreg [dreg:$0xe];
	[sflag:s20] =	ssyncadd.s32 $0xFFFFFDC0;
	s15 =	sshrl.u32 s30, $0x3  }
0x1d2: {  	[hbm:s19], [sflag:s0] =	dma.local [spmem:s15], $0x240  }
0x1d3: {  	_ =	swait.ge [sflag:s20], $0x240  }
0x1d4: {  	[sflag:s20] =	ssyncset.done $0x0;
	s31 =	rddreg [dreg:$0x7]  }
0x1d5: {  	s19 =	rddreg [dreg:$0xf];
	[sflag:s20] =	ssyncadd.s32 $0xFFFFFDC0;
	s15 =	sshrl.u32 s31, $0x3  }
0x1d6: {  	[hbm:s19], [sflag:s0] =	dma.local [spmem:s15], $0x240  }
0x1d7: {  	_ =	swait.ge [sflag:s20], $0x240  }
0x1d8: {  	[sflag:s20] =	ssyncset.done $0x0;
	s15 =	rddreg [dreg:$0x8]  }
0x1d9: {  	s19 =	rddreg [dreg:$0x10];
	[sflag:s20] =	ssyncadd.s32 $0xFFFFFDC0;
	s4 =	sshrl.u32 s15, $0x3  }
0x1da: {  	[hbm:s19], [sflag:s0] =	dma.local [spmem:s4], $0x240  }
0x1db: {  	_ =	swait.ge [sflag:s20], $0x240  }
0x1dc: {  	[sflag:s20] =	ssyncset.done $0x0;
	s15 =	rddreg [dreg:$0x9]  }
0x1dd: {  	s19 =	rddreg [dreg:$0x11];
	[sflag:s20] =	ssyncadd.s32 $0xFFFFFDC0;
	s4 =	sshrl.u32 s15, $0x3  }
0x1de: {  	[hbm:s19], [sflag:s0] =	dma.local [spmem:s4], $0x240  }
0x1df: {  	_ =	swait.ge [sflag:s20], $0x240  }
0x1e0: {  	s15 =	sld [smem:$0x7EF]  }
0x1e1: {  	[sflag:s20] =	ssyncset.done $0x0;
	s19 =	rddreg [dreg:$0xa]  }
0x1e2: {  	[sflag:s20] =	ssyncadd.s32 $0xFFFFFDC0;
	s4 =	sshrl.u32 s19, $0x3  }
0x1e3: {  	[hbm:s15], [sflag:s0] =	dma.local [spmem:s4], $0x240  }
0x1e4: {  	_ =	swait.ge [sflag:s20], $0x240  }
0x1e5: {  	s15 =	rddreg [dreg:$0xb]  }
0x1e6: {  	s4 =	sshrl.u32 s15, $0x3;
	s15 =	sld [smem:$0x7F0]  }
0x1e7: {  	[sflag:s20] =	ssyncset.done $0x0  }
0x1e8: {  	[sflag:s20] =	ssyncadd.s32 $0xFFFFFDC0  }
0x1e9: {  	[hbm:s15], [sflag:s0] =	dma.local [spmem:s4], $0x240  }
0x1ea: {  	_ =	swait.ge [sflag:s20], $0x240  }
0x1eb: {  	s15 =	rddreg [dreg:$0xc]  }
0x1ec: {  	s4 =	sshrl.u32 s15, $0x3;
	s15 =	sld [smem:$0x7F1]  }
0x1ed: {  	[sflag:s20] =	ssyncset.done $0x0  }
0x1ee: {  	[sflag:s20] =	ssyncadd.s32 $0xFFFFFDC0  }
0x1ef: {  	[hbm:s15], [sflag:s0] =	dma.local [spmem:s4], $0x240  }
0x1f0: {  	_ =	swait.ge [sflag:s20], $0x240  }
0x1f1: {  	s15 =	rddreg [dreg:$0x12]  }
0x1f2: {  	s4 =	sshrl.u32 s15, $0x3;
	s15 =	sld [smem:$0x7F2]  }
0x1f3: {  	[sflag:s20] =	ssyncset.done $0x0  }
0x1f4: {  	[sflag:s20] =	ssyncadd.s32 $0xFFFFFDC0  }
0x1f5: {  	[hbm:s15], [sflag:s0] =	dma.local [spmem:s4], $0x240  }
0x1f6: {  	_ =	swait.ge [sflag:s20], $0x240  }
0x1f7: {  	s15 =	rddreg [dreg:$0x13]  }
0x1f8: {  	s4 =	sshrl.u32 s15, $0x3;
	s15 =	sld [smem:$0x7F3]  }
0x1f9: {  	[sflag:s20] =	ssyncset.done $0x0  }
0x1fa: {  	[sflag:s20] =	ssyncadd.s32 $0xFFFFFDC0  }
0x1fb: {  	[hbm:s15], [sflag:s0] =	dma.local [spmem:s4], $0x240  }
0x1fc: {  	_ =	swait.ge [sflag:s20], $0x240  }
0x1fd: {  	s15 =	rddreg [dreg:$0x14]  }
0x1fe: {  	s4 =	sshrl.u32 s15, $0x3;
	s15 =	sld [smem:$0x7F4]  }
0x1ff: {  	[sflag:s20] =	ssyncset.done $0x0  }
0x200: {  	[sflag:s20] =	ssyncadd.s32 $0xFFFFFDC0  }
0x201: {  	[hbm:s15], [sflag:s0] =	dma.local [spmem:s4], $0x240  }
0x202: {  	_ =	swait.ge [sflag:s20], $0x240  }
0x203: {  	s15 =	rddreg [dreg:$0x15]  }
0x204: {  	s4 =	sshrl.u32 s15, $0x3;
	s15 =	sld [smem:$0x7F5]  }
0x205: {  	[sflag:s20] =	ssyncset.done $0x0  }
0x206: {  	[sflag:s20] =	ssyncadd.s32 $0xFFFFFDC0  }
0x207: {  	[hbm:s15], [sflag:s0] =	dma.local [spmem:s4], $0x240  }
0x208: {  	_ =	swait.ge [sflag:s20], $0x240  }
0x209: {  	s15 =	rddreg [dreg:$0x16]  }
0x20a: {  	s4 =	sshrl.u32 s15, $0x3;
	s15 =	sld [smem:$0x7F6]  }
0x20b: {  	[sflag:s20] =	ssyncset.done $0x0  }
0x20c: {  	[sflag:s20] =	ssyncadd.s32 $0xFFFFFDC0  }
0x20d: {  	[hbm:s15], [sflag:s0] =	dma.local [spmem:s4], $0x240  }
0x20e: {  	_ =	swait.ge [sflag:s20], $0x240  }
0x20f: {  	s15 =	rddreg [dreg:$0x17]  }
0x210: {  	s4 =	sshrl.u32 s15, $0x3;
	s15 =	sld [smem:$0x7F7]  }
0x211: {  	[sflag:s20] =	ssyncset.done $0x0  }
0x212: {  	[sflag:s20] =	ssyncadd.s32 $0xFFFFFDC0  }
0x213: {  	[hbm:s15], [sflag:s0] =	dma.local [spmem:s4], $0x240  }
0x214: {  	_ =	swait.ge [sflag:s20], $0x240  }
0x215: {  	s15 =	rddreg [dreg:$0x18]  }
0x216: {  	s4 =	sshrl.u32 s15, $0x3;
	s15 =	sld [smem:$0x7F8]  }
0x217: {  	[sflag:s20] =	ssyncset.done $0x0  }
0x218: {  	[sflag:s20] =	ssyncadd.s32 $0xFFFFFDC0  }
0x219: {  	[hbm:s15], [sflag:s0] =	dma.local [spmem:s4], $0x240  }
0x21a: {  	_ =	swait.ge [sflag:s20], $0x240  }
0x21b: {  	s15 =	rddreg [dreg:$0x19]  }
0x21c: {  	s4 =	sshrl.u32 s15, $0x3;
	s15 =	sld [smem:$0x7F9]  }
0x21d: {  	[sflag:s20] =	ssyncset.done $0x0  }
0x21e: {  	[sflag:s20] =	ssyncadd.s32 $0xFFFFFDC0  }
0x21f: {  	[hbm:s15], [sflag:s0] =	dma.local [spmem:s4], $0x240  }
0x220: {  	_ =	swait.ge [sflag:s20], $0x240  }
0x221: {  	s15 =	rddreg [dreg:$0x1a]  }
0x222: {  	s4 =	sshrl.u32 s15, $0x3;
	s15 =	sld [smem:$0x7FA]  }
0x223: {  	[sflag:s20] =	ssyncset.done $0x0  }
0x224: {  	[sflag:s20] =	ssyncadd.s32 $0xFFFFFDC0  }
0x225: {  	[hbm:s15], [sflag:s0] =	dma.local [spmem:s4], $0x240  }
0x226: {  	_ =	swait.ge [sflag:s20], $0x240  }
0x227: {  	s15 =	rddreg [dreg:$0x1b]  }
0x228: {  	s4 =	sshrl.u32 s15, $0x3;
	s15 =	sld [smem:$0x7FB]  }
0x229: {  	[sflag:s20] =	ssyncset.done $0x0  }
0x22a: {  	[sflag:s20] =	ssyncadd.s32 $0xFFFFFDC0  }
0x22b: {  	[hbm:s15], [sflag:s0] =	dma.local [spmem:s4], $0x240  }
0x22c: {  	_ =	swait.ge [sflag:s20], $0x240  }
0x22d: {  	s15 =	rddreg [dreg:$0x1c]  }
0x22e: {  	s4 =	sshrl.u32 s15, $0x3;
	s15 =	sld [smem:$0x7FC]  }
0x22f: {  	[sflag:s20] =	ssyncset.done $0x0  }
0x230: {  	[sflag:s20] =	ssyncadd.s32 $0xFFFFFDC0  }
0x231: {  	[hbm:s15], [sflag:s0] =	dma.local [spmem:s4], $0x240  }
0x232: {  	_ =	swait.ge [sflag:s20], $0x240  }
0x233: {  	s15 =	rddreg [dreg:$0x1d]  }
0x234: {  	s4 =	sshrl.u32 s15, $0x3;
	s15 =	sld [smem:$0x7FD]  }
0x235: {  	[sflag:s20] =	ssyncset.done $0x0  }
0x236: {  	[sflag:s20] =	ssyncadd.s32 $0xFFFFFDC0  }
0x237: {  	[hbm:s15], [sflag:s0] =	dma.local [spmem:s4], $0x240  }
0x238: {  	_ =	swait.ge [sflag:s20], $0x240  }
0x239: {  	s0 =	sld [smem:$0x7ED];
	_ =	sdelay $0x2  }
0x23a: {  	s15 =	rddreg [dreg:$0x1f];
	s4 =	sadd.s32 $0x1, s0  }
0x23b: {  	p0 =	sne.s32 s4, s15  }
.Ltmp4:
0x23c: {  	_ = 	snop;
	(pc) =	sbr.rel @p0 .LBB2_1-.Ltmp4, $3  }
0x23d: {  	_ =	sdelay $0x1  }
0x23e: {  	[sflag:s20] =	ssyncset.done $0x0  }
0x23f: {  	[sflag:s20] =	ssyncadd.s32 $0xFFFFFDC0  }
0x240: {  	_ =	sfence.sel $0x180000  }
0x241: {  	[bflag:$0x0] =	sbarrier.arrive $0xFFFF  }
0x242: {  	_ =	strace $0x90000047  }
0x243: {  	s0 =	stileid.u32;
	[bflag:$0x2] =	sbarrier.arrive $0xFFFF  }
0x244: {  	p0 =	sne.s32 s0, $0x0;
	s0 =	rddreg [dreg:$0x3]  }
0x245: {  	s0 =	sadd.s32 @!p0 $0x100000, s0  }
0x246: {  	[sflag:s0] =	ssyncadd.tile.s32 @!p0 $0x1;
	_ =	shalt  }
.Lfunc_end2:
_tile_overlayer_lowered:
.L_overlay_start_2:
0x247: {  	(tag) =	ssettag $0x2  }
0x248: {  	s0 =	rddreg [dreg:$0x0];
	s2 =	stileid.u32  }
0x249: {  	s1 =	rddreg [dreg:$0x1];
	p0 =	sne.s32 s2, $0x0  }
0x24a: {  	s3 =	rddreg [dreg:$0x2];
	[bflag:$0x3] =	sbarrier.arrive $0xFFFF;
	s2 =	simm.s32 @!p0 $0x1C09  }
0x24b: {  	[timem:s3], [sflag:s2] =	dma.local @!p0 [hbm:s0], s1  }
0x24c: {  	s0 =	simm.s32 @!p0 $0x9  }
0x24d: {  	_ =	swait.ge @!p0 [sflag:s0], s1  }
0x24e: {  	s1 =	ssub.s32 @!p0 $0x0, s1;
	[sflag:s0] =	ssyncset.done @!p0 $0x0  }
0x24f: {  	[sflag:s0] =	ssyncadd.s32 @!p0 s1  }
0x250: {  	[bflag:$0x3] =	sbarrier.arrive $0xFFFF  }
0x251: {  	_ =	shalt  }

</sc_bundles>
